<compile_context>
chip_gen: v7x
topology: tpu7x:2x2x1
jax: 0.10.2.dev20260603
libtpu: 0.0.44.dev20260713+nightly
codegen_flags: <defaults>
</compile_context>

<pallas_src>
import jax
import jax.numpy as jnp
from jax import lax
from jax.experimental import pallas as pl
from jax.experimental.pallas import tpu as pltpu
from jax.experimental.pallas import tpu_sc as plsc

_BATCH = 16
_SPATIAL = 16384
_FEAT = 64
_NSENS = 4096

_NC = 2
_L = 16
_FPP = 8
_PASSES = (_FEAT // 2) // _FPP
_SEG = 2048
_NSEGS = _SPATIAL // _SEG
_NBKT = 16
_PAD = _NSENS + _L


def _body(xv_hbm, pos_hbm, w_hbm, yv_hbm,
          p_v, w_v, scale_v, hist2, cnt_v, offs_v, starts2,
          ord_s, ord_l, ord_sc, st0, st1, st2, st3, outb,
          gsem0, gsem1, gsem2, gsem3, osem):
    wid = lax.axis_index("s") * _NC + lax.axis_index("c")
    b = wid // 2
    h = wid % 2

    iota = lax.iota(jnp.int32, _L)
    zeros = jnp.zeros((_L,), jnp.int32)
    ones = jnp.ones((_L,), jnp.int32)

    stages = (st0, st1, st2, st3)
    gsems = (gsem0, gsem1, gsem2, gsem3)
    _NB = len(stages)

    def start_stage(f0, sg, k):
        pltpu.async_copy(
            xv_hbm.at[b, pl.ds(f0, _FPP), pl.ds(sg * _SEG, _SEG)],
            stages[k], gsems[k])

    def wait_stage(f0, k):
        pltpu.make_async_copy(
            xv_hbm.at[b, pl.ds(f0, _FPP), pl.ds(0, _SEG)],
            stages[k], gsems[k]).wait()

    def wait_out(f0):
        pltpu.make_async_copy(
            outb, yv_hbm.at[b, pl.ds(f0, _FPP)], osem).wait()

    f0_0 = h * (_FEAT // 2)
    for k in range(_NB - 1):
        start_stage(f0_0, k, k)

    pltpu.sync_copy(pos_hbm, p_v)
    pltpu.sync_copy(w_hbm, w_v)

    def scale_body(j):
        iv = p_v[pl.ds(j, _L)]
        wv = plsc.load_gather(w_v, [jnp.minimum(iv, _NSENS - 1)])
        scale_v[pl.ds(j, _L)] = jnp.where(iv < _NSENS, wv, 1.0)

    plsc.parallel_loop(0, _NSENS, _L, unroll=4)(scale_body)

    def zero_body(i, carry):
        hist2[pl.ds(i * _L, _L)] = zeros
        return carry

    lax.fori_loop(0, _NBKT, zero_body, 0, unroll=4)

    def hist_body(v, carry):
        iv = p_v[pl.ds(v * _L, _L)]
        bkt = iv >> 11
        plsc.addupdate_scatter(hist2, [bkt * _L + iota], ones)
        return carry

    lax.fori_loop(0, _NSENS // _L, hist_body, 0, unroll=8)

    acc = zeros
    base = iota * _L
    for i in range(_L):
        acc = acc + plsc.load_gather(hist2, [base + i])
    cnt_v[pl.ds(0, _L)] = acc

    inc = plsc.cumsum(acc)
    offs = inc - acc
    offs_v[pl.ds(0, _L)] = offs

    for i in range(_NSEGS):
        hv = hist2[pl.ds(i * _L, _L)]
        starts2[pl.ds(i * _L, _L)] = (
            (plsc.cumsum(hv) - hv) + jnp.full((_L,), offs[i]))

    ord_s[pl.ds(_NSENS, _L)] = zeros
    ord_l[pl.ds(_NSENS, _L)] = zeros
    ord_sc[pl.ds(_NSENS, _L)] = jnp.zeros((_L,), jnp.float32)

    def place_body(v, carry):
        iv = p_v[pl.ds(v * _L, _L)]
        sv = scale_v[pl.ds(v * _L, _L)]
        cur = (iv >> 11) * _L + iota
        slot = plsc.load_gather(starts2, [cur])
        plsc.store_scatter(ord_s, [slot], jnp.full((_L,), v * _L) + iota)
        plsc.store_scatter(ord_l, [slot], iv & (_SEG - 1))
        plsc.store_scatter(ord_sc, [slot], sv)
        plsc.store_scatter(starts2, [cur], slot + 1)
        return carry

    lax.fori_loop(0, _NSENS // _L, place_body, 0, unroll=4)

    ov = offs_v[pl.ds(0, _L)]
    cv = cnt_v[pl.ds(0, _L)]

    def pass_body(q, carry):
        f0 = h * (_FEAT // 2) + q * _FPP

        @pl.when(q > 0)
        def _():
            for k in range(_NB - 1):
                start_stage(f0, k, k)
            wait_out(f0 - _FPP)

        for sg in range(_NSEGS):
            k = sg % _NB
            wait_stage(f0, k)
            if sg + _NB - 1 < _NSEGS:
                start_stage(f0, sg + _NB - 1, (sg + _NB - 1) % _NB)
            start = ov[sg]
            n = cv[sg]
            end = start + n

            def chunk_body(j, *, k=k, end=end):
                mask = (jnp.full((_L,), j) + iota) < end
                l_vec = ord_l[pl.ds(j, _L)]
                s_vec = ord_s[pl.ds(j, _L)]
                sc_vec = ord_sc[pl.ds(j, _L)]
                for f in range(_FPP):
                    fv = jnp.full((_L,), f)
                    v = plsc.load_gather(stages[k], [fv, l_vec], mask=mask)
                    plsc.store_scatter(outb, [fv, s_vec], v * sc_vec,
                                       mask=mask)

            plsc.parallel_loop(start, end, _L, unroll=2)(chunk_body)


        pltpu.async_copy(outb, yv_hbm.at[b, pl.ds(f0, _FPP)], osem)
        return carry

    lax.fori_loop(0, _PASSES, pass_body, 0)
    wait_out(h * (_FEAT // 2) + (_PASSES - 1) * _FPP)


def kernel(x, sensor_positions, sensor_weights):
    xv = jnp.transpose(x, (0, 2, 1))
    mesh = plsc.VectorSubcoreMesh(core_axis_name="c", subcore_axis_name="s")
    run = pl.kernel(
        _body,
        out_type=jax.ShapeDtypeStruct((_BATCH, _FEAT, _NSENS), jnp.float32),
        mesh=mesh,
        compiler_params=pltpu.CompilerParams(
            needs_layout_passes=False, use_tc_tiling_on_sc=True),
        scratch_types=[
            pltpu.VMEM((_NSENS,), jnp.int32),
            pltpu.VMEM((_NSENS,), jnp.float32),
            pltpu.VMEM((_NSENS,), jnp.float32),
            pltpu.VMEM((_NBKT * _L,), jnp.int32),
            pltpu.VMEM((_L,), jnp.int32),
            pltpu.VMEM((_L,), jnp.int32),
            pltpu.VMEM((_NBKT * _L,), jnp.int32),
            pltpu.VMEM((_PAD,), jnp.int32),
            pltpu.VMEM((_PAD,), jnp.int32),
            pltpu.VMEM((_PAD,), jnp.float32),
            pltpu.VMEM((_FPP, _SEG), jnp.float32),
            pltpu.VMEM((_FPP, _SEG), jnp.float32),
            pltpu.VMEM((_FPP, _SEG), jnp.float32),
            pltpu.VMEM((_FPP, _SEG), jnp.float32),
            pltpu.VMEM((_FPP, _NSENS), jnp.float32),
            pltpu.SemaphoreType.DMA,
            pltpu.SemaphoreType.DMA,
            pltpu.SemaphoreType.DMA,
            pltpu.SemaphoreType.DMA,
            pltpu.SemaphoreType.DMA,
        ],
    )
    yv = run(xv, sensor_positions.astype(jnp.int32), sensor_weights)
    return jnp.transpose(yv, (0, 2, 1))

# --- scband reference (transcript-rebuilt; emitter-appended) ---
"""Pipeline reference for scband-sensor-optimization-90950227460558 (READ-ONLY COPY).

The authoritative reference and input builder live on the scoring server;
editing this copy changes nothing except your own understanding.
"""

import jax, jax.numpy as jnp
import numpy as np

BATCH = 16
SPATIAL = 16384
FEAT = 64
NUM_SENSORS = 4096


def setup_inputs(seed: int = 0) -> dict:
    key = jax.random.key(seed)
    k1, k2, k3 = jax.random.split(key, 3)
    x = jax.random.normal(k1, (BATCH, SPATIAL, FEAT), dtype=jnp.float32)
    sensor_positions = jax.random.randint(k2, (NUM_SENSORS,), 0, SPATIAL, dtype=jnp.int32)
    # learned param: sensor_weights ~ N(0, 0.1) + 1.0 per __init__
    sensor_weights = jax.random.normal(k3, (NUM_SENSORS,), dtype=jnp.float32) * 0.1 + 1.0
    return {"x": x, "sensor_positions": sensor_positions, "sensor_weights": sensor_weights}


def reference(x, sensor_positions, sensor_weights):
    num_sensors = sensor_weights.shape[0]
    # _apply_sensor_weights (training=False, learnable -> stop_gradient on weights)
    w = jax.lax.stop_gradient(sensor_weights)
    # _apply_weights_3d: spatial_size >= num_sensors branch; the per-sensor python
    # loop is mathematically x[:, :num_sensors, :] * w broadcast, written vectorized.
    xw = x.at[:, :num_sensors, :].set(x[:, :num_sensors, :] * w[None, :, None])
    # _extract_multiple_positions: clip then fancy-index gather along spatial axis
    idx = jnp.clip(sensor_positions.astype(jnp.int32), 0, x.shape[1] - 1)
    measurements = jnp.take(xw, idx, axis=1)
    # _adjust_measurement_shape: shape[1] == num_sensors -> identity
    return measurements

if __name__ == "__main__":
    import jax
    _d = setup_inputs()
    print(jax.jit(kernel)(*tuple(_d.values())))

</pallas_src>

<mosaic_0001>
#map = affine_map<(d0, d1) -> (0, 0, 0)>
#map1 = affine_map<(d0, d1) -> (0)>
module attributes {stable_mosaic.version = 14 : i64} {
  func.func @_body(%arg0: i32, %arg1: i32, %arg2: memref<16x64x16384xf32, #tpu.memory_space<hbm>>, %arg3: memref<4096xi32, #tpu.memory_space<hbm>>, %arg4: memref<4096xf32, #tpu.memory_space<hbm>>, %arg5: memref<16x64x4096xf32, #tpu.memory_space<hbm>>, %arg6: memref<4096xi32, #tpu.memory_space<vmem>>, %arg7: memref<4096xf32, #tpu.memory_space<vmem>>, %arg8: memref<4096xf32, #tpu.memory_space<vmem>>, %arg9: memref<256xi32, #tpu.memory_space<vmem>>, %arg10: memref<16xi32, #tpu.memory_space<vmem>>, %arg11: memref<16xi32, #tpu.memory_space<vmem>>, %arg12: memref<256xi32, #tpu.memory_space<vmem>>, %arg13: memref<4112xi32, #tpu.memory_space<vmem>>, %arg14: memref<4112xi32, #tpu.memory_space<vmem>>, %arg15: memref<4112xf32, #tpu.memory_space<vmem>>, %arg16: memref<8x2048xf32, #tpu.memory_space<vmem>>, %arg17: memref<8x2048xf32, #tpu.memory_space<vmem>>, %arg18: memref<8x2048xf32, #tpu.memory_space<vmem>>, %arg19: memref<8x2048xf32, #tpu.memory_space<vmem>>, %arg20: memref<8x4096xf32, #tpu.memory_space<vmem>>, %arg21: memref<!tpu.dma_semaphore, #tpu.memory_space<semaphore_mem>>, %arg22: memref<!tpu.dma_semaphore, #tpu.memory_space<semaphore_mem>>, %arg23: memref<!tpu.dma_semaphore, #tpu.memory_space<semaphore_mem>>, %arg24: memref<!tpu.dma_semaphore, #tpu.memory_space<semaphore_mem>>, %arg25: memref<!tpu.dma_semaphore, #tpu.memory_space<semaphore_mem>>) attributes {dimension_semantics = [#tpu.dimension_semantics<core_parallel>, #tpu.dimension_semantics<subcore_parallel>], iteration_bounds = array<i64: 2, 16>, scalar_prefetch = 0 : i64, scratch_operands = 20 : i64, tpu.core_type = #tpu.core_type<sc_vector_subcore>, window_params = [{transform_indices = #map}, {transform_indices = #map1}, {transform_indices = #map1}, {transform_indices = #map}]} {
    %mul3A = arith.constant 2 : i32
    %mul3A_0 = arith.muli %arg1, %mul3A : i32
    %add3A = arith.addi %mul3A_0, %arg0 : i32
    %jit3A = arith.constant 2 : i32
    %div3A = arith.divsi %add3A, %jit3A : i32
    %sign3A = arith.constant 0 : i32
    %sign3A_1 = arith.cmpi sgt, %add3A, %sign3A : i32
    %sign3A_2 = arith.extui %sign3A_1 : i1 to i32
    %sign3A_3 = arith.constant 0 : i32
    %sign3A_4 = arith.cmpi slt, %add3A, %sign3A_3 : i32
    %sign3A_5 = arith.extui %sign3A_4 : i1 to i32
    %sign3A_6 = arith.subi %sign3A_2, %sign3A_5 : i32
    %sign3A_7 = arith.constant 0 : i32
    %sign3A_8 = arith.cmpi sgt, %jit3A, %sign3A_7 : i32
    %sign3A_9 = arith.extui %sign3A_8 : i1 to i32
    %sign3A_10 = arith.constant 0 : i32
    %sign3A_11 = arith.cmpi slt, %jit3A, %sign3A_10 : i32
    %sign3A_12 = arith.extui %sign3A_11 : i1 to i32
    %sign3A_13 = arith.subi %sign3A_9, %sign3A_12 : i32
    %ne3A = arith.cmpi ne, %sign3A_6, %sign3A_13 : i32
    %rem3A = arith.remsi %add3A, %jit3A : i32
    %ne3A_14 = arith.constant 0 : i32
    %ne3A_15 = arith.cmpi ne, %rem3A, %ne3A_14 : i32
    %and3A = arith.andi %ne3A, %ne3A_15 : i1
    %sub3A = arith.constant 1 : i32
    %sub3A_16 = arith.subi %div3A, %sub3A : i32
    %select_n3A = arith.select %and3A, %sub3A_16, %div3A : i32
    %jit3A_17 = arith.constant 2 : i32
    %eq3A = arith.constant 0 : i32
    %eq3A_18 = arith.cmpi eq, %jit3A_17, %eq3A : i32
    %jit3A_19 = arith.constant 1 : i32
    %select_n3A_20 = arith.select %eq3A_18, %jit3A_19, %jit3A_17 : i32
    %rem3A_21 = arith.remsi %add3A, %select_n3A_20 : i32
    %ne3A_22 = arith.constant 0 : i32
    %ne3A_23 = arith.cmpi ne, %rem3A_21, %ne3A_22 : i32
    %lt3A = arith.constant 0 : i32
    %lt3A_24 = arith.cmpi slt, %rem3A_21, %lt3A : i32
    %lt3A_25 = arith.constant 0 : i32
    %lt3A_26 = arith.cmpi slt, %select_n3A_20, %lt3A_25 : i32
    %ne3A_27 = arith.xori %lt3A_24, %lt3A_26 : i1
    %and3A_28 = arith.andi %ne3A_27, %ne3A_23 : i1
    %add3A_29 = arith.addi %rem3A_21, %select_n3A_20 : i32
    %select_n3A_30 = arith.select %and3A_28, %add3A_29, %rem3A_21 : i32
    %iota3A = tpu.iota {dimensions = array<i32: 0>} : vector<16xi32>
    %broadcast_in_dim3A = arith.constant 0 : i32
    %broadcast_in_dim3A_31 = vector.broadcast %broadcast_in_dim3A : i32 to vector<16xi32>
    %broadcast_in_dim3A_32 = arith.constant 1 : i32
    %broadcast_in_dim3A_33 = vector.broadcast %broadcast_in_dim3A_32 : i32 to vector<16xi32>
    %mul3A_34 = arith.constant 32 : i32
    %mul3A_35 = arith.muli %select_n3A_30, %mul3A_34 : i32
    %dma_start3A = arith.constant 0 : i32
    %dma_start3A_36 = tpu.memref_slice %arg2[%select_n3A, %mul3A_35, %dma_start3A] : memref<16x64x16384xf32, #tpu.memory_space<hbm>> -> memref<1x8x2048xf32, #tpu.memory_space<hbm>>
    %dma_start3A_37 = tpu.memref_squeeze %dma_start3A_36 : memref<1x8x2048xf32, #tpu.memory_space<hbm>> -> memref<8x2048xf32, #tpu.memory_space<hbm>>
    %dma_start3A_38 = arith.constant 0 : i32
    %dma_start3A_39 = tpu.memref_slice %arg2[%select_n3A, %mul3A_35, %dma_start3A_38] : memref<16x64x16384xf32, #tpu.memory_space<hbm>> -> memref<1x8x2048xf32, #tpu.memory_space<hbm>>
    %dma_start3A_40 = tpu.memref_squeeze %dma_start3A_39 : memref<1x8x2048xf32, #tpu.memory_space<hbm>> -> memref<8x2048xf32, #tpu.memory_space<hbm>>
    tpu.enqueue_dma source(%dma_start3A_40 : memref<8x2048xf32, #tpu.memory_space<hbm>>) target(%arg16 : memref<8x2048xf32, #tpu.memory_space<vmem>>) target_semaphore(%arg21 : memref<!tpu.dma_semaphore, #tpu.memory_space<semaphore_mem>>)
    %dma_start3A_41 = arith.constant 2048 : i32
    %dma_start3A_42 = tpu.memref_slice %arg2[%select_n3A, %mul3A_35, %dma_start3A_41] : memref<16x64x16384xf32, #tpu.memory_space<hbm>> -> memref<1x8x2048xf32, #tpu.memory_space<hbm>>
    %dma_start3A_43 = tpu.memref_squeeze %dma_start3A_42 : memref<1x8x2048xf32, #tpu.memory_space<hbm>> -> memref<8x2048xf32, #tpu.memory_space<hbm>>
    %dma_start3A_44 = arith.constant 2048 : i32
    %dma_start3A_45 = tpu.memref_slice %arg2[%select_n3A, %mul3A_35, %dma_start3A_44] : memref<16x64x16384xf32, #tpu.memory_space<hbm>> -> memref<1x8x2048xf32, #tpu.memory_space<hbm>>
    %dma_start3A_46 = tpu.memref_squeeze %dma_start3A_45 : memref<1x8x2048xf32, #tpu.memory_space<hbm>> -> memref<8x2048xf32, #tpu.memory_space<hbm>>
    tpu.enqueue_dma source(%dma_start3A_46 : memref<8x2048xf32, #tpu.memory_space<hbm>>) target(%arg17 : memref<8x2048xf32, #tpu.memory_space<vmem>>) target_semaphore(%arg22 : memref<!tpu.dma_semaphore, #tpu.memory_space<semaphore_mem>>)
    %dma_start3A_47 = arith.constant 4096 : i32
    %dma_start3A_48 = tpu.memref_slice %arg2[%select_n3A, %mul3A_35, %dma_start3A_47] : memref<16x64x16384xf32, #tpu.memory_space<hbm>> -> memref<1x8x2048xf32, #tpu.memory_space<hbm>>
    %dma_start3A_49 = tpu.memref_squeeze %dma_start3A_48 : memref<1x8x2048xf32, #tpu.memory_space<hbm>> -> memref<8x2048xf32, #tpu.memory_space<hbm>>
    %dma_start3A_50 = arith.constant 4096 : i32
    %dma_start3A_51 = tpu.memref_slice %arg2[%select_n3A, %mul3A_35, %dma_start3A_50] : memref<16x64x16384xf32, #tpu.memory_space<hbm>> -> memref<1x8x2048xf32, #tpu.memory_space<hbm>>
    %dma_start3A_52 = tpu.memref_squeeze %dma_start3A_51 : memref<1x8x2048xf32, #tpu.memory_space<hbm>> -> memref<8x2048xf32, #tpu.memory_space<hbm>>
    tpu.enqueue_dma source(%dma_start3A_52 : memref<8x2048xf32, #tpu.memory_space<hbm>>) target(%arg18 : memref<8x2048xf32, #tpu.memory_space<vmem>>) target_semaphore(%arg23 : memref<!tpu.dma_semaphore, #tpu.memory_space<semaphore_mem>>)
    "tpu.region"() ({
      %run_scoped3A = tpu.sem_alloc : memref<!tpu.dma_semaphore, #tpu.memory_space<semaphore_mem>>
      tpu.enqueue_dma source(%arg3 : memref<4096xi32, #tpu.memory_space<hbm>>) target(%arg6 : memref<4096xi32, #tpu.memory_space<vmem>>) target_semaphore(%run_scoped3A : memref<!tpu.dma_semaphore, #tpu.memory_space<semaphore_mem>>)
      tpu.wait_dma2 semaphore(%run_scoped3A : memref<!tpu.dma_semaphore, #tpu.memory_space<semaphore_mem>>) src(%arg3 : memref<4096xi32, #tpu.memory_space<hbm>>) dst(%arg6 : memref<4096xi32, #tpu.memory_space<vmem>>)
      tpu.yield
    }) : () -> ()
    "tpu.region"() ({
      %run_scoped3A = tpu.sem_alloc : memref<!tpu.dma_semaphore, #tpu.memory_space<semaphore_mem>>
      tpu.enqueue_dma source(%arg4 : memref<4096xf32, #tpu.memory_space<hbm>>) target(%arg7 : memref<4096xf32, #tpu.memory_space<vmem>>) target_semaphore(%run_scoped3A : memref<!tpu.dma_semaphore, #tpu.memory_space<semaphore_mem>>)
      tpu.wait_dma2 semaphore(%run_scoped3A : memref<!tpu.dma_semaphore, #tpu.memory_space<semaphore_mem>>) src(%arg4 : memref<4096xf32, #tpu.memory_space<hbm>>) dst(%arg7 : memref<4096xf32, #tpu.memory_space<vmem>>)
      tpu.yield
    }) : () -> ()
    %parallel_loop3A = arith.constant 0 : i32
    %parallel_loop3A_53 = arith.constant 4096 : i32
    %parallel_loop3A_54 = arith.constant 16 : i32
    scf.for %parallel_loop3A_280 = %parallel_loop3A to %parallel_loop3A_53 step %parallel_loop3A_54  : i32 {
      %parallel_loop3A_281 = arith.index_cast %parallel_loop3A_280 : i32 to index
      %parallel_loop3A_282 = tpu.vector_load %arg6[%parallel_loop3A_281] {strides = array<i32>} : memref<4096xi32, #tpu.memory_space<vmem>>, vector<16xi32>,
      %parallel_loop3A_283 = arith.constant 4095 : i32
      %parallel_loop3A_284 = vector.broadcast %parallel_loop3A_283 : i32 to vector<16xi32>
      %parallel_loop3A_285 = arith.minsi %parallel_loop3A_282, %parallel_loop3A_284 : vector<16xi32>
      %parallel_loop3A_286 = tpu.vector_load_idx %arg7[%parallel_loop3A_285] : memref<4096xf32, #tpu.memory_space<vmem>>[vector<16xi32>], vector<16xf32>,
      %parallel_loop3A_287 = arith.constant 4096 : i32
      %parallel_loop3A_288 = vector.broadcast %parallel_loop3A_287 : i32 to vector<16xi32>
      %parallel_loop3A_289 = arith.cmpi slt, %parallel_loop3A_282, %parallel_loop3A_288 : vector<16xi32>
      %parallel_loop3A_290 = arith.constant 1.000000e+00 : f32
      %parallel_loop3A_291 = vector.broadcast %parallel_loop3A_290 : f32 to vector<16xf32>
      %parallel_loop3A_292 = arith.select %parallel_loop3A_289, %parallel_loop3A_286, %parallel_loop3A_291 : vector<16xi1>, vector<16xf32>
      %parallel_loop3A_293 = arith.index_cast %parallel_loop3A_280 : i32 to index
      %parallel_loop3A_294 = tpu.vector_load %arg8[%parallel_loop3A_293] {strides = array<i32>} : memref<4096xf32, #tpu.memory_space<vmem>>, vector<16xf32>,
      tpu.vector_store %arg8[%parallel_loop3A_293], %parallel_loop3A_292 {strides = array<i32>} : memref<4096xf32, #tpu.memory_space<vmem>>, vector<16xf32>,
    } {sc.loop_unroll_factor = 4 : i64, sc.parallel_access}
    %scan3A = arith.constant 0 : i32
    %scan3A_55 = arith.constant 0 : i32
    %scan3A_56 = arith.constant 16 : i32
    %scan3A_57 = arith.addi %scan3A_55, %scan3A_56 : i32
    %scan3A_58 = arith.constant 4 : i32
    scf.for %scan3A_280 = %scan3A_55 to %scan3A_57 step %scan3A_58  : i32 {
      %mul3A_281 = arith.constant 16 : i32
      %mul3A_282 = arith.muli %scan3A_280, %mul3A_281 : i32
      %swap3A_283 = arith.index_cast %mul3A_282 : i32 to index
      %swap3A_284 = tpu.vector_load %arg9[%swap3A_283] {strides = array<i32>} : memref<256xi32, #tpu.memory_space<vmem>>, vector<16xi32>,
      tpu.vector_store %arg9[%swap3A_283], %broadcast_in_dim3A_31 {strides = array<i32>} : memref<256xi32, #tpu.memory_space<vmem>>, vector<16xi32>,
      %scan3A_285 = arith.constant 1 : i32
      %scan3A_286 = arith.addi %scan3A_280, %scan3A_285 : i32
      %mul3A_287 = arith.constant 16 : i32
      %mul3A_288 = arith.muli %scan3A_286, %mul3A_287 : i32
      %swap3A_289 = arith.index_cast %mul3A_288 : i32 to index
      %swap3A_290 = tpu.vector_load %arg9[%swap3A_289] {strides = array<i32>} : memref<256xi32, #tpu.memory_space<vmem>>, vector<16xi32>,
      tpu.vector_store %arg9[%swap3A_289], %broadcast_in_dim3A_31 {strides = array<i32>} : memref<256xi32, #tpu.memory_space<vmem>>, vector<16xi32>,
      %scan3A_291 = arith.constant 2 : i32
      %scan3A_292 = arith.addi %scan3A_280, %scan3A_291 : i32
      %mul3A_293 = arith.constant 16 : i32
      %mul3A_294 = arith.muli %scan3A_292, %mul3A_293 : i32
      %swap3A_295 = arith.index_cast %mul3A_294 : i32 to index
      %swap3A_296 = tpu.vector_load %arg9[%swap3A_295] {strides = array<i32>} : memref<256xi32, #tpu.memory_space<vmem>>, vector<16xi32>,
      tpu.vector_store %arg9[%swap3A_295], %broadcast_in_dim3A_31 {strides = array<i32>} : memref<256xi32, #tpu.memory_space<vmem>>, vector<16xi32>,
      %scan3A_297 = arith.constant 3 : i32
      %scan3A_298 = arith.addi %scan3A_280, %scan3A_297 : i32
      %mul3A_299 = arith.constant 16 : i32
      %mul3A_300 = arith.muli %scan3A_298, %mul3A_299 : i32
      %swap3A_301 = arith.index_cast %mul3A_300 : i32 to index
      %swap3A_302 = tpu.vector_load %arg9[%swap3A_301] {strides = array<i32>} : memref<256xi32, #tpu.memory_space<vmem>>, vector<16xi32>,
      tpu.vector_store %arg9[%swap3A_301], %broadcast_in_dim3A_31 {strides = array<i32>} : memref<256xi32, #tpu.memory_space<vmem>>, vector<16xi32>,
    }
    %scan3A_59 = arith.constant 16 : i32
    %scan3A_60 = arith.constant 0 : i32
    %scan3A_61 = arith.constant 0 : i32
    %scan3A_62 = arith.constant 256 : i32
    %scan3A_63 = arith.addi %scan3A_61, %scan3A_62 : i32
    %scan3A_64 = arith.constant 8 : i32
    scf.for %scan3A_280 = %scan3A_61 to %scan3A_63 step %scan3A_64  : i32 {
      %mul3A_281 = arith.constant 16 : i32
      %mul3A_282 = arith.muli %scan3A_280, %mul3A_281 : i32
      %get3A_283 = arith.index_cast %mul3A_282 : i32 to index
      %get3A_284 = tpu.vector_load %arg6[%get3A_283] {strides = array<i32>} : memref<4096xi32, #tpu.memory_space<vmem>>, vector<16xi32>,
      %shift_right_arithmetic3A = arith.constant 11 : i32
      %shift_right_arithmetic3A_285 = vector.broadcast %shift_right_arithmetic3A : i32 to vector<16xi32>
      %shift_right_arithmetic3A_286 = arith.shrsi %get3A_284, %shift_right_arithmetic3A_285 : vector<16xi32>
      %mul3A_287 = arith.constant 16 : i32
      %mul3A_288 = vector.broadcast %mul3A_287 : i32 to vector<16xi32>
      %mul3A_289 = arith.muli %shift_right_arithmetic3A_286, %mul3A_288 : vector<16xi32>
      %add3A_290 = arith.addi %mul3A_289, %iota3A : vector<16xi32>
      tpu.vector_store_idx %arg9[%add3A_290], %broadcast_in_dim3A_33 {add = true} : memref<256xi32, #tpu.memory_space<vmem>>[vector<16xi32>], vector<16xi32>,
      %scan3A_291 = arith.constant 1 : i32
      %scan3A_292 = arith.addi %scan3A_280, %scan3A_291 : i32
      %mul3A_293 = arith.constant 16 : i32
      %mul3A_294 = arith.muli %scan3A_292, %mul3A_293 : i32
      %get3A_295 = arith.index_cast %mul3A_294 : i32 to index
      %get3A_296 = tpu.vector_load %arg6[%get3A_295] {strides = array<i32>} : memref<4096xi32, #tpu.memory_space<vmem>>, vector<16xi32>,
      %shift_right_arithmetic3A_297 = arith.constant 11 : i32
      %shift_right_arithmetic3A_298 = vector.broadcast %shift_right_arithmetic3A_297 : i32 to vector<16xi32>
      %shift_right_arithmetic3A_299 = arith.shrsi %get3A_296, %shift_right_arithmetic3A_298 : vector<16xi32>
      %mul3A_300 = arith.constant 16 : i32
      %mul3A_301 = vector.broadcast %mul3A_300 : i32 to vector<16xi32>
      %mul3A_302 = arith.muli %shift_right_arithmetic3A_299, %mul3A_301 : vector<16xi32>
      %add3A_303 = arith.addi %mul3A_302, %iota3A : vector<16xi32>
      tpu.vector_store_idx %arg9[%add3A_303], %broadcast_in_dim3A_33 {add = true} : memref<256xi32, #tpu.memory_space<vmem>>[vector<16xi32>], vector<16xi32>,
      %scan3A_304 = arith.constant 2 : i32
      %scan3A_305 = arith.addi %scan3A_280, %scan3A_304 : i32
      %mul3A_306 = arith.constant 16 : i32
      %mul3A_307 = arith.muli %scan3A_305, %mul3A_306 : i32
      %get3A_308 = arith.index_cast %mul3A_307 : i32 to index
      %get3A_309 = tpu.vector_load %arg6[%get3A_308] {strides = array<i32>} : memref<4096xi32, #tpu.memory_space<vmem>>, vector<16xi32>,
      %shift_right_arithmetic3A_310 = arith.constant 11 : i32
      %shift_right_arithmetic3A_311 = vector.broadcast %shift_right_arithmetic3A_310 : i32 to vector<16xi32>
      %shift_right_arithmetic3A_312 = arith.shrsi %get3A_309, %shift_right_arithmetic3A_311 : vector<16xi32>
      %mul3A_313 = arith.constant 16 : i32
      %mul3A_314 = vector.broadcast %mul3A_313 : i32 to vector<16xi32>
      %mul3A_315 = arith.muli %shift_right_arithmetic3A_312, %mul3A_314 : vector<16xi32>
      %add3A_316 = arith.addi %mul3A_315, %iota3A : vector<16xi32>
      tpu.vector_store_idx %arg9[%add3A_316], %broadcast_in_dim3A_33 {add = true} : memref<256xi32, #tpu.memory_space<vmem>>[vector<16xi32>], vector<16xi32>,
      %scan3A_317 = arith.constant 3 : i32
      %scan3A_318 = arith.addi %scan3A_280, %scan3A_317 : i32
      %mul3A_319 = arith.constant 16 : i32
      %mul3A_320 = arith.muli %scan3A_318, %mul3A_319 : i32
      %get3A_321 = arith.index_cast %mul3A_320 : i32 to index
      %get3A_322 = tpu.vector_load %arg6[%get3A_321] {strides = array<i32>} : memref<4096xi32, #tpu.memory_space<vmem>>, vector<16xi32>,
      %shift_right_arithmetic3A_323 = arith.constant 11 : i32
      %shift_right_arithmetic3A_324 = vector.broadcast %shift_right_arithmetic3A_323 : i32 to vector<16xi32>
      %shift_right_arithmetic3A_325 = arith.shrsi %get3A_322, %shift_right_arithmetic3A_324 : vector<16xi32>
      %mul3A_326 = arith.constant 16 : i32
      %mul3A_327 = vector.broadcast %mul3A_326 : i32 to vector<16xi32>
      %mul3A_328 = arith.muli %shift_right_arithmetic3A_325, %mul3A_327 : vector<16xi32>
      %add3A_329 = arith.addi %mul3A_328, %iota3A : vector<16xi32>
      tpu.vector_store_idx %arg9[%add3A_329], %broadcast_in_dim3A_33 {add = true} : memref<256xi32, #tpu.memory_space<vmem>>[vector<16xi32>], vector<16xi32>,
      %scan3A_330 = arith.constant 4 : i32
      %scan3A_331 = arith.addi %scan3A_280, %scan3A_330 : i32
      %mul3A_332 = arith.constant 16 : i32
      %mul3A_333 = arith.muli %scan3A_331, %mul3A_332 : i32
      %get3A_334 = arith.index_cast %mul3A_333 : i32 to index
      %get3A_335 = tpu.vector_load %arg6[%get3A_334] {strides = array<i32>} : memref<4096xi32, #tpu.memory_space<vmem>>, vector<16xi32>,
      %shift_right_arithmetic3A_336 = arith.constant 11 : i32
      %shift_right_arithmetic3A_337 = vector.broadcast %shift_right_arithmetic3A_336 : i32 to vector<16xi32>
      %shift_right_arithmetic3A_338 = arith.shrsi %get3A_335, %shift_right_arithmetic3A_337 : vector<16xi32>
      %mul3A_339 = arith.constant 16 : i32
      %mul3A_340 = vector.broadcast %mul3A_339 : i32 to vector<16xi32>
      %mul3A_341 = arith.muli %shift_right_arithmetic3A_338, %mul3A_340 : vector<16xi32>
      %add3A_342 = arith.addi %mul3A_341, %iota3A : vector<16xi32>
      tpu.vector_store_idx %arg9[%add3A_342], %broadcast_in_dim3A_33 {add = true} : memref<256xi32, #tpu.memory_space<vmem>>[vector<16xi32>], vector<16xi32>,
      %scan3A_343 = arith.constant 5 : i32
      %scan3A_344 = arith.addi %scan3A_280, %scan3A_343 : i32
      %mul3A_345 = arith.constant 16 : i32
      %mul3A_346 = arith.muli %scan3A_344, %mul3A_345 : i32
      %get3A_347 = arith.index_cast %mul3A_346 : i32 to index
      %get3A_348 = tpu.vector_load %arg6[%get3A_347] {strides = array<i32>} : memref<4096xi32, #tpu.memory_space<vmem>>, vector<16xi32>,
      %shift_right_arithmetic3A_349 = arith.constant 11 : i32
      %shift_right_arithmetic3A_350 = vector.broadcast %shift_right_arithmetic3A_349 : i32 to vector<16xi32>
      %shift_right_arithmetic3A_351 = arith.shrsi %get3A_348, %shift_right_arithmetic3A_350 : vector<16xi32>
      %mul3A_352 = arith.constant 16 : i32
      %mul3A_353 = vector.broadcast %mul3A_352 : i32 to vector<16xi32>
      %mul3A_354 = arith.muli %shift_right_arithmetic3A_351, %mul3A_353 : vector<16xi32>
      %add3A_355 = arith.addi %mul3A_354, %iota3A : vector<16xi32>
      tpu.vector_store_idx %arg9[%add3A_355], %broadcast_in_dim3A_33 {add = true} : memref<256xi32, #tpu.memory_space<vmem>>[vector<16xi32>], vector<16xi32>,
      %scan3A_356 = arith.constant 6 : i32
      %scan3A_357 = arith.addi %scan3A_280, %scan3A_356 : i32
      %mul3A_358 = arith.constant 16 : i32
      %mul3A_359 = arith.muli %scan3A_357, %mul3A_358 : i32
      %get3A_360 = arith.index_cast %mul3A_359 : i32 to index
      %get3A_361 = tpu.vector_load %arg6[%get3A_360] {strides = array<i32>} : memref<4096xi32, #tpu.memory_space<vmem>>, vector<16xi32>,
      %shift_right_arithmetic3A_362 = arith.constant 11 : i32
      %shift_right_arithmetic3A_363 = vector.broadcast %shift_right_arithmetic3A_362 : i32 to vector<16xi32>
      %shift_right_arithmetic3A_364 = arith.shrsi %get3A_361, %shift_right_arithmetic3A_363 : vector<16xi32>
      %mul3A_365 = arith.constant 16 : i32
      %mul3A_366 = vector.broadcast %mul3A_365 : i32 to vector<16xi32>
      %mul3A_367 = arith.muli %shift_right_arithmetic3A_364, %mul3A_366 : vector<16xi32>
      %add3A_368 = arith.addi %mul3A_367, %iota3A : vector<16xi32>
      tpu.vector_store_idx %arg9[%add3A_368], %broadcast_in_dim3A_33 {add = true} : memref<256xi32, #tpu.memory_space<vmem>>[vector<16xi32>], vector<16xi32>,
      %scan3A_369 = arith.constant 7 : i32
      %scan3A_370 = arith.addi %scan3A_280, %scan3A_369 : i32
      %mul3A_371 = arith.constant 16 : i32
      %mul3A_372 = arith.muli %scan3A_370, %mul3A_371 : i32
      %get3A_373 = arith.index_cast %mul3A_372 : i32 to index
      %get3A_374 = tpu.vector_load %arg6[%get3A_373] {strides = array<i32>} : memref<4096xi32, #tpu.memory_space<vmem>>, vector<16xi32>,
      %shift_right_arithmetic3A_375 = arith.constant 11 : i32
      %shift_right_arithmetic3A_376 = vector.broadcast %shift_right_arithmetic3A_375 : i32 to vector<16xi32>
      %shift_right_arithmetic3A_377 = arith.shrsi %get3A_374, %shift_right_arithmetic3A_376 : vector<16xi32>
      %mul3A_378 = arith.constant 16 : i32
      %mul3A_379 = vector.broadcast %mul3A_378 : i32 to vector<16xi32>
      %mul3A_380 = arith.muli %shift_right_arithmetic3A_377, %mul3A_379 : vector<16xi32>
      %add3A_381 = arith.addi %mul3A_380, %iota3A : vector<16xi32>
      tpu.vector_store_idx %arg9[%add3A_381], %broadcast_in_dim3A_33 {add = true} : memref<256xi32, #tpu.memory_space<vmem>>[vector<16xi32>], vector<16xi32>,
    }
    %scan3A_65 = arith.constant 256 : i32
    %mul3A_66 = arith.constant 16 : i32
    %mul3A_67 = vector.broadcast %mul3A_66 : i32 to vector<16xi32>
    %mul3A_68 = arith.muli %iota3A, %mul3A_67 : vector<16xi32>
    %add3A_69 = arith.constant 0 : i32
    %add3A_70 = vector.broadcast %add3A_69 : i32 to vector<16xi32>
    %add3A_71 = arith.addi %mul3A_68, %add3A_70 : vector<16xi32>
    %gather3A = tpu.vector_load_idx %arg9[%add3A_71] : memref<256xi32, #tpu.memory_space<vmem>>[vector<16xi32>], vector<16xi32>,
    %add3A_72 = arith.addi %broadcast_in_dim3A_31, %gather3A : vector<16xi32>
    %add3A_73 = arith.constant 1 : i32
    %add3A_74 = vector.broadcast %add3A_73 : i32 to vector<16xi32>
    %add3A_75 = arith.addi %mul3A_68, %add3A_74 : vector<16xi32>
    %gather3A_76 = tpu.vector_load_idx %arg9[%add3A_75] : memref<256xi32, #tpu.memory_space<vmem>>[vector<16xi32>], vector<16xi32>,
    %add3A_77 = arith.addi %add3A_72, %gather3A_76 : vector<16xi32>
    %add3A_78 = arith.constant 2 : i32
    %add3A_79 = vector.broadcast %add3A_78 : i32 to vector<16xi32>
    %add3A_80 = arith.addi %mul3A_68, %add3A_79 : vector<16xi32>
    %gather3A_81 = tpu.vector_load_idx %arg9[%add3A_80] : memref<256xi32, #tpu.memory_space<vmem>>[vector<16xi32>], vector<16xi32>,
    %add3A_82 = arith.addi %add3A_77, %gather3A_81 : vector<16xi32>
    %add3A_83 = arith.constant 3 : i32
    %add3A_84 = vector.broadcast %add3A_83 : i32 to vector<16xi32>
    %add3A_85 = arith.addi %mul3A_68, %add3A_84 : vector<16xi32>
    %gather3A_86 = tpu.vector_load_idx %arg9[%add3A_85] : memref<256xi32, #tpu.memory_space<vmem>>[vector<16xi32>], vector<16xi32>,
    %add3A_87 = arith.addi %add3A_82, %gather3A_86 : vector<16xi32>
    %add3A_88 = arith.constant 4 : i32
    %add3A_89 = vector.broadcast %add3A_88 : i32 to vector<16xi32>
    %add3A_90 = arith.addi %mul3A_68, %add3A_89 : vector<16xi32>
    %gather3A_91 = tpu.vector_load_idx %arg9[%add3A_90] : memref<256xi32, #tpu.memory_space<vmem>>[vector<16xi32>], vector<16xi32>,
    %add3A_92 = arith.addi %add3A_87, %gather3A_91 : vector<16xi32>
    %add3A_93 = arith.constant 5 : i32
    %add3A_94 = vector.broadcast %add3A_93 : i32 to vector<16xi32>
    %add3A_95 = arith.addi %mul3A_68, %add3A_94 : vector<16xi32>
    %gather3A_96 = tpu.vector_load_idx %arg9[%add3A_95] : memref<256xi32, #tpu.memory_space<vmem>>[vector<16xi32>], vector<16xi32>,
    %add3A_97 = arith.addi %add3A_92, %gather3A_96 : vector<16xi32>
    %add3A_98 = arith.constant 6 : i32
    %add3A_99 = vector.broadcast %add3A_98 : i32 to vector<16xi32>
    %add3A_100 = arith.addi %mul3A_68, %add3A_99 : vector<16xi32>
    %gather3A_101 = tpu.vector_load_idx %arg9[%add3A_100] : memref<256xi32, #tpu.memory_space<vmem>>[vector<16xi32>], vector<16xi32>,
    %add3A_102 = arith.addi %add3A_97, %gather3A_101 : vector<16xi32>
    %add3A_103 = arith.constant 7 : i32
    %add3A_104 = vector.broadcast %add3A_103 : i32 to vector<16xi32>
    %add3A_105 = arith.addi %mul3A_68, %add3A_104 : vector<16xi32>
    %gather3A_106 = tpu.vector_load_idx %arg9[%add3A_105] : memref<256xi32, #tpu.memory_space<vmem>>[vector<16xi32>], vector<16xi32>,
    %add3A_107 = arith.addi %add3A_102, %gather3A_106 : vector<16xi32>
    %add3A_108 = arith.constant 8 : i32
    %add3A_109 = vector.broadcast %add3A_108 : i32 to vector<16xi32>
    %add3A_110 = arith.addi %mul3A_68, %add3A_109 : vector<16xi32>
    %gather3A_111 = tpu.vector_load_idx %arg9[%add3A_110] : memref<256xi32, #tpu.memory_space<vmem>>[vector<16xi32>], vector<16xi32>,
    %add3A_112 = arith.addi %add3A_107, %gather3A_111 : vector<16xi32>
    %add3A_113 = arith.constant 9 : i32
    %add3A_114 = vector.broadcast %add3A_113 : i32 to vector<16xi32>
    %add3A_115 = arith.addi %mul3A_68, %add3A_114 : vector<16xi32>
    %gather3A_116 = tpu.vector_load_idx %arg9[%add3A_115] : memref<256xi32, #tpu.memory_space<vmem>>[vector<16xi32>], vector<16xi32>,
    %add3A_117 = arith.addi %add3A_112, %gather3A_116 : vector<16xi32>
    %add3A_118 = arith.constant 10 : i32
    %add3A_119 = vector.broadcast %add3A_118 : i32 to vector<16xi32>
    %add3A_120 = arith.addi %mul3A_68, %add3A_119 : vector<16xi32>
    %gather3A_121 = tpu.vector_load_idx %arg9[%add3A_120] : memref<256xi32, #tpu.memory_space<vmem>>[vector<16xi32>], vector<16xi32>,
    %add3A_122 = arith.addi %add3A_117, %gather3A_121 : vector<16xi32>
    %add3A_123 = arith.constant 11 : i32
    %add3A_124 = vector.broadcast %add3A_123 : i32 to vector<16xi32>
    %add3A_125 = arith.addi %mul3A_68, %add3A_124 : vector<16xi32>
    %gather3A_126 = tpu.vector_load_idx %arg9[%add3A_125] : memref<256xi32, #tpu.memory_space<vmem>>[vector<16xi32>], vector<16xi32>,
    %add3A_127 = arith.addi %add3A_122, %gather3A_126 : vector<16xi32>
    %add3A_128 = arith.constant 12 : i32
    %add3A_129 = vector.broadcast %add3A_128 : i32 to vector<16xi32>
    %add3A_130 = arith.addi %mul3A_68, %add3A_129 : vector<16xi32>
    %gather3A_131 = tpu.vector_load_idx %arg9[%add3A_130] : memref<256xi32, #tpu.memory_space<vmem>>[vector<16xi32>], vector<16xi32>,
    %add3A_132 = arith.addi %add3A_127, %gather3A_131 : vector<16xi32>
    %add3A_133 = arith.constant 13 : i32
    %add3A_134 = vector.broadcast %add3A_133 : i32 to vector<16xi32>
    %add3A_135 = arith.addi %mul3A_68, %add3A_134 : vector<16xi32>
    %gather3A_136 = tpu.vector_load_idx %arg9[%add3A_135] : memref<256xi32, #tpu.memory_space<vmem>>[vector<16xi32>], vector<16xi32>,
    %add3A_137 = arith.addi %add3A_132, %gather3A_136 : vector<16xi32>
    %add3A_138 = arith.constant 14 : i32
    %add3A_139 = vector.broadcast %add3A_138 : i32 to vector<16xi32>
    %add3A_140 = arith.addi %mul3A_68, %add3A_139 : vector<16xi32>
    %gather3A_141 = tpu.vector_load_idx %arg9[%add3A_140] : memref<256xi32, #tpu.memory_space<vmem>>[vector<16xi32>], vector<16xi32>,
    %add3A_142 = arith.addi %add3A_137, %gather3A_141 : vector<16xi32>
    %add3A_143 = arith.constant 15 : i32
    %add3A_144 = vector.broadcast %add3A_143 : i32 to vector<16xi32>
    %add3A_145 = arith.addi %mul3A_68, %add3A_144 : vector<16xi32>
    %gather3A_146 = tpu.vector_load_idx %arg9[%add3A_145] : memref<256xi32, #tpu.memory_space<vmem>>[vector<16xi32>], vector<16xi32>,
    %add3A_147 = arith.addi %add3A_142, %gather3A_146 : vector<16xi32>
    %swap3A = arith.constant 0 : index
    %swap3A_148 = tpu.vector_load %arg10[%swap3A] {strides = array<i32>} : memref<16xi32, #tpu.memory_space<vmem>>, vector<16xi32>,
    tpu.vector_store %arg10[%swap3A], %add3A_147 {strides = array<i32>} : memref<16xi32, #tpu.memory_space<vmem>>, vector<16xi32>,
    %broadcast_in_dim3A_149 = arith.constant true
    %broadcast_in_dim3A_150 = vector.broadcast %broadcast_in_dim3A_149 : i1 to vector<16xi1>
    %masked_cumsum3A = tpu.scan <sum>, %add3A_147 masked %broadcast_in_dim3A_150 : vector<16xi32>, vector<16xi1> -> vector<16xi32>
    %sub3A_151 = arith.subi %masked_cumsum3A, %add3A_147 : vector<16xi32>
    %swap3A_152 = arith.constant 0 : index
    %swap3A_153 = tpu.vector_load %arg11[%swap3A_152] {strides = array<i32>} : memref<16xi32, #tpu.memory_space<vmem>>, vector<16xi32>,
    tpu.vector_store %arg11[%swap3A_152], %sub3A_151 {strides = array<i32>} : memref<16xi32, #tpu.memory_space<vmem>>, vector<16xi32>,
    %get3A = arith.constant 0 : index
    %get3A_154 = tpu.vector_load %arg9[%get3A] {strides = array<i32>} : memref<256xi32, #tpu.memory_space<vmem>>, vector<16xi32>,
    %broadcast_in_dim3A_155 = arith.constant true
    %broadcast_in_dim3A_156 = vector.broadcast %broadcast_in_dim3A_155 : i1 to vector<16xi1>
    %masked_cumsum3A_157 = tpu.scan <sum>, %get3A_154 masked %broadcast_in_dim3A_156 : vector<16xi32>, vector<16xi1> -> vector<16xi32>
    %sub3A_158 = arith.subi %masked_cumsum3A_157, %get3A_154 : vector<16xi32>
    %slice3A = vector.extract_strided_slice %sub3A_151 {offsets = [0], sizes = [1], strides = [1]} : vector<16xi32> to vector<1xi32>
    %squeeze3A = vector.extract %slice3A[0] : i32 from vector<1xi32>
    %broadcast_in_dim3A_159 = vector.broadcast %squeeze3A : i32 to vector<16xi32>
    %add3A_160 = arith.addi %sub3A_158, %broadcast_in_dim3A_159 : vector<16xi32>
    %swap3A_161 = arith.constant 0 : index
    %swap3A_162 = tpu.vector_load %arg12[%swap3A_161] {strides = array<i32>} : memref<256xi32, #tpu.memory_space<vmem>>, vector<16xi32>,
    tpu.vector_store %arg12[%swap3A_161], %add3A_160 {strides = array<i32>} : memref<256xi32, #tpu.memory_space<vmem>>, vector<16xi32>,
    %get3A_163 = arith.constant 16 : index
    %get3A_164 = tpu.vector_load %arg9[%get3A_163] {strides = array<i32>} : memref<256xi32, #tpu.memory_space<vmem>>, vector<16xi32>,
    %broadcast_in_dim3A_165 = arith.constant true
    %broadcast_in_dim3A_166 = vector.broadcast %broadcast_in_dim3A_165 : i1 to vector<16xi1>
    %masked_cumsum3A_167 = tpu.scan <sum>, %get3A_164 masked %broadcast_in_dim3A_166 : vector<16xi32>, vector<16xi1> -> vector<16xi32>
    %sub3A_168 = arith.subi %masked_cumsum3A_167, %get3A_164 : vector<16xi32>
    %slice3A_169 = vector.extract_strided_slice %sub3A_151 {offsets = [1], sizes = [1], strides = [1]} : vector<16xi32> to vector<1xi32>
    %squeeze3A_170 = vector.extract %slice3A_169[0] : i32 from vector<1xi32>
    %broadcast_in_dim3A_171 = vector.broadcast %squeeze3A_170 : i32 to vector<16xi32>
    %add3A_172 = arith.addi %sub3A_168, %broadcast_in_dim3A_171 : vector<16xi32>
    %swap3A_173 = arith.constant 16 : index
    %swap3A_174 = tpu.vector_load %arg12[%swap3A_173] {strides = array<i32>} : memref<256xi32, #tpu.memory_space<vmem>>, vector<16xi32>,
    tpu.vector_store %arg12[%swap3A_173], %add3A_172 {strides = array<i32>} : memref<256xi32, #tpu.memory_space<vmem>>, vector<16xi32>,
    %get3A_175 = arith.constant 32 : index
    %get3A_176 = tpu.vector_load %arg9[%get3A_175] {strides = array<i32>} : memref<256xi32, #tpu.memory_space<vmem>>, vector<16xi32>,
    %broadcast_in_dim3A_177 = arith.constant true
    %broadcast_in_dim3A_178 = vector.broadcast %broadcast_in_dim3A_177 : i1 to vector<16xi1>
    %masked_cumsum3A_179 = tpu.scan <sum>, %get3A_176 masked %broadcast_in_dim3A_178 : vector<16xi32>, vector<16xi1> -> vector<16xi32>
    %sub3A_180 = arith.subi %masked_cumsum3A_179, %get3A_176 : vector<16xi32>
    %slice3A_181 = vector.extract_strided_slice %sub3A_151 {offsets = [2], sizes = [1], strides = [1]} : vector<16xi32> to vector<1xi32>
    %squeeze3A_182 = vector.extract %slice3A_181[0] : i32 from vector<1xi32>
    %broadcast_in_dim3A_183 = vector.broadcast %squeeze3A_182 : i32 to vector<16xi32>
    %add3A_184 = arith.addi %sub3A_180, %broadcast_in_dim3A_183 : vector<16xi32>
    %swap3A_185 = arith.constant 32 : index
    %swap3A_186 = tpu.vector_load %arg12[%swap3A_185] {strides = array<i32>} : memref<256xi32, #tpu.memory_space<vmem>>, vector<16xi32>,
    tpu.vector_store %arg12[%swap3A_185], %add3A_184 {strides = array<i32>} : memref<256xi32, #tpu.memory_space<vmem>>, vector<16xi32>,
    %get3A_187 = arith.constant 48 : index
    %get3A_188 = tpu.vector_load %arg9[%get3A_187] {strides = array<i32>} : memref<256xi32, #tpu.memory_space<vmem>>, vector<16xi32>,
    %broadcast_in_dim3A_189 = arith.constant true
    %broadcast_in_dim3A_190 = vector.broadcast %broadcast_in_dim3A_189 : i1 to vector<16xi1>
    %masked_cumsum3A_191 = tpu.scan <sum>, %get3A_188 masked %broadcast_in_dim3A_190 : vector<16xi32>, vector<16xi1> -> vector<16xi32>
    %sub3A_192 = arith.subi %masked_cumsum3A_191, %get3A_188 : vector<16xi32>
    %slice3A_193 = vector.extract_strided_slice %sub3A_151 {offsets = [3], sizes = [1], strides = [1]} : vector<16xi32> to vector<1xi32>
    %squeeze3A_194 = vector.extract %slice3A_193[0] : i32 from vector<1xi32>
    %broadcast_in_dim3A_195 = vector.broadcast %squeeze3A_194 : i32 to vector<16xi32>
    %add3A_196 = arith.addi %sub3A_192, %broadcast_in_dim3A_195 : vector<16xi32>
    %swap3A_197 = arith.constant 48 : index
    %swap3A_198 = tpu.vector_load %arg12[%swap3A_197] {strides = array<i32>} : memref<256xi32, #tpu.memory_space<vmem>>, vector<16xi32>,
    tpu.vector_store %arg12[%swap3A_197], %add3A_196 {strides = array<i32>} : memref<256xi32, #tpu.memory_space<vmem>>, vector<16xi32>,
    %get3A_199 = arith.constant 64 : index
    %get3A_200 = tpu.vector_load %arg9[%get3A_199] {strides = array<i32>} : memref<256xi32, #tpu.memory_space<vmem>>, vector<16xi32>,
    %broadcast_in_dim3A_201 = arith.constant true
    %broadcast_in_dim3A_202 = vector.broadcast %broadcast_in_dim3A_201 : i1 to vector<16xi1>
    %masked_cumsum3A_203 = tpu.scan <sum>, %get3A_200 masked %broadcast_in_dim3A_202 : vector<16xi32>, vector<16xi1> -> vector<16xi32>
    %sub3A_204 = arith.subi %masked_cumsum3A_203, %get3A_200 : vector<16xi32>
    %slice3A_205 = vector.extract_strided_slice %sub3A_151 {offsets = [4], sizes = [1], strides = [1]} : vector<16xi32> to vector<1xi32>
    %squeeze3A_206 = vector.extract %slice3A_205[0] : i32 from vector<1xi32>
    %broadcast_in_dim3A_207 = vector.broadcast %squeeze3A_206 : i32 to vector<16xi32>
    %add3A_208 = arith.addi %sub3A_204, %broadcast_in_dim3A_207 : vector<16xi32>
    %swap3A_209 = arith.constant 64 : index
    %swap3A_210 = tpu.vector_load %arg12[%swap3A_209] {strides = array<i32>} : memref<256xi32, #tpu.memory_space<vmem>>, vector<16xi32>,
    tpu.vector_store %arg12[%swap3A_209], %add3A_208 {strides = array<i32>} : memref<256xi32, #tpu.memory_space<vmem>>, vector<16xi32>,
    %get3A_211 = arith.constant 80 : index
    %get3A_212 = tpu.vector_load %arg9[%get3A_211] {strides = array<i32>} : memref<256xi32, #tpu.memory_space<vmem>>, vector<16xi32>,
    %broadcast_in_dim3A_213 = arith.constant true
    %broadcast_in_dim3A_214 = vector.broadcast %broadcast_in_dim3A_213 : i1 to vector<16xi1>
    %masked_cumsum3A_215 = tpu.scan <sum>, %get3A_212 masked %broadcast_in_dim3A_214 : vector<16xi32>, vector<16xi1> -> vector<16xi32>
    %sub3A_216 = arith.subi %masked_cumsum3A_215, %get3A_212 : vector<16xi32>
    %slice3A_217 = vector.extract_strided_slice %sub3A_151 {offsets = [5], sizes = [1], strides = [1]} : vector<16xi32> to vector<1xi32>
    %squeeze3A_218 = vector.extract %slice3A_217[0] : i32 from vector<1xi32>
    %broadcast_in_dim3A_219 = vector.broadcast %squeeze3A_218 : i32 to vector<16xi32>
    %add3A_220 = arith.addi %sub3A_216, %broadcast_in_dim3A_219 : vector<16xi32>
    %swap3A_221 = arith.constant 80 : index
    %swap3A_222 = tpu.vector_load %arg12[%swap3A_221] {strides = array<i32>} : memref<256xi32, #tpu.memory_space<vmem>>, vector<16xi32>,
    tpu.vector_store %arg12[%swap3A_221], %add3A_220 {strides = array<i32>} : memref<256xi32, #tpu.memory_space<vmem>>, vector<16xi32>,
    %get3A_223 = arith.constant 96 : index
    %get3A_224 = tpu.vector_load %arg9[%get3A_223] {strides = array<i32>} : memref<256xi32, #tpu.memory_space<vmem>>, vector<16xi32>,
    %broadcast_in_dim3A_225 = arith.constant true
    %broadcast_in_dim3A_226 = vector.broadcast %broadcast_in_dim3A_225 : i1 to vector<16xi1>
    %masked_cumsum3A_227 = tpu.scan <sum>, %get3A_224 masked %broadcast_in_dim3A_226 : vector<16xi32>, vector<16xi1> -> vector<16xi32>
    %sub3A_228 = arith.subi %masked_cumsum3A_227, %get3A_224 : vector<16xi32>
    %slice3A_229 = vector.extract_strided_slice %sub3A_151 {offsets = [6], sizes = [1], strides = [1]} : vector<16xi32> to vector<1xi32>
    %squeeze3A_230 = vector.extract %slice3A_229[0] : i32 from vector<1xi32>
    %broadcast_in_dim3A_231 = vector.broadcast %squeeze3A_230 : i32 to vector<16xi32>
    %add3A_232 = arith.addi %sub3A_228, %broadcast_in_dim3A_231 : vector<16xi32>
    %swap3A_233 = arith.constant 96 : index
    %swap3A_234 = tpu.vector_load %arg12[%swap3A_233] {strides = array<i32>} : memref<256xi32, #tpu.memory_space<vmem>>, vector<16xi32>,
    tpu.vector_store %arg12[%swap3A_233], %add3A_232 {strides = array<i32>} : memref<256xi32, #tpu.memory_space<vmem>>, vector<16xi32>,
    %get3A_235 = arith.constant 112 : index
    %get3A_236 = tpu.vector_load %arg9[%get3A_235] {strides = array<i32>} : memref<256xi32, #tpu.memory_space<vmem>>, vector<16xi32>,
    %broadcast_in_dim3A_237 = arith.constant true
    %broadcast_in_dim3A_238 = vector.broadcast %broadcast_in_dim3A_237 : i1 to vector<16xi1>
    %masked_cumsum3A_239 = tpu.scan <sum>, %get3A_236 masked %broadcast_in_dim3A_238 : vector<16xi32>, vector<16xi1> -> vector<16xi32>
    %sub3A_240 = arith.subi %masked_cumsum3A_239, %get3A_236 : vector<16xi32>
    %slice3A_241 = vector.extract_strided_slice %sub3A_151 {offsets = [7], sizes = [1], strides = [1]} : vector<16xi32> to vector<1xi32>
    %squeeze3A_242 = vector.extract %slice3A_241[0] : i32 from vector<1xi32>
    %broadcast_in_dim3A_243 = vector.broadcast %squeeze3A_242 : i32 to vector<16xi32>
    %add3A_244 = arith.addi %sub3A_240, %broadcast_in_dim3A_243 : vector<16xi32>
    %swap3A_245 = arith.constant 112 : index
    %swap3A_246 = tpu.vector_load %arg12[%swap3A_245] {strides = array<i32>} : memref<256xi32, #tpu.memory_space<vmem>>, vector<16xi32>,
    tpu.vector_store %arg12[%swap3A_245], %add3A_244 {strides = array<i32>} : memref<256xi32, #tpu.memory_space<vmem>>, vector<16xi32>,
    %swap3A_247 = arith.constant 4096 : index
    %swap3A_248 = tpu.vector_load %arg13[%swap3A_247] {strides = array<i32>} : memref<4112xi32, #tpu.memory_space<vmem>>, vector<16xi32>,
    tpu.vector_store %arg13[%swap3A_247], %broadcast_in_dim3A_31 {strides = array<i32>} : memref<4112xi32, #tpu.memory_space<vmem>>, vector<16xi32>,
    %swap3A_249 = arith.constant 4096 : index
    %swap3A_250 = tpu.vector_load %arg14[%swap3A_249] {strides = array<i32>} : memref<4112xi32, #tpu.memory_space<vmem>>, vector<16xi32>,
    tpu.vector_store %arg14[%swap3A_249], %broadcast_in_dim3A_31 {strides = array<i32>} : memref<4112xi32, #tpu.memory_space<vmem>>, vector<16xi32>,
    %broadcast_in_dim3A_251 = arith.constant 0.000000e+00 : f32
    %broadcast_in_dim3A_252 = vector.broadcast %broadcast_in_dim3A_251 : f32 to vector<16xf32>
    %swap3A_253 = arith.constant 4096 : index
    %swap3A_254 = tpu.vector_load %arg15[%swap3A_253] {strides = array<i32>} : memref<4112xf32, #tpu.memory_space<vmem>>, vector<16xf32>,
    tpu.vector_store %arg15[%swap3A_253], %broadcast_in_dim3A_252 {strides = array<i32>} : memref<4112xf32, #tpu.memory_space<vmem>>, vector<16xf32>,
    %scan3A_255 = arith.constant 0 : i32
    %scan3A_256 = arith.constant 0 : i32
    %scan3A_257 = arith.constant 256 : i32
    %scan3A_258 = arith.addi %scan3A_256, %scan3A_257 : i32
    %scan3A_259 = arith.constant 4 : i32
    scf.for %scan3A_280 = %scan3A_256 to %scan3A_258 step %scan3A_259  : i32 {
      %mul3A_281 = arith.constant 16 : i32
      %mul3A_282 = arith.muli %scan3A_280, %mul3A_281 : i32
      %get3A_283 = arith.index_cast %mul3A_282 : i32 to index
      %get3A_284 = tpu.vector_load %arg6[%get3A_283] {strides = array<i32>} : memref<4096xi32, #tpu.memory_space<vmem>>, vector<16xi32>,
      %mul3A_285 = arith.constant 16 : i32
      %mul3A_286 = arith.muli %scan3A_280, %mul3A_285 : i32
      %get3A_287 = arith.index_cast %mul3A_286 : i32 to index
      %get3A_288 = tpu.vector_load %arg8[%get3A_287] {strides = array<i32>} : memref<4096xf32, #tpu.memory_space<vmem>>, vector<16xf32>,
      %shift_right_arithmetic3A = arith.constant 11 : i32
      %shift_right_arithmetic3A_289 = vector.broadcast %shift_right_arithmetic3A : i32 to vector<16xi32>
      %shift_right_arithmetic3A_290 = arith.shrsi %get3A_284, %shift_right_arithmetic3A_289 : vector<16xi32>
      %mul3A_291 = arith.constant 16 : i32
      %mul3A_292 = vector.broadcast %mul3A_291 : i32 to vector<16xi32>
      %mul3A_293 = arith.muli %shift_right_arithmetic3A_290, %mul3A_292 : vector<16xi32>
      %add3A_294 = arith.addi %mul3A_293, %iota3A : vector<16xi32>
      %gather3A_295 = tpu.vector_load_idx %arg12[%add3A_294] : memref<256xi32, #tpu.memory_space<vmem>>[vector<16xi32>], vector<16xi32>,
      %mul3A_296 = arith.constant 16 : i32
      %mul3A_297 = arith.muli %scan3A_280, %mul3A_296 : i32
      %broadcast_in_dim3A_298 = vector.broadcast %mul3A_297 : i32 to vector<16xi32>
      %add3A_299 = arith.addi %broadcast_in_dim3A_298, %iota3A : vector<16xi32>
      tpu.vector_store_idx %arg13[%gather3A_295], %add3A_299 : memref<4112xi32, #tpu.memory_space<vmem>>[vector<16xi32>], vector<16xi32>,
      %and3A_300 = arith.constant 2047 : i32
      %and3A_301 = vector.broadcast %and3A_300 : i32 to vector<16xi32>
      %and3A_302 = arith.andi %get3A_284, %and3A_301 : vector<16xi32>
      tpu.vector_store_idx %arg14[%gather3A_295], %and3A_302 : memref<4112xi32, #tpu.memory_space<vmem>>[vector<16xi32>], vector<16xi32>,
      tpu.vector_store_idx %arg15[%gather3A_295], %get3A_288 : memref<4112xf32, #tpu.memory_space<vmem>>[vector<16xi32>], vector<16xf32>,
      %add3A_303 = arith.constant 1 : i32
      %add3A_304 = vector.broadcast %add3A_303 : i32 to vector<16xi32>
      %add3A_305 = arith.addi %gather3A_295, %add3A_304 : vector<16xi32>
      tpu.vector_store_idx %arg12[%add3A_294], %add3A_305 : memref<256xi32, #tpu.memory_space<vmem>>[vector<16xi32>], vector<16xi32>,
      %scan3A_306 = arith.constant 1 : i32
      %scan3A_307 = arith.addi %scan3A_280, %scan3A_306 : i32
      %mul3A_308 = arith.constant 16 : i32
      %mul3A_309 = arith.muli %scan3A_307, %mul3A_308 : i32
      %get3A_310 = arith.index_cast %mul3A_309 : i32 to index
      %get3A_311 = tpu.vector_load %arg6[%get3A_310] {strides = array<i32>} : memref<4096xi32, #tpu.memory_space<vmem>>, vector<16xi32>,
      %mul3A_312 = arith.constant 16 : i32
      %mul3A_313 = arith.muli %scan3A_307, %mul3A_312 : i32
      %get3A_314 = arith.index_cast %mul3A_313 : i32 to index
      %get3A_315 = tpu.vector_load %arg8[%get3A_314] {strides = array<i32>} : memref<4096xf32, #tpu.memory_space<vmem>>, vector<16xf32>,
      %shift_right_arithmetic3A_316 = arith.constant 11 : i32
      %shift_right_arithmetic3A_317 = vector.broadcast %shift_right_arithmetic3A_316 : i32 to vector<16xi32>
      %shift_right_arithmetic3A_318 = arith.shrsi %get3A_311, %shift_right_arithmetic3A_317 : vector<16xi32>
      %mul3A_319 = arith.constant 16 : i32
      %mul3A_320 = vector.broadcast %mul3A_319 : i32 to vector<16xi32>
      %mul3A_321 = arith.muli %shift_right_arithmetic3A_318, %mul3A_320 : vector<16xi32>
      %add3A_322 = arith.addi %mul3A_321, %iota3A : vector<16xi32>
      %gather3A_323 = tpu.vector_load_idx %arg12[%add3A_322] : memref<256xi32, #tpu.memory_space<vmem>>[vector<16xi32>], vector<16xi32>,
      %mul3A_324 = arith.constant 16 : i32
      %mul3A_325 = arith.muli %scan3A_307, %mul3A_324 : i32
      %broadcast_in_dim3A_326 = vector.broadcast %mul3A_325 : i32 to vector<16xi32>
      %add3A_327 = arith.addi %broadcast_in_dim3A_326, %iota3A : vector<16xi32>
      tpu.vector_store_idx %arg13[%gather3A_323], %add3A_327 : memref<4112xi32, #tpu.memory_space<vmem>>[vector<16xi32>], vector<16xi32>,
      %and3A_328 = arith.constant 2047 : i32
      %and3A_329 = vector.broadcast %and3A_328 : i32 to vector<16xi32>
      %and3A_330 = arith.andi %get3A_311, %and3A_329 : vector<16xi32>
      tpu.vector_store_idx %arg14[%gather3A_323], %and3A_330 : memref<4112xi32, #tpu.memory_space<vmem>>[vector<16xi32>], vector<16xi32>,
      tpu.vector_store_idx %arg15[%gather3A_323], %get3A_315 : memref<4112xf32, #tpu.memory_space<vmem>>[vector<16xi32>], vector<16xf32>,
      %add3A_331 = arith.constant 1 : i32
      %add3A_332 = vector.broadcast %add3A_331 : i32 to vector<16xi32>
      %add3A_333 = arith.addi %gather3A_323, %add3A_332 : vector<16xi32>
      tpu.vector_store_idx %arg12[%add3A_322], %add3A_333 : memref<256xi32, #tpu.memory_space<vmem>>[vector<16xi32>], vector<16xi32>,
      %scan3A_334 = arith.constant 2 : i32
      %scan3A_335 = arith.addi %scan3A_280, %scan3A_334 : i32
      %mul3A_336 = arith.constant 16 : i32
      %mul3A_337 = arith.muli %scan3A_335, %mul3A_336 : i32
      %get3A_338 = arith.index_cast %mul3A_337 : i32 to index
      %get3A_339 = tpu.vector_load %arg6[%get3A_338] {strides = array<i32>} : memref<4096xi32, #tpu.memory_space<vmem>>, vector<16xi32>,
      %mul3A_340 = arith.constant 16 : i32
      %mul3A_341 = arith.muli %scan3A_335, %mul3A_340 : i32
      %get3A_342 = arith.index_cast %mul3A_341 : i32 to index
      %get3A_343 = tpu.vector_load %arg8[%get3A_342] {strides = array<i32>} : memref<4096xf32, #tpu.memory_space<vmem>>, vector<16xf32>,
      %shift_right_arithmetic3A_344 = arith.constant 11 : i32
      %shift_right_arithmetic3A_345 = vector.broadcast %shift_right_arithmetic3A_344 : i32 to vector<16xi32>
      %shift_right_arithmetic3A_346 = arith.shrsi %get3A_339, %shift_right_arithmetic3A_345 : vector<16xi32>
      %mul3A_347 = arith.constant 16 : i32
      %mul3A_348 = vector.broadcast %mul3A_347 : i32 to vector<16xi32>
      %mul3A_349 = arith.muli %shift_right_arithmetic3A_346, %mul3A_348 : vector<16xi32>
      %add3A_350 = arith.addi %mul3A_349, %iota3A : vector<16xi32>
      %gather3A_351 = tpu.vector_load_idx %arg12[%add3A_350] : memref<256xi32, #tpu.memory_space<vmem>>[vector<16xi32>], vector<16xi32>,
      %mul3A_352 = arith.constant 16 : i32
      %mul3A_353 = arith.muli %scan3A_335, %mul3A_352 : i32
      %broadcast_in_dim3A_354 = vector.broadcast %mul3A_353 : i32 to vector<16xi32>
      %add3A_355 = arith.addi %broadcast_in_dim3A_354, %iota3A : vector<16xi32>
      tpu.vector_store_idx %arg13[%gather3A_351], %add3A_355 : memref<4112xi32, #tpu.memory_space<vmem>>[vector<16xi32>], vector<16xi32>,
      %and3A_356 = arith.constant 2047 : i32
      %and3A_357 = vector.broadcast %and3A_356 : i32 to vector<16xi32>
      %and3A_358 = arith.andi %get3A_339, %and3A_357 : vector<16xi32>
      tpu.vector_store_idx %arg14[%gather3A_351], %and3A_358 : memref<4112xi32, #tpu.memory_space<vmem>>[vector<16xi32>], vector<16xi32>,
      tpu.vector_store_idx %arg15[%gather3A_351], %get3A_343 : memref<4112xf32, #tpu.memory_space<vmem>>[vector<16xi32>], vector<16xf32>,
      %add3A_359 = arith.constant 1 : i32
      %add3A_360 = vector.broadcast %add3A_359 : i32 to vector<16xi32>
      %add3A_361 = arith.addi %gather3A_351, %add3A_360 : vector<16xi32>
      tpu.vector_store_idx %arg12[%add3A_350], %add3A_361 : memref<256xi32, #tpu.memory_space<vmem>>[vector<16xi32>], vector<16xi32>,
      %scan3A_362 = arith.constant 3 : i32
      %scan3A_363 = arith.addi %scan3A_280, %scan3A_362 : i32
      %mul3A_364 = arith.constant 16 : i32
      %mul3A_365 = arith.muli %scan3A_363, %mul3A_364 : i32
      %get3A_366 = arith.index_cast %mul3A_365 : i32 to index
      %get3A_367 = tpu.vector_load %arg6[%get3A_366] {strides = array<i32>} : memref<4096xi32, #tpu.memory_space<vmem>>, vector<16xi32>,
      %mul3A_368 = arith.constant 16 : i32
      %mul3A_369 = arith.muli %scan3A_363, %mul3A_368 : i32
      %get3A_370 = arith.index_cast %mul3A_369 : i32 to index
      %get3A_371 = tpu.vector_load %arg8[%get3A_370] {strides = array<i32>} : memref<4096xf32, #tpu.memory_space<vmem>>, vector<16xf32>,
      %shift_right_arithmetic3A_372 = arith.constant 11 : i32
      %shift_right_arithmetic3A_373 = vector.broadcast %shift_right_arithmetic3A_372 : i32 to vector<16xi32>
      %shift_right_arithmetic3A_374 = arith.shrsi %get3A_367, %shift_right_arithmetic3A_373 : vector<16xi32>
      %mul3A_375 = arith.constant 16 : i32
      %mul3A_376 = vector.broadcast %mul3A_375 : i32 to vector<16xi32>
      %mul3A_377 = arith.muli %shift_right_arithmetic3A_374, %mul3A_376 : vector<16xi32>
      %add3A_378 = arith.addi %mul3A_377, %iota3A : vector<16xi32>
      %gather3A_379 = tpu.vector_load_idx %arg12[%add3A_378] : memref<256xi32, #tpu.memory_space<vmem>>[vector<16xi32>], vector<16xi32>,
      %mul3A_380 = arith.constant 16 : i32
      %mul3A_381 = arith.muli %scan3A_363, %mul3A_380 : i32
      %broadcast_in_dim3A_382 = vector.broadcast %mul3A_381 : i32 to vector<16xi32>
      %add3A_383 = arith.addi %broadcast_in_dim3A_382, %iota3A : vector<16xi32>
      tpu.vector_store_idx %arg13[%gather3A_379], %add3A_383 : memref<4112xi32, #tpu.memory_space<vmem>>[vector<16xi32>], vector<16xi32>,
      %and3A_384 = arith.constant 2047 : i32
      %and3A_385 = vector.broadcast %and3A_384 : i32 to vector<16xi32>
      %and3A_386 = arith.andi %get3A_367, %and3A_385 : vector<16xi32>
      tpu.vector_store_idx %arg14[%gather3A_379], %and3A_386 : memref<4112xi32, #tpu.memory_space<vmem>>[vector<16xi32>], vector<16xi32>,
      tpu.vector_store_idx %arg15[%gather3A_379], %get3A_371 : memref<4112xf32, #tpu.memory_space<vmem>>[vector<16xi32>], vector<16xf32>,
      %add3A_387 = arith.constant 1 : i32
      %add3A_388 = vector.broadcast %add3A_387 : i32 to vector<16xi32>
      %add3A_389 = arith.addi %gather3A_379, %add3A_388 : vector<16xi32>
      tpu.vector_store_idx %arg12[%add3A_378], %add3A_389 : memref<256xi32, #tpu.memory_space<vmem>>[vector<16xi32>], vector<16xi32>,
    }
    %scan3A_260 = arith.constant 256 : i32
    %get3A_261 = arith.constant 0 : index
    %get3A_262 = tpu.vector_load %arg11[%get3A_261] {strides = array<i32>} : memref<16xi32, #tpu.memory_space<vmem>>, vector<16xi32>,
    %get3A_263 = arith.constant 0 : index
    %get3A_264 = tpu.vector_load %arg10[%get3A_263] {strides = array<i32>} : memref<16xi32, #tpu.memory_space<vmem>>, vector<16xi32>,
    %scan3A_265 = arith.constant 0 : i32
    %scan3A_266 = arith.constant 0 : i32
    %scan3A_267 = arith.constant 4 : i32
    %scan3A_268 = arith.addi %scan3A_266, %scan3A_267 : i32
    %scan3A_269 = arith.constant 1 : i32
    scf.for %scan3A_280 = %scan3A_266 to %scan3A_268 step %scan3A_269  : i32 {
      %mul3A_281 = arith.constant 32 : i32
      %mul3A_282 = arith.muli %select_n3A_30, %mul3A_281 : i32
      %mul3A_283 = arith.constant 8 : i32
      %mul3A_284 = arith.muli %scan3A_280, %mul3A_283 : i32
      %add3A_285 = arith.addi %mul3A_282, %mul3A_284 : i32
      %gt3A = arith.constant 0 : i32
      %gt3A_286 = arith.cmpi sgt, %scan3A_280, %gt3A : i32
      %convert_element_type3A = arith.extui %gt3A_286 : i1 to i32
      %cond3A = arith.constant 0 : i32
      %cond3A_287 = arith.cmpi ne, %convert_element_type3A, %cond3A : i32
      scf.if %cond3A_287 {
        %dma_start3A_420 = arith.constant 0 : i32
        %dma_start3A_421 = tpu.memref_slice %arg2[%select_n3A, %add3A_285, %dma_start3A_420] : memref<16x64x16384xf32, #tpu.memory_space<hbm>> -> memref<1x8x2048xf32, #tpu.memory_space<hbm>>
        %dma_start3A_422 = tpu.memref_squeeze %dma_start3A_421 : memref<1x8x2048xf32, #tpu.memory_space<hbm>> -> memref<8x2048xf32, #tpu.memory_space<hbm>>
        %dma_start3A_423 = arith.constant 0 : i32
        %dma_start3A_424 = tpu.memref_slice %arg2[%select_n3A, %add3A_285, %dma_start3A_423] : memref<16x64x16384xf32, #tpu.memory_space<hbm>> -> memref<1x8x2048xf32, #tpu.memory_space<hbm>>
        %dma_start3A_425 = tpu.memref_squeeze %dma_start3A_424 : memref<1x8x2048xf32, #tpu.memory_space<hbm>> -> memref<8x2048xf32, #tpu.memory_space<hbm>>
        tpu.enqueue_dma source(%dma_start3A_425 : memref<8x2048xf32, #tpu.memory_space<hbm>>) target(%arg16 : memref<8x2048xf32, #tpu.memory_space<vmem>>) target_semaphore(%arg21 : memref<!tpu.dma_semaphore, #tpu.memory_space<semaphore_mem>>)
        %dma_start3A_426 = arith.constant 2048 : i32
        %dma_start3A_427 = tpu.memref_slice %arg2[%select_n3A, %add3A_285, %dma_start3A_426] : memref<16x64x16384xf32, #tpu.memory_space<hbm>> -> memref<1x8x2048xf32, #tpu.memory_space<hbm>>
        %dma_start3A_428 = tpu.memref_squeeze %dma_start3A_427 : memref<1x8x2048xf32, #tpu.memory_space<hbm>> -> memref<8x2048xf32, #tpu.memory_space<hbm>>
        %dma_start3A_429 = arith.constant 2048 : i32
        %dma_start3A_430 = tpu.memref_slice %arg2[%select_n3A, %add3A_285, %dma_start3A_429] : memref<16x64x16384xf32, #tpu.memory_space<hbm>> -> memref<1x8x2048xf32, #tpu.memory_space<hbm>>
        %dma_start3A_431 = tpu.memref_squeeze %dma_start3A_430 : memref<1x8x2048xf32, #tpu.memory_space<hbm>> -> memref<8x2048xf32, #tpu.memory_space<hbm>>
        tpu.enqueue_dma source(%dma_start3A_431 : memref<8x2048xf32, #tpu.memory_space<hbm>>) target(%arg17 : memref<8x2048xf32, #tpu.memory_space<vmem>>) target_semaphore(%arg22 : memref<!tpu.dma_semaphore, #tpu.memory_space<semaphore_mem>>)
        %dma_start3A_432 = arith.constant 4096 : i32
        %dma_start3A_433 = tpu.memref_slice %arg2[%select_n3A, %add3A_285, %dma_start3A_432] : memref<16x64x16384xf32, #tpu.memory_space<hbm>> -> memref<1x8x2048xf32, #tpu.memory_space<hbm>>
        %dma_start3A_434 = tpu.memref_squeeze %dma_start3A_433 : memref<1x8x2048xf32, #tpu.memory_space<hbm>> -> memref<8x2048xf32, #tpu.memory_space<hbm>>
        %dma_start3A_435 = arith.constant 4096 : i32
        %dma_start3A_436 = tpu.memref_slice %arg2[%select_n3A, %add3A_285, %dma_start3A_435] : memref<16x64x16384xf32, #tpu.memory_space<hbm>> -> memref<1x8x2048xf32, #tpu.memory_space<hbm>>
        %dma_start3A_437 = tpu.memref_squeeze %dma_start3A_436 : memref<1x8x2048xf32, #tpu.memory_space<hbm>> -> memref<8x2048xf32, #tpu.memory_space<hbm>>
        tpu.enqueue_dma source(%dma_start3A_437 : memref<8x2048xf32, #tpu.memory_space<hbm>>) target(%arg18 : memref<8x2048xf32, #tpu.memory_space<vmem>>) target_semaphore(%arg23 : memref<!tpu.dma_semaphore, #tpu.memory_space<semaphore_mem>>)
        %sub3A_438 = arith.constant 8 : i32
        %sub3A_439 = arith.subi %add3A_285, %sub3A_438 : i32
        %dma_wait3A_440 = arith.constant 0 : i32
        %dma_wait3A_441 = tpu.memref_slice %arg5[%select_n3A, %sub3A_439, %dma_wait3A_440] : memref<16x64x4096xf32, #tpu.memory_space<hbm>> -> memref<1x8x4096xf32, #tpu.memory_space<hbm>>
        %dma_wait3A_442 = tpu.memref_squeeze %dma_wait3A_441 : memref<1x8x4096xf32, #tpu.memory_space<hbm>> -> memref<8x4096xf32, #tpu.memory_space<hbm>>
        %dma_wait3A_443 = arith.constant 0 : i32
        %dma_wait3A_444 = tpu.memref_slice %arg5[%select_n3A, %sub3A_439, %dma_wait3A_443] : memref<16x64x4096xf32, #tpu.memory_space<hbm>> -> memref<1x8x4096xf32, #tpu.memory_space<hbm>>
        %dma_wait3A_445 = tpu.memref_squeeze %dma_wait3A_444 : memref<1x8x4096xf32, #tpu.memory_space<hbm>> -> memref<8x4096xf32, #tpu.memory_space<hbm>>
        tpu.wait_dma2 semaphore(%arg25 : memref<!tpu.dma_semaphore, #tpu.memory_space<semaphore_mem>>) src(%arg20 : memref<8x4096xf32, #tpu.memory_space<vmem>>) dst(%dma_wait3A_445 : memref<8x4096xf32, #tpu.memory_space<hbm>>)
      } else {
      }
      %dma_wait3A_288 = arith.constant 0 : i32
      %dma_wait3A_289 = tpu.memref_slice %arg2[%select_n3A, %add3A_285, %dma_wait3A_288] : memref<16x64x16384xf32, #tpu.memory_space<hbm>> -> memref<1x8x2048xf32, #tpu.memory_space<hbm>>
      %dma_wait3A_290 = tpu.memref_squeeze %dma_wait3A_289 : memref<1x8x2048xf32, #tpu.memory_space<hbm>> -> memref<8x2048xf32, #tpu.memory_space<hbm>>
      %dma_wait3A_291 = arith.constant 0 : i32
      %dma_wait3A_292 = tpu.memref_slice %arg2[%select_n3A, %add3A_285, %dma_wait3A_291] : memref<16x64x16384xf32, #tpu.memory_space<hbm>> -> memref<1x8x2048xf32, #tpu.memory_space<hbm>>
      %dma_wait3A_293 = tpu.memref_squeeze %dma_wait3A_292 : memref<1x8x2048xf32, #tpu.memory_space<hbm>> -> memref<8x2048xf32, #tpu.memory_space<hbm>>
      tpu.wait_dma2 semaphore(%arg21 : memref<!tpu.dma_semaphore, #tpu.memory_space<semaphore_mem>>) src(%dma_wait3A_293 : memref<8x2048xf32, #tpu.memory_space<hbm>>) dst(%arg16 : memref<8x2048xf32, #tpu.memory_space<vmem>>)
      %dma_start3A_294 = arith.constant 6144 : i32
      %dma_start3A_295 = tpu.memref_slice %arg2[%select_n3A, %add3A_285, %dma_start3A_294] : memref<16x64x16384xf32, #tpu.memory_space<hbm>> -> memref<1x8x2048xf32, #tpu.memory_space<hbm>>
      %dma_start3A_296 = tpu.memref_squeeze %dma_start3A_295 : memref<1x8x2048xf32, #tpu.memory_space<hbm>> -> memref<8x2048xf32, #tpu.memory_space<hbm>>
      %dma_start3A_297 = arith.constant 6144 : i32
      %dma_start3A_298 = tpu.memref_slice %arg2[%select_n3A, %add3A_285, %dma_start3A_297] : memref<16x64x16384xf32, #tpu.memory_space<hbm>> -> memref<1x8x2048xf32, #tpu.memory_space<hbm>>
      %dma_start3A_299 = tpu.memref_squeeze %dma_start3A_298 : memref<1x8x2048xf32, #tpu.memory_space<hbm>> -> memref<8x2048xf32, #tpu.memory_space<hbm>>
      tpu.enqueue_dma source(%dma_start3A_299 : memref<8x2048xf32, #tpu.memory_space<hbm>>) target(%arg19 : memref<8x2048xf32, #tpu.memory_space<vmem>>) target_semaphore(%arg24 : memref<!tpu.dma_semaphore, #tpu.memory_space<semaphore_mem>>)
      %slice3A_300 = vector.extract_strided_slice %get3A_262 {offsets = [0], sizes = [1], strides = [1]} : vector<16xi32> to vector<1xi32>
      %squeeze3A_301 = vector.extract %slice3A_300[0] : i32 from vector<1xi32>
      %slice3A_302 = vector.extract_strided_slice %get3A_264 {offsets = [0], sizes = [1], strides = [1]} : vector<16xi32> to vector<1xi32>
      %squeeze3A_303 = vector.extract %slice3A_302[0] : i32 from vector<1xi32>
      %add3A_304 = arith.addi %squeeze3A_301, %squeeze3A_303 : i32
      %parallel_loop3A_305 = arith.constant 16 : i32
      scf.for %parallel_loop3A_420 = %squeeze3A_301 to %add3A_304 step %parallel_loop3A_305  : i32 {
        %parallel_loop3A_421 = vector.broadcast %parallel_loop3A_420 : i32 to vector<16xi32>
        %parallel_loop3A_422 = arith.addi %parallel_loop3A_421, %iota3A : vector<16xi32>
        %parallel_loop3A_423 = vector.broadcast %add3A_304 : i32 to vector<16xi32>
        %parallel_loop3A_424 = arith.cmpi slt, %parallel_loop3A_422, %parallel_loop3A_423 : vector<16xi32>
        %parallel_loop3A_425 = arith.index_cast %parallel_loop3A_420 : i32 to index
        %parallel_loop3A_426 = tpu.vector_load %arg14[%parallel_loop3A_425] {strides = array<i32>} : memref<4112xi32, #tpu.memory_space<vmem>>, vector<16xi32>,
        %parallel_loop3A_427 = arith.index_cast %parallel_loop3A_420 : i32 to index
        %parallel_loop3A_428 = tpu.vector_load %arg13[%parallel_loop3A_427] {strides = array<i32>} : memref<4112xi32, #tpu.memory_space<vmem>>, vector<16xi32>,
        %parallel_loop3A_429 = arith.index_cast %parallel_loop3A_420 : i32 to index
        %parallel_loop3A_430 = tpu.vector_load %arg15[%parallel_loop3A_429] {strides = array<i32>} : memref<4112xf32, #tpu.memory_space<vmem>>, vector<16xf32>,
        %parallel_loop3A_431 = arith.constant 0 : i32
        %parallel_loop3A_432 = vector.broadcast %parallel_loop3A_431 : i32 to vector<16xi32>
        %parallel_loop3A_433 = tpu.vector_load_idx %arg16[%parallel_loop3A_432, %parallel_loop3A_426] masked %parallel_loop3A_424 : memref<8x2048xf32, #tpu.memory_space<vmem>>[vector<16xi32>, vector<16xi32>], vector<16xf32>, vector<16xi1>
        %parallel_loop3A_434 = arith.mulf %parallel_loop3A_433, %parallel_loop3A_430 : vector<16xf32>
        tpu.vector_store_idx %arg20[%parallel_loop3A_432, %parallel_loop3A_428], %parallel_loop3A_434 masked %parallel_loop3A_424 : memref<8x4096xf32, #tpu.memory_space<vmem>>[vector<16xi32>, vector<16xi32>], vector<16xf32>, vector<16xi1>
        %parallel_loop3A_435 = arith.constant 1 : i32
        %parallel_loop3A_436 = vector.broadcast %parallel_loop3A_435 : i32 to vector<16xi32>
        %parallel_loop3A_437 = tpu.vector_load_idx %arg16[%parallel_loop3A_436, %parallel_loop3A_426] masked %parallel_loop3A_424 : memref<8x2048xf32, #tpu.memory_space<vmem>>[vector<16xi32>, vector<16xi32>], vector<16xf32>, vector<16xi1>
        %parallel_loop3A_438 = arith.mulf %parallel_loop3A_437, %parallel_loop3A_430 : vector<16xf32>
        tpu.vector_store_idx %arg20[%parallel_loop3A_436, %parallel_loop3A_428], %parallel_loop3A_438 masked %parallel_loop3A_424 : memref<8x4096xf32, #tpu.memory_space<vmem>>[vector<16xi32>, vector<16xi32>], vector<16xf32>, vector<16xi1>
        %parallel_loop3A_439 = arith.constant 2 : i32
        %parallel_loop3A_440 = vector.broadcast %parallel_loop3A_439 : i32 to vector<16xi32>
        %parallel_loop3A_441 = tpu.vector_load_idx %arg16[%parallel_loop3A_440, %parallel_loop3A_426] masked %parallel_loop3A_424 : memref<8x2048xf32, #tpu.memory_space<vmem>>[vector<16xi32>, vector<16xi32>], vector<16xf32>, vector<16xi1>
        %parallel_loop3A_442 = arith.mulf %parallel_loop3A_441, %parallel_loop3A_430 : vector<16xf32>
        tpu.vector_store_idx %arg20[%parallel_loop3A_440, %parallel_loop3A_428], %parallel_loop3A_442 masked %parallel_loop3A_424 : memref<8x4096xf32, #tpu.memory_space<vmem>>[vector<16xi32>, vector<16xi32>], vector<16xf32>, vector<16xi1>
        %parallel_loop3A_443 = arith.constant 3 : i32
        %parallel_loop3A_444 = vector.broadcast %parallel_loop3A_443 : i32 to vector<16xi32>
        %parallel_loop3A_445 = tpu.vector_load_idx %arg16[%parallel_loop3A_444, %parallel_loop3A_426] masked %parallel_loop3A_424 : memref<8x2048xf32, #tpu.memory_space<vmem>>[vector<16xi32>, vector<16xi32>], vector<16xf32>, vector<16xi1>
        %parallel_loop3A_446 = arith.mulf %parallel_loop3A_445, %parallel_loop3A_430 : vector<16xf32>
        tpu.vector_store_idx %arg20[%parallel_loop3A_444, %parallel_loop3A_428], %parallel_loop3A_446 masked %parallel_loop3A_424 : memref<8x4096xf32, #tpu.memory_space<vmem>>[vector<16xi32>, vector<16xi32>], vector<16xf32>, vector<16xi1>
        %parallel_loop3A_447 = arith.constant 4 : i32
        %parallel_loop3A_448 = vector.broadcast %parallel_loop3A_447 : i32 to vector<16xi32>
        %parallel_loop3A_449 = tpu.vector_load_idx %arg16[%parallel_loop3A_448, %parallel_loop3A_426] masked %parallel_loop3A_424 : memref<8x2048xf32, #tpu.memory_space<vmem>>[vector<16xi32>, vector<16xi32>], vector<16xf32>, vector<16xi1>
        %parallel_loop3A_450 = arith.mulf %parallel_loop3A_449, %parallel_loop3A_430 : vector<16xf32>
        tpu.vector_store_idx %arg20[%parallel_loop3A_448, %parallel_loop3A_428], %parallel_loop3A_450 masked %parallel_loop3A_424 : memref<8x4096xf32, #tpu.memory_space<vmem>>[vector<16xi32>, vector<16xi32>], vector<16xf32>, vector<16xi1>
        %parallel_loop3A_451 = arith.constant 5 : i32
        %parallel_loop3A_452 = vector.broadcast %parallel_loop3A_451 : i32 to vector<16xi32>
        %parallel_loop3A_453 = tpu.vector_load_idx %arg16[%parallel_loop3A_452, %parallel_loop3A_426] masked %parallel_loop3A_424 : memref<8x2048xf32, #tpu.memory_space<vmem>>[vector<16xi32>, vector<16xi32>], vector<16xf32>, vector<16xi1>
        %parallel_loop3A_454 = arith.mulf %parallel_loop3A_453, %parallel_loop3A_430 : vector<16xf32>
        tpu.vector_store_idx %arg20[%parallel_loop3A_452, %parallel_loop3A_428], %parallel_loop3A_454 masked %parallel_loop3A_424 : memref<8x4096xf32, #tpu.memory_space<vmem>>[vector<16xi32>, vector<16xi32>], vector<16xf32>, vector<16xi1>
        %parallel_loop3A_455 = arith.constant 6 : i32
        %parallel_loop3A_456 = vector.broadcast %parallel_loop3A_455 : i32 to vector<16xi32>
        %parallel_loop3A_457 = tpu.vector_load_idx %arg16[%parallel_loop3A_456, %parallel_loop3A_426] masked %parallel_loop3A_424 : memref<8x2048xf32, #tpu.memory_space<vmem>>[vector<16xi32>, vector<16xi32>], vector<16xf32>, vector<16xi1>
        %parallel_loop3A_458 = arith.mulf %parallel_loop3A_457, %parallel_loop3A_430 : vector<16xf32>
        tpu.vector_store_idx %arg20[%parallel_loop3A_456, %parallel_loop3A_428], %parallel_loop3A_458 masked %parallel_loop3A_424 : memref<8x4096xf32, #tpu.memory_space<vmem>>[vector<16xi32>, vector<16xi32>], vector<16xf32>, vector<16xi1>
        %parallel_loop3A_459 = arith.constant 7 : i32
        %parallel_loop3A_460 = vector.broadcast %parallel_loop3A_459 : i32 to vector<16xi32>
        %parallel_loop3A_461 = tpu.vector_load_idx %arg16[%parallel_loop3A_460, %parallel_loop3A_426] masked %parallel_loop3A_424 : memref<8x2048xf32, #tpu.memory_space<vmem>>[vector<16xi32>, vector<16xi32>], vector<16xf32>, vector<16xi1>
        %parallel_loop3A_462 = arith.mulf %parallel_loop3A_461, %parallel_loop3A_430 : vector<16xf32>
        tpu.vector_store_idx %arg20[%parallel_loop3A_460, %parallel_loop3A_428], %parallel_loop3A_462 masked %parallel_loop3A_424 : memref<8x4096xf32, #tpu.memory_space<vmem>>[vector<16xi32>, vector<16xi32>], vector<16xf32>, vector<16xi1>
      } {sc.loop_unroll_factor = 2 : i64, sc.parallel_access}
      %dma_wait3A_306 = arith.constant 0 : i32
      %dma_wait3A_307 = tpu.memref_slice %arg2[%select_n3A, %add3A_285, %dma_wait3A_306] : memref<16x64x16384xf32, #tpu.memory_space<hbm>> -> memref<1x8x2048xf32, #tpu.memory_space<hbm>>
      %dma_wait3A_308 = tpu.memref_squeeze %dma_wait3A_307 : memref<1x8x2048xf32, #tpu.memory_space<hbm>> -> memref<8x2048xf32, #tpu.memory_space<hbm>>
      %dma_wait3A_309 = arith.constant 0 : i32
      %dma_wait3A_310 = tpu.memref_slice %arg2[%select_n3A, %add3A_285, %dma_wait3A_309] : memref<16x64x16384xf32, #tpu.memory_space<hbm>> -> memref<1x8x2048xf32, #tpu.memory_space<hbm>>
      %dma_wait3A_311 = tpu.memref_squeeze %dma_wait3A_310 : memref<1x8x2048xf32, #tpu.memory_space<hbm>> -> memref<8x2048xf32, #tpu.memory_space<hbm>>
      tpu.wait_dma2 semaphore(%arg22 : memref<!tpu.dma_semaphore, #tpu.memory_space<semaphore_mem>>) src(%dma_wait3A_311 : memref<8x2048xf32, #tpu.memory_space<hbm>>) dst(%arg17 : memref<8x2048xf32, #tpu.memory_space<vmem>>)
      %dma_start3A_312 = arith.constant 8192 : i32
      %dma_start3A_313 = tpu.memref_slice %arg2[%select_n3A, %add3A_285, %dma_start3A_312] : memref<16x64x16384xf32, #tpu.memory_space<hbm>> -> memref<1x8x2048xf32, #tpu.memory_space<hbm>>
      %dma_start3A_314 = tpu.memref_squeeze %dma_start3A_313 : memref<1x8x2048xf32, #tpu.memory_space<hbm>> -> memref<8x2048xf32, #tpu.memory_space<hbm>>
      %dma_start3A_315 = arith.constant 8192 : i32
      %dma_start3A_316 = tpu.memref_slice %arg2[%select_n3A, %add3A_285, %dma_start3A_315] : memref<16x64x16384xf32, #tpu.memory_space<hbm>> -> memref<1x8x2048xf32, #tpu.memory_space<hbm>>
      %dma_start3A_317 = tpu.memref_squeeze %dma_start3A_316 : memref<1x8x2048xf32, #tpu.memory_space<hbm>> -> memref<8x2048xf32, #tpu.memory_space<hbm>>
      tpu.enqueue_dma source(%dma_start3A_317 : memref<8x2048xf32, #tpu.memory_space<hbm>>) target(%arg16 : memref<8x2048xf32, #tpu.memory_space<vmem>>) target_semaphore(%arg21 : memref<!tpu.dma_semaphore, #tpu.memory_space<semaphore_mem>>)
      %slice3A_318 = vector.extract_strided_slice %get3A_262 {offsets = [1], sizes = [1], strides = [1]} : vector<16xi32> to vector<1xi32>
      %squeeze3A_319 = vector.extract %slice3A_318[0] : i32 from vector<1xi32>
      %slice3A_320 = vector.extract_strided_slice %get3A_264 {offsets = [1], sizes = [1], strides = [1]} : vector<16xi32> to vector<1xi32>
      %squeeze3A_321 = vector.extract %slice3A_320[0] : i32 from vector<1xi32>
      %add3A_322 = arith.addi %squeeze3A_319, %squeeze3A_321 : i32
      %parallel_loop3A_323 = arith.constant 16 : i32
      scf.for %parallel_loop3A_420 = %squeeze3A_319 to %add3A_322 step %parallel_loop3A_323  : i32 {
        %parallel_loop3A_421 = vector.broadcast %parallel_loop3A_420 : i32 to vector<16xi32>
        %parallel_loop3A_422 = arith.addi %parallel_loop3A_421, %iota3A : vector<16xi32>
        %parallel_loop3A_423 = vector.broadcast %add3A_322 : i32 to vector<16xi32>
        %parallel_loop3A_424 = arith.cmpi slt, %parallel_loop3A_422, %parallel_loop3A_423 : vector<16xi32>
        %parallel_loop3A_425 = arith.index_cast %parallel_loop3A_420 : i32 to index
        %parallel_loop3A_426 = tpu.vector_load %arg14[%parallel_loop3A_425] {strides = array<i32>} : memref<4112xi32, #tpu.memory_space<vmem>>, vector<16xi32>,
        %parallel_loop3A_427 = arith.index_cast %parallel_loop3A_420 : i32 to index
        %parallel_loop3A_428 = tpu.vector_load %arg13[%parallel_loop3A_427] {strides = array<i32>} : memref<4112xi32, #tpu.memory_space<vmem>>, vector<16xi32>,
        %parallel_loop3A_429 = arith.index_cast %parallel_loop3A_420 : i32 to index
        %parallel_loop3A_430 = tpu.vector_load %arg15[%parallel_loop3A_429] {strides = array<i32>} : memref<4112xf32, #tpu.memory_space<vmem>>, vector<16xf32>,
        %parallel_loop3A_431 = arith.constant 0 : i32
        %parallel_loop3A_432 = vector.broadcast %parallel_loop3A_431 : i32 to vector<16xi32>
        %parallel_loop3A_433 = tpu.vector_load_idx %arg17[%parallel_loop3A_432, %parallel_loop3A_426] masked %parallel_loop3A_424 : memref<8x2048xf32, #tpu.memory_space<vmem>>[vector<16xi32>, vector<16xi32>], vector<16xf32>, vector<16xi1>
        %parallel_loop3A_434 = arith.mulf %parallel_loop3A_433, %parallel_loop3A_430 : vector<16xf32>
        tpu.vector_store_idx %arg20[%parallel_loop3A_432, %parallel_loop3A_428], %parallel_loop3A_434 masked %parallel_loop3A_424 : memref<8x4096xf32, #tpu.memory_space<vmem>>[vector<16xi32>, vector<16xi32>], vector<16xf32>, vector<16xi1>
        %parallel_loop3A_435 = arith.constant 1 : i32
        %parallel_loop3A_436 = vector.broadcast %parallel_loop3A_435 : i32 to vector<16xi32>
        %parallel_loop3A_437 = tpu.vector_load_idx %arg17[%parallel_loop3A_436, %parallel_loop3A_426] masked %parallel_loop3A_424 : memref<8x2048xf32, #tpu.memory_space<vmem>>[vector<16xi32>, vector<16xi32>], vector<16xf32>, vector<16xi1>
        %parallel_loop3A_438 = arith.mulf %parallel_loop3A_437, %parallel_loop3A_430 : vector<16xf32>
        tpu.vector_store_idx %arg20[%parallel_loop3A_436, %parallel_loop3A_428], %parallel_loop3A_438 masked %parallel_loop3A_424 : memref<8x4096xf32, #tpu.memory_space<vmem>>[vector<16xi32>, vector<16xi32>], vector<16xf32>, vector<16xi1>
        %parallel_loop3A_439 = arith.constant 2 : i32
        %parallel_loop3A_440 = vector.broadcast %parallel_loop3A_439 : i32 to vector<16xi32>
        %parallel_loop3A_441 = tpu.vector_load_idx %arg17[%parallel_loop3A_440, %parallel_loop3A_426] masked %parallel_loop3A_424 : memref<8x2048xf32, #tpu.memory_space<vmem>>[vector<16xi32>, vector<16xi32>], vector<16xf32>, vector<16xi1>
        %parallel_loop3A_442 = arith.mulf %parallel_loop3A_441, %parallel_loop3A_430 : vector<16xf32>
        tpu.vector_store_idx %arg20[%parallel_loop3A_440, %parallel_loop3A_428], %parallel_loop3A_442 masked %parallel_loop3A_424 : memref<8x4096xf32, #tpu.memory_space<vmem>>[vector<16xi32>, vector<16xi32>], vector<16xf32>, vector<16xi1>
        %parallel_loop3A_443 = arith.constant 3 : i32
        %parallel_loop3A_444 = vector.broadcast %parallel_loop3A_443 : i32 to vector<16xi32>
        %parallel_loop3A_445 = tpu.vector_load_idx %arg17[%parallel_loop3A_444, %parallel_loop3A_426] masked %parallel_loop3A_424 : memref<8x2048xf32, #tpu.memory_space<vmem>>[vector<16xi32>, vector<16xi32>], vector<16xf32>, vector<16xi1>
        %parallel_loop3A_446 = arith.mulf %parallel_loop3A_445, %parallel_loop3A_430 : vector<16xf32>
        tpu.vector_store_idx %arg20[%parallel_loop3A_444, %parallel_loop3A_428], %parallel_loop3A_446 masked %parallel_loop3A_424 : memref<8x4096xf32, #tpu.memory_space<vmem>>[vector<16xi32>, vector<16xi32>], vector<16xf32>, vector<16xi1>
        %parallel_loop3A_447 = arith.constant 4 : i32
        %parallel_loop3A_448 = vector.broadcast %parallel_loop3A_447 : i32 to vector<16xi32>
        %parallel_loop3A_449 = tpu.vector_load_idx %arg17[%parallel_loop3A_448, %parallel_loop3A_426] masked %parallel_loop3A_424 : memref<8x2048xf32, #tpu.memory_space<vmem>>[vector<16xi32>, vector<16xi32>], vector<16xf32>, vector<16xi1>
        %parallel_loop3A_450 = arith.mulf %parallel_loop3A_449, %parallel_loop3A_430 : vector<16xf32>
        tpu.vector_store_idx %arg20[%parallel_loop3A_448, %parallel_loop3A_428], %parallel_loop3A_450 masked %parallel_loop3A_424 : memref<8x4096xf32, #tpu.memory_space<vmem>>[vector<16xi32>, vector<16xi32>], vector<16xf32>, vector<16xi1>
        %parallel_loop3A_451 = arith.constant 5 : i32
        %parallel_loop3A_452 = vector.broadcast %parallel_loop3A_451 : i32 to vector<16xi32>
        %parallel_loop3A_453 = tpu.vector_load_idx %arg17[%parallel_loop3A_452, %parallel_loop3A_426] masked %parallel_loop3A_424 : memref<8x2048xf32, #tpu.memory_space<vmem>>[vector<16xi32>, vector<16xi32>], vector<16xf32>, vector<16xi1>
        %parallel_loop3A_454 = arith.mulf %parallel_loop3A_453, %parallel_loop3A_430 : vector<16xf32>
        tpu.vector_store_idx %arg20[%parallel_loop3A_452, %parallel_loop3A_428], %parallel_loop3A_454 masked %parallel_loop3A_424 : memref<8x4096xf32, #tpu.memory_space<vmem>>[vector<16xi32>, vector<16xi32>], vector<16xf32>, vector<16xi1>
        %parallel_loop3A_455 = arith.constant 6 : i32
        %parallel_loop3A_456 = vector.broadcast %parallel_loop3A_455 : i32 to vector<16xi32>
        %parallel_loop3A_457 = tpu.vector_load_idx %arg17[%parallel_loop3A_456, %parallel_loop3A_426] masked %parallel_loop3A_424 : memref<8x2048xf32, #tpu.memory_space<vmem>>[vector<16xi32>, vector<16xi32>], vector<16xf32>, vector<16xi1>
        %parallel_loop3A_458 = arith.mulf %parallel_loop3A_457, %parallel_loop3A_430 : vector<16xf32>
        tpu.vector_store_idx %arg20[%parallel_loop3A_456, %parallel_loop3A_428], %parallel_loop3A_458 masked %parallel_loop3A_424 : memref<8x4096xf32, #tpu.memory_space<vmem>>[vector<16xi32>, vector<16xi32>], vector<16xf32>, vector<16xi1>
        %parallel_loop3A_459 = arith.constant 7 : i32
        %parallel_loop3A_460 = vector.broadcast %parallel_loop3A_459 : i32 to vector<16xi32>
        %parallel_loop3A_461 = tpu.vector_load_idx %arg17[%parallel_loop3A_460, %parallel_loop3A_426] masked %parallel_loop3A_424 : memref<8x2048xf32, #tpu.memory_space<vmem>>[vector<16xi32>, vector<16xi32>], vector<16xf32>, vector<16xi1>
        %parallel_loop3A_462 = arith.mulf %parallel_loop3A_461, %parallel_loop3A_430 : vector<16xf32>
        tpu.vector_store_idx %arg20[%parallel_loop3A_460, %parallel_loop3A_428], %parallel_loop3A_462 masked %parallel_loop3A_424 : memref<8x4096xf32, #tpu.memory_space<vmem>>[vector<16xi32>, vector<16xi32>], vector<16xf32>, vector<16xi1>
      } {sc.loop_unroll_factor = 2 : i64, sc.parallel_access}
      %dma_wait3A_324 = arith.constant 0 : i32
      %dma_wait3A_325 = tpu.memref_slice %arg2[%select_n3A, %add3A_285, %dma_wait3A_324] : memref<16x64x16384xf32, #tpu.memory_space<hbm>> -> memref<1x8x2048xf32, #tpu.memory_space<hbm>>
      %dma_wait3A_326 = tpu.memref_squeeze %dma_wait3A_325 : memref<1x8x2048xf32, #tpu.memory_space<hbm>> -> memref<8x2048xf32, #tpu.memory_space<hbm>>
      %dma_wait3A_327 = arith.constant 0 : i32
      %dma_wait3A_328 = tpu.memref_slice %arg2[%select_n3A, %add3A_285, %dma_wait3A_327] : memref<16x64x16384xf32, #tpu.memory_space<hbm>> -> memref<1x8x2048xf32, #tpu.memory_space<hbm>>
      %dma_wait3A_329 = tpu.memref_squeeze %dma_wait3A_328 : memref<1x8x2048xf32, #tpu.memory_space<hbm>> -> memref<8x2048xf32, #tpu.memory_space<hbm>>
      tpu.wait_dma2 semaphore(%arg23 : memref<!tpu.dma_semaphore, #tpu.memory_space<semaphore_mem>>) src(%dma_wait3A_329 : memref<8x2048xf32, #tpu.memory_space<hbm>>) dst(%arg18 : memref<8x2048xf32, #tpu.memory_space<vmem>>)
      %dma_start3A_330 = arith.constant 10240 : i32
      %dma_start3A_331 = tpu.memref_slice %arg2[%select_n3A, %add3A_285, %dma_start3A_330] : memref<16x64x16384xf32, #tpu.memory_space<hbm>> -> memref<1x8x2048xf32, #tpu.memory_space<hbm>>
      %dma_start3A_332 = tpu.memref_squeeze %dma_start3A_331 : memref<1x8x2048xf32, #tpu.memory_space<hbm>> -> memref<8x2048xf32, #tpu.memory_space<hbm>>
      %dma_start3A_333 = arith.constant 10240 : i32
      %dma_start3A_334 = tpu.memref_slice %arg2[%select_n3A, %add3A_285, %dma_start3A_333] : memref<16x64x16384xf32, #tpu.memory_space<hbm>> -> memref<1x8x2048xf32, #tpu.memory_space<hbm>>
      %dma_start3A_335 = tpu.memref_squeeze %dma_start3A_334 : memref<1x8x2048xf32, #tpu.memory_space<hbm>> -> memref<8x2048xf32, #tpu.memory_space<hbm>>
      tpu.enqueue_dma source(%dma_start3A_335 : memref<8x2048xf32, #tpu.memory_space<hbm>>) target(%arg17 : memref<8x2048xf32, #tpu.memory_space<vmem>>) target_semaphore(%arg22 : memref<!tpu.dma_semaphore, #tpu.memory_space<semaphore_mem>>)
      %slice3A_336 = vector.extract_strided_slice %get3A_262 {offsets = [2], sizes = [1], strides = [1]} : vector<16xi32> to vector<1xi32>
      %squeeze3A_337 = vector.extract %slice3A_336[0] : i32 from vector<1xi32>
      %slice3A_338 = vector.extract_strided_slice %get3A_264 {offsets = [2], sizes = [1], strides = [1]} : vector<16xi32> to vector<1xi32>
      %squeeze3A_339 = vector.extract %slice3A_338[0] : i32 from vector<1xi32>
      %add3A_340 = arith.addi %squeeze3A_337, %squeeze3A_339 : i32
      %parallel_loop3A_341 = arith.constant 16 : i32
      scf.for %parallel_loop3A_420 = %squeeze3A_337 to %add3A_340 step %parallel_loop3A_341  : i32 {
        %parallel_loop3A_421 = vector.broadcast %parallel_loop3A_420 : i32 to vector<16xi32>
        %parallel_loop3A_422 = arith.addi %parallel_loop3A_421, %iota3A : vector<16xi32>
        %parallel_loop3A_423 = vector.broadcast %add3A_340 : i32 to vector<16xi32>
        %parallel_loop3A_424 = arith.cmpi slt, %parallel_loop3A_422, %parallel_loop3A_423 : vector<16xi32>
        %parallel_loop3A_425 = arith.index_cast %parallel_loop3A_420 : i32 to index
        %parallel_loop3A_426 = tpu.vector_load %arg14[%parallel_loop3A_425] {strides = array<i32>} : memref<4112xi32, #tpu.memory_space<vmem>>, vector<16xi32>,
        %parallel_loop3A_427 = arith.index_cast %parallel_loop3A_420 : i32 to index
        %parallel_loop3A_428 = tpu.vector_load %arg13[%parallel_loop3A_427] {strides = array<i32>} : memref<4112xi32, #tpu.memory_space<vmem>>, vector<16xi32>,
        %parallel_loop3A_429 = arith.index_cast %parallel_loop3A_420 : i32 to index
        %parallel_loop3A_430 = tpu.vector_load %arg15[%parallel_loop3A_429] {strides = array<i32>} : memref<4112xf32, #tpu.memory_space<vmem>>, vector<16xf32>,
        %parallel_loop3A_431 = arith.constant 0 : i32
        %parallel_loop3A_432 = vector.broadcast %parallel_loop3A_431 : i32 to vector<16xi32>
        %parallel_loop3A_433 = tpu.vector_load_idx %arg18[%parallel_loop3A_432, %parallel_loop3A_426] masked %parallel_loop3A_424 : memref<8x2048xf32, #tpu.memory_space<vmem>>[vector<16xi32>, vector<16xi32>], vector<16xf32>, vector<16xi1>
        %parallel_loop3A_434 = arith.mulf %parallel_loop3A_433, %parallel_loop3A_430 : vector<16xf32>
        tpu.vector_store_idx %arg20[%parallel_loop3A_432, %parallel_loop3A_428], %parallel_loop3A_434 masked %parallel_loop3A_424 : memref<8x4096xf32, #tpu.memory_space<vmem>>[vector<16xi32>, vector<16xi32>], vector<16xf32>, vector<16xi1>
        %parallel_loop3A_435 = arith.constant 1 : i32
        %parallel_loop3A_436 = vector.broadcast %parallel_loop3A_435 : i32 to vector<16xi32>
        %parallel_loop3A_437 = tpu.vector_load_idx %arg18[%parallel_loop3A_436, %parallel_loop3A_426] masked %parallel_loop3A_424 : memref<8x2048xf32, #tpu.memory_space<vmem>>[vector<16xi32>, vector<16xi32>], vector<16xf32>, vector<16xi1>
        %parallel_loop3A_438 = arith.mulf %parallel_loop3A_437, %parallel_loop3A_430 : vector<16xf32>
        tpu.vector_store_idx %arg20[%parallel_loop3A_436, %parallel_loop3A_428], %parallel_loop3A_438 masked %parallel_loop3A_424 : memref<8x4096xf32, #tpu.memory_space<vmem>>[vector<16xi32>, vector<16xi32>], vector<16xf32>, vector<16xi1>
        %parallel_loop3A_439 = arith.constant 2 : i32
        %parallel_loop3A_440 = vector.broadcast %parallel_loop3A_439 : i32 to vector<16xi32>
        %parallel_loop3A_441 = tpu.vector_load_idx %arg18[%parallel_loop3A_440, %parallel_loop3A_426] masked %parallel_loop3A_424 : memref<8x2048xf32, #tpu.memory_space<vmem>>[vector<16xi32>, vector<16xi32>], vector<16xf32>, vector<16xi1>
        %parallel_loop3A_442 = arith.mulf %parallel_loop3A_441, %parallel_loop3A_430 : vector<16xf32>
        tpu.vector_store_idx %arg20[%parallel_loop3A_440, %parallel_loop3A_428], %parallel_loop3A_442 masked %parallel_loop3A_424 : memref<8x4096xf32, #tpu.memory_space<vmem>>[vector<16xi32>, vector<16xi32>], vector<16xf32>, vector<16xi1>
        %parallel_loop3A_443 = arith.constant 3 : i32
        %parallel_loop3A_444 = vector.broadcast %parallel_loop3A_443 : i32 to vector<16xi32>
        %parallel_loop3A_445 = tpu.vector_load_idx %arg18[%parallel_loop3A_444, %parallel_loop3A_426] masked %parallel_loop3A_424 : memref<8x2048xf32, #tpu.memory_space<vmem>>[vector<16xi32>, vector<16xi32>], vector<16xf32>, vector<16xi1>
        %parallel_loop3A_446 = arith.mulf %parallel_loop3A_445, %parallel_loop3A_430 : vector<16xf32>
        tpu.vector_store_idx %arg20[%parallel_loop3A_444, %parallel_loop3A_428], %parallel_loop3A_446 masked %parallel_loop3A_424 : memref<8x4096xf32, #tpu.memory_space<vmem>>[vector<16xi32>, vector<16xi32>], vector<16xf32>, vector<16xi1>
        %parallel_loop3A_447 = arith.constant 4 : i32
        %parallel_loop3A_448 = vector.broadcast %parallel_loop3A_447 : i32 to vector<16xi32>
        %parallel_loop3A_449 = tpu.vector_load_idx %arg18[%parallel_loop3A_448, %parallel_loop3A_426] masked %parallel_loop3A_424 : memref<8x2048xf32, #tpu.memory_space<vmem>>[vector<16xi32>, vector<16xi32>], vector<16xf32>, vector<16xi1>
        %parallel_loop3A_450 = arith.mulf %parallel_loop3A_449, %parallel_loop3A_430 : vector<16xf32>
        tpu.vector_store_idx %arg20[%parallel_loop3A_448, %parallel_loop3A_428], %parallel_loop3A_450 masked %parallel_loop3A_424 : memref<8x4096xf32, #tpu.memory_space<vmem>>[vector<16xi32>, vector<16xi32>], vector<16xf32>, vector<16xi1>
        %parallel_loop3A_451 = arith.constant 5 : i32
        %parallel_loop3A_452 = vector.broadcast %parallel_loop3A_451 : i32 to vector<16xi32>
        %parallel_loop3A_453 = tpu.vector_load_idx %arg18[%parallel_loop3A_452, %parallel_loop3A_426] masked %parallel_loop3A_424 : memref<8x2048xf32, #tpu.memory_space<vmem>>[vector<16xi32>, vector<16xi32>], vector<16xf32>, vector<16xi1>
        %parallel_loop3A_454 = arith.mulf %parallel_loop3A_453, %parallel_loop3A_430 : vector<16xf32>
        tpu.vector_store_idx %arg20[%parallel_loop3A_452, %parallel_loop3A_428], %parallel_loop3A_454 masked %parallel_loop3A_424 : memref<8x4096xf32, #tpu.memory_space<vmem>>[vector<16xi32>, vector<16xi32>], vector<16xf32>, vector<16xi1>
        %parallel_loop3A_455 = arith.constant 6 : i32
        %parallel_loop3A_456 = vector.broadcast %parallel_loop3A_455 : i32 to vector<16xi32>
        %parallel_loop3A_457 = tpu.vector_load_idx %arg18[%parallel_loop3A_456, %parallel_loop3A_426] masked %parallel_loop3A_424 : memref<8x2048xf32, #tpu.memory_space<vmem>>[vector<16xi32>, vector<16xi32>], vector<16xf32>, vector<16xi1>
        %parallel_loop3A_458 = arith.mulf %parallel_loop3A_457, %parallel_loop3A_430 : vector<16xf32>
        tpu.vector_store_idx %arg20[%parallel_loop3A_456, %parallel_loop3A_428], %parallel_loop3A_458 masked %parallel_loop3A_424 : memref<8x4096xf32, #tpu.memory_space<vmem>>[vector<16xi32>, vector<16xi32>], vector<16xf32>, vector<16xi1>
        %parallel_loop3A_459 = arith.constant 7 : i32
        %parallel_loop3A_460 = vector.broadcast %parallel_loop3A_459 : i32 to vector<16xi32>
        %parallel_loop3A_461 = tpu.vector_load_idx %arg18[%parallel_loop3A_460, %parallel_loop3A_426] masked %parallel_loop3A_424 : memref<8x2048xf32, #tpu.memory_space<vmem>>[vector<16xi32>, vector<16xi32>], vector<16xf32>, vector<16xi1>
        %parallel_loop3A_462 = arith.mulf %parallel_loop3A_461, %parallel_loop3A_430 : vector<16xf32>
        tpu.vector_store_idx %arg20[%parallel_loop3A_460, %parallel_loop3A_428], %parallel_loop3A_462 masked %parallel_loop3A_424 : memref<8x4096xf32, #tpu.memory_space<vmem>>[vector<16xi32>, vector<16xi32>], vector<16xf32>, vector<16xi1>
      } {sc.loop_unroll_factor = 2 : i64, sc.parallel_access}
      %dma_wait3A_342 = arith.constant 0 : i32
      %dma_wait3A_343 = tpu.memref_slice %arg2[%select_n3A, %add3A_285, %dma_wait3A_342] : memref<16x64x16384xf32, #tpu.memory_space<hbm>> -> memref<1x8x2048xf32, #tpu.memory_space<hbm>>
      %dma_wait3A_344 = tpu.memref_squeeze %dma_wait3A_343 : memref<1x8x2048xf32, #tpu.memory_space<hbm>> -> memref<8x2048xf32, #tpu.memory_space<hbm>>
      %dma_wait3A_345 = arith.constant 0 : i32
      %dma_wait3A_346 = tpu.memref_slice %arg2[%select_n3A, %add3A_285, %dma_wait3A_345] : memref<16x64x16384xf32, #tpu.memory_space<hbm>> -> memref<1x8x2048xf32, #tpu.memory_space<hbm>>
      %dma_wait3A_347 = tpu.memref_squeeze %dma_wait3A_346 : memref<1x8x2048xf32, #tpu.memory_space<hbm>> -> memref<8x2048xf32, #tpu.memory_space<hbm>>
      tpu.wait_dma2 semaphore(%arg24 : memref<!tpu.dma_semaphore, #tpu.memory_space<semaphore_mem>>) src(%dma_wait3A_347 : memref<8x2048xf32, #tpu.memory_space<hbm>>) dst(%arg19 : memref<8x2048xf32, #tpu.memory_space<vmem>>)
      %dma_start3A_348 = arith.constant 12288 : i32
      %dma_start3A_349 = tpu.memref_slice %arg2[%select_n3A, %add3A_285, %dma_start3A_348] : memref<16x64x16384xf32, #tpu.memory_space<hbm>> -> memref<1x8x2048xf32, #tpu.memory_space<hbm>>
      %dma_start3A_350 = tpu.memref_squeeze %dma_start3A_349 : memref<1x8x2048xf32, #tpu.memory_space<hbm>> -> memref<8x2048xf32, #tpu.memory_space<hbm>>
      %dma_start3A_351 = arith.constant 12288 : i32
      %dma_start3A_352 = tpu.memref_slice %arg2[%select_n3A, %add3A_285, %dma_start3A_351] : memref<16x64x16384xf32, #tpu.memory_space<hbm>> -> memref<1x8x2048xf32, #tpu.memory_space<hbm>>
      %dma_start3A_353 = tpu.memref_squeeze %dma_start3A_352 : memref<1x8x2048xf32, #tpu.memory_space<hbm>> -> memref<8x2048xf32, #tpu.memory_space<hbm>>
      tpu.enqueue_dma source(%dma_start3A_353 : memref<8x2048xf32, #tpu.memory_space<hbm>>) target(%arg18 : memref<8x2048xf32, #tpu.memory_space<vmem>>) target_semaphore(%arg23 : memref<!tpu.dma_semaphore, #tpu.memory_space<semaphore_mem>>)
      %slice3A_354 = vector.extract_strided_slice %get3A_262 {offsets = [3], sizes = [1], strides = [1]} : vector<16xi32> to vector<1xi32>
      %squeeze3A_355 = vector.extract %slice3A_354[0] : i32 from vector<1xi32>
      %slice3A_356 = vector.extract_strided_slice %get3A_264 {offsets = [3], sizes = [1], strides = [1]} : vector<16xi32> to vector<1xi32>
      %squeeze3A_357 = vector.extract %slice3A_356[0] : i32 from vector<1xi32>
      %add3A_358 = arith.addi %squeeze3A_355, %squeeze3A_357 : i32
      %parallel_loop3A_359 = arith.constant 16 : i32
      scf.for %parallel_loop3A_420 = %squeeze3A_355 to %add3A_358 step %parallel_loop3A_359  : i32 {
        %parallel_loop3A_421 = vector.broadcast %parallel_loop3A_420 : i32 to vector<16xi32>
        %parallel_loop3A_422 = arith.addi %parallel_loop3A_421, %iota3A : vector<16xi32>
        %parallel_loop3A_423 = vector.broadcast %add3A_358 : i32 to vector<16xi32>
        %parallel_loop3A_424 = arith.cmpi slt, %parallel_loop3A_422, %parallel_loop3A_423 : vector<16xi32>
        %parallel_loop3A_425 = arith.index_cast %parallel_loop3A_420 : i32 to index
        %parallel_loop3A_426 = tpu.vector_load %arg14[%parallel_loop3A_425] {strides = array<i32>} : memref<4112xi32, #tpu.memory_space<vmem>>, vector<16xi32>,
        %parallel_loop3A_427 = arith.index_cast %parallel_loop3A_420 : i32 to index
        %parallel_loop3A_428 = tpu.vector_load %arg13[%parallel_loop3A_427] {strides = array<i32>} : memref<4112xi32, #tpu.memory_space<vmem>>, vector<16xi32>,
        %parallel_loop3A_429 = arith.index_cast %parallel_loop3A_420 : i32 to index
        %parallel_loop3A_430 = tpu.vector_load %arg15[%parallel_loop3A_429] {strides = array<i32>} : memref<4112xf32, #tpu.memory_space<vmem>>, vector<16xf32>,
        %parallel_loop3A_431 = arith.constant 0 : i32
        %parallel_loop3A_432 = vector.broadcast %parallel_loop3A_431 : i32 to vector<16xi32>
        %parallel_loop3A_433 = tpu.vector_load_idx %arg19[%parallel_loop3A_432, %parallel_loop3A_426] masked %parallel_loop3A_424 : memref<8x2048xf32, #tpu.memory_space<vmem>>[vector<16xi32>, vector<16xi32>], vector<16xf32>, vector<16xi1>
        %parallel_loop3A_434 = arith.mulf %parallel_loop3A_433, %parallel_loop3A_430 : vector<16xf32>
        tpu.vector_store_idx %arg20[%parallel_loop3A_432, %parallel_loop3A_428], %parallel_loop3A_434 masked %parallel_loop3A_424 : memref<8x4096xf32, #tpu.memory_space<vmem>>[vector<16xi32>, vector<16xi32>], vector<16xf32>, vector<16xi1>
        %parallel_loop3A_435 = arith.constant 1 : i32
        %parallel_loop3A_436 = vector.broadcast %parallel_loop3A_435 : i32 to vector<16xi32>
        %parallel_loop3A_437 = tpu.vector_load_idx %arg19[%parallel_loop3A_436, %parallel_loop3A_426] masked %parallel_loop3A_424 : memref<8x2048xf32, #tpu.memory_space<vmem>>[vector<16xi32>, vector<16xi32>], vector<16xf32>, vector<16xi1>
        %parallel_loop3A_438 = arith.mulf %parallel_loop3A_437, %parallel_loop3A_430 : vector<16xf32>
        tpu.vector_store_idx %arg20[%parallel_loop3A_436, %parallel_loop3A_428], %parallel_loop3A_438 masked %parallel_loop3A_424 : memref<8x4096xf32, #tpu.memory_space<vmem>>[vector<16xi32>, vector<16xi32>], vector<16xf32>, vector<16xi1>
        %parallel_loop3A_439 = arith.constant 2 : i32
        %parallel_loop3A_440 = vector.broadcast %parallel_loop3A_439 : i32 to vector<16xi32>
        %parallel_loop3A_441 = tpu.vector_load_idx %arg19[%parallel_loop3A_440, %parallel_loop3A_426] masked %parallel_loop3A_424 : memref<8x2048xf32, #tpu.memory_space<vmem>>[vector<16xi32>, vector<16xi32>], vector<16xf32>, vector<16xi1>
        %parallel_loop3A_442 = arith.mulf %parallel_loop3A_441, %parallel_loop3A_430 : vector<16xf32>
        tpu.vector_store_idx %arg20[%parallel_loop3A_440, %parallel_loop3A_428], %parallel_loop3A_442 masked %parallel_loop3A_424 : memref<8x4096xf32, #tpu.memory_space<vmem>>[vector<16xi32>, vector<16xi32>], vector<16xf32>, vector<16xi1>
        %parallel_loop3A_443 = arith.constant 3 : i32
        %parallel_loop3A_444 = vector.broadcast %parallel_loop3A_443 : i32 to vector<16xi32>
        %parallel_loop3A_445 = tpu.vector_load_idx %arg19[%parallel_loop3A_444, %parallel_loop3A_426] masked %parallel_loop3A_424 : memref<8x2048xf32, #tpu.memory_space<vmem>>[vector<16xi32>, vector<16xi32>], vector<16xf32>, vector<16xi1>
        %parallel_loop3A_446 = arith.mulf %parallel_loop3A_445, %parallel_loop3A_430 : vector<16xf32>
        tpu.vector_store_idx %arg20[%parallel_loop3A_444, %parallel_loop3A_428], %parallel_loop3A_446 masked %parallel_loop3A_424 : memref<8x4096xf32, #tpu.memory_space<vmem>>[vector<16xi32>, vector<16xi32>], vector<16xf32>, vector<16xi1>
        %parallel_loop3A_447 = arith.constant 4 : i32
        %parallel_loop3A_448 = vector.broadcast %parallel_loop3A_447 : i32 to vector<16xi32>
        %parallel_loop3A_449 = tpu.vector_load_idx %arg19[%parallel_loop3A_448, %parallel_loop3A_426] masked %parallel_loop3A_424 : memref<8x2048xf32, #tpu.memory_space<vmem>>[vector<16xi32>, vector<16xi32>], vector<16xf32>, vector<16xi1>
        %parallel_loop3A_450 = arith.mulf %parallel_loop3A_449, %parallel_loop3A_430 : vector<16xf32>
        tpu.vector_store_idx %arg20[%parallel_loop3A_448, %parallel_loop3A_428], %parallel_loop3A_450 masked %parallel_loop3A_424 : memref<8x4096xf32, #tpu.memory_space<vmem>>[vector<16xi32>, vector<16xi32>], vector<16xf32>, vector<16xi1>
        %parallel_loop3A_451 = arith.constant 5 : i32
        %parallel_loop3A_452 = vector.broadcast %parallel_loop3A_451 : i32 to vector<16xi32>
        %parallel_loop3A_453 = tpu.vector_load_idx %arg19[%parallel_loop3A_452, %parallel_loop3A_426] masked %parallel_loop3A_424 : memref<8x2048xf32, #tpu.memory_space<vmem>>[vector<16xi32>, vector<16xi32>], vector<16xf32>, vector<16xi1>
        %parallel_loop3A_454 = arith.mulf %parallel_loop3A_453, %parallel_loop3A_430 : vector<16xf32>
        tpu.vector_store_idx %arg20[%parallel_loop3A_452, %parallel_loop3A_428], %parallel_loop3A_454 masked %parallel_loop3A_424 : memref<8x4096xf32, #tpu.memory_space<vmem>>[vector<16xi32>, vector<16xi32>], vector<16xf32>, vector<16xi1>
        %parallel_loop3A_455 = arith.constant 6 : i32
        %parallel_loop3A_456 = vector.broadcast %parallel_loop3A_455 : i32 to vector<16xi32>
        %parallel_loop3A_457 = tpu.vector_load_idx %arg19[%parallel_loop3A_456, %parallel_loop3A_426] masked %parallel_loop3A_424 : memref<8x2048xf32, #tpu.memory_space<vmem>>[vector<16xi32>, vector<16xi32>], vector<16xf32>, vector<16xi1>
        %parallel_loop3A_458 = arith.mulf %parallel_loop3A_457, %parallel_loop3A_430 : vector<16xf32>
        tpu.vector_store_idx %arg20[%parallel_loop3A_456, %parallel_loop3A_428], %parallel_loop3A_458 masked %parallel_loop3A_424 : memref<8x4096xf32, #tpu.memory_space<vmem>>[vector<16xi32>, vector<16xi32>], vector<16xf32>, vector<16xi1>
        %parallel_loop3A_459 = arith.constant 7 : i32
        %parallel_loop3A_460 = vector.broadcast %parallel_loop3A_459 : i32 to vector<16xi32>
        %parallel_loop3A_461 = tpu.vector_load_idx %arg19[%parallel_loop3A_460, %parallel_loop3A_426] masked %parallel_loop3A_424 : memref<8x2048xf32, #tpu.memory_space<vmem>>[vector<16xi32>, vector<16xi32>], vector<16xf32>, vector<16xi1>
        %parallel_loop3A_462 = arith.mulf %parallel_loop3A_461, %parallel_loop3A_430 : vector<16xf32>
        tpu.vector_store_idx %arg20[%parallel_loop3A_460, %parallel_loop3A_428], %parallel_loop3A_462 masked %parallel_loop3A_424 : memref<8x4096xf32, #tpu.memory_space<vmem>>[vector<16xi32>, vector<16xi32>], vector<16xf32>, vector<16xi1>
      } {sc.loop_unroll_factor = 2 : i64, sc.parallel_access}
      %dma_wait3A_360 = arith.constant 0 : i32
      %dma_wait3A_361 = tpu.memref_slice %arg2[%select_n3A, %add3A_285, %dma_wait3A_360] : memref<16x64x16384xf32, #tpu.memory_space<hbm>> -> memref<1x8x2048xf32, #tpu.memory_space<hbm>>
      %dma_wait3A_362 = tpu.memref_squeeze %dma_wait3A_361 : memref<1x8x2048xf32, #tpu.memory_space<hbm>> -> memref<8x2048xf32, #tpu.memory_space<hbm>>
      %dma_wait3A_363 = arith.constant 0 : i32
      %dma_wait3A_364 = tpu.memref_slice %arg2[%select_n3A, %add3A_285, %dma_wait3A_363] : memref<16x64x16384xf32, #tpu.memory_space<hbm>> -> memref<1x8x2048xf32, #tpu.memory_space<hbm>>
      %dma_wait3A_365 = tpu.memref_squeeze %dma_wait3A_364 : memref<1x8x2048xf32, #tpu.memory_space<hbm>> -> memref<8x2048xf32, #tpu.memory_space<hbm>>
      tpu.wait_dma2 semaphore(%arg21 : memref<!tpu.dma_semaphore, #tpu.memory_space<semaphore_mem>>) src(%dma_wait3A_365 : memref<8x2048xf32, #tpu.memory_space<hbm>>) dst(%arg16 : memref<8x2048xf32, #tpu.memory_space<vmem>>)
      %dma_start3A_366 = arith.constant 14336 : i32
      %dma_start3A_367 = tpu.memref_slice %arg2[%select_n3A, %add3A_285, %dma_start3A_366] : memref<16x64x16384xf32, #tpu.memory_space<hbm>> -> memref<1x8x2048xf32, #tpu.memory_space<hbm>>
      %dma_start3A_368 = tpu.memref_squeeze %dma_start3A_367 : memref<1x8x2048xf32, #tpu.memory_space<hbm>> -> memref<8x2048xf32, #tpu.memory_space<hbm>>
      %dma_start3A_369 = arith.constant 14336 : i32
      %dma_start3A_370 = tpu.memref_slice %arg2[%select_n3A, %add3A_285, %dma_start3A_369] : memref<16x64x16384xf32, #tpu.memory_space<hbm>> -> memref<1x8x2048xf32, #tpu.memory_space<hbm>>
      %dma_start3A_371 = tpu.memref_squeeze %dma_start3A_370 : memref<1x8x2048xf32, #tpu.memory_space<hbm>> -> memref<8x2048xf32, #tpu.memory_space<hbm>>
      tpu.enqueue_dma source(%dma_start3A_371 : memref<8x2048xf32, #tpu.memory_space<hbm>>) target(%arg19 : memref<8x2048xf32, #tpu.memory_space<vmem>>) target_semaphore(%arg24 : memref<!tpu.dma_semaphore, #tpu.memory_space<semaphore_mem>>)
      %slice3A_372 = vector.extract_strided_slice %get3A_262 {offsets = [4], sizes = [1], strides = [1]} : vector<16xi32> to vector<1xi32>
      %squeeze3A_373 = vector.extract %slice3A_372[0] : i32 from vector<1xi32>
      %slice3A_374 = vector.extract_strided_slice %get3A_264 {offsets = [4], sizes = [1], strides = [1]} : vector<16xi32> to vector<1xi32>
      %squeeze3A_375 = vector.extract %slice3A_374[0] : i32 from vector<1xi32>
      %add3A_376 = arith.addi %squeeze3A_373, %squeeze3A_375 : i32
      %parallel_loop3A_377 = arith.constant 16 : i32
      scf.for %parallel_loop3A_420 = %squeeze3A_373 to %add3A_376 step %parallel_loop3A_377  : i32 {
        %parallel_loop3A_421 = vector.broadcast %parallel_loop3A_420 : i32 to vector<16xi32>
        %parallel_loop3A_422 = arith.addi %parallel_loop3A_421, %iota3A : vector<16xi32>
        %parallel_loop3A_423 = vector.broadcast %add3A_376 : i32 to vector<16xi32>
        %parallel_loop3A_424 = arith.cmpi slt, %parallel_loop3A_422, %parallel_loop3A_423 : vector<16xi32>
        %parallel_loop3A_425 = arith.index_cast %parallel_loop3A_420 : i32 to index
        %parallel_loop3A_426 = tpu.vector_load %arg14[%parallel_loop3A_425] {strides = array<i32>} : memref<4112xi32, #tpu.memory_space<vmem>>, vector<16xi32>,
        %parallel_loop3A_427 = arith.index_cast %parallel_loop3A_420 : i32 to index
        %parallel_loop3A_428 = tpu.vector_load %arg13[%parallel_loop3A_427] {strides = array<i32>} : memref<4112xi32, #tpu.memory_space<vmem>>, vector<16xi32>,
        %parallel_loop3A_429 = arith.index_cast %parallel_loop3A_420 : i32 to index
        %parallel_loop3A_430 = tpu.vector_load %arg15[%parallel_loop3A_429] {strides = array<i32>} : memref<4112xf32, #tpu.memory_space<vmem>>, vector<16xf32>,
        %parallel_loop3A_431 = arith.constant 0 : i32
        %parallel_loop3A_432 = vector.broadcast %parallel_loop3A_431 : i32 to vector<16xi32>
        %parallel_loop3A_433 = tpu.vector_load_idx %arg16[%parallel_loop3A_432, %parallel_loop3A_426] masked %parallel_loop3A_424 : memref<8x2048xf32, #tpu.memory_space<vmem>>[vector<16xi32>, vector<16xi32>], vector<16xf32>, vector<16xi1>
        %parallel_loop3A_434 = arith.mulf %parallel_loop3A_433, %parallel_loop3A_430 : vector<16xf32>
        tpu.vector_store_idx %arg20[%parallel_loop3A_432, %parallel_loop3A_428], %parallel_loop3A_434 masked %parallel_loop3A_424 : memref<8x4096xf32, #tpu.memory_space<vmem>>[vector<16xi32>, vector<16xi32>], vector<16xf32>, vector<16xi1>
        %parallel_loop3A_435 = arith.constant 1 : i32
        %parallel_loop3A_436 = vector.broadcast %parallel_loop3A_435 : i32 to vector<16xi32>
        %parallel_loop3A_437 = tpu.vector_load_idx %arg16[%parallel_loop3A_436, %parallel_loop3A_426] masked %parallel_loop3A_424 : memref<8x2048xf32, #tpu.memory_space<vmem>>[vector<16xi32>, vector<16xi32>], vector<16xf32>, vector<16xi1>
        %parallel_loop3A_438 = arith.mulf %parallel_loop3A_437, %parallel_loop3A_430 : vector<16xf32>
        tpu.vector_store_idx %arg20[%parallel_loop3A_436, %parallel_loop3A_428], %parallel_loop3A_438 masked %parallel_loop3A_424 : memref<8x4096xf32, #tpu.memory_space<vmem>>[vector<16xi32>, vector<16xi32>], vector<16xf32>, vector<16xi1>
        %parallel_loop3A_439 = arith.constant 2 : i32
        %parallel_loop3A_440 = vector.broadcast %parallel_loop3A_439 : i32 to vector<16xi32>
        %parallel_loop3A_441 = tpu.vector_load_idx %arg16[%parallel_loop3A_440, %parallel_loop3A_426] masked %parallel_loop3A_424 : memref<8x2048xf32, #tpu.memory_space<vmem>>[vector<16xi32>, vector<16xi32>], vector<16xf32>, vector<16xi1>
        %parallel_loop3A_442 = arith.mulf %parallel_loop3A_441, %parallel_loop3A_430 : vector<16xf32>
        tpu.vector_store_idx %arg20[%parallel_loop3A_440, %parallel_loop3A_428], %parallel_loop3A_442 masked %parallel_loop3A_424 : memref<8x4096xf32, #tpu.memory_space<vmem>>[vector<16xi32>, vector<16xi32>], vector<16xf32>, vector<16xi1>
        %parallel_loop3A_443 = arith.constant 3 : i32
        %parallel_loop3A_444 = vector.broadcast %parallel_loop3A_443 : i32 to vector<16xi32>
        %parallel_loop3A_445 = tpu.vector_load_idx %arg16[%parallel_loop3A_444, %parallel_loop3A_426] masked %parallel_loop3A_424 : memref<8x2048xf32, #tpu.memory_space<vmem>>[vector<16xi32>, vector<16xi32>], vector<16xf32>, vector<16xi1>
        %parallel_loop3A_446 = arith.mulf %parallel_loop3A_445, %parallel_loop3A_430 : vector<16xf32>
        tpu.vector_store_idx %arg20[%parallel_loop3A_444, %parallel_loop3A_428], %parallel_loop3A_446 masked %parallel_loop3A_424 : memref<8x4096xf32, #tpu.memory_space<vmem>>[vector<16xi32>, vector<16xi32>], vector<16xf32>, vector<16xi1>
        %parallel_loop3A_447 = arith.constant 4 : i32
        %parallel_loop3A_448 = vector.broadcast %parallel_loop3A_447 : i32 to vector<16xi32>
        %parallel_loop3A_449 = tpu.vector_load_idx %arg16[%parallel_loop3A_448, %parallel_loop3A_426] masked %parallel_loop3A_424 : memref<8x2048xf32, #tpu.memory_space<vmem>>[vector<16xi32>, vector<16xi32>], vector<16xf32>, vector<16xi1>
        %parallel_loop3A_450 = arith.mulf %parallel_loop3A_449, %parallel_loop3A_430 : vector<16xf32>
        tpu.vector_store_idx %arg20[%parallel_loop3A_448, %parallel_loop3A_428], %parallel_loop3A_450 masked %parallel_loop3A_424 : memref<8x4096xf32, #tpu.memory_space<vmem>>[vector<16xi32>, vector<16xi32>], vector<16xf32>, vector<16xi1>
        %parallel_loop3A_451 = arith.constant 5 : i32
        %parallel_loop3A_452 = vector.broadcast %parallel_loop3A_451 : i32 to vector<16xi32>
        %parallel_loop3A_453 = tpu.vector_load_idx %arg16[%parallel_loop3A_452, %parallel_loop3A_426] masked %parallel_loop3A_424 : memref<8x2048xf32, #tpu.memory_space<vmem>>[vector<16xi32>, vector<16xi32>], vector<16xf32>, vector<16xi1>
        %parallel_loop3A_454 = arith.mulf %parallel_loop3A_453, %parallel_loop3A_430 : vector<16xf32>
        tpu.vector_store_idx %arg20[%parallel_loop3A_452, %parallel_loop3A_428], %parallel_loop3A_454 masked %parallel_loop3A_424 : memref<8x4096xf32, #tpu.memory_space<vmem>>[vector<16xi32>, vector<16xi32>], vector<16xf32>, vector<16xi1>
        %parallel_loop3A_455 = arith.constant 6 : i32
        %parallel_loop3A_456 = vector.broadcast %parallel_loop3A_455 : i32 to vector<16xi32>
        %parallel_loop3A_457 = tpu.vector_load_idx %arg16[%parallel_loop3A_456, %parallel_loop3A_426] masked %parallel_loop3A_424 : memref<8x2048xf32, #tpu.memory_space<vmem>>[vector<16xi32>, vector<16xi32>], vector<16xf32>, vector<16xi1>
        %parallel_loop3A_458 = arith.mulf %parallel_loop3A_457, %parallel_loop3A_430 : vector<16xf32>
        tpu.vector_store_idx %arg20[%parallel_loop3A_456, %parallel_loop3A_428], %parallel_loop3A_458 masked %parallel_loop3A_424 : memref<8x4096xf32, #tpu.memory_space<vmem>>[vector<16xi32>, vector<16xi32>], vector<16xf32>, vector<16xi1>
        %parallel_loop3A_459 = arith.constant 7 : i32
        %parallel_loop3A_460 = vector.broadcast %parallel_loop3A_459 : i32 to vector<16xi32>
        %parallel_loop3A_461 = tpu.vector_load_idx %arg16[%parallel_loop3A_460, %parallel_loop3A_426] masked %parallel_loop3A_424 : memref<8x2048xf32, #tpu.memory_space<vmem>>[vector<16xi32>, vector<16xi32>], vector<16xf32>, vector<16xi1>
        %parallel_loop3A_462 = arith.mulf %parallel_loop3A_461, %parallel_loop3A_430 : vector<16xf32>
        tpu.vector_store_idx %arg20[%parallel_loop3A_460, %parallel_loop3A_428], %parallel_loop3A_462 masked %parallel_loop3A_424 : memref<8x4096xf32, #tpu.memory_space<vmem>>[vector<16xi32>, vector<16xi32>], vector<16xf32>, vector<16xi1>
      } {sc.loop_unroll_factor = 2 : i64, sc.parallel_access}
      %dma_wait3A_378 = arith.constant 0 : i32
      %dma_wait3A_379 = tpu.memref_slice %arg2[%select_n3A, %add3A_285, %dma_wait3A_378] : memref<16x64x16384xf32, #tpu.memory_space<hbm>> -> memref<1x8x2048xf32, #tpu.memory_space<hbm>>
      %dma_wait3A_380 = tpu.memref_squeeze %dma_wait3A_379 : memref<1x8x2048xf32, #tpu.memory_space<hbm>> -> memref<8x2048xf32, #tpu.memory_space<hbm>>
      %dma_wait3A_381 = arith.constant 0 : i32
      %dma_wait3A_382 = tpu.memref_slice %arg2[%select_n3A, %add3A_285, %dma_wait3A_381] : memref<16x64x16384xf32, #tpu.memory_space<hbm>> -> memref<1x8x2048xf32, #tpu.memory_space<hbm>>
      %dma_wait3A_383 = tpu.memref_squeeze %dma_wait3A_382 : memref<1x8x2048xf32, #tpu.memory_space<hbm>> -> memref<8x2048xf32, #tpu.memory_space<hbm>>
      tpu.wait_dma2 semaphore(%arg22 : memref<!tpu.dma_semaphore, #tpu.memory_space<semaphore_mem>>) src(%dma_wait3A_383 : memref<8x2048xf32, #tpu.memory_space<hbm>>) dst(%arg17 : memref<8x2048xf32, #tpu.memory_space<vmem>>)
      %slice3A_384 = vector.extract_strided_slice %get3A_262 {offsets = [5], sizes = [1], strides = [1]} : vector<16xi32> to vector<1xi32>
      %squeeze3A_385 = vector.extract %slice3A_384[0] : i32 from vector<1xi32>
      %slice3A_386 = vector.extract_strided_slice %get3A_264 {offsets = [5], sizes = [1], strides = [1]} : vector<16xi32> to vector<1xi32>
      %squeeze3A_387 = vector.extract %slice3A_386[0] : i32 from vector<1xi32>
      %add3A_388 = arith.addi %squeeze3A_385, %squeeze3A_387 : i32
      %parallel_loop3A_389 = arith.constant 16 : i32
      scf.for %parallel_loop3A_420 = %squeeze3A_385 to %add3A_388 step %parallel_loop3A_389  : i32 {
        %parallel_loop3A_421 = vector.broadcast %parallel_loop3A_420 : i32 to vector<16xi32>
        %parallel_loop3A_422 = arith.addi %parallel_loop3A_421, %iota3A : vector<16xi32>
        %parallel_loop3A_423 = vector.broadcast %add3A_388 : i32 to vector<16xi32>
        %parallel_loop3A_424 = arith.cmpi slt, %parallel_loop3A_422, %parallel_loop3A_423 : vector<16xi32>
        %parallel_loop3A_425 = arith.index_cast %parallel_loop3A_420 : i32 to index
        %parallel_loop3A_426 = tpu.vector_load %arg14[%parallel_loop3A_425] {strides = array<i32>} : memref<4112xi32, #tpu.memory_space<vmem>>, vector<16xi32>,
        %parallel_loop3A_427 = arith.index_cast %parallel_loop3A_420 : i32 to index
        %parallel_loop3A_428 = tpu.vector_load %arg13[%parallel_loop3A_427] {strides = array<i32>} : memref<4112xi32, #tpu.memory_space<vmem>>, vector<16xi32>,
        %parallel_loop3A_429 = arith.index_cast %parallel_loop3A_420 : i32 to index
        %parallel_loop3A_430 = tpu.vector_load %arg15[%parallel_loop3A_429] {strides = array<i32>} : memref<4112xf32, #tpu.memory_space<vmem>>, vector<16xf32>,
        %parallel_loop3A_431 = arith.constant 0 : i32
        %parallel_loop3A_432 = vector.broadcast %parallel_loop3A_431 : i32 to vector<16xi32>
        %parallel_loop3A_433 = tpu.vector_load_idx %arg17[%parallel_loop3A_432, %parallel_loop3A_426] masked %parallel_loop3A_424 : memref<8x2048xf32, #tpu.memory_space<vmem>>[vector<16xi32>, vector<16xi32>], vector<16xf32>, vector<16xi1>
        %parallel_loop3A_434 = arith.mulf %parallel_loop3A_433, %parallel_loop3A_430 : vector<16xf32>
        tpu.vector_store_idx %arg20[%parallel_loop3A_432, %parallel_loop3A_428], %parallel_loop3A_434 masked %parallel_loop3A_424 : memref<8x4096xf32, #tpu.memory_space<vmem>>[vector<16xi32>, vector<16xi32>], vector<16xf32>, vector<16xi1>
        %parallel_loop3A_435 = arith.constant 1 : i32
        %parallel_loop3A_436 = vector.broadcast %parallel_loop3A_435 : i32 to vector<16xi32>
        %parallel_loop3A_437 = tpu.vector_load_idx %arg17[%parallel_loop3A_436, %parallel_loop3A_426] masked %parallel_loop3A_424 : memref<8x2048xf32, #tpu.memory_space<vmem>>[vector<16xi32>, vector<16xi32>], vector<16xf32>, vector<16xi1>
        %parallel_loop3A_438 = arith.mulf %parallel_loop3A_437, %parallel_loop3A_430 : vector<16xf32>
        tpu.vector_store_idx %arg20[%parallel_loop3A_436, %parallel_loop3A_428], %parallel_loop3A_438 masked %parallel_loop3A_424 : memref<8x4096xf32, #tpu.memory_space<vmem>>[vector<16xi32>, vector<16xi32>], vector<16xf32>, vector<16xi1>
        %parallel_loop3A_439 = arith.constant 2 : i32
        %parallel_loop3A_440 = vector.broadcast %parallel_loop3A_439 : i32 to vector<16xi32>
        %parallel_loop3A_441 = tpu.vector_load_idx %arg17[%parallel_loop3A_440, %parallel_loop3A_426] masked %parallel_loop3A_424 : memref<8x2048xf32, #tpu.memory_space<vmem>>[vector<16xi32>, vector<16xi32>], vector<16xf32>, vector<16xi1>
        %parallel_loop3A_442 = arith.mulf %parallel_loop3A_441, %parallel_loop3A_430 : vector<16xf32>
        tpu.vector_store_idx %arg20[%parallel_loop3A_440, %parallel_loop3A_428], %parallel_loop3A_442 masked %parallel_loop3A_424 : memref<8x4096xf32, #tpu.memory_space<vmem>>[vector<16xi32>, vector<16xi32>], vector<16xf32>, vector<16xi1>
        %parallel_loop3A_443 = arith.constant 3 : i32
        %parallel_loop3A_444 = vector.broadcast %parallel_loop3A_443 : i32 to vector<16xi32>
        %parallel_loop3A_445 = tpu.vector_load_idx %arg17[%parallel_loop3A_444, %parallel_loop3A_426] masked %parallel_loop3A_424 : memref<8x2048xf32, #tpu.memory_space<vmem>>[vector<16xi32>, vector<16xi32>], vector<16xf32>, vector<16xi1>
        %parallel_loop3A_446 = arith.mulf %parallel_loop3A_445, %parallel_loop3A_430 : vector<16xf32>
        tpu.vector_store_idx %arg20[%parallel_loop3A_444, %parallel_loop3A_428], %parallel_loop3A_446 masked %parallel_loop3A_424 : memref<8x4096xf32, #tpu.memory_space<vmem>>[vector<16xi32>, vector<16xi32>], vector<16xf32>, vector<16xi1>
        %parallel_loop3A_447 = arith.constant 4 : i32
        %parallel_loop3A_448 = vector.broadcast %parallel_loop3A_447 : i32 to vector<16xi32>
        %parallel_loop3A_449 = tpu.vector_load_idx %arg17[%parallel_loop3A_448, %parallel_loop3A_426] masked %parallel_loop3A_424 : memref<8x2048xf32, #tpu.memory_space<vmem>>[vector<16xi32>, vector<16xi32>], vector<16xf32>, vector<16xi1>
        %parallel_loop3A_450 = arith.mulf %parallel_loop3A_449, %parallel_loop3A_430 : vector<16xf32>
        tpu.vector_store_idx %arg20[%parallel_loop3A_448, %parallel_loop3A_428], %parallel_loop3A_450 masked %parallel_loop3A_424 : memref<8x4096xf32, #tpu.memory_space<vmem>>[vector<16xi32>, vector<16xi32>], vector<16xf32>, vector<16xi1>
        %parallel_loop3A_451 = arith.constant 5 : i32
        %parallel_loop3A_452 = vector.broadcast %parallel_loop3A_451 : i32 to vector<16xi32>
        %parallel_loop3A_453 = tpu.vector_load_idx %arg17[%parallel_loop3A_452, %parallel_loop3A_426] masked %parallel_loop3A_424 : memref<8x2048xf32, #tpu.memory_space<vmem>>[vector<16xi32>, vector<16xi32>], vector<16xf32>, vector<16xi1>
        %parallel_loop3A_454 = arith.mulf %parallel_loop3A_453, %parallel_loop3A_430 : vector<16xf32>
        tpu.vector_store_idx %arg20[%parallel_loop3A_452, %parallel_loop3A_428], %parallel_loop3A_454 masked %parallel_loop3A_424 : memref<8x4096xf32, #tpu.memory_space<vmem>>[vector<16xi32>, vector<16xi32>], vector<16xf32>, vector<16xi1>
        %parallel_loop3A_455 = arith.constant 6 : i32
        %parallel_loop3A_456 = vector.broadcast %parallel_loop3A_455 : i32 to vector<16xi32>
        %parallel_loop3A_457 = tpu.vector_load_idx %arg17[%parallel_loop3A_456, %parallel_loop3A_426] masked %parallel_loop3A_424 : memref<8x2048xf32, #tpu.memory_space<vmem>>[vector<16xi32>, vector<16xi32>], vector<16xf32>, vector<16xi1>
        %parallel_loop3A_458 = arith.mulf %parallel_loop3A_457, %parallel_loop3A_430 : vector<16xf32>
        tpu.vector_store_idx %arg20[%parallel_loop3A_456, %parallel_loop3A_428], %parallel_loop3A_458 masked %parallel_loop3A_424 : memref<8x4096xf32, #tpu.memory_space<vmem>>[vector<16xi32>, vector<16xi32>], vector<16xf32>, vector<16xi1>
        %parallel_loop3A_459 = arith.constant 7 : i32
        %parallel_loop3A_460 = vector.broadcast %parallel_loop3A_459 : i32 to vector<16xi32>
        %parallel_loop3A_461 = tpu.vector_load_idx %arg17[%parallel_loop3A_460, %parallel_loop3A_426] masked %parallel_loop3A_424 : memref<8x2048xf32, #tpu.memory_space<vmem>>[vector<16xi32>, vector<16xi32>], vector<16xf32>, vector<16xi1>
        %parallel_loop3A_462 = arith.mulf %parallel_loop3A_461, %parallel_loop3A_430 : vector<16xf32>
        tpu.vector_store_idx %arg20[%parallel_loop3A_460, %parallel_loop3A_428], %parallel_loop3A_462 masked %parallel_loop3A_424 : memref<8x4096xf32, #tpu.memory_space<vmem>>[vector<16xi32>, vector<16xi32>], vector<16xf32>, vector<16xi1>
      } {sc.loop_unroll_factor = 2 : i64, sc.parallel_access}
      %dma_wait3A_390 = arith.constant 0 : i32
      %dma_wait3A_391 = tpu.memref_slice %arg2[%select_n3A, %add3A_285, %dma_wait3A_390] : memref<16x64x16384xf32, #tpu.memory_space<hbm>> -> memref<1x8x2048xf32, #tpu.memory_space<hbm>>
      %dma_wait3A_392 = tpu.memref_squeeze %dma_wait3A_391 : memref<1x8x2048xf32, #tpu.memory_space<hbm>> -> memref<8x2048xf32, #tpu.memory_space<hbm>>
      %dma_wait3A_393 = arith.constant 0 : i32
      %dma_wait3A_394 = tpu.memref_slice %arg2[%select_n3A, %add3A_285, %dma_wait3A_393] : memref<16x64x16384xf32, #tpu.memory_space<hbm>> -> memref<1x8x2048xf32, #tpu.memory_space<hbm>>
      %dma_wait3A_395 = tpu.memref_squeeze %dma_wait3A_394 : memref<1x8x2048xf32, #tpu.memory_space<hbm>> -> memref<8x2048xf32, #tpu.memory_space<hbm>>
      tpu.wait_dma2 semaphore(%arg23 : memref<!tpu.dma_semaphore, #tpu.memory_space<semaphore_mem>>) src(%dma_wait3A_395 : memref<8x2048xf32, #tpu.memory_space<hbm>>) dst(%arg18 : memref<8x2048xf32, #tpu.memory_space<vmem>>)
      %slice3A_396 = vector.extract_strided_slice %get3A_262 {offsets = [6], sizes = [1], strides = [1]} : vector<16xi32> to vector<1xi32>
      %squeeze3A_397 = vector.extract %slice3A_396[0] : i32 from vector<1xi32>
      %slice3A_398 = vector.extract_strided_slice %get3A_264 {offsets = [6], sizes = [1], strides = [1]} : vector<16xi32> to vector<1xi32>
      %squeeze3A_399 = vector.extract %slice3A_398[0] : i32 from vector<1xi32>
      %add3A_400 = arith.addi %squeeze3A_397, %squeeze3A_399 : i32
      %parallel_loop3A_401 = arith.constant 16 : i32
      scf.for %parallel_loop3A_420 = %squeeze3A_397 to %add3A_400 step %parallel_loop3A_401  : i32 {
        %parallel_loop3A_421 = vector.broadcast %parallel_loop3A_420 : i32 to vector<16xi32>
        %parallel_loop3A_422 = arith.addi %parallel_loop3A_421, %iota3A : vector<16xi32>
        %parallel_loop3A_423 = vector.broadcast %add3A_400 : i32 to vector<16xi32>
        %parallel_loop3A_424 = arith.cmpi slt, %parallel_loop3A_422, %parallel_loop3A_423 : vector<16xi32>
        %parallel_loop3A_425 = arith.index_cast %parallel_loop3A_420 : i32 to index
        %parallel_loop3A_426 = tpu.vector_load %arg14[%parallel_loop3A_425] {strides = array<i32>} : memref<4112xi32, #tpu.memory_space<vmem>>, vector<16xi32>,
        %parallel_loop3A_427 = arith.index_cast %parallel_loop3A_420 : i32 to index
        %parallel_loop3A_428 = tpu.vector_load %arg13[%parallel_loop3A_427] {strides = array<i32>} : memref<4112xi32, #tpu.memory_space<vmem>>, vector<16xi32>,
        %parallel_loop3A_429 = arith.index_cast %parallel_loop3A_420 : i32 to index
        %parallel_loop3A_430 = tpu.vector_load %arg15[%parallel_loop3A_429] {strides = array<i32>} : memref<4112xf32, #tpu.memory_space<vmem>>, vector<16xf32>,
        %parallel_loop3A_431 = arith.constant 0 : i32
        %parallel_loop3A_432 = vector.broadcast %parallel_loop3A_431 : i32 to vector<16xi32>
        %parallel_loop3A_433 = tpu.vector_load_idx %arg18[%parallel_loop3A_432, %parallel_loop3A_426] masked %parallel_loop3A_424 : memref<8x2048xf32, #tpu.memory_space<vmem>>[vector<16xi32>, vector<16xi32>], vector<16xf32>, vector<16xi1>
        %parallel_loop3A_434 = arith.mulf %parallel_loop3A_433, %parallel_loop3A_430 : vector<16xf32>
        tpu.vector_store_idx %arg20[%parallel_loop3A_432, %parallel_loop3A_428], %parallel_loop3A_434 masked %parallel_loop3A_424 : memref<8x4096xf32, #tpu.memory_space<vmem>>[vector<16xi32>, vector<16xi32>], vector<16xf32>, vector<16xi1>
        %parallel_loop3A_435 = arith.constant 1 : i32
        %parallel_loop3A_436 = vector.broadcast %parallel_loop3A_435 : i32 to vector<16xi32>
        %parallel_loop3A_437 = tpu.vector_load_idx %arg18[%parallel_loop3A_436, %parallel_loop3A_426] masked %parallel_loop3A_424 : memref<8x2048xf32, #tpu.memory_space<vmem>>[vector<16xi32>, vector<16xi32>], vector<16xf32>, vector<16xi1>
        %parallel_loop3A_438 = arith.mulf %parallel_loop3A_437, %parallel_loop3A_430 : vector<16xf32>
        tpu.vector_store_idx %arg20[%parallel_loop3A_436, %parallel_loop3A_428], %parallel_loop3A_438 masked %parallel_loop3A_424 : memref<8x4096xf32, #tpu.memory_space<vmem>>[vector<16xi32>, vector<16xi32>], vector<16xf32>, vector<16xi1>
        %parallel_loop3A_439 = arith.constant 2 : i32
        %parallel_loop3A_440 = vector.broadcast %parallel_loop3A_439 : i32 to vector<16xi32>
        %parallel_loop3A_441 = tpu.vector_load_idx %arg18[%parallel_loop3A_440, %parallel_loop3A_426] masked %parallel_loop3A_424 : memref<8x2048xf32, #tpu.memory_space<vmem>>[vector<16xi32>, vector<16xi32>], vector<16xf32>, vector<16xi1>
        %parallel_loop3A_442 = arith.mulf %parallel_loop3A_441, %parallel_loop3A_430 : vector<16xf32>
        tpu.vector_store_idx %arg20[%parallel_loop3A_440, %parallel_loop3A_428], %parallel_loop3A_442 masked %parallel_loop3A_424 : memref<8x4096xf32, #tpu.memory_space<vmem>>[vector<16xi32>, vector<16xi32>], vector<16xf32>, vector<16xi1>
        %parallel_loop3A_443 = arith.constant 3 : i32
        %parallel_loop3A_444 = vector.broadcast %parallel_loop3A_443 : i32 to vector<16xi32>
        %parallel_loop3A_445 = tpu.vector_load_idx %arg18[%parallel_loop3A_444, %parallel_loop3A_426] masked %parallel_loop3A_424 : memref<8x2048xf32, #tpu.memory_space<vmem>>[vector<16xi32>, vector<16xi32>], vector<16xf32>, vector<16xi1>
        %parallel_loop3A_446 = arith.mulf %parallel_loop3A_445, %parallel_loop3A_430 : vector<16xf32>
        tpu.vector_store_idx %arg20[%parallel_loop3A_444, %parallel_loop3A_428], %parallel_loop3A_446 masked %parallel_loop3A_424 : memref<8x4096xf32, #tpu.memory_space<vmem>>[vector<16xi32>, vector<16xi32>], vector<16xf32>, vector<16xi1>
        %parallel_loop3A_447 = arith.constant 4 : i32
        %parallel_loop3A_448 = vector.broadcast %parallel_loop3A_447 : i32 to vector<16xi32>
        %parallel_loop3A_449 = tpu.vector_load_idx %arg18[%parallel_loop3A_448, %parallel_loop3A_426] masked %parallel_loop3A_424 : memref<8x2048xf32, #tpu.memory_space<vmem>>[vector<16xi32>, vector<16xi32>], vector<16xf32>, vector<16xi1>
        %parallel_loop3A_450 = arith.mulf %parallel_loop3A_449, %parallel_loop3A_430 : vector<16xf32>
        tpu.vector_store_idx %arg20[%parallel_loop3A_448, %parallel_loop3A_428], %parallel_loop3A_450 masked %parallel_loop3A_424 : memref<8x4096xf32, #tpu.memory_space<vmem>>[vector<16xi32>, vector<16xi32>], vector<16xf32>, vector<16xi1>
        %parallel_loop3A_451 = arith.constant 5 : i32
        %parallel_loop3A_452 = vector.broadcast %parallel_loop3A_451 : i32 to vector<16xi32>
        %parallel_loop3A_453 = tpu.vector_load_idx %arg18[%parallel_loop3A_452, %parallel_loop3A_426] masked %parallel_loop3A_424 : memref<8x2048xf32, #tpu.memory_space<vmem>>[vector<16xi32>, vector<16xi32>], vector<16xf32>, vector<16xi1>
        %parallel_loop3A_454 = arith.mulf %parallel_loop3A_453, %parallel_loop3A_430 : vector<16xf32>
        tpu.vector_store_idx %arg20[%parallel_loop3A_452, %parallel_loop3A_428], %parallel_loop3A_454 masked %parallel_loop3A_424 : memref<8x4096xf32, #tpu.memory_space<vmem>>[vector<16xi32>, vector<16xi32>], vector<16xf32>, vector<16xi1>
        %parallel_loop3A_455 = arith.constant 6 : i32
        %parallel_loop3A_456 = vector.broadcast %parallel_loop3A_455 : i32 to vector<16xi32>
        %parallel_loop3A_457 = tpu.vector_load_idx %arg18[%parallel_loop3A_456, %parallel_loop3A_426] masked %parallel_loop3A_424 : memref<8x2048xf32, #tpu.memory_space<vmem>>[vector<16xi32>, vector<16xi32>], vector<16xf32>, vector<16xi1>
        %parallel_loop3A_458 = arith.mulf %parallel_loop3A_457, %parallel_loop3A_430 : vector<16xf32>
        tpu.vector_store_idx %arg20[%parallel_loop3A_456, %parallel_loop3A_428], %parallel_loop3A_458 masked %parallel_loop3A_424 : memref<8x4096xf32, #tpu.memory_space<vmem>>[vector<16xi32>, vector<16xi32>], vector<16xf32>, vector<16xi1>
        %parallel_loop3A_459 = arith.constant 7 : i32
        %parallel_loop3A_460 = vector.broadcast %parallel_loop3A_459 : i32 to vector<16xi32>
        %parallel_loop3A_461 = tpu.vector_load_idx %arg18[%parallel_loop3A_460, %parallel_loop3A_426] masked %parallel_loop3A_424 : memref<8x2048xf32, #tpu.memory_space<vmem>>[vector<16xi32>, vector<16xi32>], vector<16xf32>, vector<16xi1>
        %parallel_loop3A_462 = arith.mulf %parallel_loop3A_461, %parallel_loop3A_430 : vector<16xf32>
        tpu.vector_store_idx %arg20[%parallel_loop3A_460, %parallel_loop3A_428], %parallel_loop3A_462 masked %parallel_loop3A_424 : memref<8x4096xf32, #tpu.memory_space<vmem>>[vector<16xi32>, vector<16xi32>], vector<16xf32>, vector<16xi1>
      } {sc.loop_unroll_factor = 2 : i64, sc.parallel_access}
      %dma_wait3A_402 = arith.constant 0 : i32
      %dma_wait3A_403 = tpu.memref_slice %arg2[%select_n3A, %add3A_285, %dma_wait3A_402] : memref<16x64x16384xf32, #tpu.memory_space<hbm>> -> memref<1x8x2048xf32, #tpu.memory_space<hbm>>
      %dma_wait3A_404 = tpu.memref_squeeze %dma_wait3A_403 : memref<1x8x2048xf32, #tpu.memory_space<hbm>> -> memref<8x2048xf32, #tpu.memory_space<hbm>>
      %dma_wait3A_405 = arith.constant 0 : i32
      %dma_wait3A_406 = tpu.memref_slice %arg2[%select_n3A, %add3A_285, %dma_wait3A_405] : memref<16x64x16384xf32, #tpu.memory_space<hbm>> -> memref<1x8x2048xf32, #tpu.memory_space<hbm>>
      %dma_wait3A_407 = tpu.memref_squeeze %dma_wait3A_406 : memref<1x8x2048xf32, #tpu.memory_space<hbm>> -> memref<8x2048xf32, #tpu.memory_space<hbm>>
      tpu.wait_dma2 semaphore(%arg24 : memref<!tpu.dma_semaphore, #tpu.memory_space<semaphore_mem>>) src(%dma_wait3A_407 : memref<8x2048xf32, #tpu.memory_space<hbm>>) dst(%arg19 : memref<8x2048xf32, #tpu.memory_space<vmem>>)
      %slice3A_408 = vector.extract_strided_slice %get3A_262 {offsets = [7], sizes = [1], strides = [1]} : vector<16xi32> to vector<1xi32>
      %squeeze3A_409 = vector.extract %slice3A_408[0] : i32 from vector<1xi32>
      %slice3A_410 = vector.extract_strided_slice %get3A_264 {offsets = [7], sizes = [1], strides = [1]} : vector<16xi32> to vector<1xi32>
      %squeeze3A_411 = vector.extract %slice3A_410[0] : i32 from vector<1xi32>
      %add3A_412 = arith.addi %squeeze3A_409, %squeeze3A_411 : i32
      %parallel_loop3A_413 = arith.constant 16 : i32
      scf.for %parallel_loop3A_420 = %squeeze3A_409 to %add3A_412 step %parallel_loop3A_413  : i32 {
        %parallel_loop3A_421 = vector.broadcast %parallel_loop3A_420 : i32 to vector<16xi32>
        %parallel_loop3A_422 = arith.addi %parallel_loop3A_421, %iota3A : vector<16xi32>
        %parallel_loop3A_423 = vector.broadcast %add3A_412 : i32 to vector<16xi32>
        %parallel_loop3A_424 = arith.cmpi slt, %parallel_loop3A_422, %parallel_loop3A_423 : vector<16xi32>
        %parallel_loop3A_425 = arith.index_cast %parallel_loop3A_420 : i32 to index
        %parallel_loop3A_426 = tpu.vector_load %arg14[%parallel_loop3A_425] {strides = array<i32>} : memref<4112xi32, #tpu.memory_space<vmem>>, vector<16xi32>,
        %parallel_loop3A_427 = arith.index_cast %parallel_loop3A_420 : i32 to index
        %parallel_loop3A_428 = tpu.vector_load %arg13[%parallel_loop3A_427] {strides = array<i32>} : memref<4112xi32, #tpu.memory_space<vmem>>, vector<16xi32>,
        %parallel_loop3A_429 = arith.index_cast %parallel_loop3A_420 : i32 to index
        %parallel_loop3A_430 = tpu.vector_load %arg15[%parallel_loop3A_429] {strides = array<i32>} : memref<4112xf32, #tpu.memory_space<vmem>>, vector<16xf32>,
        %parallel_loop3A_431 = arith.constant 0 : i32
        %parallel_loop3A_432 = vector.broadcast %parallel_loop3A_431 : i32 to vector<16xi32>
        %parallel_loop3A_433 = tpu.vector_load_idx %arg19[%parallel_loop3A_432, %parallel_loop3A_426] masked %parallel_loop3A_424 : memref<8x2048xf32, #tpu.memory_space<vmem>>[vector<16xi32>, vector<16xi32>], vector<16xf32>, vector<16xi1>
        %parallel_loop3A_434 = arith.mulf %parallel_loop3A_433, %parallel_loop3A_430 : vector<16xf32>
        tpu.vector_store_idx %arg20[%parallel_loop3A_432, %parallel_loop3A_428], %parallel_loop3A_434 masked %parallel_loop3A_424 : memref<8x4096xf32, #tpu.memory_space<vmem>>[vector<16xi32>, vector<16xi32>], vector<16xf32>, vector<16xi1>
        %parallel_loop3A_435 = arith.constant 1 : i32
        %parallel_loop3A_436 = vector.broadcast %parallel_loop3A_435 : i32 to vector<16xi32>
        %parallel_loop3A_437 = tpu.vector_load_idx %arg19[%parallel_loop3A_436, %parallel_loop3A_426] masked %parallel_loop3A_424 : memref<8x2048xf32, #tpu.memory_space<vmem>>[vector<16xi32>, vector<16xi32>], vector<16xf32>, vector<16xi1>
        %parallel_loop3A_438 = arith.mulf %parallel_loop3A_437, %parallel_loop3A_430 : vector<16xf32>
        tpu.vector_store_idx %arg20[%parallel_loop3A_436, %parallel_loop3A_428], %parallel_loop3A_438 masked %parallel_loop3A_424 : memref<8x4096xf32, #tpu.memory_space<vmem>>[vector<16xi32>, vector<16xi32>], vector<16xf32>, vector<16xi1>
        %parallel_loop3A_439 = arith.constant 2 : i32
        %parallel_loop3A_440 = vector.broadcast %parallel_loop3A_439 : i32 to vector<16xi32>
        %parallel_loop3A_441 = tpu.vector_load_idx %arg19[%parallel_loop3A_440, %parallel_loop3A_426] masked %parallel_loop3A_424 : memref<8x2048xf32, #tpu.memory_space<vmem>>[vector<16xi32>, vector<16xi32>], vector<16xf32>, vector<16xi1>
        %parallel_loop3A_442 = arith.mulf %parallel_loop3A_441, %parallel_loop3A_430 : vector<16xf32>
        tpu.vector_store_idx %arg20[%parallel_loop3A_440, %parallel_loop3A_428], %parallel_loop3A_442 masked %parallel_loop3A_424 : memref<8x4096xf32, #tpu.memory_space<vmem>>[vector<16xi32>, vector<16xi32>], vector<16xf32>, vector<16xi1>
        %parallel_loop3A_443 = arith.constant 3 : i32
        %parallel_loop3A_444 = vector.broadcast %parallel_loop3A_443 : i32 to vector<16xi32>
        %parallel_loop3A_445 = tpu.vector_load_idx %arg19[%parallel_loop3A_444, %parallel_loop3A_426] masked %parallel_loop3A_424 : memref<8x2048xf32, #tpu.memory_space<vmem>>[vector<16xi32>, vector<16xi32>], vector<16xf32>, vector<16xi1>
        %parallel_loop3A_446 = arith.mulf %parallel_loop3A_445, %parallel_loop3A_430 : vector<16xf32>
        tpu.vector_store_idx %arg20[%parallel_loop3A_444, %parallel_loop3A_428], %parallel_loop3A_446 masked %parallel_loop3A_424 : memref<8x4096xf32, #tpu.memory_space<vmem>>[vector<16xi32>, vector<16xi32>], vector<16xf32>, vector<16xi1>
        %parallel_loop3A_447 = arith.constant 4 : i32
        %parallel_loop3A_448 = vector.broadcast %parallel_loop3A_447 : i32 to vector<16xi32>
        %parallel_loop3A_449 = tpu.vector_load_idx %arg19[%parallel_loop3A_448, %parallel_loop3A_426] masked %parallel_loop3A_424 : memref<8x2048xf32, #tpu.memory_space<vmem>>[vector<16xi32>, vector<16xi32>], vector<16xf32>, vector<16xi1>
        %parallel_loop3A_450 = arith.mulf %parallel_loop3A_449, %parallel_loop3A_430 : vector<16xf32>
        tpu.vector_store_idx %arg20[%parallel_loop3A_448, %parallel_loop3A_428], %parallel_loop3A_450 masked %parallel_loop3A_424 : memref<8x4096xf32, #tpu.memory_space<vmem>>[vector<16xi32>, vector<16xi32>], vector<16xf32>, vector<16xi1>
        %parallel_loop3A_451 = arith.constant 5 : i32
        %parallel_loop3A_452 = vector.broadcast %parallel_loop3A_451 : i32 to vector<16xi32>
        %parallel_loop3A_453 = tpu.vector_load_idx %arg19[%parallel_loop3A_452, %parallel_loop3A_426] masked %parallel_loop3A_424 : memref<8x2048xf32, #tpu.memory_space<vmem>>[vector<16xi32>, vector<16xi32>], vector<16xf32>, vector<16xi1>
        %parallel_loop3A_454 = arith.mulf %parallel_loop3A_453, %parallel_loop3A_430 : vector<16xf32>
        tpu.vector_store_idx %arg20[%parallel_loop3A_452, %parallel_loop3A_428], %parallel_loop3A_454 masked %parallel_loop3A_424 : memref<8x4096xf32, #tpu.memory_space<vmem>>[vector<16xi32>, vector<16xi32>], vector<16xf32>, vector<16xi1>
        %parallel_loop3A_455 = arith.constant 6 : i32
        %parallel_loop3A_456 = vector.broadcast %parallel_loop3A_455 : i32 to vector<16xi32>
        %parallel_loop3A_457 = tpu.vector_load_idx %arg19[%parallel_loop3A_456, %parallel_loop3A_426] masked %parallel_loop3A_424 : memref<8x2048xf32, #tpu.memory_space<vmem>>[vector<16xi32>, vector<16xi32>], vector<16xf32>, vector<16xi1>
        %parallel_loop3A_458 = arith.mulf %parallel_loop3A_457, %parallel_loop3A_430 : vector<16xf32>
        tpu.vector_store_idx %arg20[%parallel_loop3A_456, %parallel_loop3A_428], %parallel_loop3A_458 masked %parallel_loop3A_424 : memref<8x4096xf32, #tpu.memory_space<vmem>>[vector<16xi32>, vector<16xi32>], vector<16xf32>, vector<16xi1>
        %parallel_loop3A_459 = arith.constant 7 : i32
        %parallel_loop3A_460 = vector.broadcast %parallel_loop3A_459 : i32 to vector<16xi32>
        %parallel_loop3A_461 = tpu.vector_load_idx %arg19[%parallel_loop3A_460, %parallel_loop3A_426] masked %parallel_loop3A_424 : memref<8x2048xf32, #tpu.memory_space<vmem>>[vector<16xi32>, vector<16xi32>], vector<16xf32>, vector<16xi1>
        %parallel_loop3A_462 = arith.mulf %parallel_loop3A_461, %parallel_loop3A_430 : vector<16xf32>
        tpu.vector_store_idx %arg20[%parallel_loop3A_460, %parallel_loop3A_428], %parallel_loop3A_462 masked %parallel_loop3A_424 : memref<8x4096xf32, #tpu.memory_space<vmem>>[vector<16xi32>, vector<16xi32>], vector<16xf32>, vector<16xi1>
      } {sc.loop_unroll_factor = 2 : i64, sc.parallel_access}
      %dma_start3A_414 = arith.constant 0 : i32
      %dma_start3A_415 = tpu.memref_slice %arg5[%select_n3A, %add3A_285, %dma_start3A_414] : memref<16x64x4096xf32, #tpu.memory_space<hbm>> -> memref<1x8x4096xf32, #tpu.memory_space<hbm>>
      %dma_start3A_416 = tpu.memref_squeeze %dma_start3A_415 : memref<1x8x4096xf32, #tpu.memory_space<hbm>> -> memref<8x4096xf32, #tpu.memory_space<hbm>>
      %dma_start3A_417 = arith.constant 0 : i32
      %dma_start3A_418 = tpu.memref_slice %arg5[%select_n3A, %add3A_285, %dma_start3A_417] : memref<16x64x4096xf32, #tpu.memory_space<hbm>> -> memref<1x8x4096xf32, #tpu.memory_space<hbm>>
      %dma_start3A_419 = tpu.memref_squeeze %dma_start3A_418 : memref<1x8x4096xf32, #tpu.memory_space<hbm>> -> memref<8x4096xf32, #tpu.memory_space<hbm>>
      tpu.enqueue_dma source(%arg20 : memref<8x4096xf32, #tpu.memory_space<vmem>>) target(%dma_start3A_419 : memref<8x4096xf32, #tpu.memory_space<hbm>>) target_semaphore(%arg25 : memref<!tpu.dma_semaphore, #tpu.memory_space<semaphore_mem>>)
    }
    %scan3A_270 = arith.constant 4 : i32
    %mul3A_271 = arith.constant 32 : i32
    %mul3A_272 = arith.muli %select_n3A_30, %mul3A_271 : i32
    %add3A_273 = arith.constant 24 : i32
    %add3A_274 = arith.addi %mul3A_272, %add3A_273 : i32
    %dma_wait3A = arith.constant 0 : i32
    %dma_wait3A_275 = tpu.memref_slice %arg5[%select_n3A, %add3A_274, %dma_wait3A] : memref<16x64x4096xf32, #tpu.memory_space<hbm>> -> memref<1x8x4096xf32, #tpu.memory_space<hbm>>
    %dma_wait3A_276 = tpu.memref_squeeze %dma_wait3A_275 : memref<1x8x4096xf32, #tpu.memory_space<hbm>> -> memref<8x4096xf32, #tpu.memory_space<hbm>>
    %dma_wait3A_277 = arith.constant 0 : i32
    %dma_wait3A_278 = tpu.memref_slice %arg5[%select_n3A, %add3A_274, %dma_wait3A_277] : memref<16x64x4096xf32, #tpu.memory_space<hbm>> -> memref<1x8x4096xf32, #tpu.memory_space<hbm>>
    %dma_wait3A_279 = tpu.memref_squeeze %dma_wait3A_278 : memref<1x8x4096xf32, #tpu.memory_space<hbm>> -> memref<8x4096xf32, #tpu.memory_space<hbm>>
    tpu.wait_dma2 semaphore(%arg25 : memref<!tpu.dma_semaphore, #tpu.memory_space<semaphore_mem>>) src(%arg20 : memref<8x4096xf32, #tpu.memory_space<vmem>>) dst(%dma_wait3A_279 : memref<8x4096xf32, #tpu.memory_space<hbm>>)
    return
  }
}

</mosaic_0001>

<sc_bundles>
// kernel: kernel.3.cloned.1.call-start
scs
__scs_entry_jumppad:
0x0: {  	(pc) =	sbr.rel $0x88, $3  }
0x1: {  	(tag) =	ssettag $0x0;
	lr =	simm.s32 $0x1  }
0x2: {  	[smem:$0x3F9E] =	sst lr;
	_ =	strace $0xD0000000  }
0x3: {  	_ = 	snop  }
0x4: {  	_ = 	snop  }
0x5: {  	_ = 	snop  }
0x6: {  	_ = 	snop  }
0x7: {  	_ = 	snop  }
__scs_overlays_trampoline_lowered:
0x8: {  	[smem:$0x3FAD] =	sst s0  }
0x9: {  	[smem:$0x3FAE] =	sst s1  }
0xa: {  	[smem:$0x3FAF] =	sst s2  }
0xb: {  	[smem:$0x3FB0] =	sst s3  }
0xc: {  	[smem:$0x3FB1] =	sst s4  }
0xd: {  	[smem:$0x3FB2] =	sst s5  }
0xe: {  	[smem:$0x3FB3] =	sst s6  }
0xf: {  	[smem:$0x3FB4] =	sst s7  }
0x10: {  	[smem:$0x3FB5] =	sst s8  }
0x11: {  	[smem:$0x3FB6] =	sst s9;
	s0 =	simm.s32 @!p0 $0x0  }
0x12: {  	s1 =	sld [smem:$0x3F9C];
	s0 =	simm.s32 @p0 $0x1  }
0x13: {  	[smem:$0x3FB7] =	sst s0;
	s0 =	simm.s32 @!p1 $0x0  }
0x14: {  	s2 =	sld [smem:$0x3F9B];
	s0 =	simm.s32 @p1 $0x1  }
0x15: {  	[smem:$0x3FB8] =	sst s0;
	s0 =	simm.s32 @!p2 $0x0  }
0x16: {  	s3 =	sld [smem:$0x3FDB];
	s0 =	simm.s32 @p2 $0x1  }
0x17: {  	s4 =	simm.s32 $0x1BF5;
	[smem:$0x3FBA] =	sst s0  }
0x18: {  	s0 =	sld [smem:$0x3F9D];
	_ =	swait.ge [sflag:s4], $0x0  }
0x19: {  	s7 =	sld [smem:$0x3F9E]  }
0x1a: {  	s8 =	sadd.s32 $0xFFFFE003, lr  }
0x1b: {  	s9 =	sadd.s32 $0xFFFFFEF7, lr;
	s5 =	simm.s32 $0xFFFFFFFF;
	p2 =	slt.u32 s8, $0xFFFFF086  }
0x1c: {  	p1 =	slt.u32 s9, $0xF7A;
	s5 =	simm.s32 @!p2 $0x0  }
0x1d: {  	s5 =	simm.s32 @p1 $0x1;
	p0 =	seq.s32 s7, s2  }
0x1e: {  	s7 =	smul.u32 @!p0 $0xF7A, s2;
	p2 =	seq.s32 @!p0 s5, $0x0  }
0x1f: {  	s9 =	smul.u32 $0xF7A, s1;
	s8 =	simm.s32 @!p0 $0x1BF5;
	p2 =	por !p2, p0  }
0x20: {  	[sflag:s8] =	ssyncset.s32 @!p0 $0xFFFFF086;
	s6 =	sadd.s32 @!p0 s3, s7;
	s7 =	simm.s32 @!p0 $0x108  }
0x21: {  	s3 =	sadd.s32 s3, s9;
	s6 =	sadd.s32 @!p0 $0x88, s6;
	s7 =	simm.s32 @p2 $0x1082  }
0x22: {  	[simem:s7], [sflag:s8] =	dma.local @!p0 [hbm:s6], $0xF7A  }
0x23: {  	s9 =	sor.u32 $0xD0000000, s2;
	s6 =	simm.s32 $0x108;
	_ =	swait.ge @!p0 [sflag:s8], $0x0  }
0x24: {  	s3 =	sadd.s32 $0x88, s3;
	s6 =	simm.s32 @!p1 $0x1082;
	[sflag:s4] =	ssyncset.s32 $0xFFFFF086  }
0x25: {  	[simem:s6], [sflag:s4] =	dma.local [hbm:s3], $0xF7A  }
0x26: {  	[smem:$0x3F9E] =	sst s1;
	(tag) =	ssettag s2;
	_ =	strace s9  }
0x27: {  	s1 =	sld [smem:$0x3FAE]  }
0x28: {  	s2 =	sld [smem:$0x3FAF]  }
0x29: {  	s4 =	sld [smem:$0x3FB1]  }
0x2a: {  	p0 =	seq.s32 s5, $0x0;
	s5 =	sld [smem:$0x3FB2]  }
0x2b: {  	s6 =	sld [smem:$0x3FB3]  }
0x2c: {  	s7 =	sld [smem:$0x3FB4]  }
0x2d: {  	s3 =	simm.s32 $0x108;
	s8 =	sld [smem:$0x3FB5]  }
0x2e: {  	s3 =	simm.s32 @!p0 $0x1082;
	s9 =	sld [smem:$0x3FB6]  }
0x2f: {  	lr =	sadd.s32 s0, s3;
	s0 =	sld [smem:$0x3FAD]  }
0x30: {  	s3 =	sld [smem:$0x3FB0]  }
0x31: {  	[smem:$0x3FB9] =	sst s10  }
0x32: {  	s10 =	sld [smem:$0x3FB7];
	_ =	sdelay $0x3  }
0x33: {  	p0 =	seq.s32 s10, $0x1;
	s10 =	sld [smem:$0x3FB9];
	_ =	sdelay $0x3  }
0x34: {  	[smem:$0x3FB9] =	sst s10  }
0x35: {  	s10 =	sld [smem:$0x3FB8];
	_ =	sdelay $0x3  }
0x36: {  	p1 =	seq.s32 s10, $0x1;
	s10 =	sld [smem:$0x3FB9];
	_ =	sdelay $0x3  }
0x37: {  	[smem:$0x3FB9] =	sst s10  }
0x38: {  	s10 =	sld [smem:$0x3FBA]  }
0x39: {  	_ = 	snop;
	(pc) =	sbr.ind lr, $3  }
0x3a: {  	_ = 	snop  }
0x3b: {  	_ = 	snop  }
0x3c: {  	p2 =	seq.s32 s10, $0x1;
	s10 =	sld [smem:$0x3FB9]  }
0x3d: {  	_ =	shalt  }
0x3e: {  	_ =	shalt  }
0x3f: {  	_ =	shalt  }
0x40: {  	_ =	shalt  }
0x41: {  	_ =	shalt  }
0x42: {  	_ =	shalt  }
0x43: {  	_ =	shalt  }
0x44: {  	_ =	shalt  }
0x45: {  	_ =	shalt  }
0x46: {  	_ =	shalt  }
0x47: {  	_ =	shalt  }
0x48: {  	_ =	shalt  }
0x49: {  	_ =	shalt  }
0x4a: {  	_ =	shalt  }
0x4b: {  	_ =	shalt  }
0x4c: {  	_ =	shalt  }
0x4d: {  	_ =	shalt  }
0x4e: {  	_ =	shalt  }
0x4f: {  	_ =	shalt  }
0x50: {  	_ =	shalt  }
0x51: {  	_ =	shalt  }
0x52: {  	_ =	shalt  }
0x53: {  	_ =	shalt  }
0x54: {  	_ =	shalt  }
0x55: {  	_ =	shalt  }
0x56: {  	_ =	shalt  }
0x57: {  	_ =	shalt  }
0x58: {  	_ =	shalt  }
0x59: {  	_ =	shalt  }
0x5a: {  	_ =	shalt  }
0x5b: {  	_ =	shalt  }
0x5c: {  	_ =	shalt  }
0x5d: {  	_ =	shalt  }
0x5e: {  	_ =	shalt  }
0x5f: {  	_ =	shalt  }
0x60: {  	_ =	shalt  }
0x61: {  	_ =	shalt  }
0x62: {  	_ =	shalt  }
0x63: {  	_ =	shalt  }
0x64: {  	_ =	shalt  }
0x65: {  	_ =	shalt  }
0x66: {  	_ =	shalt  }
0x67: {  	_ =	shalt  }
0x68: {  	_ =	shalt  }
0x69: {  	_ =	shalt  }
0x6a: {  	_ =	shalt  }
0x6b: {  	_ =	shalt  }
0x6c: {  	_ =	shalt  }
0x6d: {  	_ =	shalt  }
0x6e: {  	_ =	shalt  }
0x6f: {  	_ =	shalt  }
0x70: {  	_ =	shalt  }
0x71: {  	_ =	shalt  }
0x72: {  	_ =	shalt  }
0x73: {  	_ =	shalt  }
0x74: {  	_ =	shalt  }
0x75: {  	_ =	shalt  }
0x76: {  	_ =	shalt  }
0x77: {  	_ =	shalt  }
0x78: {  	_ =	shalt  }
0x79: {  	_ =	shalt  }
0x7a: {  	_ =	shalt  }
0x7b: {  	_ =	shalt  }
0x7c: {  	_ =	shalt  }
0x7d: {  	_ =	shalt  }
0x7e: {  	_ =	shalt  }
0x7f: {  	_ =	shalt  }
0x80: {  	_ =	shalt  }
0x81: {  	_ =	shalt  }
0x82: {  	_ =	shalt  }
0x83: {  	_ =	shalt  }
0x84: {  	_ =	shalt  }
0x85: {  	_ =	shalt  }
0x86: {  	_ =	shalt  }
0x87: {  	_ =	shalt  }
.Lfunc_end0:
.L_simem_size_0:
called_computation_lowered:
.L_overlay_start_0:
0x88: {  	s2 =	sld [smem:$0x3FD9]  }
0x89: {  	s3 =	sld [smem:$0x3FFE];
	_ =	sdelay $0x1  }
0x8a: {  	s1 =	srdreg.scid  }
0x8b: {  	s0 =	sand.u32 $0x1, s1  }
0x8c: {  	s18 =	sshll.u32 s0, $0xA;
	s2 =	sadd.s32 s3, s2  }
0x8d: {  	s2 =	sadd.s32 s2, s18  }
0x8e: {  	[smem:$0x3FC5] =	sst s2  }
0x8f: {  	_ = 	snop  }
0x90: {  	s2 =	sld [smem:$0x3FC9]  }
0x91: {  	s19 =	sld [smem:$0x3FC8]  }
0x92: {  	s4 =	sld [smem:$0x3FC7]  }
0x93: {  	s5 =	sld [smem:$0x3FD0];
	(tm) =	ssettm $0x1  }
0x94: {  	s6 =	sld [smem:$0x3FFB];
	_ =	sdelay $0x3  }
0x95: {  	_ =	strace s6  }
0x96: {  	s6 =	sld [smem:$0x3FFC];
	_ =	sdelay $0x3  }
0x97: {  	_ =	strace s6  }
0x98: {  	s6 =	sld [smem:$0x3FFD];
	_ =	sdelay $0x3  }
0x99: {  	_ =	strace s6  }
0x9a: {  	_ =	strace $0x8FFFFFFF  }
0x9b: {  	s20 =	sld [smem:$0x3FDB];
	_ =	sdelay $0x1  }
0x9c: {  	s7 =	simm.s32 $_scs_section_size  }
0x9d: {  	s8 =	simm.s32 $_size__tile_overlayer_lowered;
	s9 =	simm.s32 $_tile_overlayer_lowered  }
0x9e: {  	s23 =	simm.s32 $0x1BFF;
	s22 =	sshll.u32 s9, $0x1;
	s6 =	sadd.s32 s7, s20  }
0x9f: {  	s10 =	simm.s32 $0x0;
	s21 =	sshll.u32 s8, $0x1;
	s8 =	sadd.s32 s22, s6  }
0xa0: {  	[timem:s10], [sflag:s23] =	dma.local [hbm:s8], s21  }
0xa1: {  	_ =	swait.ge [sflag:s23], s21  }
0xa2: {  	s7 =	ssub.s32 $0x0, s21;
	[sflag:s23] =	ssyncset.done $0x0  }
0xa3: {  	[sflag:s23] =	ssyncadd.s32 s7;
	_ =	sdelay $0x1  }
0xa4: {  	s24 =	simm.s32 $0x1B8B  }
0xa5: {  	_ =	swait.ge [sflag:s24], $0x1  }
0xa6: {  	[sflag:s24] =	ssyncset.done $0x0  }
0xa7: {  	s25 =	simm.s32 $0x1B8E;
	[sflag:s24] =	ssyncadd.s32 $0xFFFFFFFF  }
0xa8: {  	s26 =	simm.s32 $execute0_lowered;
	[smem:$0x3FD2] =	sst s25  }
0xa9: {  	s7 =	sshll.u32 s26, $0x1;
	_ =	strace $0x80000046;
	[dreg:$0x1] =	wrdreg $0xFFFFFFFF  }
0xaa: {  	s28 =	simm.s32 $_size_execute0_lowered;
	s6 =	sadd.s32 s6, s7;
	[dreg:$0x0] =	wrdreg $0x0  }
0xab: {  	s7 =	sshll.u32 s28, $0x1;
	[dreg:$0x2] =	wrdreg s6  }
0xac: {  	[dreg:$0x3] =	wrdreg s7  }
0xad: {  	[dreg:$0x4] =	wrdreg $0xC0  }
0xae: {  	_ =	task [dreg:s10], $0x5FFFF  }
0xaf: {  	[dreg:$0x1] =	wrdreg $0xFFFFFFFF  }
0xb0: {  	[dreg:$0x0] =	wrdreg $0x60  }
0xb1: {  	[dreg:$0x2] =	wrdreg s2  }
0xb2: {  	[dreg:$0x3] =	wrdreg s19  }
0xb3: {  	[dreg:$0x4] =	wrdreg s4  }
0xb4: {  	[dreg:$0x5] =	wrdreg s5  }
0xb5: {  	[dreg:$0x6] =	wrdreg $0x9  }
0xb6: {  	_ =	task.clear_ibuf [dreg:s10], $0x7FFFF;
	_ =	strace $0x90000046  }
0xb7: {  	s29 =	simm.s32 $0x9;
	_ =	strace $0x80000048  }
0xb8: {  	_ =	swait.ge [sflag:s29], $0x1  }
0xb9: {  	[sflag:s29] =	ssyncadd.s32 $0xFFFFFFFF  }
0xba: {  	_ =	strace $0x90000048  }
0xbb: {  	_ =	sfence  }
0xbc: {  	s30 =	sld [smem:$0x0];
	_ =	sdelay $0x2  }
0xbd: {  	s31 =	sshll.u32 s1, $0xD;
	s1 =	sshrl.u32 s1, $0x2  }
0xbe: {  	s3 =	sand.u32 $0x4000, s31;
	s1 =	sadd.s32 s1, s30  }
0xbf: {  	s0 =	sor.u32 s3, s0;
	s1 =	sshll.u32 s1, $0x11  }
0xc0: {  	s0 =	sor.u32 s1, s0  }
0xc1: {  	s0 =	sadd.s32 $0x8F2B, s0  }
0xc2: {  	[sflag:s0] =	ssyncadd.remote.s32 $0x1  }
0xc3: {  	_ =	sfence.sel $0xFFFF  }
0xc4: {  	[dreg:$0x0] =	wrdreg $0xFFFFFFFF;
	(pc) =	sbr.abs _section_cstart, $3  }
0xc5: {  	[dreg:$0x1] =	wrdreg $0xFFFFFFFF  }
0xc6: {  	_ =	task.clear_ibuf [dreg:s10], $0x2FFFF;
	_ =	strace $0x9FFFFFFF  }
0xc7: {  	(tm) =	ssettm $0x7FFFFFFF  }
tec
execute0_lowered:
.L_overlay_start_1:
0x0: {  	(tag) =	ssettag $0x1  }
0x1: {  	s5 =	rddreg [dreg:$0x0]  }
0x2: {  	s0 =	srdreg.scid;
	s4 =	stileid.u32  }
0x3: {  	s30 =	simm.s32 $0x0;
	s28 =	simm.s32 $0x1000;
	s7 =	simm.s32 $0x3200  }
0x4: {  	s8 =	simm.s32 $0x3300;
	s9 =	simm.s32 $0x4380;
	s10 =	simm.s32 $0x5400  }
0x5: {  	v0 =	vlaneseq.u32;
	s0 =	sand.u32 $0x1, s0;
	[smem:$0x7FF] =	sst s30;
	s20 =	sadd.s32 $0x800, s5  }
0x6: {  	s21 =	sadd.s32 $0x1000, s5;
	v1 =	vmul.u32 $0x10, v0;
	_ =	strace $0x80000047;
	[dreg:$0x8] =	wrdreg s20  }
0x7: {  	s22 =	sadd.s32 $0x1800, s5;
	s23 =	sadd.s32 $0x2000, s5;
	[dreg:$0x9] =	wrdreg s21  }
0x8: {  	s24 =	sadd.s32 $0x2800, s5;
	s25 =	sadd.s32 $0x3000, s5;
	[dreg:$0xd] =	wrdreg s22;
	v4 =	vor.u32 $0x1, v1  }
0x9: {  	s26 =	sadd.s32 $0x3800, s5;
	s1 =	sor.u32 s0, s4;
	[dreg:$0xe] =	wrdreg s23;
	[tilespmem:$0x1FF20] =	vst v4;
	v4 =	vor.u32 $0x2, v1  }
0xa: {  	p1 =	seq.s32 s0, $0x1;
	s2 =	ssub.s32 $0x2, s0;
	[dreg:$0xf] =	wrdreg s24;
	[tilespmem:$0x1FF30] =	vst v4;
	v4 =	vor.u32 $0x3, v1  }
0xb: {  	s18 =	sshll.u32 s0, $0x13;
	[dreg:$0x10] =	wrdreg s25;
	p0 =	seq.s32 s1, $0x0;
	[tilespmem:$0x1FF40] =	vst v4;
	v4 =	vor.u32 $0x4, v1  }
0xc: {  	s0 =	sshll.u32 s0, $0x5;
	[dreg:$0x11] =	wrdreg s26;
	p0 =	por !p0, !p1;
	[tilespmem:$0x1FF50] =	vst v4;
	v4 =	vor.u32 $0x5, v1  }
0xd: {  	s1 =	simm.s32 $0x1;
	s3 =	sshrl.u32 s2, $0x1;
	p0 =	por !p0, !p0;
	[tilespmem:$0x1FF60] =	vst v4;
	v4 =	vor.u32 $0x6, v1  }
0xe: {  	s23 =	simm.s32 $0x6480;
	s2 =	ssub.s32 s2, s3;
	s1 =	simm.s32 @!p0 $0x0;
	[tilespmem:$0x1FF70] =	vst v4;
	v4 =	vor.u32 $0x7, v1  }
0xf: {  	[dreg:$0x6] =	wrdreg s0;
	s31 =	smax.u32 s2, $0x1;
	s1 =	ssub.s32 s4, s1;
	[tilespmem:$0x1FF80] =	vst v4;
	v4 =	vor.u32 $0x8, v1  }
0x10: {  	s24 =	simm.s32 $0xA480;
	[dreg:$0x13] =	wrdreg s31;
	s4 =	sshll.u32 s1, $0x14;
	[tilespmem:$0x1FF90] =	vst v4;
	v4 =	vor.u32 $0x9, v1  }
0x11: {  	s29 =	sshll.u32 s1, $0x12;
	[dreg:$0x5] =	wrdreg s4;
	s19 =	sor.u32 s18, s4;
	[tilespmem:$0x1FFA0] =	vst v4;
	v4 =	vor.u32 $0xA, v1  }
.Ltmp0:
0x12: {  	[dreg:$0x12] =	wrdreg s29;
	s0 =	sshrl.u32 s19, $0x3;
	[tilespmem:$0x1FFB0] =	vst v4;
	v4 =	vor.u32 $0xB, v1;
	(pc) =	sbr.rel .LBB2_1-.Ltmp0, $4  }
0x13: {  	s25 =	simm.s32 $0xE480;
	s6 =	sadd.s32 s5, s0;
	[dreg:$0x7] =	wrdreg s0;
	[tilespmem:$0x1FFC0] =	vst v4;
	v4 =	vor.u32 $0xC, v1  }
0x14: {  	s2 =	simm.s32 $0x12480;
	s3 =	sadd.s32 s0, s20;
	[dreg:$0xa] =	wrdreg s6;
	[tilespmem:$0x1FFD0] =	vst v4;
	v4 =	vor.u32 $0xD, v1  }
0x15: {  	s4 =	simm.s32 $0x16480;
	s0 =	sadd.s32 s0, s21;
	[dreg:$0xb] =	wrdreg s3;
	[tilespmem:$0x1FFE0] =	vst v4;
	v4 =	vor.u32 $0xE, v1  }
0x16: {  	v2 =	vimm.s32 $0x0;
	v3 =	vimm.s32 $0x1;
	v18 =	vor.u32 $0xF, v1;
	s5 =	simm.s32 $0x3000;
	[dreg:$0xc] =	wrdreg s0;
	s3 =	simm.s32 $0x0;
	[tilespmem:$0x1FFF0] =	vst v4  }
.LBB2_33:
0x17: {  	s1 =	simm.s32 $0x5  }
0x18: {  	_ =	swait.ge [sflag:s1], $0x8000  }
0x19: {  	s3 =	rddreg [dreg:$0x14]  }
0x1a: {  	s0 =	rddreg [dreg:$0x13];
	s3 =	sadd.s32 $0x1, s3  }
0x1b: {  	p0 =	sne.s32 s3, s0  }
.Ltmp1:
0x1c: {  	_ = 	snop;
	(pc) =	sbr.rel @!p0 .LBB2_34-.Ltmp1, $4  }
0x1d: {  	_ = 	snop  }
0x1e: {  	s5 =	simm.s32 $0x3000  }
0x1f: {  	s7 =	simm.s32 $0x3200;
	s8 =	simm.s32 $0x3300;
	[sflag:s1] =	ssyncset.done $0x0  }
0x20: {  	s9 =	simm.s32 $0x4380;
	s10 =	simm.s32 $0x5400;
	[sflag:s1] =	ssyncadd.s32 $0xFFFF8000  }
.LBB2_1:
0x21: {  	[dreg:$0x14] =	wrdreg s3  }
0x22: {  	s0 =	rddreg [dreg:$0xa]  }
0x23: {  	[tilespmem:s23], [sflag:$0x1] =	stream.linear.gather [hbm4b:s0+s30], $0x4000, $0x38;
	[tilespmem:$0x1E480] =	vst v63  }
0x24: {  	s20 =	rddreg [dreg:$0xb]  }
0x25: {  	[tilespmem:s24], [sflag:$0x2] =	stream.linear.gather [hbm4b:s20+s30], $0x4000, $0x38;
	[tilespmem:$0x1E480] =	vst v63  }
0x26: {  	s21 =	rddreg [dreg:$0xc]  }
0x27: {  	[tilespmem:s25], [sflag:$0x3] =	stream.linear.gather [hbm4b:s21+s30], $0x4000, $0x38;
	[tilespmem:$0x1E480] =	vst v63  }
0x28: {  	s22 =	rddreg [dreg:$0x1];
	s1 =	simm.s32 $0x6  }
0x29: {  	[tilespmem:s30], [sflag:$0x6] =	stream.linear.gather [hbm4b:s22+s30], $0x1000, $0x38;
	[tilespmem:$0x1E480] =	vst v63  }
0x2a: {  	_ =	swait.ge [sflag:s1], $0x1000  }
0x2b: {  	[sflag:s1] =	ssyncset.done $0x0  }
0x2c: {  	[sflag:s1] =	ssyncadd.s32 $0xFFFFF000  }
0x2d: {  	s26 =	rddreg [dreg:$0x2]  }
0x2e: {  	[tilespmem:s28], [sflag:$0x6] =	stream.linear.gather [hbm4b:s26+s30], $0x1000, $0x38;
	[tilespmem:$0x1E480] =	vst v63  }
0x2f: {  	_ =	swait.ge [sflag:s1], $0x1000  }
0x30: {  	[sflag:s1] =	ssyncset.done $0x0  }
0x31: {  	s29 =	simm.s32 $0x20;
	[sflag:s1] =	ssyncadd.s32 $0xFFFFF000  }
0x32: {  	v6 =	vld [tilespmem:s29+$0x10]  }
0x33: {  	v5 =	vld [tilespmem:s29+$0xFFFFFFF0]  }
0x34: {  	v7 =	vld [tilespmem:s29+$0x0]  }
0x35: {  	s30 =	simm.s32 $0x60;
	v8 =	vld [tilespmem:s29+$0xFFFFFFE0]  }
0x36: {  	v4 =	vld [tilespmem:s30+$0x10]  }
0x37: {  	v20 =	vld [tilespmem:s30+$0xFFFFFFF0];
	vm0 =	vlt.s32 v6, $0xFFF  }
0x38: {  	v21 =	vld [tilespmem:s30+$0x0];
	v9 =	vnsel vm0, $0xFFF, v6;
	vm0 =	vlt.s32 v5, $0xFFF  }
0x39: {  	s31 =	simm.s32 $0xA0;
	v23 =	vld [tilespmem:s30+$0xFFFFFFE0];
	v10 =	vnsel vm0, $0xFFF, v5;
	vm0 =	vlt.s32 v7, $0xFFF  }
0x3a: {  	v25 =	vld [tilespmem:s31+$0xFFFFFFF0];
	v19 =	vnsel vm0, $0xFFF, v7;
	vm0 =	vlt.s32 v8, $0xFFF  }
0x3b: {  	v22 =	vnsel vm0, $0xFFF, v8;
	vm0 =	vlt.s32 v5, $0x1000;
	v5 =	vld [tilespmem:s31+$0x10]  }
0x3c: {  	vm1 =	vlt.s32 v4, $0xFFF;
	vm2 =	vlt.s32 v7, $0x1000;
	vm3 =	vlt.s32 v8, $0x1000;
	v8 =	vld [tilespmem:s31+$0x0]  }
0x3d: {  	v7 =	vnsel vm1, $0xFFF, v4;
	vm1 =	vmmov vm2;
	vm2 =	vlt.s32 v20, $0xFFF;
	v9 =	vld.idx.msk [tilespmem:v9+s28+$0x0], $0xffff  }
0x3e: {  	vm4 =	vlt.s32 v20, $0x1000;
	v20 =	vnsel vm2, $0xFFF, v20;
	vm2 =	vlt.s32 v21, $0xFFF;
	v10 =	vld.idx.msk [tilespmem:v10+s28+$0x0], $0xffff  }
0x3f: {  	v24 =	vnsel vm2, $0xFFF, v21;
	vm2 =	vlt.s32 v23, $0xFFF;
	v19 =	vld.idx.msk [tilespmem:v19+s28+$0x0], $0xffff  }
0x40: {  	vm7 =	vlt.s32 v23, $0x1000;
	v23 =	vnsel vm2, $0xFFF, v23;
	v22 =	vld.idx.msk [tilespmem:v22+s28+$0x0], $0xffff  }
0x41: {  	vm5 =	vlt.s32 v21, $0x1000;
	vm6 =	vlt.s32 v6, $0x1000;
	vm0 =	vmmov vm0  }
0x42: {  	s0 =	simm.s32 $0x2020;
	vm2 =	vmmov vm3;
	vm3 =	vlt.s32 v25, $0x1000;
	v7 =	vld.idx.msk [tilespmem:v7+s28+$0x0], $0xffff;
	v6 =	vnsel vm6, $0x3F800000, v9  }
0x43: {  	v9 =	vnsel vm0, $0x3F800000, v10;
	[tilespmem:s0+$0x10] =	vst v6;
	vm0 =	vmmov vm4;
	v6 =	vld [tilespmem:s31+$0xFFFFFFE0];
	vm4 =	vlt.s32 v5, $0xFFF  }
0x44: {  	v10 =	vnsel vm1, $0x3F800000, v19;
	vm1 =	vmmov vm5;
	[tilespmem:s0+$0xFFFFFFF0] =	vst v9;
	v9 =	vld.idx.msk [tilespmem:v20+s28+$0x0], $0xffff;
	vm5 =	vlt.s32 v25, $0xFFF  }
0x45: {  	v21 =	vnsel vm4, $0xFFF, v5;
	vm4 =	vlt.s32 v8, $0x1000;
	v20 =	vld.idx.msk [tilespmem:v23+s28+$0x0], $0xffff;
	v19 =	vnsel vm2, $0x3F800000, v22;
	[tilespmem:s0+$0x0] =	vst v10  }
0x46: {  	s3 =	simm.s32 $0xE0;
	s1 =	simm.s32 $0x80;
	vm2 =	vmmov vm7;
	v10 =	vld.idx.msk [tilespmem:v24+s28+$0x0], $0xffff;
	[tilespmem:s0+$0xFFFFFFE0] =	vst v19;
	v19 =	vnsel vm5, $0xFFF, v25;
	vm5 =	vlt.s32 v8, $0xFFF  }
.LBB2_2:
0x47: {  	s1 =	sadd.s32 $0x40, s1;
	v22 =	vnsel vm5, $0xFFF, v8;
	vm5 =	vlt.s32 v4, $0x1000;
	v4 =	vmov v5;
	v5 =	vld [tilespmem:s3+$0x10]  }
0x48: {  	s0 =	sadd.s32 $0x40, s0;
	v23 =	vld [tilespmem:s3+$0xFFFFFFF0];
	p0 =	slt.u32 s1, $0xFC0;
	vm6 =	vlt.s32 v6, $0xFFF;
	vm7 =	vlt.s32 v6, $0x1000;
	v7 =	vnsel vm5, $0x3F800000, v7  }
0x49: {  	v8 =	vld [tilespmem:s3+$0x0];
	v24 =	vnsel vm6, $0xFFF, v6;
	[tilespmem:s0+$0x10] =	vst v7  }
.Ltmp2:
0x4a: {  	v9 =	vnsel vm0, $0x3F800000, v9;
	vm0 =	vmmov vm3;
	v7 =	vld.idx.msk [tilespmem:v21+s28+$0x0], $0xffff;
	(pc) =	sbr.rel @p0 .LBB2_2-.Ltmp2, $4  }
0x4b: {  	v10 =	vnsel vm1, $0x3F800000, v10;
	vm1 =	vmmov vm4;
	v6 =	vld [tilespmem:s3+$0xFFFFFFE0];
	[tilespmem:s0+$0xFFFFFFF0] =	vst v9  }
0x4c: {  	vm4 =	vlt.s32 v5, $0xFFF;
	v9 =	vld.idx.msk [tilespmem:v19+s28+$0x0], $0xffff;
	v19 =	vnsel vm2, $0x3F800000, v20;
	[tilespmem:s0+$0x0] =	vst v10;
	vm2 =	vmmov vm7  }
0x4d: {  	vm5 =	vlt.s32 v23, $0xFFF;
	vm3 =	vlt.s32 v23, $0x1000;
	v21 =	vnsel vm4, $0xFFF, v5;
	v10 =	vld.idx.msk [tilespmem:v22+s28+$0x0], $0xffff;
	[tilespmem:s0+$0xFFFFFFE0] =	vst v19  }
0x4e: {  	s3 =	sadd.s32 $0x40, s3;
	v19 =	vnsel vm5, $0xFFF, v23;
	vm5 =	vlt.s32 v8, $0xFFF;
	vm4 =	vlt.s32 v8, $0x1000;
	v20 =	vld.idx.msk [tilespmem:v24+s28+$0x0], $0xffff  }
0x4f: {  	_ = 	snop  }
0x50: {  	v8 =	vnsel vm5, $0xFFF, v8;
	vm10 =	vlt.s32 v6, $0xFFF  }
0x51: {  	v22 =	vnsel vm10, $0xFFF, v6;
	_ =	sdelay $0x1  }
0x52: {  	vm11 =	vlt.s32 v4, $0x1000;
	v4 =	vld.idx.msk [tilespmem:v21+s28+$0x0], $0xffff  }
0x53: {  	s0 =	sadd.s32 $0x40, s0;
	v19 =	vld.idx.msk [tilespmem:v19+s28+$0x0], $0xffff;
	v7 =	vnsel vm11, $0x3F800000, v7  }
0x54: {  	[tilespmem:s0+$0x10] =	vst v7;
	v60 =	vnsel vm0, $0x3F800000, v9;
	v8 =	vld.idx.msk [tilespmem:v8+s28+$0x0], $0xffff  }
0x55: {  	[tilespmem:s0+$0xFFFFFFF0] =	vst v60;
	v61 =	vnsel vm1, $0x3F800000, v10;
	v62 =	vld.idx.msk [tilespmem:v22+s28+$0x0], $0xffff  }
0x56: {  	vm12 =	vlt.s32 v5, $0x1000;
	v63 =	vnsel vm2, $0x3F800000, v20;
	[tilespmem:s0+$0x0] =	vst v61  }
0x57: {  	vm13 =	vmmov vm3;
	[tilespmem:s0+$0xFFFFFFE0] =	vst v63;
	v4 =	vnsel vm12, $0x3F800000, v4;
	s0 =	sadd.s32 $0x40, s0  }
0x58: {  	vm15 =	vmmov vm4;
	vm14 =	vlt.s32 v6, $0x1000;
	[tilespmem:s0+$0x10] =	vst v4;
	v4 =	vnsel vm13, $0x3F800000, v19  }
0x59: {  	vm0 =	vmmov vm14;
	[tilespmem:s0+$0xFFFFFFF0] =	vst v4;
	v4 =	vnsel vm15, $0x3F800000, v8  }
0x5a: {  	[tilespmem:s0+$0x0] =	vst v4;
	v5 =	vnsel vm0, $0x3F800000, v62  }
0x5b: {  	[tilespmem:s0+$0xFFFFFFE0] =	vst v5  }
0x5c: {  	[tilespmem:$0x3000] =	vst v2  }
0x5d: {  	[tilespmem:$0x3010] =	vst v2  }
0x5e: {  	[tilespmem:$0x3020] =	vst v2  }
0x5f: {  	[tilespmem:$0x3030] =	vst v2  }
0x60: {  	[tilespmem:$0x3040] =	vst v2  }
0x61: {  	[tilespmem:$0x3050] =	vst v2  }
0x62: {  	[tilespmem:$0x3060] =	vst v2  }
0x63: {  	[tilespmem:$0x3070] =	vst v2  }
0x64: {  	[tilespmem:$0x3080] =	vst v2  }
0x65: {  	[tilespmem:$0x3090] =	vst v2  }
0x66: {  	[tilespmem:$0x30A0] =	vst v2  }
0x67: {  	[tilespmem:$0x30B0] =	vst v2  }
0x68: {  	[tilespmem:$0x30C0] =	vst v2  }
0x69: {  	[tilespmem:$0x30D0] =	vst v2  }
0x6a: {  	[tilespmem:$0x30E0] =	vst v2  }
0x6b: {  	s1 =	simm.s32 $0x40;
	s0 =	simm.s32 $0xFFFFFFF8;
	[tilespmem:$0x30F0] =	vst v2  }
.LBB2_4:
0x6c: {  	v4 =	vld [tilespmem:s1+$0xFFFFFFC0];
	_ =	sdelay $0x4  }
0x6d: {  	v4 =	vshra.s32 v4, $0x7  }
0x6e: {  	v4 =	vand.u32 $0xFFFFFFF0, v4  }
0x6f: {  	v4 =	vor.u32 v0, v4;
	_ =	sdelay $0x4  }
0x70: {  	[tilespmem:v4+s5+$0x0] =	vst.idx.add.s32.msk $0xffff, v3  }
0x71: {  	v4 =	vld [tilespmem:s1+$0xFFFFFFD0];
	_ =	sdelay $0x4  }
0x72: {  	v4 =	vshra.s32 v4, $0x7  }
0x73: {  	v4 =	vand.u32 $0xFFFFFFF0, v4  }
0x74: {  	v4 =	vor.u32 v0, v4;
	_ =	sdelay $0x4  }
0x75: {  	[tilespmem:v4+s5+$0x0] =	vst.idx.add.s32.msk $0xffff, v3  }
0x76: {  	v4 =	vld [tilespmem:s1+$0xFFFFFFE0];
	_ =	sdelay $0x4  }
0x77: {  	v4 =	vshra.s32 v4, $0x7  }
0x78: {  	v4 =	vand.u32 $0xFFFFFFF0, v4  }
0x79: {  	v4 =	vor.u32 v0, v4;
	_ =	sdelay $0x4  }
0x7a: {  	[tilespmem:v4+s5+$0x0] =	vst.idx.add.s32.msk $0xffff, v3  }
0x7b: {  	v4 =	vld [tilespmem:s1+$0xFFFFFFF0];
	_ =	sdelay $0x4  }
0x7c: {  	v4 =	vshra.s32 v4, $0x7  }
0x7d: {  	v4 =	vand.u32 $0xFFFFFFF0, v4  }
0x7e: {  	v4 =	vor.u32 v0, v4;
	_ =	sdelay $0x4  }
0x7f: {  	[tilespmem:v4+s5+$0x0] =	vst.idx.add.s32.msk $0xffff, v3  }
0x80: {  	v4 =	vld [tilespmem:s1+$0x0];
	_ =	sdelay $0x4  }
0x81: {  	v4 =	vshra.s32 v4, $0x7  }
0x82: {  	v4 =	vand.u32 $0xFFFFFFF0, v4  }
0x83: {  	v4 =	vor.u32 v0, v4;
	_ =	sdelay $0x4  }
0x84: {  	[tilespmem:v4+s5+$0x0] =	vst.idx.add.s32.msk $0xffff, v3  }
0x85: {  	v4 =	vld [tilespmem:s1+$0x10];
	_ =	sdelay $0x4  }
0x86: {  	v4 =	vshra.s32 v4, $0x7  }
0x87: {  	v4 =	vand.u32 $0xFFFFFFF0, v4  }
0x88: {  	v4 =	vor.u32 v0, v4;
	_ =	sdelay $0x4  }
0x89: {  	[tilespmem:v4+s5+$0x0] =	vst.idx.add.s32.msk $0xffff, v3  }
0x8a: {  	v4 =	vld [tilespmem:s1+$0x20];
	_ =	sdelay $0x4  }
0x8b: {  	v4 =	vshra.s32 v4, $0x7  }
0x8c: {  	v4 =	vand.u32 $0xFFFFFFF0, v4  }
0x8d: {  	v4 =	vor.u32 v0, v4;
	_ =	sdelay $0x4  }
0x8e: {  	[tilespmem:v4+s5+$0x0] =	vst.idx.add.s32.msk $0xffff, v3  }
0x8f: {  	v4 =	vld [tilespmem:s1+$0x30];
	_ =	sdelay $0x4  }
0x90: {  	v4 =	vshra.s32 v4, $0x7  }
0x91: {  	s0 =	sadd.s32 $0x8, s0;
	v4 =	vand.u32 $0xFFFFFFF0, v4  }
0x92: {  	p0 =	slt.u32 s0, $0xF8;
	v4 =	vor.u32 v0, v4  }
.Ltmp3:
0x93: {  	_ = 	snop;
	(pc) =	sbr.rel @p0 .LBB2_4-.Ltmp3, $2  }
0x94: {  	_ =	sdelay $0x2  }
0x95: {  	s1 =	sadd.s32 $0x80, s1;
	[tilespmem:v4+s5+$0x0] =	vst.idx.add.s32.msk $0xffff, v3  }
0x96: {  	v5 =	vld [tilespmem:$0x1FF20];
	_ =	sdelay $0x6  }
0x97: {  	v4 =	vld.idx.msk [tilespmem:v1+s5+$0x0], $0xffff  }
0x98: {  	v5 =	vld.idx.msk [tilespmem:v5+s5+$0x0], $0xffff  }
0x99: {  	v6 =	vld [tilespmem:$0x1FF30]  }
0x9a: {  	v7 =	vld [tilespmem:$0x1FF40]  }
0x9b: {  	v8 =	vld [tilespmem:$0x1FF50]  }
0x9c: {  	v9 =	vld [tilespmem:$0x1FF60]  }
0x9d: {  	v4 =	vadd.s32 v4, v5;
	v5 =	vld [tilespmem:$0x1FF70];
	_ =	sdelay $0x3  }
0x9e: {  	v6 =	vld.idx.msk [tilespmem:v6+s5+$0x0], $0xffff  }
0x9f: {  	v7 =	vld.idx.msk [tilespmem:v7+s5+$0x0], $0xffff  }
0xa0: {  	v8 =	vld.idx.msk [tilespmem:v8+s5+$0x0], $0xffff  }
0xa1: {  	v9 =	vld.idx.msk [tilespmem:v9+s5+$0x0], $0xffff  }
0xa2: {  	v5 =	vld.idx.msk [tilespmem:v5+s5+$0x0], $0xffff  }
0xa3: {  	v41 =	vld [tilespmem:$0x1FF80];
	v4 =	vadd.s32 v6, v4  }
0xa4: {  	v42 =	vld [tilespmem:$0x1FF90];
	v4 =	vadd.s32 v7, v4  }
0xa5: {  	v43 =	vld [tilespmem:$0x1FFA0];
	v4 =	vadd.s32 v8, v4  }
0xa6: {  	v44 =	vld [tilespmem:$0x1FFB0];
	v4 =	vadd.s32 v9, v4  }
0xa7: {  	v4 =	vadd.s32 v5, v4;
	v5 =	vld [tilespmem:$0x1FFC0]  }
0xa8: {  	v45 =	vld [tilespmem:$0x1FFD0]  }
0xa9: {  	v46 =	vld [tilespmem:$0x1FFE0]  }
0xaa: {  	v47 =	vld [tilespmem:$0x1FFF0]  }
0xab: {  	v6 =	vld.idx.msk [tilespmem:v41+s5+$0x0], $0xffff  }
0xac: {  	v7 =	vld.idx.msk [tilespmem:v42+s5+$0x0], $0xffff  }
0xad: {  	v8 =	vld.idx.msk [tilespmem:v43+s5+$0x0], $0xffff  }
0xae: {  	v9 =	vld.idx.msk [tilespmem:v44+s5+$0x0], $0xffff  }
0xaf: {  	v5 =	vld.idx.msk [tilespmem:v5+s5+$0x0], $0xffff  }
0xb0: {  	v4 =	vadd.s32 v6, v4;
	v6 =	vld.idx.msk [tilespmem:v45+s5+$0x0], $0xffff  }
0xb1: {  	v4 =	vadd.s32 v7, v4;
	v7 =	vld.idx.msk [tilespmem:v46+s5+$0x0], $0xffff  }
0xb2: {  	v4 =	vadd.s32 v8, v4;
	v8 =	vld.idx.msk [tilespmem:v47+s5+$0x0], $0xffff  }
0xb3: {  	v48 =	vld.idx.msk [tilespmem:v18+s5+$0x0], $0xffff;
	v4 =	vadd.s32 v9, v4  }
0xb4: {  	v4 =	vadd.s32 v5, v4  }
0xb5: {  	v4 =	vadd.s32 v6, v4  }
0xb6: {  	v5 =	vld [tilespmem:$0x3000];
	v4 =	vadd.s32 v7, v4  }
0xb7: {  	v4 =	vadd.s32 v8, v4  }
0xb8: {  	v49 =	vld [tilespmem:$0x3010];
	v4 =	vadd.s32 v48, v4  }
0xb9: {  	v50 =	vld [tilespmem:$0x3020];
	(xrf0) =	vadd.scan.msk.s32 $0xffff, v4  }
0xba: {  	v51 =	vld [tilespmem:$0x3030]  }
0xbb: {  	(xrf0) =	vadd.scan.msk.s32 $0xffff, v5  }
0xbc: {  	v52 =	vld [tilespmem:$0x3040]  }
0xbd: {  	v10 =	vld [tilespmem:$0x3050];
	(xrf0) =	vadd.scan.msk.s32 $0xffff, v49  }
0xbe: {  	(xrf0) =	vadd.scan.msk.s32 $0xffff, v50  }
0xbf: {  	v20, _, _ =	vpop (xrf0);
	(xrf0) =	vadd.scan.msk.s32 $0xffff, v51  }
0xc0: {  	v19 =	vld [tilespmem:$0x3060];
	v20 =	vsub.s32 v20, v4  }
0xc1: {  	v21 =	vld [tilespmem:$0x3070];
	v22, _, _ =	vpop (xrf0);
	(xrf0) =	vadd.scan.msk.s32 $0xffff, v52;
	v23 =	vbroadcast v20, $0x0;
	v24 =	vbroadcast v20, $0x1  }
0xc2: {  	[tilespmem:$0x3100] =	vst v4;
	v4 =	vsub.s32 v22, v5;
	v5 =	vbroadcast v20, $0x2;
	(xrf0) =	vadd.scan.msk.s32 $0xffff, v10  }
0xc3: {  	v53, _, _ =	vpop (xrf0);
	v54 =	vbroadcast v20, $0x3;
	v4 =	vadd.s32 v23, v4;
	v6 =	vsub.s32 v24, v49  }
0xc4: {  	v57 =	vbroadcast v20, $0x4;
	v55, _, _ =	vpop (xrf0);
	v5 =	vsub.s32 v5, v50;
	[tilespmem:$0x3200] =	vst v4;
	v4 =	vadd.s32 v53, v6  }
0xc5: {  	(xrf0) =	vadd.scan.msk.s32 $0xffff, v19;
	v56, _, _ =	vpop (xrf0);
	[tilespmem:$0x3210] =	vst v4;
	v4 =	vadd.s32 v55, v5;
	v5 =	vsub.s32 v54, v51  }
0xc6: {  	(xrf0) =	vadd.scan.msk.s32 $0xffff, v21;
	[tilespmem:$0x3220] =	vst v4;
	v4 =	vadd.s32 v56, v5;
	v5 =	vbroadcast v20, $0x5  }
0xc7: {  	v59 =	vbroadcast v20, $0x6;
	v58, _, _ =	vpop (xrf0);
	[tilespmem:$0x3230] =	vst v4;
	v4 =	vsub.s32 v57, v52  }
0xc8: {  	[tilespmem:$0x4300] =	vst v2;
	v60, _, _ =	vpop (xrf0);
	v4 =	vadd.s32 v58, v4;
	v5 =	vsub.s32 v5, v10  }
0xc9: {  	[tilespmem:$0x3240] =	vst v4;
	v4 =	vadd.s32 v60, v5;
	v5 =	vsub.s32 v59, v19  }
0xca: {  	[tilespmem:$0x5380] =	vst v2;
	v61 =	vbroadcast v20, $0x7  }
0xcb: {  	[tilespmem:$0x3180] =	vst v20;
	v62, _, _ =	vpop (xrf0)  }
0xcc: {  	v63 =	vsub.s32 v61, v21;
	[tilespmem:$0x3250] =	vst v4;
	v4 =	vadd.s32 v62, v5;
	v5, _, _ =	vpop (xrf0)  }
0xcd: {  	[tilespmem:$0x3260] =	vst v4;
	v4 =	vadd.s32 v5, v63  }
0xce: {  	s0 =	simm.s32 $0xFFFFFFFC;
	[tilespmem:$0x3270] =	vst v4;
	v4 =	vimm.f32 $0.0e+00  }
0xcf: {  	s1 =	simm.s32 $0x0;
	s3 =	simm.s32 $0x20;
	s5 =	simm.s32 $0x2020;
	[tilespmem:$0x6400] =	vst v4  }
.LBB2_6:
0xd0: {  	v4 =	vld [tilespmem:s3+$0xFFFFFFE0];
	_ =	sdelay $0x4  }
0xd1: {  	v5 =	vshra.s32 v4, $0x7  }
0xd2: {  	v5 =	vand.u32 $0xFFFFFFF0, v5  }
0xd3: {  	v5 =	vor.u32 v0, v5;
	_ =	sdelay $0x4  }
0xd4: {  	v6 =	vld.idx.msk [tilespmem:v5+s7+$0x0], $0xffff;
	_ =	sdelay $0x4  }
0xd5: {  	v7 =	vld [tilespmem:s5+$0xFFFFFFE0];
	_ =	sdelay $0x1  }
0xd6: {  	v8 =	vor.u32 s1, v0  }
0xd7: {  	v4 =	vand.u32 $0x7FF, v4;
	[tilespmem:v6+s8+$0x0] =	vst.idx.msk $0xffff, v8  }
0xd8: {  	[tilespmem:v6+s9+$0x0] =	vst.idx.msk $0xffff, v4  }
0xd9: {  	v4 =	vadd.s32 $0x1, v6;
	[tilespmem:v6+s10+$0x0] =	vst.idx.msk $0xffff, v7  }
0xda: {  	[tilespmem:v5+s7+$0x0] =	vst.idx.msk $0xffff, v4  }
0xdb: {  	v4 =	vld [tilespmem:s3+$0xFFFFFFF0];
	_ =	sdelay $0x4  }
0xdc: {  	v5 =	vshra.s32 v4, $0x7  }
0xdd: {  	v5 =	vand.u32 $0xFFFFFFF0, v5  }
0xde: {  	v5 =	vor.u32 v0, v5;
	_ =	sdelay $0x4  }
0xdf: {  	v58 =	vld.idx.msk [tilespmem:v5+s7+$0x0], $0xffff;
	_ =	sdelay $0x4  }
0xe0: {  	v7 =	vld [tilespmem:s5+$0xFFFFFFF0]  }
0xe1: {  	s6 =	sadd.s32 $0x10, s1  }
0xe2: {  	v59 =	vor.u32 s6, v0  }
0xe3: {  	v4 =	vand.u32 $0x7FF, v4;
	[tilespmem:v58+s8+$0x0] =	vst.idx.msk $0xffff, v59  }
0xe4: {  	[tilespmem:v58+s9+$0x0] =	vst.idx.msk $0xffff, v4  }
0xe5: {  	v4 =	vadd.s32 $0x1, v58;
	[tilespmem:v58+s10+$0x0] =	vst.idx.msk $0xffff, v7  }
0xe6: {  	[tilespmem:v5+s7+$0x0] =	vst.idx.msk $0xffff, v4  }
0xe7: {  	v4 =	vld [tilespmem:s3+$0x0];
	_ =	sdelay $0x4  }
0xe8: {  	v5 =	vshra.s32 v4, $0x7  }
0xe9: {  	v5 =	vand.u32 $0xFFFFFFF0, v5  }
0xea: {  	v5 =	vor.u32 v0, v5;
	_ =	sdelay $0x4  }
0xeb: {  	v60 =	vld.idx.msk [tilespmem:v5+s7+$0x0], $0xffff;
	_ =	sdelay $0x4  }
0xec: {  	v7 =	vld [tilespmem:s5+$0x0]  }
0xed: {  	s30 =	sadd.s32 $0x20, s1  }
0xee: {  	v61 =	vor.u32 s30, v0  }
0xef: {  	v4 =	vand.u32 $0x7FF, v4;
	[tilespmem:v60+s8+$0x0] =	vst.idx.msk $0xffff, v61  }
0xf0: {  	[tilespmem:v60+s9+$0x0] =	vst.idx.msk $0xffff, v4  }
0xf1: {  	v4 =	vadd.s32 $0x1, v60;
	[tilespmem:v60+s10+$0x0] =	vst.idx.msk $0xffff, v7  }
0xf2: {  	[tilespmem:v5+s7+$0x0] =	vst.idx.msk $0xffff, v4  }
0xf3: {  	v4 =	vld [tilespmem:s3+$0x10];
	_ =	sdelay $0x4  }
0xf4: {  	v5 =	vshra.s32 v4, $0x7  }
0xf5: {  	v5 =	vand.u32 $0xFFFFFFF0, v5  }
0xf6: {  	v5 =	vor.u32 v0, v5;
	_ =	sdelay $0x4  }
0xf7: {  	v62 =	vld.idx.msk [tilespmem:v5+s7+$0x0], $0xffff;
	_ =	sdelay $0x4  }
0xf8: {  	s0 =	sadd.s32 $0x4, s0;
	v7 =	vld [tilespmem:s5+$0x10]  }
0xf9: {  	s31 =	sadd.s32 $0x30, s1;
	p0 =	slt.u32 s0, $0xFC  }
.Ltmp4:
0xfa: {  	v63 =	vor.u32 s31, v0;
	(pc) =	sbr.rel @p0 .LBB2_6-.Ltmp4, $4  }
0xfb: {  	v4 =	vand.u32 $0x7FF, v4;
	[tilespmem:v62+s8+$0x0] =	vst.idx.msk $0xffff, v63  }
0xfc: {  	[tilespmem:v62+s9+$0x0] =	vst.idx.msk $0xffff, v4  }
0xfd: {  	v4 =	vadd.s32 $0x1, v62;
	[tilespmem:v62+s10+$0x0] =	vst.idx.msk $0xffff, v7  }
0xfe: {  	s1 =	sadd.s32 $0x40, s1;
	s3 =	sadd.s32 $0x40, s3;
	s5 =	sadd.s32 $0x40, s5;
	[tilespmem:v5+s7+$0x0] =	vst.idx.msk $0xffff, v4  }
0xff: {  	v4 =	vld [tilespmem:$0x3180]  }
0x100: {  	v5 =	vld [tilespmem:$0x3100];
	_ =	sdelay $0x3  }
0x101: {  	(v2sf) =	vpush v4, $0x0  }
0x102: {  	(v2sf) =	vpush v5, $0x0  }
0x103: {  	(v2sf) =	vpush v4, $0x1  }
0x104: {  	(v2sf) =	vpush v5, $0x1  }
0x105: {  	(v2sf) =	vpush v4, $0x2;
	_ =	sdelay $0x1  }
0x106: {  	(v2sf) =	vpush v5, $0x2  }
0x107: {  	(v2sf) =	vpush v4, $0x3  }
0x108: {  	(v2sf) =	vpush v5, $0x3  }
0x109: {  	(v2sf) =	vpush v4, $0x4;
	_ =	sdelay $0x1  }
0x10a: {  	(v2sf) =	vpush v5, $0x4  }
0x10b: {  	(v2sf) =	vpush v4, $0x5;
	_ =	sdelay $0x1  }
0x10c: {  	(v2sf) =	vpush v5, $0x5  }
0x10d: {  	(v2sf) =	vpush v4, $0x6;
	s14 =	spop (v2sf)  }
0x10e: {  	(v2sf) =	vpush v5, $0x6;
	s0 =	spop (v2sf)  }
0x10f: {  	s30 =	spop (v2sf)  }
0x110: {  	(v2sf) =	vpush v4, $0x7;
	s8 =	sadd.s32 $0xF, s0;
	s1 =	spop (v2sf)  }
0x111: {  	(v2sf) =	vpush v5, $0x7;
	s17 =	sadd.s32 s14, s0;
	s10 =	sand.u32 $0xFFFFFFE0, s8;
	s15 =	spop (v2sf)  }
0x112: {  	s13 =	sadd.s32 $0xF, s1;
	s11 =	sadd.s32 s14, s10;
	s18 =	sadd.s32 s30, s1  }
0x113: {  	s3 =	spop (v2sf);
	s26 =	sand.u32 $0xFFFFFFE0, s13;
	[dreg:$0x17] =	wrdreg s15  }
0x114: {  	s21 =	spop (v2sf);
	s12 =	sadd.s32 s30, s26;
	s1 =	sadd.s32 $0xF, s3  }
0x115: {  	s19 =	sadd.s32 s15, s3;
	s5 =	spop (v2sf);
	[smem:$0x7C3] =	sst s1  }
0x116: {  	s0 =	sand.u32 $0xFFFFFFE0, s1;
	s26 =	smov.u32 s21;
	s22 =	spop (v2sf)  }
0x117: {  	s3 =	sadd.s32 $0xF, s5;
	s20 =	sadd.s32 s15, s0;
	[dreg:$0x18] =	wrdreg s26  }
0x118: {  	s21 =	sadd.s32 s21, s5;
	s6 =	spop (v2sf);
	s10 =	sand.u32 $0xFFFFFFE0, s3  }
0x119: {  	[dreg:$0x19] =	wrdreg s22;
	s29 =	spop (v2sf);
	s15 =	sadd.s32 $0xF, s6  }
0x11a: {  	s10 =	sadd.s32 s26, s10;
	s26 =	sadd.s32 s22, s6;
	[smem:$0x7D0] =	sst s15  }
0x11b: {  	s7 =	spop (v2sf);
	s5 =	sand.u32 $0xFFFFFFE0, s15;
	[dreg:$0x1a] =	wrdreg s29  }
0x11c: {  	s16 =	spop (v2sf);
	s22 =	sadd.s32 s22, s5;
	s6 =	sadd.s32 $0xF, s7  }
0x11d: {  	s5 =	sadd.s32 s29, s7;
	s9 =	spop (v2sf);
	s15 =	sand.u32 $0xFFFFFFE0, s6  }
0x11e: {  	[dreg:$0x1b] =	wrdreg s16;
	s7 =	sadd.s32 $0xF, s9;
	s1 =	sadd.s32 s29, s15  }
0x11f: {  	[smem:$0x7DD] =	sst s7;
	s15 =	spop (v2sf);
	s29 =	sand.u32 $0xFFFFFFE0, s7  }
0x120: {  	s7 =	sadd.s32 s16, s9;
	s16 =	sadd.s32 s16, s29;
	s29 =	spop (v2sf)  }
0x121: {  	[dreg:$0x15] =	wrdreg s14;
	s0 =	sadd.s32 $0xF, s29  }
0x122: {  	[smem:$0x7E4] =	sst s0;
	s31 =	sand.u32 $0xFFFFFFE0, s0;
	s0 =	sshll.u32 s14, $0x2  }
0x123: {  	s8 =	sshll.u32 s8, $0x2;
	s9 =	sadd.s32 s15, s29;
	s29 =	sshra.s32 s0, $0x2  }
0x124: {  	[dreg:$0x16] =	wrdreg s30;
	s8 =	sand.u32 $0xFFFFFF80, s8;
	s14 =	sadd.s32 $0x4390, s29  }
0x125: {  	s8 =	sadd.s32 s0, s8;
	[dreg:$0x1d] =	wrdreg s14;
	s14 =	sadd.s32 $0x3310, s29  }
0x126: {  	s8 =	sshra.s32 s8, $0x2;
	s29 =	sadd.s32 $0x5410, s29;
	[dreg:$0x1e] =	wrdreg s14  }
0x127: {  	s13 =	sshll.u32 s13, $0x2;
	[dreg:$0x1f] =	wrdreg s29;
	s14 =	sadd.s32 $0x5400, s8  }
0x128: {  	s29 =	sadd.s32 $0x3300, s8;
	s8 =	sadd.s32 $0x4380, s8;
	[smem:$0x7C0] =	sst s14  }
0x129: {  	s13 =	sand.u32 $0xFFFFFF80, s13;
	s14 =	sshll.u32 s30, $0x2;
	[smem:$0x7C2] =	sst s8  }
0x12a: {  	s8 =	sadd.s32 s14, s13;
	s13 =	sshra.s32 s14, $0x2;
	s14 =	sld [smem:$0x7C3]  }
0x12b: {  	[smem:$0x7C1] =	sst s29;
	s29 =	sadd.s32 $0x4390, s13  }
0x12c: {  	s8 =	sshra.s32 s8, $0x2;
	[smem:$0x7C4] =	sst s29;
	s29 =	sadd.s32 $0x3310, s13  }
0x12d: {  	s13 =	sadd.s32 $0x5410, s13;
	s14 =	sshll.u32 s14, $0x2;
	[smem:$0x7C5] =	sst s29  }
0x12e: {  	[smem:$0x7C6] =	sst s13;
	s13 =	sand.u32 $0xFFFFFF80, s14;
	s14 =	sadd.s32 $0x5400, s8  }
0x12f: {  	[smem:$0x7C7] =	sst s14  }
0x130: {  	s29 =	sadd.s32 $0x3300, s8;
	s14 =	rddreg [dreg:$0x17]  }
0x131: {  	[smem:$0x7C8] =	sst s29;
	s8 =	sadd.s32 $0x4380, s8;
	s29 =	sshll.u32 s14, $0x2  }
0x132: {  	[smem:$0x7C9] =	sst s8;
	s8 =	sadd.s32 s29, s13;
	s13 =	sshra.s32 s29, $0x2  }
0x133: {  	s30 =	rddreg [dreg:$0x19];
	s29 =	sadd.s32 $0x4390, s13  }
0x134: {  	s14 =	sshll.u32 s3, $0x2;
	s3 =	sadd.s32 $0x3310, s13;
	[smem:$0x7CA] =	sst s29  }
0x135: {  	s13 =	sadd.s32 $0x5410, s13;
	s8 =	sshra.s32 s8, $0x2;
	[smem:$0x7CB] =	sst s3  }
0x136: {  	[smem:$0x7CC] =	sst s13;
	s29 =	sadd.s32 $0x3300, s8  }
0x137: {  	[smem:$0x7CE] =	sst s29  }
0x138: {  	s13 =	sand.u32 $0xFFFFFF80, s14;
	s14 =	sadd.s32 $0x5400, s8;
	s29 =	rddreg [dreg:$0x18]  }
0x139: {  	s8 =	sadd.s32 $0x4380, s8;
	[smem:$0x7CD] =	sst s14;
	s3 =	sshll.u32 s29, $0x2  }
0x13a: {  	[smem:$0x7CF] =	sst s8;
	s8 =	sadd.s32 s3, s13;
	s13 =	sshra.s32 s3, $0x2  }
0x13b: {  	s14 =	sld [smem:$0x7D0];
	s3 =	sadd.s32 $0x4390, s13  }
0x13c: {  	[smem:$0x7D1] =	sst s3;
	s3 =	sadd.s32 $0x3310, s13  }
0x13d: {  	s13 =	sadd.s32 $0x5410, s13;
	[smem:$0x7D2] =	sst s3  }
0x13e: {  	s14 =	sshll.u32 s14, $0x2;
	s8 =	sshra.s32 s8, $0x2;
	[smem:$0x7D3] =	sst s13  }
0x13f: {  	s13 =	sand.u32 $0xFFFFFF80, s14;
	s3 =	sadd.s32 $0x5400, s8;
	s14 =	sadd.s32 $0x3300, s8  }
0x140: {  	s8 =	sadd.s32 $0x4380, s8;
	[smem:$0x7D4] =	sst s3;
	s3 =	sshll.u32 s30, $0x2  }
0x141: {  	[smem:$0x7D6] =	sst s8;
	s8 =	sadd.s32 s3, s13;
	s13 =	sshra.s32 s3, $0x2  }
0x142: {  	[smem:$0x7D5] =	sst s14;
	s3 =	sadd.s32 $0x4390, s13  }
0x143: {  	s14 =	sadd.s32 $0x3310, s13;
	[smem:$0x7D7] =	sst s3  }
0x144: {  	s8 =	sshra.s32 s8, $0x2;
	[smem:$0x7D8] =	sst s14;
	s3 =	sadd.s32 $0x5410, s13  }
0x145: {  	s14 =	sadd.s32 $0x3300, s8;
	[smem:$0x7D9] =	sst s3  }
0x146: {  	[smem:$0x7DB] =	sst s14  }
0x147: {  	s6 =	sshll.u32 s6, $0x2;
	s13 =	sadd.s32 $0x5400, s8;
	s14 =	rddreg [dreg:$0x1a]  }
0x148: {  	s8 =	sadd.s32 $0x4380, s8;
	[smem:$0x7DA] =	sst s13;
	s3 =	sshll.u32 s14, $0x2  }
0x149: {  	s6 =	sand.u32 $0xFFFFFF80, s6;
	[smem:$0x7DC] =	sst s8;
	s8 =	sshra.s32 s3, $0x2  }
0x14a: {  	s6 =	sadd.s32 s3, s6;
	s3 =	sld [smem:$0x7DD];
	s13 =	sadd.s32 $0x4390, s8  }
0x14b: {  	[smem:$0x7DE] =	sst s13;
	s13 =	sadd.s32 $0x3310, s8  }
0x14c: {  	s6 =	sshra.s32 s6, $0x2;
	[smem:$0x7DF] =	sst s13;
	s13 =	sadd.s32 $0x5410, s8  }
0x14d: {  	s8 =	sadd.s32 $0x5400, s6;
	[smem:$0x7E0] =	sst s13  }
0x14e: {  	[smem:$0x7E1] =	sst s8;
	s13 =	sadd.s32 $0x3300, s6  }
0x14f: {  	[smem:$0x7E2] =	sst s13  }
0x150: {  	s3 =	sshll.u32 s3, $0x2;
	s6 =	sadd.s32 $0x4380, s6;
	s13 =	rddreg [dreg:$0x1b]  }
0x151: {  	s3 =	sand.u32 $0xFFFFFF80, s3;
	[smem:$0x7E3] =	sst s6;
	s8 =	sshll.u32 s13, $0x2  }
0x152: {  	s3 =	sadd.s32 s8, s3;
	s6 =	sshra.s32 s8, $0x2;
	s8 =	sld [smem:$0x7E4]  }
0x153: {  	_ =	sdelay $0x1  }
0x154: {  	s0 =	sshll.u32 s8, $0x2;
	s8 =	sadd.s32 $0x4390, s6  }
0x155: {  	s3 =	sshra.s32 s3, $0x2;
	[smem:$0x7E5] =	sst s8;
	s8 =	sadd.s32 $0x3310, s6  }
0x156: {  	[smem:$0x7E6] =	sst s8;
	s8 =	sadd.s32 $0x5400, s3  }
0x157: {  	[smem:$0x7E8] =	sst s8;
	s8 =	sadd.s32 $0x3300, s3  }
0x158: {  	s3 =	sadd.s32 $0x4380, s3;
	[smem:$0x7E9] =	sst s8;
	s8 =	sshll.u32 s15, $0x2  }
0x159: {  	s6 =	sadd.s32 $0x5410, s6;
	[smem:$0x7EA] =	sst s3;
	s3 =	sshra.s32 s8, $0x2  }
0x15a: {  	s0 =	sand.u32 $0xFFFFFF80, s0;
	[smem:$0x7E7] =	sst s6;
	s6 =	sadd.s32 $0x4390, s3  }
0x15b: {  	s0 =	sadd.s32 s8, s0;
	s8 =	sadd.s32 $0x3310, s3;
	[smem:$0x7EB] =	sst s6  }
0x15c: {  	s3 =	sadd.s32 $0x5410, s3;
	[smem:$0x7EC] =	sst s8  }
0x15d: {  	s0 =	sshra.s32 s0, $0x2;
	[smem:$0x7ED] =	sst s3  }
0x15e: {  	s6 =	sadd.s32 $0x5400, s0;
	s8 =	sadd.s32 $0x3300, s0;
	s3 =	rddreg [dreg:$0x15]  }
0x15f: {  	s0 =	sadd.s32 $0x4380, s0;
	[smem:$0x7EE] =	sst s6;
	p0 =	sge.s32 s3, s11  }
0x160: {  	[smem:$0x7F0] =	sst s0;
	s0 =	simm.s32 @!p0 $0x0  }
0x161: {  	s6 =	rddreg [dreg:$0x16];
	s0 =	simm.s32 @p0 $0x1;
	p0 =	sge.s32 s11, s17  }
0x162: {  	[smem:$0x7F1] =	sst s0;
	s0 =	simm.s32 @!p0 $0x0  }
0x163: {  	[smem:$0x7EF] =	sst s8;
	s0 =	simm.s32 @p0 $0x1;
	p0 =	sge.s32 s6, s12  }
0x164: {  	[smem:$0x7F2] =	sst s0;
	s0 =	simm.s32 @!p0 $0x0  }
0x165: {  	s8 =	rddreg [dreg:$0x17];
	s0 =	simm.s32 @p0 $0x1;
	p0 =	sge.s32 s12, s18  }
0x166: {  	[smem:$0x7F3] =	sst s0;
	s0 =	simm.s32 @!p0 $0x0  }
0x167: {  	s0 =	simm.s32 @p0 $0x1;
	p0 =	sge.s32 s8, s20  }
0x168: {  	[smem:$0x7F4] =	sst s0;
	s0 =	simm.s32 @!p0 $0x0  }
0x169: {  	s0 =	simm.s32 @p0 $0x1;
	p0 =	sge.s32 s20, s19  }
0x16a: {  	[smem:$0x7F5] =	sst s0;
	s0 =	simm.s32 @!p0 $0x0  }
0x16b: {  	s0 =	simm.s32 @p0 $0x1;
	p0 =	sge.s32 s29, s10  }
0x16c: {  	[smem:$0x7F6] =	sst s0;
	s0 =	simm.s32 @!p0 $0x0  }
0x16d: {  	s0 =	simm.s32 @p0 $0x1;
	p0 =	sge.s32 s10, s21  }
0x16e: {  	[smem:$0x7F7] =	sst s0;
	s0 =	simm.s32 @!p0 $0x0  }
0x16f: {  	s0 =	simm.s32 @p0 $0x1;
	p0 =	sge.s32 s30, s22  }
0x170: {  	[smem:$0x7F8] =	sst s0;
	s0 =	simm.s32 @!p0 $0x0  }
0x171: {  	s0 =	simm.s32 @p0 $0x1;
	p0 =	sge.s32 s22, s26  }
0x172: {  	[smem:$0x7F9] =	sst s0;
	s0 =	simm.s32 @!p0 $0x0  }
0x173: {  	s0 =	simm.s32 @p0 $0x1;
	p0 =	sge.s32 s14, s1  }
0x174: {  	[smem:$0x7FA] =	sst s0;
	s0 =	simm.s32 @!p0 $0x0  }
0x175: {  	[dreg:$0x1c] =	wrdreg s15;
	s0 =	simm.s32 @p0 $0x1;
	p0 =	sge.s32 s1, s5  }
.Ltmp5:
0x176: {  	[smem:$0x7FB] =	sst s0;
	s0 =	simm.s32 @!p0 $0x0;
	(pc) =	sbr.rel .LBB2_8-.Ltmp5, $4  }
0x177: {  	p6 =	sge.s32 s16, s7;
	s0 =	simm.s32 @p0 $0x1;
	p0 =	sge.s32 s13, s16  }
0x178: {  	v20 =	vmov s17;
	v21 =	vmov s18;
	s31 =	sadd.s32 s15, s31;
	[smem:$0x7FC] =	sst s0;
	s0 =	simm.s32 @!p0 $0x0  }
0x179: {  	v22 =	vmov s19;
	v23 =	vmov s21;
	v24 =	vmov s26;
	p1 =	sge.s32 s31, s9;
	s3 =	simm.s32 $0x0;
	s0 =	simm.s32 @p0 $0x1  }
0x17a: {  	v25 =	vmov s5;
	v26 =	vmov s7;
	v27 =	vmov s9;
	s30 =	simm.s32 $0x0;
	p0 =	sge.s32 s15, s31;
	[smem:$0x7FD] =	sst s0  }
.LBB2_32:
0x17b: {  	s0 =	sld [smem:$0x7BF]  }
0x17c: {  	s3 =	sadd.s32 $0x1, s3  }
0x17d: {  	p2 =	sne.s32 s3, $0x4  }
.Ltmp6:
0x17e: {  	s6 =	rddreg [dreg:$0x12];
	s0 =	sshll.u32 s0, $0xC;
	(pc) =	sbr.rel @!p2 .LBB2_33-.Ltmp6, $4  }
0x17f: {  	s0 =	sadd.s32 s6, s0  }
0x180: {  	s29 =	rddreg [dreg:$0x3];
	s0 =	sshrl.u32 s0, $0x3  }
0x181: {  	s0 =	sadd.s32 s29, s0  }
0x182: {  	[hbm4b:s0+s30] =	stream.linear.scatter [tilespmem:s4], [sflag:$0x5], $0x8000, $0x38;
	[tilespmem:$0x1E480] =	vst v63  }
.LBB2_8:
0x183: {  	s0 =	sshll.u32 s3, $0x3;
	s6 =	rddreg [dreg:$0x6]  }
0x184: {  	p2 =	seq.s32 s3, $0x0;
	s0 =	sadd.s32 s6, s0;
	s6 =	rddreg [dreg:$0x5]  }
0x185: {  	[smem:$0x7BF] =	sst s0;
	s0 =	sshll.u32 @!p2 s0, $0xE  }
0x186: {  	s0 =	sadd.s32 @!p2 s6, s0  }
0x187: {  	s8 =	sshrl.u32 @!p2 s0, $0x3;
	s0 =	rddreg [dreg:$0x0]  }
0x188: {  	s13 =	simm.s32 @!p2 $0x6480;
	s6 =	simm.s32 @!p2 $0x0;
	s0 =	sadd.s32 @!p2 s0, s8  }
0x189: {  	[tilespmem:s13], [sflag:$0x1] =	stream.linear.gather @!p2 [hbm4b:s0+s6], $0x4000, $0x38;
	[tilespmem:$0x1E480] =	vst v63  }
0x18a: {  	s0 =	rddreg [dreg:$0x8]  }
0x18b: {  	s13 =	simm.s32 @!p2 $0xA480;
	s0 =	sadd.s32 @!p2 s8, s0  }
0x18c: {  	[tilespmem:s13], [sflag:$0x2] =	stream.linear.gather @!p2 [hbm4b:s0+s6], $0x4000, $0x38;
	[tilespmem:$0x1E480] =	vst v63  }
0x18d: {  	s0 =	rddreg [dreg:$0x9]  }
0x18e: {  	s13 =	simm.s32 @!p2 $0xE480;
	s0 =	sadd.s32 @!p2 s8, s0  }
0x18f: {  	[tilespmem:s13], [sflag:$0x3] =	stream.linear.gather @!p2 [hbm4b:s0+s6], $0x4000, $0x38;
	[tilespmem:$0x1E480] =	vst v63  }
0x190: {  	s0 =	simm.s32 @!p2 $0x5  }
0x191: {  	_ =	swait.ge @!p2 [sflag:s0], $0x8000  }
0x192: {  	[sflag:s0] =	ssyncset.done @!p2 $0x0  }
0x193: {  	s14 =	simm.s32 $0x1;
	[sflag:s0] =	ssyncadd.s32 @!p2 $0xFFFF8000  }
0x194: {  	_ =	swait.ge [sflag:s14], $0x4000  }
0x195: {  	s29 =	sld [smem:$0x7F1];
	_ =	sdelay $0x1  }
0x196: {  	s6 =	rddreg [dreg:$0x7]  }
0x197: {  	s8 =	smov.u32 @p2 s6;
	p2 =	seq.s32 s29, $0x1  }
.Ltmp7:
0x198: {  	_ = 	snop;
	(pc) =	sbr.rel @p2 .LBB2_9-.Ltmp7, $4  }
0x199: {  	_ = 	snop  }
0x19a: {  	[sflag:s14] =	ssyncset.done $0x0;
	s15 =	rddreg [dreg:$0xd]  }
0x19b: {  	[sflag:s14] =	ssyncadd.s32 $0xFFFFC000;
	s0 =	sadd.s32 s8, s15  }
0x19c: {  	[tilespmem:s2], [sflag:$0x4] =	stream.linear.gather [hbm4b:s0+s30], $0x4000, $0x38;
	[tilespmem:$0x1E480] =	vst v63  }
0x19d: {  	s0 =	rddreg [dreg:$0x15]  }
0x19e: {  	s6 =	rddreg [dreg:$0x1d];
	s15 =	sadd.s32 $0x20, s0  }
0x19f: {  	v4 =	vld [tilespmem:s6+$0x0];
	p5 =	slt.s32 s15, s11  }
.Ltmp8:
0x1a0: {  	_ = 	snop;
	(pc) =	sbr.rel @!p5 .LBB2_36-.Ltmp8, $3  }
0x1a1: {  	_ =	sdelay $0x1  }
0x1a2: {  	p2 =	por $0x0, $0x0  }
0x1a3: {  	p3 =	por $0x0, $0x0;
	p4 =	por $0x0, $0x0;
	s13 =	rddreg [dreg:$0x1e];
	v56 =	vld [tilespmem:s6+$0xFFFFFFF0];
	v8 =	vadd.s32 s0, v0;
	v60 =	vand.u32 $0x7F, v4;
	v9 =	vshll.u32 v4, $0x3  }
0x1a4: {  	_ =	sdelay $0x3  }
0x1a5: {  	v4 =	vshll.u32 v56, $0x3  }
0x1a6: {  	vm1 =	vlt.s32 v8, v20;
	v5 =	vand.u32 $0x7F, v56;
	v4 =	vand.u32 $0xFFFFFC00, v4  }
0x1a7: {  	v6 =	vld [tilespmem:s13+$0xFFFFFFF0];
	s0 =	sadd.s32 $0x10, s0;
	v30 =	vor.u32 v5, v4  }
0x1a8: {  	v4 =	vadd.s32 s0, v0  }
0x1a9: {  	v5 =	vand.u32 $0xFFFFFC00, v9;
	vm4 =	vlt.s32 v4, v20  }
0x1aa: {  	s14 =	rddreg [dreg:$0x1f];
	v31 =	vor.u32 v60, v5;
	v4 =	vld [tilespmem:s13+$0x0]  }
0x1ab: {  	v29 =	vld [tilespmem:s14+$0xFFFFFFF0]  }
0x1ac: {  	v5 =	vshll.u32 v6, $0x3;
	v7 =	vld.idx.msk [tilespmem:v30+s23+$0x0], vm1  }
0x1ad: {  	v6 =	vand.u32 $0x7F, v6;
	v5 =	vand.u32 $0xFFFFFC00, v5  }
0x1ae: {  	v19 =	vld [tilespmem:s14+$0x0];
	v28 =	vor.u32 v6, v5  }
0x1af: {  	v6 =	vor.u32 $0x80, v30;
	v8 =	vshll.u32 v4, $0x3;
	v5 =	vld.idx.msk [tilespmem:v31+s23+$0x0], vm4  }
0x1b0: {  	v4 =	vand.u32 $0x7F, v4;
	v8 =	vand.u32 $0xFFFFFC00, v8  }
0x1b1: {  	v34 =	vor.u32 v4, v8;
	v7 =	vmul.f32 v7, v29  }
0x1b2: {  	v4 =	vor.u32 $0x80, v31  }
0x1b3: {  	[tilespmem:v28+s4+$0x0] =	vst.idx.msk vm1, v7  }
0x1b4: {  	v5 =	vmul.f32 v5, v19;
	v6 =	vld.idx.msk [tilespmem:v6+s23+$0x0], vm1  }
0x1b5: {  	s6 =	sadd.s32 $0x20, s6  }
0x1b6: {  	s0 =	sadd.s32 $0x20, s15;
	v7 =	vld [tilespmem:s6+$0x0];
	[tilespmem:v34+s4+$0x0] =	vst.idx.msk vm4, v5;
	v5 =	vor.u32 $0x80, v28  }
0x1b7: {  	v10 =	vor.u32 $0x100, v30;
	p5 =	slt.s32 s0, s11;
	v4 =	vld.idx.msk [tilespmem:v4+s23+$0x0], vm4  }
.Ltmp9:
0x1b8: {  	_ = 	snop;
	(pc) =	sbr.rel @!p5 .LBB2_38-.Ltmp9, $4  }
0x1b9: {  	v6 =	vmul.f32 v6, v29  }
0x1ba: {  	vm0 =	vmmov vm4;
	v58 =	vor.u32 $0x100, v31  }
0x1bb: {  	v56 =	vld [tilespmem:s6+$0xFFFFFFF0];
	v55 =	vor.u32 $0x100, v28;
	v8 =	vadd.s32 s15, v0;
	v57 =	vor.u32 $0x80, v34;
	[tilespmem:v5+s4+$0x0] =	vst.idx.msk vm1, v6  }
0x1bc: {  	p2 =	por $0x1, $0x1;
	v60 =	vand.u32 $0x7F, v7;
	v9 =	vshll.u32 v7, $0x3;
	v5 =	vmul.f32 v4, v19;
	v59 =	vld.idx.msk [tilespmem:v10+s23+$0x0], vm1  }
0x1bd: {  	_ =	sdelay $0x2  }
0x1be: {  	vm3 =	vmmov vm1;
	v4 =	vshll.u32 v56, $0x3  }
0x1bf: {  	s13 =	sadd.s32 $0x20, s13;
	vm1 =	vlt.s32 v8, v20;
	v6 =	vand.u32 $0x7F, v56;
	v4 =	vand.u32 $0xFFFFFC00, v4  }
0x1c0: {  	s15 =	sadd.s32 $0x10, s15;
	v7 =	vld [tilespmem:s13+$0xFFFFFFF0];
	v38 =	vor.u32 v6, v4  }
0x1c1: {  	[tilespmem:v57+s4+$0x0] =	vst.idx.msk vm0, v5;
	v5 =	vor.u32 $0x180, v30;
	v4 =	vadd.s32 s15, v0  }
0x1c2: {  	s29 =	smov.u32 s14;
	v8 =	vld.idx.msk [tilespmem:v58+s23+$0x0], vm0;
	v6 =	vand.u32 $0xFFFFFC00, v9;
	vm4 =	vlt.s32 v4, v20  }
0x1c3: {  	s14 =	sadd.s32 $0x20, s29;
	v35 =	vor.u32 v60, v6;
	v4 =	vmul.f32 v59, v29;
	v6 =	vld [tilespmem:s13+$0x0]  }
0x1c4: {  	v33 =	vld [tilespmem:s14+$0xFFFFFFF0]  }
0x1c5: {  	v10 =	vshll.u32 v7, $0x3;
	[tilespmem:v55+s4+$0x0] =	vst.idx.msk vm3, v4;
	v32 =	vld.idx.msk [tilespmem:v38+s23+$0x0], vm1  }
0x1c6: {  	v9 =	vor.u32 $0x100, v34;
	v7 =	vand.u32 $0x7F, v7;
	v10 =	vand.u32 $0xFFFFFC00, v10;
	v5 =	vld.idx.msk [tilespmem:v5+s23+$0x0], vm3  }
0x1c7: {  	v41 =	vor.u32 $0x200, v30;
	v36 =	vld [tilespmem:s14+$0x0];
	v4 =	vor.u32 $0x180, v31;
	v37 =	vor.u32 v7, v10  }
0x1c8: {  	v39 =	vor.u32 $0x80, v38;
	v10 =	vor.u32 $0x180, v28;
	v40 =	vshll.u32 v6, $0x3;
	v7 =	vld.idx.msk [tilespmem:v35+s23+$0x0], vm4  }
0x1c9: {  	v8 =	vmul.f32 v8, v19;
	v6 =	vand.u32 $0x7F, v6;
	v40 =	vand.u32 $0xFFFFFC00, v40  }
0x1ca: {  	s6 =	sadd.s32 $0x20, s6;
	v42 =	vmul.f32 v32, v33;
	v32 =	vor.u32 v6, v40  }
0x1cb: {  	v49 =	vld [tilespmem:s6+$0x0];
	[tilespmem:v9+s4+$0x0] =	vst.idx.msk vm0, v8;
	v5 =	vmul.f32 v5, v29  }
0x1cc: {  	v4 =	vld.idx.msk [tilespmem:v4+s23+$0x0], vm0;
	v6 =	vor.u32 $0x80, v35;
	[tilespmem:v37+s4+$0x0] =	vst.idx.msk vm1, v42  }
0x1cd: {  	[tilespmem:v10+s4+$0x0] =	vst.idx.msk vm3, v5;
	v7 =	vmul.f32 v7, v36;
	v8 =	vld.idx.msk [tilespmem:v39+s23+$0x0], vm1  }
0x1ce: {  	v5 =	vor.u32 $0x180, v34;
	v9 =	vld.idx.msk [tilespmem:v41+s23+$0x0], vm3  }
0x1cf: {  	[tilespmem:v32+s4+$0x0] =	vst.idx.msk vm4, v7;
	v7 =	vor.u32 $0x80, v37  }
0x1d0: {  	vm5 =	vmmov vm0;
	v45 =	vor.u32 $0x200, v28;
	s15 =	sadd.s32 $0x20, s0;
	v10 =	vor.u32 $0x200, v31  }
0x1d1: {  	v44 =	vor.u32 $0x280, v30;
	v51 =	vor.u32 $0x100, v38;
	p5 =	slt.s32 s15, s11;
	v4 =	vmul.f32 v4, v19;
	v50 =	vld.idx.msk [tilespmem:v6+s23+$0x0], vm4  }
.Ltmp10:
0x1d2: {  	v43 =	vor.u32 $0x280, v31;
	v60 =	vand.u32 $0x7F, v49;
	v46 =	vmul.f32 v8, v33;
	(pc) =	sbr.rel @!p5 .LBB2_40-.Ltmp10, $4  }
0x1d3: {  	vm6 =	vmmov vm4;
	v58 =	vor.u32 $0x100, v35;
	[tilespmem:v5+s4+$0x0] =	vst.idx.msk vm0, v4;
	v47 =	vmul.f32 v9, v29  }
0x1d4: {  	v56 =	vld [tilespmem:s6+$0xFFFFFFF0];
	v55 =	vor.u32 $0x100, v37;
	v57 =	vor.u32 $0x80, v32;
	[tilespmem:v7+s4+$0x0] =	vst.idx.msk vm1, v46;
	v7 =	vimm.s32 $0x0  }
0x1d5: {  	v4 =	vor.u32 $0x280, v28;
	v6 =	vor.u32 $0x200, v34;
	v42 =	vld.idx.msk [tilespmem:v10+s23+$0x0], vm0;
	[tilespmem:v45+s4+$0x0] =	vst.idx.msk vm3, v47;
	v7 =	vsel vm5, $0xFFFFFFFF, v7  }
0x1d6: {  	p3 =	por $0x1, $0x1;
	v9 =	vshll.u32 v49, $0x3;
	v8 =	vadd.s32 s0, v0;
	v59 =	vld.idx.msk [tilespmem:v51+s23+$0x0], vm1;
	v5 =	vmul.f32 v50, v36;
	[tilespmem:$0x1FF10] =	vst v7  }
0x1d7: {  	_ =	sdelay $0x3  }
0x1d8: {  	vm9 =	vmmov vm1;
	vm1 =	vlt.s32 v8, v20;
	v7 =	vshll.u32 v56, $0x3  }
0x1d9: {  	s13 =	sadd.s32 $0x20, s13;
	v10 =	vld.idx.msk [tilespmem:v44+s23+$0x0], vm3;
	v40 =	vand.u32 $0x7F, v56;
	v39 =	vmul.f32 v42, v19;
	v7 =	vand.u32 $0xFFFFFC00, v7  }
0x1da: {  	v8 =	vld [tilespmem:s13+$0xFFFFFFF0];
	[tilespmem:v57+s4+$0x0] =	vst.idx.msk vm6, v5;
	v47 =	vor.u32 v40, v7  }
0x1db: {  	s0 =	sadd.s32 $0x10, s0;
	v5 =	vld.idx.msk [tilespmem:v58+s23+$0x0], vm6;
	v58 =	vor.u32 $0x180, v38;
	[tilespmem:v6+s4+$0x0] =	vst.idx.msk vm5, v39  }
0x1dc: {  	v7 =	vand.u32 $0xFFFFFC00, v9;
	v9 =	vadd.s32 s0, v0;
	v46 =	vmul.f32 v59, v33;
	v45 =	vld.idx.msk [tilespmem:v43+s23+$0x0], vm5  }
0x1dd: {  	s14 =	sadd.s32 $0x20, s14;
	v49 =	vld [tilespmem:s13+$0x0];
	v41 =	vor.u32 v60, v7;
	vm4 =	vlt.s32 v9, v20;
	v7 =	vor.u32 $0x300, v30  }
0x1de: {  	vm2 =	vmmov vm3;
	v48 =	vor.u32 $0x180, v35;
	v50 =	vld [tilespmem:s14+$0xFFFFFFF0];
	v9 =	vor.u32 $0x100, v32  }
0x1df: {  	v51 =	vor.u32 $0x280, v34;
	v10 =	vmul.f32 v10, v29;
	v52 =	vshll.u32 v8, $0x3;
	[tilespmem:v55+s4+$0x0] =	vst.idx.msk vm9, v46;
	v54 =	vld.idx.msk [tilespmem:v47+s23+$0x0], vm1  }
0x1e0: {  	v8 =	vand.u32 $0x7F, v8;
	v52 =	vand.u32 $0xFFFFFC00, v52;
	v40 =	vld.idx.msk [tilespmem:v58+s23+$0x0], vm9;
	v5 =	vmul.f32 v5, v36  }
0x1e1: {  	v53 =	vor.u32 $0x300, v31;
	v39 =	vld [tilespmem:s14+$0x0];
	[tilespmem:v4+s4+$0x0] =	vst.idx.msk vm3, v10;
	v10 =	vmul.f32 v45, v19;
	v45 =	vor.u32 v8, v52  }
0x1e2: {  	v62 =	vor.u32 $0x200, v38;
	v61 =	vshll.u32 v49, $0x3;
	v7 =	vld.idx.msk [tilespmem:v7+s23+$0x0], vm3;
	v8 =	vor.u32 $0x180, v37  }
0x1e3: {  	v12 =	vor.u32 $0x380, v30;
	v63 =	vand.u32 $0xFFFFFC00, v61;
	[tilespmem:v9+s4+$0x0] =	vst.idx.msk vm6, v5;
	v9 =	vor.u32 $0x80, v47;
	v60 =	vld.idx.msk [tilespmem:v41+s23+$0x0], vm4  }
0x1e4: {  	s6 =	sadd.s32 $0x20, s6;
	v5 =	vor.u32 $0x300, v28;
	v48 =	vld.idx.msk [tilespmem:v48+s23+$0x0], vm6;
	[tilespmem:v51+s4+$0x0] =	vst.idx.msk vm0, v10;
	v10 =	vand.u32 $0x7F, v49;
	v14 =	vmul.f32 v54, v50  }
0x1e5: {  	vm8 =	vmmov vm6;
	v56 =	vld [tilespmem:s6+$0xFFFFFFF0];
	v40 =	vmul.f32 v40, v33;
	v49 =	vor.u32 v10, v63  }
0x1e6: {  	vm7 =	vmmov vm5;
	v13 =	vld.idx.msk [tilespmem:v53+s23+$0x0], vm0;
	v10 =	vor.u32 $0x80, v41;
	v53 =	vor.u32 $0x180, v32;
	[tilespmem:v45+s4+$0x0] =	vst.idx.msk vm1, v14  }
0x1e7: {  	vm11 =	vmmov vm6;
	v59 =	vld [tilespmem:s6+$0x0];
	v7 =	vmul.f32 v7, v29;
	[tilespmem:v8+s4+$0x0] =	vst.idx.msk vm9, v40;
	v8 =	vor.u32 $0x200, v35  }
0x1e8: {  	v11 =	vor.u32 $0x100, v47;
	vm10 =	vmmov vm4;
	v46 =	vmul.f32 v60, v39;
	v9 =	vld.idx.msk [tilespmem:v9+s23+$0x0], vm1  }
0x1e9: {  	v58 =	vor.u32 $0x100, v41;
	v40 =	vor.u32 $0x300, v34;
	v48 =	vmul.f32 v48, v36;
	v54 =	vld.idx.msk [tilespmem:v62+s23+$0x0], vm9;
	[tilespmem:v5+s4+$0x0] =	vst.idx.msk vm2, v7  }
0x1ea: {  	s0 =	sadd.s32 $0x20, s15;
	v61 =	vor.u32 $0x280, v35;
	v55 =	vor.u32 $0x80, v45;
	v5 =	vor.u32 $0x380, v31;
	v7 =	vld.idx.msk [tilespmem:v12+s23+$0x0], vm2;
	[tilespmem:v49+s4+$0x0] =	vst.idx.msk vm4, v46  }
0x1eb: {  	p5 =	slt.s32 s0, s11;
	vm13 =	vmmov vm10;
	vm12 =	vmmov vm10;
	v12 =	vor.u32 $0x200, v37;
	[tilespmem:v53+s4+$0x0] =	vst.idx.msk vm6, v48;
	v10 =	vld.idx.msk [tilespmem:v10+s23+$0x0], vm4  }
.Ltmp11:
0x1ec: {  	v52 =	vor.u32 $0x380, v28;
	v51 =	vor.u32 $0x380, v34;
	v46 =	vmul.f32 v13, v19;
	v62 =	vld.idx.msk [tilespmem:v8+s23+$0x0], vm6;
	(pc) =	sbr.rel @!p5 .LBB2_42-.Ltmp11, $4  }
0x1ed: {  	v63 =	vor.u32 $0x280, v38;
	v57 =	vor.u32 $0x80, v49;
	v9 =	vmul.f32 v9, v50  }
0x1ee: {  	v60 =	vand.u32 $0x7F, v59;
	v48 =	vmovc v19;
	[tilespmem:v40+s4+$0x0] =	vst.idx.msk vm5, v46;
	v40 =	vor.u32 $0x280, v37;
	v15 =	vmul.f32 v54, v33  }
0x1ef: {  	v46 =	vor.u32 $0x200, v32;
	v8 =	vadd.s32 s15, v0;
	v54 =	vld.idx.msk [tilespmem:v5+s23+$0x0], vm5;
	v53 =	vmul.f32 v7, v29;
	[tilespmem:v55+s4+$0x0] =	vst.idx.msk vm1, v9  }
0x1f0: {  	p4 =	por $0x1, $0x1;
	v55 =	vor.u32 $0x100, v45;
	v9 =	vshll.u32 v59, $0x3;
	[tilespmem:v12+s4+$0x0] =	vst.idx.msk vm9, v15;
	v59 =	vld.idx.msk [tilespmem:v11+s23+$0x0], vm1;
	v5 =	vmul.f32 v10, v39  }
.LBB2_43:
0x1f1: {  	vm14 =	vmmov vm4;
	v10 =	vshll.u32 v56, $0x3;
	v12 =	vmul.f32 v62, v36  }
0x1f2: {  	v9 =	vand.u32 $0xFFFFFC00, v9;
	s13 =	sadd.s32 $0x20, s13;
	v7 =	vmovc v50;
	s29 =	smov.u32 s0;
	s0 =	sadd.s32 $0x20, s0;
	v11 =	vld.idx.msk [tilespmem:v63+s23+$0x0], vm9;
	[tilespmem:v52+s4+$0x0] =	vst.idx.msk vm2, v53;
	vm2 =	vmmov vm9;
	vm9 =	vmmov vm1  }
0x1f3: {  	v50 =	vand.u32 $0x7F, v56;
	p5 =	slt.s32 s0, s11;
	vm1 =	vlt.s32 v8, v20;
	v10 =	vand.u32 $0xFFFFFC00, v10;
	v8 =	vld [tilespmem:s13+$0xFFFFFFF0];
	[tilespmem:v57+s4+$0x0] =	vst.idx.msk vm10, v5  }
0x1f4: {  	s30 =	sadd.s32 $0x10, s15;
	v9 =	vor.u32 v60, v9;
	s15 =	smov.u32 s29;
	v5 =	vor.u32 v50, v10;
	v10 =	vld.idx.msk [tilespmem:v58+s23+$0x0], vm10;
	[tilespmem:v46+s4+$0x0] =	vst.idx.msk vm8, v12  }
0x1f5: {  	s14 =	sadd.s32 $0x20, s14;
	v53 =	vmul.f32 v54, v48;
	v48 =	vmovc v36;
	v36 =	vmovc v39;
	v12 =	vadd.s32 s30, v0;
	v46 =	vor.u32 $0x180, v47;
	v52 =	vld.idx.msk [tilespmem:v61+s23+$0x0], vm8  }
0x1f6: {  	v54 =	vor.u32 $0x300, v38;
	vm4 =	vlt.s32 v12, v20;
	v12 =	vor.u32 $0x100, v49;
	v39 =	vld [tilespmem:s14+$0x0]  }
0x1f7: {  	v57 =	vor.u32 $0x180, v41;
	v58 =	vor.u32 $0x280, v32;
	v56 =	vmul.f32 v59, v7;
	v50 =	vld [tilespmem:s14+$0xFFFFFFF0];
	[tilespmem:v51+s4+$0x0] =	vst.idx.msk vm7, v53  }
0x1f8: {  	v59 =	vor.u32 $0x300, v35;
	v11 =	vmul.f32 v11, v33;
	v51 =	vshll.u32 v8, $0x3;
	v53 =	vld [tilespmem:s13+$0x0]  }
0x1f9: {  	vm7 =	vmmov vm8;
	vm8 =	vmmov vm10;
	v60 =	vld.idx.msk [tilespmem:v5+s23+$0x0], vm1;
	v51 =	vand.u32 $0xFFFFFC00, v51;
	[tilespmem:v55+s4+$0x0] =	vst.idx.msk vm9, v56  }
0x1fa: {  	vm10 =	vmmov vm4;
	v10 =	vmul.f32 v10, v36;
	v46 =	vld.idx.msk [tilespmem:v46+s23+$0x0], vm9;
	[tilespmem:v40+s4+$0x0] =	vst.idx.msk vm2, v11  }
0x1fb: {  	v8 =	vand.u32 $0x7F, v8;
	v40 =	vor.u32 $0x380, v38;
	v52 =	vmul.f32 v52, v48;
	v38 =	vmovc v47;
	v47 =	vmovc v5;
	v11 =	vld.idx.msk [tilespmem:v54+s23+$0x0], vm2  }
0x1fc: {  	v5 =	vor.u32 v8, v51;
	v51 =	vor.u32 $0x180, v45;
	v8 =	vld.idx.msk [tilespmem:v9+s23+$0x0], vm4;
	[tilespmem:v12+s4+$0x0] =	vst.idx.msk vm13, v10;
	v10 =	vor.u32 $0x300, v37  }
0x1fd: {  	v55 =	vor.u32 $0x200, v38;
	v12 =	vor.u32 $0x80, v47;
	v54 =	vshll.u32 v53, $0x3;
	v57 =	vld.idx.msk [tilespmem:v57+s23+$0x0], vm12;
	[tilespmem:v58+s4+$0x0] =	vst.idx.msk vm6, v52  }
0x1fe: {  	v52 =	vand.u32 $0x7F, v53;
	v53 =	vand.u32 $0xFFFFFC00, v54;
	v54 =	vor.u32 $0x180, v49;
	v58 =	vld.idx.msk [tilespmem:v59+s23+$0x0], vm11  }
0x1ff: {  	s6 =	sadd.s32 $0x20, s6;
	v59 =	vmul.f32 v60, v50;
	v53 =	vor.u32 v52, v53;
	v52 =	vor.u32 $0x80, v9  }
0x200: {  	v61 =	vor.u32 $0x300, v32;
	v60 =	vor.u32 $0x200, v41;
	v46 =	vmul.f32 v46, v7;
	v56 =	vld [tilespmem:s6+$0xFFFFFFF0]  }
0x201: {  	v11 =	vmul.f32 v11, v33;
	v13 =	vld [tilespmem:s6+$0x0];
	[tilespmem:v5+s4+$0x0] =	vst.idx.msk vm1, v59;
	v59 =	vor.u32 $0x380, v35;
	v35 =	vmovc v41;
	v41 =	vmov v9  }
0x202: {  	vm6 =	vmmov vm14;
	vm11 =	vmmov vm14;
	v8 =	vmul.f32 v8, v39;
	v9 =	vld.idx.msk [tilespmem:v12+s23+$0x0], vm1;
	[tilespmem:v51+s4+$0x0] =	vst.idx.msk vm9, v46  }
0x203: {  	vm13 =	vmmov vm4;
	vm12 =	vmmov vm4;
	v46 =	vmul.f32 v57, v36;
	v12 =	vld.idx.msk [tilespmem:v55+s23+$0x0], vm9;
	[tilespmem:v10+s4+$0x0] =	vst.idx.msk vm2, v11  }
0x204: {  	[tilespmem:v53+s4+$0x0] =	vst.idx.msk vm10, v8;
	v10 =	vld.idx.msk [tilespmem:v40+s23+$0x0], vm2;
	v8 =	vmul.f32 v58, v48  }
0x205: {  	v11 =	vor.u32 $0x80, v5;
	v14 =	vld.idx.msk [tilespmem:v52+s23+$0x0], vm10;
	[tilespmem:v54+s4+$0x0] =	vst.idx.msk vm8, v46  }
0x206: {  	v16 =	vor.u32 $0x200, v45;
	v15 =	vor.u32 $0x100, v47;
	v51 =	vor.u32 $0x380, v32;
	v32 =	vmovc v49;
	v62 =	vld.idx.msk [tilespmem:v60+s23+$0x0], vm8;
	[tilespmem:v61+s4+$0x0] =	vst.idx.msk vm7, v8  }
.Ltmp12:
0x207: {  	v63 =	vor.u32 $0x280, v38;
	v57 =	vor.u32 $0x80, v53;
	v52 =	vor.u32 $0x380, v37;
	v37 =	vmovc v45;
	v45 =	vmovc v5;
	v54 =	vld.idx.msk [tilespmem:v59+s23+$0x0], vm7;
	(pc) =	sbr.rel @p5 .LBB2_43-.Ltmp12, $4  }
0x208: {  	v49 =	vmovc v53;
	v58 =	vor.u32 $0x100, v41;
	v61 =	vor.u32 $0x280, v35;
	v5 =	vmul.f32 v9, v50  }
0x209: {  	v46 =	vor.u32 $0x200, v32;
	v40 =	vor.u32 $0x280, v37;
	v12 =	vmul.f32 v12, v7  }
0x20a: {  	v8 =	vadd.s32 s15, v0;
	v55 =	vor.u32 $0x100, v45;
	v53 =	vmul.f32 v10, v33;
	v33 =	vmovc v7;
	[tilespmem:v11+s4+$0x0] =	vst.idx.msk vm1, v5  }
0x20b: {  	v60 =	vand.u32 $0x7F, v13;
	v9 =	vshll.u32 v13, $0x3;
	v5 =	vmul.f32 v14, v39;
	v59 =	vld.idx.msk [tilespmem:v15+s23+$0x0], vm1;
	[tilespmem:v16+s4+$0x0] =	vst.idx.msk vm9, v12  }
0x20c: {  	v7 =	vmov v36;
	v36 =	vmov v39;
	s30 =	simm.s32 $0x0  }
.LBB2_45:
0x20d: {  	s0 =	sadd.s32 @p2 $0x20, s13;
	s6 =	rddreg [dreg:$0x1e];
	v10 =	vshll.u32 v56, $0x3;
	vm15 =	vlt.s32 v8, v20;
	s29 =	sadd.s32 $0x10, s15  }
0x20e: {  	v39 =	vand.u32 $0x7F, v56;
	s6 =	smov.u32 @p2 s0;
	v10 =	vand.u32 $0xFFFFFC00, v10;
	v12 =	vadd.s32 s29, v0  }
0x20f: {  	v9 =	vand.u32 $0xFFFFFC00, v9;
	v11 =	vld [tilespmem:s6+$0xFFFFFFF0];
	v10 =	vor.u32 v39, v10;
	vm5 =	vlt.s32 v12, v20  }
0x210: {  	s13 =	rddreg [dreg:$0x1f];
	v60 =	vor.u32 v60, v9;
	s0 =	sadd.s32 @p2 $0x20, s14;
	v56 =	vld [tilespmem:s6+$0x0]  }
0x211: {  	s13 =	smov.u32 @p2 s0  }
0x212: {  	v8 =	vld [tilespmem:s13+$0x0]  }
0x213: {  	v9 =	vld [tilespmem:s13+$0xFFFFFFF0]  }
0x214: {  	v13 =	vshll.u32 v11, $0x3;
	v14 =	vld.idx.msk [tilespmem:v10+s23+$0x0], vm15  }
0x215: {  	v11 =	vand.u32 $0x7F, v11;
	v16 =	vshll.u32 v56, $0x3;
	v13 =	vand.u32 $0xFFFFFC00, v13;
	v15 =	vld.idx.msk [tilespmem:v60+s23+$0x0], vm5  }
0x216: {  	v39 =	vor.u32 v11, v13;
	v11 =	vand.u32 $0x7F, v56;
	v56 =	vand.u32 $0xFFFFFC00, v16  }
0x217: {  	v13 =	vor.u32 $0x80, v10;
	v56 =	vor.u32 v11, v56  }
0x218: {  	v11 =	vor.u32 $0x80, v60  }
0x219: {  	v12 =	vmul.f32 v14, v9  }
0x21a: {  	v14 =	vmul.f32 v15, v8  }
0x21b: {  	[tilespmem:v39+s4+$0x0] =	vst.idx.msk vm15, v12  }
0x21c: {  	v12 =	vld.idx.msk [tilespmem:v13+s23+$0x0], vm15;
	[tilespmem:v56+s4+$0x0] =	vst.idx.msk vm5, v14  }
0x21d: {  	v11 =	vld.idx.msk [tilespmem:v11+s23+$0x0], vm5  }
0x21e: {  	vm14 =	vmmov vm5;
	v13 =	vor.u32 $0x80, v39  }
0x21f: {  	v15 =	vor.u32 $0x80, v56;
	v14 =	vor.u32 $0x100, v10  }
0x220: {  	[tilespmem:v57+s4+$0x0] =	vst.idx.msk @p2 vm10, v5;
	v5 =	vor.u32 $0x100, v60  }
0x221: {  	v16 =	vld.idx.msk @p2 [tilespmem:v58+s23+$0x0], vm10;
	vm5 =	vmmov @p2 vm1;
	v12 =	vmul.f32 v12, v9  }
0x222: {  	v11 =	vmul.f32 v11, v8  }
0x223: {  	[tilespmem:v13+s4+$0x0] =	vst.idx.msk vm15, v12;
	v12 =	vor.u32 @p2 $0x180, v47;
	v13 =	vor.u32 @p2 $0x100, v49  }
0x224: {  	[tilespmem:v15+s4+$0x0] =	vst.idx.msk vm14, v11;
	v11 =	vor.u32 @p2 $0x180, v41;
	v14 =	vld.idx.msk [tilespmem:v14+s23+$0x0], vm15  }
0x225: {  	v15 =	vmov @p2 v36;
	v36 =	vmul.f32 @p2 v59, v50;
	vm15 =	vmmov vm15;
	v5 =	vld.idx.msk [tilespmem:v5+s23+$0x0], vm14  }
0x226: {  	v57 =	vor.u32 $0x100, v39;
	v16 =	vmul.f32 @p2 v16, v15  }
0x227: {  	[tilespmem:v55+s4+$0x0] =	vst.idx.msk @p2 vm5, v36;
	v36 =	vor.u32 $0x180, v10;
	v55 =	vor.u32 $0x100, v56  }
0x228: {  	[tilespmem:v13+s4+$0x0] =	vst.idx.msk @p2 vm13, v16;
	v12 =	vld.idx.msk @p2 [tilespmem:v12+s23+$0x0], vm5  }
0x229: {  	v11 =	vld.idx.msk @p2 [tilespmem:v11+s23+$0x0], vm12;
	v14 =	vmul.f32 v14, v9  }
0x22a: {  	v16 =	vld.idx.msk @p3 [tilespmem:v63+s23+$0x0], vm9;
	v5 =	vmul.f32 v5, v8  }
0x22b: {  	v58 =	vor.u32 @p2 $0x180, v45;
	vm1 =	vmmov @p3 vm9;
	[tilespmem:v57+s4+$0x0] =	vst.idx.msk vm15, v14  }
0x22c: {  	vm10 =	vmmov @p2 vm10;
	[tilespmem:v55+s4+$0x0] =	vst.idx.msk vm14, v5;
	v5 =	vmul.f32 @p3 v62, v7;
	v36 =	vld.idx.msk [tilespmem:v36+s23+$0x0], vm15  }
0x22d: {  	v13 =	vor.u32 $0x180, v60;
	v57 =	vor.u32 @p2 $0x180, v49  }
0x22e: {  	v12 =	vmul.f32 @p2 v12, v50;
	[tilespmem:v46+s4+$0x0] =	vst.idx.msk @p3 vm8, v5;
	v5 =	vmul.f32 @p2 v11, v15;
	v11 =	vor.u32 $0x180, v39  }
0x22f: {  	v16 =	vmul.f32 @p3 v16, v33  }
0x230: {  	[tilespmem:v58+s4+$0x0] =	vst.idx.msk @p2 vm5, v12  }
0x231: {  	[tilespmem:v40+s4+$0x0] =	vst.idx.msk @p3 vm1, v16;
	v36 =	vmul.f32 v36, v9  }
0x232: {  	v14 =	vor.u32 @p2 $0x200, v47;
	[tilespmem:v57+s4+$0x0] =	vst.idx.msk @p2 vm10, v5  }
0x233: {  	v55 =	vor.u32 @p2 $0x200, v41;
	v13 =	vld.idx.msk [tilespmem:v13+s23+$0x0], vm14;
	[tilespmem:v11+s4+$0x0] =	vst.idx.msk vm15, v36  }
0x234: {  	v17 =	vld [tilespmem:$0x1FF10]  }
0x235: {  	vm9 =	vmmov vm14;
	v62 =	vor.u32 $0x200, v10  }
0x236: {  	v30 =	vpsel p2, v47, v30;
	v46 =	vor.u32 $0x180, v56  }
0x237: {  	v34 =	vpsel p2, v49, v34;
	v63 =	vor.u32 $0x200, v60;
	v5 =	vld.idx.msk @p2 [tilespmem:v14+s23+$0x0], vm5;
	v36 =	vor.u32 @p2 $0x200, v49  }
0x238: {  	vm3 =	vmmov @p2 vm5;
	v15 =	vpsel p2, v15, v19;
	v12 =	vor.u32 @p3 $0x300, v38;
	v16 =	vld.idx.msk @p2 [tilespmem:v55+s23+$0x0], vm10  }
0x239: {  	v13 =	vmul.f32 v13, v8;
	v11 =	vor.u32 @p2 $0x200, v45;
	vm12 =	vnez.u8 v17  }
0x23a: {  	v40 =	vor.u32 @p2 $0x280, v47;
	v6 =	vpsel p2, v36, v6;
	v14 =	vld.idx.msk [tilespmem:v62+s23+$0x0], vm15;
	v36 =	vmovc @p2 v41;
	vm12 =	vmmov @p2 vm10  }
0x23b: {  	vm13 =	vmmov vm15;
	v57 =	vld.idx.msk @p3 [tilespmem:v61+s23+$0x0], vm8;
	v40 =	vpsel p2, v40, v44;
	[tilespmem:v46+s4+$0x0] =	vst.idx.msk vm9, v13;
	v19 =	vor.u32 @p2 $0x280, v36  }
0x23c: {  	v44 =	vor.u32 @p3 $0x280, v32;
	v5 =	vmul.f32 @p2 v5, v50;
	v59 =	vld.idx.msk [tilespmem:v63+s23+$0x0], vm9;
	v19 =	vpsel p2, v19, v43  }
0x23d: {  	v61 =	vor.u32 $0x200, v39;
	v13 =	vor.u32 @p3 $0x300, v35;
	v16 =	vpsel p2, v16, v42  }
0x23e: {  	v62 =	vor.u32 $0x200, v56;
	v16 =	vmul.f32 @p2 v16, v15;
	[tilespmem:v11+s4+$0x0] =	vst.idx.msk @p2 vm5, v5;
	v5 =	vor.u32 $0x280, v10  }
0x23f: {  	v12 =	vld.idx.msk @p3 [tilespmem:v12+s23+$0x0], vm1;
	v46 =	vor.u32 @p3 $0x300, v37;
	v63 =	vor.u32 $0x280, v60;
	v14 =	vmul.f32 v14, v9  }
0x240: {  	v42 =	vmul.f32 @p3 v57, v7;
	vm5 =	vmmov @p2 vm4;
	vm4 =	vmmov @p2 vm3;
	v40 =	vld.idx.msk @p2 [tilespmem:v40+s23+$0x0], vm3;
	[tilespmem:v6+s4+$0x0] =	vst.idx.msk @p2 vm12, v16  }
0x241: {  	vm10 =	vmmov vm0;
	v41 =	vmul.f32 v59, v8;
	v16 =	vor.u32 @p2 $0x280, v45;
	v19 =	vld.idx.msk @p2 [tilespmem:v19+s23+$0x0], vm12  }
0x242: {  	v31 =	vpsel p2, v36, v31;
	vm10 =	vmmov @p2 vm5;
	[tilespmem:v61+s4+$0x0] =	vst.idx.msk vm15, v14;
	v4 =	vpsel p2, v16, v4  }
0x243: {  	v36 =	vor.u32 @p2 $0x280, v34;
	vm0 =	vmmov @p2 vm5;
	[tilespmem:v62+s4+$0x0] =	vst.idx.msk vm9, v41;
	v14 =	vmovc @p2 v50;
	v5 =	vld.idx.msk [tilespmem:v5+s23+$0x0], vm15;
	v16 =	vor.u32 @p2 $0x300, v30  }
0x244: {  	v12 =	vmul.f32 @p3 v12, v33;
	v11 =	vpsel p2, v14, v29;
	v14 =	vor.u32 @p2 $0x300, v31;
	v6 =	vld.idx.msk [tilespmem:v63+s23+$0x0], vm9  }
0x245: {  	v55 =	vor.u32 $0x280, v39;
	[tilespmem:v44+s4+$0x0] =	vst.idx.msk @p3 vm6, v42;
	v29 =	vmul.f32 @p2 v40, v11  }
0x246: {  	v57 =	vor.u32 $0x280, v56;
	[tilespmem:v46+s4+$0x0] =	vst.idx.msk @p3 vm1, v12;
	v12 =	vmul.f32 @p2 v19, v15;
	v19 =	vor.u32 $0x300, v10  }
0x247: {  	v28 =	vpsel p2, v45, v28;
	v13 =	vld.idx.msk @p3 [tilespmem:v13+s23+$0x0], vm11;
	[tilespmem:v4+s4+$0x0] =	vst.idx.msk @p2 vm4, v29;
	v4 =	vor.u32 $0x300, v60  }
0x248: {  	v38 =	vor.u32 @p3 $0x380, v38;
	vm6 =	vmmov @p3 vm8;
	v5 =	vmul.f32 v5, v9;
	v16 =	vld.idx.msk @p2 [tilespmem:v16+s23+$0x0], vm4;
	[tilespmem:v36+s4+$0x0] =	vst.idx.msk @p2 vm10, v12  }
0x249: {  	v58 =	vor.u32 $0x300, v39;
	[tilespmem:v52+s4+$0x0] =	vst.idx.msk @p4 vm2, v53;
	v6 =	vmul.f32 v6, v8;
	v12 =	vor.u32 @p3 $0x300, v32;
	v14 =	vld.idx.msk @p2 [tilespmem:v14+s23+$0x0], vm0  }
0x24a: {  	vm5 =	vmmov @p2 vm12;
	[tilespmem:v55+s4+$0x0] =	vst.idx.msk vm13, v5;
	v29 =	vor.u32 @p3 $0x380, v35;
	v35 =	vor.u32 @p2 $0x300, v28  }
0x24b: {  	vm2 =	vmmov @p3 vm6;
	v30 =	vor.u32 @p2 $0x380, v30;
	[tilespmem:v57+s4+$0x0] =	vst.idx.msk vm14, v6;
	v36 =	vor.u32 @p2 $0x300, v34;
	v19 =	vld.idx.msk [tilespmem:v19+s23+$0x0], vm13  }
0x24c: {  	v59 =	vor.u32 $0x300, v56;
	v31 =	vor.u32 @p2 $0x380, v31;
	v6 =	vmul.f32 @p3 v13, v7;
	v4 =	vld.idx.msk [tilespmem:v4+s23+$0x0], vm14  }
0x24d: {  	v38 =	vld.idx.msk @p3 [tilespmem:v38+s23+$0x0], vm1;
	vm1 =	vmmov @p3 vm1;
	vm15 =	vmmov vm9;
	v16 =	vmul.f32 @p2 v16, v11  }
0x24e: {  	v62 =	vor.u32 $0x380, v39;
	v10 =	vor.u32 $0x380, v10;
	[tilespmem:v12+s4+$0x0] =	vst.idx.msk @p3 vm6, v6;
	v6 =	vmul.f32 @p2 v14, v15  }
0x24f: {  	v5 =	vmul.f32 @p4 v54, v48;
	v28 =	vor.u32 @p2 $0x380, v28;
	v29 =	vld.idx.msk @p3 [tilespmem:v29+s23+$0x0], vm6;
	[tilespmem:v35+s4+$0x0] =	vst.idx.msk @p2 vm4, v16;
	v16 =	vor.u32 $0x380, v60  }
0x250: {  	v14 =	vor.u32 @p3 $0x380, v32;
	v32 =	vor.u32 @p3 $0x380, v37;
	v30 =	vld.idx.msk @p2 [tilespmem:v30+s23+$0x0], vm4;
	[tilespmem:v36+s4+$0x0] =	vst.idx.msk @p2 vm5, v6;
	v61 =	vmul.f32 v19, v9  }
0x251: {  	[tilespmem:v51+s4+$0x0] =	vst.idx.msk @p4 vm7, v5;
	v19 =	vpsel p3, v32, v0;
	v4 =	vmul.f32 v4, v8;
	v31 =	vld.idx.msk @p2 [tilespmem:v31+s23+$0x0], vm5  }
0x252: {  	v13 =	vmul.f32 @p3 v38, v33;
	v14 =	vpsel p3, v14, v0;
	vm4 =	vmmov @p2 vm4;
	[tilespmem:v58+s4+$0x0] =	vst.idx.msk vm13, v61  }
0x253: {  	v28 =	vpsel p2, v28, v0;
	v6 =	vor.u32 @p2 $0x380, v34;
	vm5 =	vmmov @p2 vm5;
	[tilespmem:v59+s4+$0x0] =	vst.idx.msk vm15, v4;
	v10 =	vld.idx.msk [tilespmem:v10+s23+$0x0], vm13  }
0x254: {  	v6 =	vpsel p2, v6, v0;
	v4 =	vpsel p3, v7, v0;
	v7 =	vpsel p3, v29, v0;
	v12 =	vld.idx.msk [tilespmem:v16+s23+$0x0], vm15  }
0x255: {  	v13 =	vpsel p3, v13, v0;
	v4 =	vmul.f32 @p3 v7, v4;
	v5 =	vmul.f32 @p2 v30, v11  }
0x256: {  	v63 =	vor.u32 $0x380, v56;
	v11 =	vpsel p2, v15, v0;
	[tilespmem:v19+s4+$0x0] =	vst.idx.msk @p3 vm1, v13;
	v13 =	vpsel p2, v31, v0  }
0x257: {  	[tilespmem:v14+s4+$0x0] =	vst.idx.msk @p3 vm2, v4;
	v4 =	vpsel p2, v5, v0;
	v5 =	vmul.f32 @p2 v13, v11  }
0x258: {  	[tilespmem:v28+s4+$0x0] =	vst.idx.msk @p2 vm4, v4;
	v4 =	vmul.f32 v10, v9  }
0x259: {  	[tilespmem:v6+s4+$0x0] =	vst.idx.msk @p2 vm5, v5;
	v5 =	vmul.f32 v12, v8  }
0x25a: {  	[tilespmem:v62+s4+$0x0] =	vst.idx.msk vm13, v4  }
0x25b: {  	[tilespmem:v63+s4+$0x0] =	vst.idx.msk vm15, v5  }
.LBB2_9:
0x25c: {  	s15 =	sld [smem:$0x7F2];
	_ =	sdelay $0x2  }
0x25d: {  	p2 =	seq.s32 s15, $0x1  }
.Ltmp13:
0x25e: {  	_ = 	snop;
	(pc) =	sbr.rel @p2 .LBB2_11-.Ltmp13, $4  }
0x25f: {  	_ = 	snop  }
0x260: {  	s0 =	sld [smem:$0x7C2]  }
0x261: {  	s6 =	sld [smem:$0x7C1]  }
0x262: {  	s13 =	sld [smem:$0x7C0];
	s14 =	smov.u32 s11  }
.LBB2_10:
0x263: {  	v4 =	vld [tilespmem:s0+$0x0];
	_ =	sdelay $0x4  }
0x264: {  	v5 =	vadd.s32 s14, v0;
	v6 =	vshll.u32 v4, $0x3  }
0x265: {  	vm0 =	vlt.s32 v5, v20;
	v4 =	vand.u32 $0x7F, v4;
	v5 =	vand.u32 $0xFFFFFC00, v6  }
0x266: {  	v52 =	vld [tilespmem:s6+$0x0];
	v4 =	vor.u32 v4, v5;
	_ =	sdelay $0x3  }
0x267: {  	v5 =	vld [tilespmem:s13+$0x0]  }
0x268: {  	v8 =	vshll.u32 v52, $0x3;
	v7 =	vld.idx.msk [tilespmem:v4+s23+$0x0], vm0  }
0x269: {  	v6 =	vand.u32 $0x7F, v52;
	v8 =	vand.u32 $0xFFFFFC00, v8  }
0x26a: {  	v6 =	vor.u32 v6, v8  }
0x26b: {  	v53 =	vor.u32 $0x80, v4;
	_ =	sdelay $0x1  }
0x26c: {  	v7 =	vmul.f32 v7, v5;
	_ =	sdelay $0x1  }
0x26d: {  	[tilespmem:v6+s4+$0x0] =	vst.idx.msk vm0, v7  }
0x26e: {  	v7 =	vld.idx.msk [tilespmem:v53+s23+$0x0], vm0;
	_ =	sdelay $0x1  }
0x26f: {  	v54 =	vor.u32 $0x80, v6  }
0x270: {  	v9 =	vor.u32 $0x100, v4;
	_ =	sdelay $0x1  }
0x271: {  	v7 =	vmul.f32 v7, v5;
	_ =	sdelay $0x1  }
0x272: {  	[tilespmem:v54+s4+$0x0] =	vst.idx.msk vm0, v7  }
0x273: {  	v7 =	vld.idx.msk [tilespmem:v9+s23+$0x0], vm0;
	_ =	sdelay $0x1  }
0x274: {  	v55 =	vor.u32 $0x100, v6  }
0x275: {  	v56 =	vor.u32 $0x180, v4;
	_ =	sdelay $0x1  }
0x276: {  	v7 =	vmul.f32 v7, v5;
	_ =	sdelay $0x1  }
0x277: {  	[tilespmem:v55+s4+$0x0] =	vst.idx.msk vm0, v7  }
0x278: {  	v7 =	vld.idx.msk [tilespmem:v56+s23+$0x0], vm0;
	_ =	sdelay $0x1  }
0x279: {  	v57 =	vor.u32 $0x180, v6  }
0x27a: {  	v58 =	vor.u32 $0x200, v4;
	_ =	sdelay $0x1  }
0x27b: {  	v7 =	vmul.f32 v7, v5;
	_ =	sdelay $0x1  }
0x27c: {  	[tilespmem:v57+s4+$0x0] =	vst.idx.msk vm0, v7  }
0x27d: {  	v7 =	vld.idx.msk [tilespmem:v58+s23+$0x0], vm0;
	_ =	sdelay $0x1  }
0x27e: {  	v59 =	vor.u32 $0x200, v6  }
0x27f: {  	v60 =	vor.u32 $0x280, v4;
	_ =	sdelay $0x1  }
0x280: {  	v7 =	vmul.f32 v7, v5;
	_ =	sdelay $0x1  }
0x281: {  	[tilespmem:v59+s4+$0x0] =	vst.idx.msk vm0, v7  }
0x282: {  	v7 =	vld.idx.msk [tilespmem:v60+s23+$0x0], vm0;
	_ =	sdelay $0x1  }
0x283: {  	v61 =	vor.u32 $0x280, v6  }
0x284: {  	v62 =	vor.u32 $0x300, v4;
	_ =	sdelay $0x1  }
0x285: {  	v7 =	vmul.f32 v7, v5;
	_ =	sdelay $0x1  }
0x286: {  	[tilespmem:v61+s4+$0x0] =	vst.idx.msk vm0, v7  }
0x287: {  	v7 =	vld.idx.msk [tilespmem:v62+s23+$0x0], vm0;
	_ =	sdelay $0x1  }
0x288: {  	v63 =	vor.u32 $0x300, v6  }
0x289: {  	v4 =	vor.u32 $0x380, v4;
	_ =	sdelay $0x1  }
0x28a: {  	v7 =	vmul.f32 v7, v5;
	_ =	sdelay $0x1  }
0x28b: {  	[tilespmem:v63+s4+$0x0] =	vst.idx.msk vm0, v7  }
0x28c: {  	v4 =	vld.idx.msk [tilespmem:v4+s23+$0x0], vm0  }
0x28d: {  	s14 =	sadd.s32 $0x10, s14  }
0x28e: {  	p2 =	slt.s32 s14, s17;
	v6 =	vor.u32 $0x380, v6  }
.Ltmp14:
0x28f: {  	_ = 	snop;
	(pc) =	sbr.rel @p2 .LBB2_10-.Ltmp14, $3  }
0x290: {  	_ = 	snop  }
0x291: {  	v4 =	vmul.f32 v4, v5;
	_ =	sdelay $0x1  }
0x292: {  	s6 =	sadd.s32 $0x10, s6;
	s0 =	sadd.s32 $0x10, s0;
	s13 =	sadd.s32 $0x10, s13;
	[tilespmem:v6+s4+$0x0] =	vst.idx.msk vm0, v4  }
.LBB2_11:
0x293: {  	s0 =	simm.s32 $0x2  }
0x294: {  	_ =	swait.ge [sflag:s0], $0x4000  }
0x295: {  	s29 =	sld [smem:$0x7F3];
	_ =	sdelay $0x2  }
0x296: {  	p2 =	seq.s32 s29, $0x1  }
.Ltmp15:
0x297: {  	_ = 	snop;
	(pc) =	sbr.rel @p2 .LBB2_12-.Ltmp15, $4  }
0x298: {  	_ = 	snop  }
0x299: {  	[sflag:s0] =	ssyncset.done $0x0;
	s15 =	rddreg [dreg:$0xe]  }
0x29a: {  	[sflag:s0] =	ssyncadd.s32 $0xFFFFC000;
	s0 =	sadd.s32 s8, s15  }
0x29b: {  	[tilespmem:s23], [sflag:$0x1] =	stream.linear.gather [hbm4b:s0+s30], $0x4000, $0x38;
	[tilespmem:$0x1E480] =	vst v63  }
0x29c: {  	s6 =	sld [smem:$0x7C4]  }
0x29d: {  	s0 =	rddreg [dreg:$0x16]  }
0x29e: {  	s15 =	sadd.s32 $0x20, s0  }
0x29f: {  	p5 =	slt.s32 s15, s12;
	v4 =	vld [tilespmem:s6+$0x0]  }
.Ltmp16:
0x2a0: {  	_ = 	snop;
	(pc) =	sbr.rel @!p5 .LBB2_47-.Ltmp16, $3  }
0x2a1: {  	_ =	sdelay $0x1  }
0x2a2: {  	p2 =	por $0x0, $0x0  }
0x2a3: {  	p3 =	por $0x0, $0x0;
	p4 =	por $0x0, $0x0;
	s13 =	sld [smem:$0x7C5];
	v8 =	vadd.s32 s0, v0;
	v56 =	vld [tilespmem:s6+$0xFFFFFFF0];
	v60 =	vand.u32 $0x7F, v4;
	v9 =	vshll.u32 v4, $0x3  }
0x2a4: {  	_ =	sdelay $0x3  }
0x2a5: {  	v4 =	vshll.u32 v56, $0x3  }
0x2a6: {  	vm1 =	vlt.s32 v8, v21;
	v5 =	vand.u32 $0x7F, v56;
	v4 =	vand.u32 $0xFFFFFC00, v4  }
0x2a7: {  	s0 =	sadd.s32 $0x10, s0;
	v6 =	vld [tilespmem:s13+$0xFFFFFFF0];
	v30 =	vor.u32 v5, v4  }
0x2a8: {  	s14 =	sld [smem:$0x7C6];
	v4 =	vadd.s32 s0, v0  }
0x2a9: {  	v5 =	vand.u32 $0xFFFFFC00, v9;
	vm4 =	vlt.s32 v4, v21  }
0x2aa: {  	v31 =	vor.u32 v60, v5;
	v4 =	vld [tilespmem:s13+$0x0]  }
0x2ab: {  	v29 =	vld [tilespmem:s14+$0xFFFFFFF0]  }
0x2ac: {  	v5 =	vshll.u32 v6, $0x3;
	v7 =	vld.idx.msk [tilespmem:v30+s24+$0x0], vm1  }
0x2ad: {  	v6 =	vand.u32 $0x7F, v6;
	v5 =	vand.u32 $0xFFFFFC00, v5  }
0x2ae: {  	v36 =	vld [tilespmem:s14+$0x0];
	v28 =	vor.u32 v6, v5  }
0x2af: {  	v6 =	vor.u32 $0x80, v30;
	v8 =	vshll.u32 v4, $0x3;
	v5 =	vld.idx.msk [tilespmem:v31+s24+$0x0], vm4  }
0x2b0: {  	v4 =	vand.u32 $0x7F, v4;
	v8 =	vand.u32 $0xFFFFFC00, v8  }
0x2b1: {  	v34 =	vor.u32 v4, v8;
	v7 =	vmul.f32 v7, v29  }
0x2b2: {  	v4 =	vor.u32 $0x80, v31  }
0x2b3: {  	[tilespmem:v28+s4+$0x0] =	vst.idx.msk vm1, v7  }
0x2b4: {  	v5 =	vmul.f32 v5, v36;
	v6 =	vld.idx.msk [tilespmem:v6+s24+$0x0], vm1  }
0x2b5: {  	s6 =	sadd.s32 $0x20, s6  }
0x2b6: {  	s0 =	sadd.s32 $0x20, s15;
	v7 =	vld [tilespmem:s6+$0x0];
	[tilespmem:v34+s4+$0x0] =	vst.idx.msk vm4, v5;
	v5 =	vor.u32 $0x80, v28  }
0x2b7: {  	v10 =	vor.u32 $0x100, v30;
	p5 =	slt.s32 s0, s12;
	v4 =	vld.idx.msk [tilespmem:v4+s24+$0x0], vm4  }
.Ltmp17:
0x2b8: {  	_ = 	snop;
	(pc) =	sbr.rel @!p5 .LBB2_49-.Ltmp17, $4  }
0x2b9: {  	v6 =	vmul.f32 v6, v29  }
0x2ba: {  	vm0 =	vmmov vm4;
	v58 =	vor.u32 $0x100, v31  }
0x2bb: {  	v56 =	vld [tilespmem:s6+$0xFFFFFFF0];
	v55 =	vor.u32 $0x100, v28;
	v8 =	vadd.s32 s15, v0;
	v57 =	vor.u32 $0x80, v34;
	[tilespmem:v5+s4+$0x0] =	vst.idx.msk vm1, v6  }
0x2bc: {  	p2 =	por $0x1, $0x1;
	v60 =	vand.u32 $0x7F, v7;
	v9 =	vshll.u32 v7, $0x3;
	v5 =	vmul.f32 v4, v36;
	v59 =	vld.idx.msk [tilespmem:v10+s24+$0x0], vm1  }
0x2bd: {  	_ =	sdelay $0x2  }
0x2be: {  	vm3 =	vmmov vm1  }
0x2bf: {  	s13 =	sadd.s32 $0x20, s13;
	vm1 =	vlt.s32 v8, v21;
	v4 =	vshll.u32 v56, $0x3  }
0x2c0: {  	s15 =	sadd.s32 $0x10, s15;
	v7 =	vld [tilespmem:s13+$0xFFFFFFF0];
	[tilespmem:v57+s4+$0x0] =	vst.idx.msk vm0, v5;
	v5 =	vor.u32 $0x180, v30;
	v6 =	vand.u32 $0x7F, v56;
	v4 =	vand.u32 $0xFFFFFC00, v4  }
0x2c1: {  	s29 =	smov.u32 s14;
	v38 =	vor.u32 v6, v4;
	v4 =	vadd.s32 s15, v0  }
0x2c2: {  	s14 =	sadd.s32 $0x20, s29;
	v8 =	vld.idx.msk [tilespmem:v58+s24+$0x0], vm0;
	vm4 =	vlt.s32 v4, v21;
	v4 =	vmul.f32 v59, v29  }
0x2c3: {  	v33 =	vld [tilespmem:s14+$0xFFFFFFF0];
	v6 =	vand.u32 $0xFFFFFC00, v9  }
0x2c4: {  	v35 =	vor.u32 v60, v6;
	v6 =	vld [tilespmem:s13+$0x0];
	[tilespmem:v55+s4+$0x0] =	vst.idx.msk vm3, v4  }
0x2c5: {  	v9 =	vor.u32 $0x100, v34;
	v10 =	vshll.u32 v7, $0x3;
	v5 =	vld.idx.msk [tilespmem:v5+s24+$0x0], vm3  }
0x2c6: {  	v7 =	vand.u32 $0x7F, v7;
	v10 =	vand.u32 $0xFFFFFC00, v10;
	v4 =	vor.u32 $0x180, v31;
	v11 =	vld.idx.msk [tilespmem:v38+s24+$0x0], vm1  }
0x2c7: {  	v37 =	vor.u32 v7, v10;
	v10 =	vor.u32 $0x180, v28  }
0x2c8: {  	v14 =	vor.u32 $0x200, v30;
	v39 =	vld [tilespmem:s14+$0x0];
	v8 =	vmul.f32 v8, v36  }
0x2c9: {  	v12 =	vor.u32 $0x80, v38;
	v13 =	vshll.u32 v6, $0x3;
	v7 =	vld.idx.msk [tilespmem:v35+s24+$0x0], vm4  }
0x2ca: {  	[tilespmem:v9+s4+$0x0] =	vst.idx.msk vm0, v8;
	v6 =	vand.u32 $0x7F, v6;
	v13 =	vand.u32 $0xFFFFFC00, v13;
	v5 =	vmul.f32 v5, v29  }
0x2cb: {  	v32 =	vor.u32 v6, v13;
	v4 =	vld.idx.msk [tilespmem:v4+s24+$0x0], vm0;
	v11 =	vmul.f32 v11, v33  }
0x2cc: {  	v6 =	vor.u32 $0x80, v35;
	[tilespmem:v10+s4+$0x0] =	vst.idx.msk vm3, v5  }
0x2cd: {  	v5 =	vor.u32 $0x180, v34;
	[tilespmem:v37+s4+$0x0] =	vst.idx.msk vm1, v11;
	v9 =	vld.idx.msk [tilespmem:v14+s24+$0x0], vm3  }
0x2ce: {  	v7 =	vmul.f32 v7, v39;
	v8 =	vld.idx.msk [tilespmem:v12+s24+$0x0], vm1  }
0x2cf: {  	s6 =	sadd.s32 $0x20, s6;
	v51 =	vor.u32 $0x200, v28  }
0x2d0: {  	s15 =	sadd.s32 $0x20, s0;
	v10 =	vor.u32 $0x200, v31;
	v11 =	vld [tilespmem:s6+$0x0];
	v4 =	vmul.f32 v4, v36;
	[tilespmem:v32+s4+$0x0] =	vst.idx.msk vm4, v7;
	v7 =	vor.u32 $0x80, v37  }
0x2d1: {  	vm5 =	vmmov vm0;
	v44 =	vor.u32 $0x280, v30;
	v50 =	vor.u32 $0x100, v38;
	p5 =	slt.s32 s15, s12;
	v6 =	vld.idx.msk [tilespmem:v6+s24+$0x0], vm4  }
.Ltmp18:
0x2d2: {  	v43 =	vor.u32 $0x280, v31;
	v40 =	vor.u32 $0x280, v28;
	[tilespmem:v5+s4+$0x0] =	vst.idx.msk vm0, v4;
	v4 =	vmul.f32 v9, v29;
	(pc) =	sbr.rel @!p5 .LBB2_51-.Ltmp18, $4  }
0x2d3: {  	v46 =	vor.u32 $0x200, v34;
	vm6 =	vmmov vm4;
	v63 =	vmul.f32 v8, v33  }
0x2d4: {  	v56 =	vld [tilespmem:s6+$0xFFFFFFF0];
	v58 =	vor.u32 $0x100, v35;
	v55 =	vor.u32 $0x100, v37;
	[tilespmem:v51+s4+$0x0] =	vst.idx.msk vm3, v4;
	v4 =	vimm.s32 $0x0  }
0x2d5: {  	v57 =	vor.u32 $0x80, v32;
	v42 =	vld.idx.msk [tilespmem:v10+s24+$0x0], vm0;
	v60 =	vand.u32 $0x7F, v11;
	[tilespmem:v7+s4+$0x0] =	vst.idx.msk vm1, v63;
	v4 =	vsel vm5, $0xFFFFFFFF, v4  }
0x2d6: {  	p3 =	por $0x1, $0x1;
	v9 =	vshll.u32 v11, $0x3;
	v8 =	vadd.s32 s0, v0;
	v5 =	vmul.f32 v6, v39;
	v59 =	vld.idx.msk [tilespmem:v50+s24+$0x0], vm1;
	[tilespmem:$0x1FF00] =	vst v4  }
0x2d7: {  	_ =	sdelay $0x3  }
0x2d8: {  	vm9 =	vmmov vm1;
	vm1 =	vlt.s32 v8, v21  }
0x2d9: {  	s13 =	sadd.s32 $0x20, s13;
	v6 =	vld.idx.msk [tilespmem:v44+s24+$0x0], vm3;
	[tilespmem:v57+s4+$0x0] =	vst.idx.msk vm6, v5;
	v5 =	vand.u32 $0xFFFFFC00, v9;
	v9 =	vor.u32 $0x180, v38;
	v4 =	vshll.u32 v56, $0x3  }
0x2da: {  	v8 =	vld [tilespmem:s13+$0xFFFFFFF0];
	v10 =	vand.u32 $0x7F, v56;
	v7 =	vmul.f32 v42, v36;
	v4 =	vand.u32 $0xFFFFFC00, v4  }
0x2db: {  	s0 =	sadd.s32 $0x10, s0;
	v13 =	vld [tilespmem:s13+$0x0];
	v47 =	vor.u32 v10, v4  }
0x2dc: {  	v4 =	vld.idx.msk [tilespmem:v58+s24+$0x0], vm6;
	v11 =	vmul.f32 v59, v33;
	[tilespmem:v46+s4+$0x0] =	vst.idx.msk vm5, v7;
	v7 =	vadd.s32 s0, v0  }
0x2dd: {  	s14 =	sadd.s32 $0x20, s14;
	v41 =	vor.u32 v60, v5;
	v5 =	vor.u32 $0x300, v30;
	v10 =	vld.idx.msk [tilespmem:v43+s24+$0x0], vm5;
	vm4 =	vlt.s32 v7, v21  }
0x2de: {  	v50 =	vld [tilespmem:s14+$0xFFFFFFF0];
	v6 =	vmul.f32 v6, v29;
	v7 =	vor.u32 $0x100, v32;
	[tilespmem:v55+s4+$0x0] =	vst.idx.msk vm9, v11  }
0x2df: {  	v12 =	vor.u32 $0x180, v35;
	v14 =	vor.u32 $0x280, v34;
	v15 =	vshll.u32 v8, $0x3;
	v9 =	vld.idx.msk [tilespmem:v9+s24+$0x0], vm9  }
0x2e0: {  	v16 =	vor.u32 $0x300, v31;
	v15 =	vand.u32 $0xFFFFFC00, v15;
	[tilespmem:v40+s4+$0x0] =	vst.idx.msk vm3, v6;
	v6 =	vand.u32 $0x7F, v8;
	v48 =	vld.idx.msk [tilespmem:v47+s24+$0x0], vm1  }
0x2e1: {  	v19 =	vld [tilespmem:s14+$0x0];
	v45 =	vor.u32 v6, v15;
	v6 =	vor.u32 $0x180, v37;
	v4 =	vmul.f32 v4, v39  }
0x2e2: {  	v5 =	vld.idx.msk [tilespmem:v5+s24+$0x0], vm3;
	v8 =	vmul.f32 v10, v36  }
0x2e3: {  	vm2 =	vmmov vm3;
	v62 =	vor.u32 $0x200, v38;
	v11 =	vshll.u32 v13, $0x3;
	[tilespmem:v7+s4+$0x0] =	vst.idx.msk vm6, v4;
	v10 =	vld.idx.msk [tilespmem:v41+s24+$0x0], vm4  }
0x2e4: {  	v11 =	vand.u32 $0xFFFFFC00, v11;
	v7 =	vor.u32 $0x80, v47;
	v12 =	vld.idx.msk [tilespmem:v12+s24+$0x0], vm6;
	v9 =	vmul.f32 v9, v33;
	[tilespmem:v14+s4+$0x0] =	vst.idx.msk vm0, v8  }
0x2e5: {  	v4 =	vor.u32 $0x300, v28;
	v8 =	vand.u32 $0x7F, v13;
	v14 =	vld.idx.msk [tilespmem:v16+s24+$0x0], vm0;
	v16 =	vmul.f32 v48, v50  }
0x2e6: {  	v63 =	vor.u32 $0x380, v30;
	s6 =	sadd.s32 $0x20, s6;
	vm8 =	vmmov vm6;
	v49 =	vor.u32 v8, v11;
	[tilespmem:v6+s4+$0x0] =	vst.idx.msk vm9, v9  }
0x2e7: {  	vm7 =	vmmov vm5;
	v56 =	vld [tilespmem:s6+$0xFFFFFFF0];
	v8 =	vor.u32 $0x80, v41;
	[tilespmem:v45+s4+$0x0] =	vst.idx.msk vm1, v16;
	v16 =	vor.u32 $0x180, v32  }
0x2e8: {  	v17 =	vor.u32 $0x200, v37;
	v5 =	vmul.f32 v5, v29;
	v6 =	vor.u32 $0x200, v35;
	v15 =	vld.idx.msk [tilespmem:v62+s24+$0x0], vm9  }
0x2e9: {  	v51 =	vor.u32 $0x380, v34;
	v9 =	vor.u32 $0x300, v34;
	v7 =	vld.idx.msk [tilespmem:v7+s24+$0x0], vm1;
	v10 =	vmul.f32 v10, v19  }
0x2ea: {  	v52 =	vor.u32 $0x380, v28;
	v61 =	vor.u32 $0x280, v35;
	v11 =	vld [tilespmem:s6+$0x0];
	[tilespmem:v4+s4+$0x0] =	vst.idx.msk vm2, v5;
	v12 =	vmul.f32 v12, v39  }
0x2eb: {  	vm11 =	vmmov vm6;
	s0 =	sadd.s32 $0x20, s15;
	v13 =	vor.u32 $0x80, v45;
	v5 =	vor.u32 $0x380, v31;
	[tilespmem:v49+s4+$0x0] =	vst.idx.msk vm4, v10;
	v10 =	vld.idx.msk [tilespmem:v63+s24+$0x0], vm2  }
0x2ec: {  	p5 =	slt.s32 s0, s12;
	vm10 =	vmmov vm4;
	v48 =	vor.u32 $0x100, v47;
	v4 =	vmul.f32 v14, v36;
	v14 =	vld.idx.msk [tilespmem:v8+s24+$0x0], vm4;
	[tilespmem:v16+s4+$0x0] =	vst.idx.msk vm6, v12  }
.Ltmp19:
0x2ed: {  	v58 =	vor.u32 $0x100, v41;
	vm13 =	vmmov vm10;
	v12 =	vmul.f32 v15, v33;
	v62 =	vld.idx.msk [tilespmem:v6+s24+$0x0], vm6;
	(pc) =	sbr.rel @!p5 .LBB2_53-.Ltmp19, $4  }
0x2ee: {  	vm12 =	vmmov vm10;
	v63 =	vor.u32 $0x280, v38;
	[tilespmem:v9+s4+$0x0] =	vst.idx.msk vm5, v4;
	v7 =	vmul.f32 v7, v50  }
0x2ef: {  	v55 =	vor.u32 $0x100, v45;
	v57 =	vor.u32 $0x80, v49;
	v60 =	vand.u32 $0x7F, v11;
	[tilespmem:v17+s4+$0x0] =	vst.idx.msk vm9, v12  }
0x2f0: {  	v8 =	vadd.s32 s15, v0;
	v4 =	vor.u32 $0x280, v37;
	v6 =	vor.u32 $0x200, v32;
	v54 =	vld.idx.msk [tilespmem:v5+s24+$0x0], vm5;
	[tilespmem:v13+s4+$0x0] =	vst.idx.msk vm1, v7  }
0x2f1: {  	p4 =	por $0x1, $0x1;
	v9 =	vshll.u32 v11, $0x3;
	v53 =	vmul.f32 v10, v29;
	v59 =	vld.idx.msk [tilespmem:v48+s24+$0x0], vm1;
	v5 =	vmul.f32 v14, v19;
	v48 =	vmovc v36  }
.LBB2_54:
0x2f2: {  	vm14 =	vmmov vm4;
	v10 =	vshll.u32 v56, $0x3;
	v12 =	vmul.f32 v62, v39  }
0x2f3: {  	v9 =	vand.u32 $0xFFFFFC00, v9;
	s13 =	sadd.s32 $0x20, s13;
	v7 =	vmovc v50;
	s29 =	smov.u32 s0;
	s0 =	sadd.s32 $0x20, s0;
	v11 =	vld.idx.msk [tilespmem:v63+s24+$0x0], vm9;
	[tilespmem:v52+s4+$0x0] =	vst.idx.msk vm2, v53;
	vm2 =	vmmov vm9;
	vm9 =	vmmov vm1  }
0x2f4: {  	v13 =	vand.u32 $0x7F, v56;
	p5 =	slt.s32 s0, s12;
	vm1 =	vlt.s32 v8, v21;
	v10 =	vand.u32 $0xFFFFFC00, v10;
	v8 =	vld [tilespmem:s13+$0xFFFFFFF0];
	[tilespmem:v57+s4+$0x0] =	vst.idx.msk vm10, v5  }
0x2f5: {  	s30 =	sadd.s32 $0x10, s15;
	v9 =	vor.u32 v60, v9;
	s15 =	smov.u32 s29;
	v5 =	vor.u32 v13, v10;
	v10 =	vld.idx.msk [tilespmem:v58+s24+$0x0], vm10;
	[tilespmem:v6+s4+$0x0] =	vst.idx.msk vm8, v12  }
0x2f6: {  	s14 =	sadd.s32 $0x20, s14;
	v14 =	vmul.f32 v54, v48;
	v48 =	vmovc v39;
	v39 =	vmovc v19;
	v6 =	vadd.s32 s30, v0;
	v12 =	vor.u32 $0x180, v47;
	v13 =	vld.idx.msk [tilespmem:v61+s24+$0x0], vm8  }
0x2f7: {  	v15 =	vor.u32 $0x300, v38;
	vm4 =	vlt.s32 v6, v21;
	v6 =	vor.u32 $0x100, v49;
	v19 =	vld [tilespmem:s14+$0x0]  }
0x2f8: {  	v17 =	vor.u32 $0x180, v41;
	v52 =	vor.u32 $0x280, v32;
	v16 =	vmul.f32 v59, v7;
	v50 =	vld [tilespmem:s14+$0xFFFFFFF0];
	[tilespmem:v51+s4+$0x0] =	vst.idx.msk vm7, v14  }
0x2f9: {  	v53 =	vor.u32 $0x300, v35;
	v11 =	vmul.f32 v11, v33;
	v14 =	vshll.u32 v8, $0x3;
	v51 =	vld [tilespmem:s13+$0x0]  }
0x2fa: {  	vm7 =	vmmov vm8;
	vm8 =	vmmov vm10;
	v54 =	vld.idx.msk [tilespmem:v5+s24+$0x0], vm1;
	v14 =	vand.u32 $0xFFFFFC00, v14;
	[tilespmem:v55+s4+$0x0] =	vst.idx.msk vm9, v16  }
0x2fb: {  	vm10 =	vmmov vm4;
	v10 =	vmul.f32 v10, v39;
	v12 =	vld.idx.msk [tilespmem:v12+s24+$0x0], vm9;
	[tilespmem:v4+s4+$0x0] =	vst.idx.msk vm2, v11  }
0x2fc: {  	v4 =	vand.u32 $0x7F, v8;
	v11 =	vor.u32 $0x380, v38;
	v13 =	vmul.f32 v13, v48;
	v38 =	vmovc v47;
	v47 =	vmovc v5;
	v8 =	vld.idx.msk [tilespmem:v15+s24+$0x0], vm2  }
0x2fd: {  	v4 =	vor.u32 v4, v14;
	v14 =	vor.u32 $0x180, v45;
	v5 =	vld.idx.msk [tilespmem:v9+s24+$0x0], vm4;
	[tilespmem:v6+s4+$0x0] =	vst.idx.msk vm13, v10;
	v6 =	vor.u32 $0x300, v37  }
0x2fe: {  	v16 =	vor.u32 $0x200, v38;
	v10 =	vor.u32 $0x80, v47;
	v15 =	vshll.u32 v51, $0x3;
	v17 =	vld.idx.msk [tilespmem:v17+s24+$0x0], vm12;
	[tilespmem:v52+s4+$0x0] =	vst.idx.msk vm6, v13  }
0x2ff: {  	v13 =	vand.u32 $0x7F, v51;
	v51 =	vor.u32 $0x180, v49;
	v15 =	vand.u32 $0xFFFFFC00, v15;
	v52 =	vld.idx.msk [tilespmem:v53+s24+$0x0], vm11  }
0x300: {  	s6 =	sadd.s32 $0x20, s6;
	v53 =	vmul.f32 v54, v50;
	v13 =	vor.u32 v13, v15;
	v15 =	vor.u32 $0x80, v9  }
0x301: {  	v55 =	vor.u32 $0x300, v32;
	v54 =	vor.u32 $0x200, v41;
	v12 =	vmul.f32 v12, v7;
	v56 =	vld [tilespmem:s6+$0xFFFFFFF0]  }
0x302: {  	v8 =	vmul.f32 v8, v33;
	v59 =	vld [tilespmem:s6+$0x0];
	[tilespmem:v4+s4+$0x0] =	vst.idx.msk vm1, v53;
	v53 =	vor.u32 $0x380, v35;
	v35 =	vmovc v41;
	v41 =	vmov v9  }
0x303: {  	vm6 =	vmmov vm14;
	vm11 =	vmmov vm14;
	v5 =	vmul.f32 v5, v19;
	v9 =	vld.idx.msk [tilespmem:v10+s24+$0x0], vm1;
	[tilespmem:v14+s4+$0x0] =	vst.idx.msk vm9, v12  }
0x304: {  	vm13 =	vmmov vm4;
	vm12 =	vmmov vm4;
	v12 =	vmul.f32 v17, v39;
	v10 =	vld.idx.msk [tilespmem:v16+s24+$0x0], vm9;
	[tilespmem:v6+s4+$0x0] =	vst.idx.msk vm2, v8  }
0x305: {  	v6 =	vmul.f32 v52, v48;
	[tilespmem:v13+s4+$0x0] =	vst.idx.msk vm10, v5;
	v5 =	vld.idx.msk [tilespmem:v11+s24+$0x0], vm2  }
0x306: {  	v11 =	vor.u32 $0x80, v4;
	v14 =	vld.idx.msk [tilespmem:v15+s24+$0x0], vm10;
	[tilespmem:v51+s4+$0x0] =	vst.idx.msk vm8, v12  }
0x307: {  	v12 =	vor.u32 $0x100, v47;
	v15 =	vor.u32 $0x200, v45;
	v51 =	vor.u32 $0x380, v32;
	v32 =	vmovc v49;
	v62 =	vld.idx.msk [tilespmem:v54+s24+$0x0], vm8;
	[tilespmem:v55+s4+$0x0] =	vst.idx.msk vm7, v6  }
.Ltmp20:
0x308: {  	v63 =	vor.u32 $0x280, v38;
	v57 =	vor.u32 $0x80, v13;
	v52 =	vor.u32 $0x380, v37;
	v37 =	vmovc v45;
	v45 =	vmovc v4;
	v54 =	vld.idx.msk [tilespmem:v53+s24+$0x0], vm7;
	(pc) =	sbr.rel @p5 .LBB2_54-.Ltmp20, $4  }
0x309: {  	v58 =	vor.u32 $0x100, v41;
	v61 =	vor.u32 $0x280, v35;
	v49 =	vmovc v13;
	v9 =	vmul.f32 v9, v50  }
0x30a: {  	v4 =	vor.u32 $0x280, v37;
	v6 =	vor.u32 $0x200, v32;
	v10 =	vmul.f32 v10, v7  }
0x30b: {  	v8 =	vadd.s32 s15, v0;
	v55 =	vor.u32 $0x100, v45;
	v53 =	vmul.f32 v5, v33;
	v33 =	vmovc v7;
	[tilespmem:v11+s4+$0x0] =	vst.idx.msk vm1, v9  }
0x30c: {  	v60 =	vand.u32 $0x7F, v59;
	v9 =	vshll.u32 v59, $0x3;
	v5 =	vmul.f32 v14, v19;
	v59 =	vld.idx.msk [tilespmem:v12+s24+$0x0], vm1;
	[tilespmem:v15+s4+$0x0] =	vst.idx.msk vm9, v10  }
0x30d: {  	v7 =	vmov v39;
	v39 =	vmov v19;
	s30 =	simm.s32 $0x0  }
.LBB2_56:
0x30e: {  	s6 =	sld [smem:$0x7C5];
	_ =	sdelay $0x1  }
0x30f: {  	s0 =	sadd.s32 @p2 $0x20, s13;
	v10 =	vshll.u32 v56, $0x3  }
0x310: {  	vm15 =	vlt.s32 v8, v21;
	s29 =	sadd.s32 $0x10, s15;
	v56 =	vand.u32 $0x7F, v56;
	v10 =	vand.u32 $0xFFFFFC00, v10;
	s6 =	smov.u32 @p2 s0  }
0x311: {  	s13 =	sld [smem:$0x7C6];
	v12 =	vadd.s32 s29, v0;
	v10 =	vor.u32 v56, v10;
	v11 =	vld [tilespmem:s6+$0xFFFFFFF0]  }
0x312: {  	v9 =	vand.u32 $0xFFFFFC00, v9;
	vm5 =	vlt.s32 v12, v21  }
0x313: {  	v60 =	vor.u32 v60, v9;
	s0 =	sadd.s32 @p2 $0x20, s14;
	v56 =	vld [tilespmem:s6+$0x0]  }
0x314: {  	s13 =	smov.u32 @p2 s0  }
0x315: {  	v9 =	vld [tilespmem:s13+$0xFFFFFFF0]  }
0x316: {  	v14 =	vld.idx.msk [tilespmem:v10+s24+$0x0], vm15;
	v13 =	vshll.u32 v11, $0x3  }
0x317: {  	v8 =	vld [tilespmem:s13+$0x0];
	v11 =	vand.u32 $0x7F, v11;
	v13 =	vand.u32 $0xFFFFFC00, v13  }
0x318: {  	v15 =	vld.idx.msk [tilespmem:v60+s24+$0x0], vm5;
	v16 =	vshll.u32 v56, $0x3;
	v19 =	vor.u32 v11, v13  }
0x319: {  	v11 =	vand.u32 $0x7F, v56;
	v56 =	vand.u32 $0xFFFFFC00, v16;
	v13 =	vor.u32 $0x80, v10  }
0x31a: {  	v56 =	vor.u32 v11, v56  }
0x31b: {  	v11 =	vor.u32 $0x80, v60;
	v12 =	vmul.f32 v14, v9;
	_ =	sdelay $0x1  }
0x31c: {  	v14 =	vmul.f32 v15, v8;
	[tilespmem:v19+s4+$0x0] =	vst.idx.msk vm15, v12  }
0x31d: {  	v12 =	vld.idx.msk [tilespmem:v13+s24+$0x0], vm15  }
0x31e: {  	[tilespmem:v56+s4+$0x0] =	vst.idx.msk vm5, v14  }
0x31f: {  	v13 =	vor.u32 $0x80, v19;
	v11 =	vld.idx.msk [tilespmem:v11+s24+$0x0], vm5  }
0x320: {  	vm14 =	vmmov vm5;
	v14 =	vor.u32 $0x100, v10  }
0x321: {  	v15 =	vor.u32 $0x80, v56  }
0x322: {  	[tilespmem:v57+s4+$0x0] =	vst.idx.msk @p2 vm10, v5;
	v5 =	vor.u32 $0x100, v60;
	vm5 =	vmmov @p2 vm1;
	v12 =	vmul.f32 v12, v9  }
0x323: {  	v16 =	vld.idx.msk @p2 [tilespmem:v58+s24+$0x0], vm10  }
0x324: {  	v11 =	vmul.f32 v11, v8;
	[tilespmem:v13+s4+$0x0] =	vst.idx.msk vm15, v12  }
0x325: {  	v17 =	vmov @p2 v50;
	v12 =	vor.u32 @p2 $0x180, v47;
	v13 =	vor.u32 @p2 $0x100, v49;
	v14 =	vld.idx.msk [tilespmem:v14+s24+$0x0], vm15  }
0x326: {  	[tilespmem:v15+s4+$0x0] =	vst.idx.msk vm14, v11;
	v11 =	vor.u32 @p2 $0x180, v41;
	v15 =	vmovc @p2 v39;
	v39 =	vmul.f32 @p2 v59, v17;
	vm15 =	vmmov vm15  }
0x327: {  	v50 =	vor.u32 $0x100, v19;
	v5 =	vld.idx.msk [tilespmem:v5+s24+$0x0], vm14  }
0x328: {  	v16 =	vmul.f32 @p2 v16, v15;
	[tilespmem:v55+s4+$0x0] =	vst.idx.msk @p2 vm5, v39;
	v39 =	vor.u32 $0x180, v10  }
0x329: {  	v55 =	vor.u32 $0x100, v56  }
0x32a: {  	[tilespmem:v13+s4+$0x0] =	vst.idx.msk @p2 vm13, v16;
	v12 =	vld.idx.msk @p2 [tilespmem:v12+s24+$0x0], vm5;
	v14 =	vmul.f32 v14, v9  }
0x32b: {  	v11 =	vld.idx.msk @p2 [tilespmem:v11+s24+$0x0], vm12  }
0x32c: {  	v57 =	vor.u32 @p2 $0x180, v45;
	vm10 =	vmmov @p2 vm10;
	v16 =	vld.idx.msk @p3 [tilespmem:v63+s24+$0x0], vm9;
	v5 =	vmul.f32 v5, v8;
	[tilespmem:v50+s4+$0x0] =	vst.idx.msk vm15, v14  }
0x32d: {  	vm1 =	vmmov @p3 vm9;
	v50 =	vor.u32 @p2 $0x180, v49;
	v39 =	vld.idx.msk [tilespmem:v39+s24+$0x0], vm15  }
0x32e: {  	[tilespmem:v55+s4+$0x0] =	vst.idx.msk vm14, v5;
	v5 =	vmul.f32 @p3 v62, v7  }
0x32f: {  	v63 =	vor.u32 $0x180, v19;
	v12 =	vmul.f32 @p2 v12, v17  }
0x330: {  	[tilespmem:v6+s4+$0x0] =	vst.idx.msk @p3 vm8, v5;
	v5 =	vmul.f32 @p2 v11, v15  }
0x331: {  	v13 =	vor.u32 $0x180, v60;
	[tilespmem:v57+s4+$0x0] =	vst.idx.msk @p2 vm5, v12;
	v12 =	vmul.f32 @p3 v16, v33  }
0x332: {  	[tilespmem:v50+s4+$0x0] =	vst.idx.msk @p2 vm10, v5;
	v39 =	vmul.f32 v39, v9  }
0x333: {  	[tilespmem:v4+s4+$0x0] =	vst.idx.msk @p3 vm1, v12  }
0x334: {  	v14 =	vor.u32 @p2 $0x200, v47;
	[tilespmem:v63+s4+$0x0] =	vst.idx.msk vm15, v39  }
0x335: {  	v55 =	vor.u32 @p2 $0x200, v41;
	v39 =	vld [tilespmem:$0x1FF00]  }
0x336: {  	v13 =	vld.idx.msk [tilespmem:v13+s24+$0x0], vm14  }
0x337: {  	vm9 =	vmmov vm14  }
0x338: {  	v58 =	vor.u32 $0x200, v10;
	v16 =	vor.u32 $0x180, v56  }
0x339: {  	v30 =	vpsel p2, v47, v30;
	v34 =	vpsel p2, v49, v34;
	v5 =	vld.idx.msk @p2 [tilespmem:v14+s24+$0x0], vm5  }
0x33a: {  	v59 =	vor.u32 $0x200, v60;
	v4 =	vld.idx.msk @p2 [tilespmem:v55+s24+$0x0], vm10;
	vm12 =	vnez.u8 v39;
	v39 =	vor.u32 @p2 $0x200, v49  }
0x33b: {  	vm3 =	vmmov @p2 vm5;
	v6 =	vor.u32 @p2 $0x200, v45;
	v13 =	vmul.f32 v13, v8  }
0x33c: {  	v11 =	vor.u32 @p3 $0x300, v38;
	v15 =	vpsel p2, v15, v36;
	v55 =	vld.idx.msk @p3 [tilespmem:v61+s24+$0x0], vm8;
	vm12 =	vmmov @p2 vm10  }
0x33d: {  	v12 =	vor.u32 @p2 $0x280, v47;
	[tilespmem:v16+s4+$0x0] =	vst.idx.msk vm9, v13;
	v14 =	vld.idx.msk [tilespmem:v58+s24+$0x0], vm15;
	v13 =	vpsel p2, v39, v46;
	v39 =	vmov @p2 v41  }
0x33e: {  	v12 =	vpsel p2, v12, v44;
	v5 =	vmul.f32 @p2 v5, v17;
	v36 =	vor.u32 @p2 $0x280, v39  }
0x33f: {  	v62 =	vor.u32 $0x200, v19;
	v61 =	vld.idx.msk [tilespmem:v59+s24+$0x0], vm9;
	v4 =	vpsel p2, v4, v42;
	v36 =	vpsel p2, v36, v43  }
0x340: {  	vm13 =	vmmov vm15;
	v4 =	vmul.f32 @p2 v4, v15;
	[tilespmem:v6+s4+$0x0] =	vst.idx.msk @p2 vm5, v5;
	v5 =	vor.u32 $0x280, v10  }
0x341: {  	v44 =	vor.u32 @p3 $0x280, v32;
	v11 =	vld.idx.msk @p3 [tilespmem:v11+s24+$0x0], vm1;
	v63 =	vor.u32 $0x200, v56;
	v16 =	vor.u32 @p3 $0x300, v35  }
0x342: {  	v42 =	vmul.f32 @p3 v55, v7;
	v14 =	vmul.f32 v14, v9;
	[tilespmem:v13+s4+$0x0] =	vst.idx.msk @p2 vm12, v4;
	v4 =	vor.u32 $0x280, v60  }
0x343: {  	vm5 =	vmmov @p2 vm4;
	vm4 =	vmmov @p2 vm3;
	v12 =	vld.idx.msk @p2 [tilespmem:v12+s24+$0x0], vm3;
	v46 =	vor.u32 @p3 $0x300, v37  }
0x344: {  	vm10 =	vmmov vm0;
	[tilespmem:v62+s4+$0x0] =	vst.idx.msk vm15, v14;
	v41 =	vmul.f32 v61, v8;
	v13 =	vor.u32 @p2 $0x280, v45;
	v36 =	vld.idx.msk @p2 [tilespmem:v36+s24+$0x0], vm12  }
0x345: {  	vm0 =	vmmov @p2 vm5;
	vm10 =	vmmov @p2 vm5;
	v5 =	vld.idx.msk [tilespmem:v5+s24+$0x0], vm15;
	v13 =	vpsel p2, v13, v40  }
0x346: {  	v31 =	vpsel p2, v39, v31;
	v14 =	vmovc @p2 v17;
	v17 =	vor.u32 @p2 $0x300, v30;
	v39 =	vor.u32 @p2 $0x280, v34;
	[tilespmem:v63+s4+$0x0] =	vst.idx.msk vm9, v41  }
0x347: {  	v11 =	vmul.f32 @p3 v11, v33;
	v6 =	vpsel p2, v14, v29;
	v14 =	vor.u32 @p2 $0x300, v31;
	v4 =	vld.idx.msk [tilespmem:v4+s24+$0x0], vm9  }
0x348: {  	[tilespmem:v44+s4+$0x0] =	vst.idx.msk @p3 vm6, v42;
	v29 =	vor.u32 $0x280, v19;
	v12 =	vmul.f32 @p2 v12, v6  }
0x349: {  	v50 =	vor.u32 $0x300, v10;
	v55 =	vor.u32 $0x280, v56;
	[tilespmem:v46+s4+$0x0] =	vst.idx.msk @p3 vm1, v11;
	v11 =	vmul.f32 @p2 v36, v15  }
0x34a: {  	v57 =	vor.u32 $0x300, v60;
	v16 =	vld.idx.msk @p3 [tilespmem:v16+s24+$0x0], vm11;
	[tilespmem:v13+s4+$0x0] =	vst.idx.msk @p2 vm4, v12  }
0x34b: {  	v38 =	vor.u32 @p3 $0x380, v38;
	vm6 =	vmmov @p3 vm8;
	v5 =	vmul.f32 v5, v9;
	v13 =	vld.idx.msk @p2 [tilespmem:v17+s24+$0x0], vm4;
	[tilespmem:v39+s4+$0x0] =	vst.idx.msk @p2 vm10, v11  }
0x34c: {  	v17 =	vpsel p2, v45, v28;
	v11 =	vor.u32 @p3 $0x300, v32;
	v4 =	vmul.f32 v4, v8;
	v14 =	vld.idx.msk @p2 [tilespmem:v14+s24+$0x0], vm0  }
0x34d: {  	vm5 =	vmmov @p2 vm12;
	[tilespmem:v29+s4+$0x0] =	vst.idx.msk vm13, v5;
	v28 =	vor.u32 @p3 $0x380, v35;
	v35 =	vor.u32 @p2 $0x300, v17  }
0x34e: {  	v5 =	vmul.f32 @p4 v54, v48;
	v29 =	vor.u32 @p2 $0x380, v30;
	v30 =	vor.u32 @p2 $0x300, v34;
	v36 =	vld.idx.msk [tilespmem:v50+s24+$0x0], vm13;
	[tilespmem:v55+s4+$0x0] =	vst.idx.msk vm14, v4  }
0x34f: {  	v58 =	vor.u32 $0x300, v19;
	[tilespmem:v52+s4+$0x0] =	vst.idx.msk @p4 vm2, v53;
	v31 =	vor.u32 @p2 $0x380, v31;
	v4 =	vmul.f32 @p3 v16, v7;
	v12 =	vld.idx.msk [tilespmem:v57+s24+$0x0], vm14  }
0x350: {  	v59 =	vor.u32 $0x300, v56;
	vm15 =	vmmov vm9;
	[tilespmem:v51+s4+$0x0] =	vst.idx.msk @p4 vm7, v5;
	v13 =	vmul.f32 @p2 v13, v6  }
0x351: {  	v10 =	vor.u32 $0x380, v10;
	vm2 =	vmmov @p3 vm6;
	v38 =	vld.idx.msk @p3 [tilespmem:v38+s24+$0x0], vm1;
	[tilespmem:v11+s4+$0x0] =	vst.idx.msk @p3 vm6, v4;
	v4 =	vmul.f32 @p2 v14, v15  }
0x352: {  	v62 =	vor.u32 $0x380, v19;
	v61 =	vor.u32 $0x380, v60;
	vm1 =	vmmov @p3 vm1;
	[tilespmem:v35+s4+$0x0] =	vst.idx.msk @p2 vm4, v13;
	v28 =	vld.idx.msk @p3 [tilespmem:v28+s24+$0x0], vm6  }
0x353: {  	v29 =	vld.idx.msk @p2 [tilespmem:v29+s24+$0x0], vm4;
	v14 =	vor.u32 @p3 $0x380, v32;
	v32 =	vor.u32 @p3 $0x380, v37;
	[tilespmem:v30+s4+$0x0] =	vst.idx.msk @p2 vm5, v4;
	v4 =	vmul.f32 v36, v9  }
0x354: {  	v17 =	vor.u32 @p2 $0x380, v17;
	v30 =	vpsel p3, v32, v0;
	v12 =	vmul.f32 v12, v8;
	v31 =	vld.idx.msk @p2 [tilespmem:v31+s24+$0x0], vm5  }
0x355: {  	v17 =	vpsel p2, v17, v0;
	vm4 =	vmmov @p2 vm4;
	v14 =	vpsel p3, v14, v0;
	[tilespmem:v58+s4+$0x0] =	vst.idx.msk vm13, v4  }
0x356: {  	v16 =	vmul.f32 @p3 v38, v33;
	vm5 =	vmmov @p2 vm5;
	v4 =	vor.u32 @p2 $0x380, v34;
	[tilespmem:v59+s4+$0x0] =	vst.idx.msk vm15, v12;
	v10 =	vld.idx.msk [tilespmem:v10+s24+$0x0], vm13  }
0x357: {  	v7 =	vpsel p3, v7, v0;
	v11 =	vpsel p3, v28, v0;
	v4 =	vpsel p2, v4, v0;
	v12 =	vld.idx.msk [tilespmem:v61+s24+$0x0], vm15  }
0x358: {  	v16 =	vpsel p3, v16, v0;
	v6 =	vmul.f32 @p2 v29, v6;
	v5 =	vmul.f32 @p3 v11, v7  }
0x359: {  	v63 =	vor.u32 $0x380, v56;
	v11 =	vpsel p2, v15, v0;
	[tilespmem:v30+s4+$0x0] =	vst.idx.msk @p3 vm1, v16;
	v13 =	vpsel p2, v31, v0  }
0x35a: {  	[tilespmem:v14+s4+$0x0] =	vst.idx.msk @p3 vm2, v5;
	v5 =	vpsel p2, v6, v0;
	v6 =	vmul.f32 @p2 v13, v11  }
0x35b: {  	[tilespmem:v17+s4+$0x0] =	vst.idx.msk @p2 vm4, v5;
	v5 =	vmul.f32 v10, v9  }
0x35c: {  	[tilespmem:v4+s4+$0x0] =	vst.idx.msk @p2 vm5, v6;
	v4 =	vmul.f32 v12, v8  }
0x35d: {  	[tilespmem:v62+s4+$0x0] =	vst.idx.msk vm13, v5  }
0x35e: {  	[tilespmem:v63+s4+$0x0] =	vst.idx.msk vm15, v4  }
.LBB2_12:
0x35f: {  	s15 =	sld [smem:$0x7F4];
	_ =	sdelay $0x2  }
0x360: {  	p2 =	seq.s32 s15, $0x1  }
.Ltmp21:
0x361: {  	_ = 	snop;
	(pc) =	sbr.rel @p2 .LBB2_14-.Ltmp21, $4  }
0x362: {  	_ = 	snop  }
0x363: {  	s0 =	sld [smem:$0x7C9]  }
0x364: {  	s6 =	sld [smem:$0x7C8]  }
0x365: {  	s13 =	sld [smem:$0x7C7];
	s14 =	smov.u32 s12  }
.LBB2_13:
0x366: {  	v4 =	vld [tilespmem:s0+$0x0];
	_ =	sdelay $0x4  }
0x367: {  	v5 =	vadd.s32 s14, v0;
	v6 =	vshll.u32 v4, $0x3  }
0x368: {  	vm0 =	vlt.s32 v5, v21;
	v4 =	vand.u32 $0x7F, v4;
	v5 =	vand.u32 $0xFFFFFC00, v6  }
0x369: {  	v52 =	vld [tilespmem:s6+$0x0];
	v4 =	vor.u32 v4, v5;
	_ =	sdelay $0x3  }
0x36a: {  	v5 =	vld [tilespmem:s13+$0x0]  }
0x36b: {  	v8 =	vshll.u32 v52, $0x3;
	v7 =	vld.idx.msk [tilespmem:v4+s24+$0x0], vm0  }
0x36c: {  	v6 =	vand.u32 $0x7F, v52;
	v8 =	vand.u32 $0xFFFFFC00, v8  }
0x36d: {  	v6 =	vor.u32 v6, v8  }
0x36e: {  	v53 =	vor.u32 $0x80, v4;
	_ =	sdelay $0x1  }
0x36f: {  	v7 =	vmul.f32 v7, v5;
	_ =	sdelay $0x1  }
0x370: {  	[tilespmem:v6+s4+$0x0] =	vst.idx.msk vm0, v7  }
0x371: {  	v7 =	vld.idx.msk [tilespmem:v53+s24+$0x0], vm0;
	_ =	sdelay $0x1  }
0x372: {  	v54 =	vor.u32 $0x80, v6  }
0x373: {  	v9 =	vor.u32 $0x100, v4;
	_ =	sdelay $0x1  }
0x374: {  	v7 =	vmul.f32 v7, v5;
	_ =	sdelay $0x1  }
0x375: {  	[tilespmem:v54+s4+$0x0] =	vst.idx.msk vm0, v7  }
0x376: {  	v7 =	vld.idx.msk [tilespmem:v9+s24+$0x0], vm0;
	_ =	sdelay $0x1  }
0x377: {  	v55 =	vor.u32 $0x100, v6  }
0x378: {  	v56 =	vor.u32 $0x180, v4;
	_ =	sdelay $0x1  }
0x379: {  	v7 =	vmul.f32 v7, v5;
	_ =	sdelay $0x1  }
0x37a: {  	[tilespmem:v55+s4+$0x0] =	vst.idx.msk vm0, v7  }
0x37b: {  	v7 =	vld.idx.msk [tilespmem:v56+s24+$0x0], vm0;
	_ =	sdelay $0x1  }
0x37c: {  	v57 =	vor.u32 $0x180, v6  }
0x37d: {  	v58 =	vor.u32 $0x200, v4;
	_ =	sdelay $0x1  }
0x37e: {  	v7 =	vmul.f32 v7, v5;
	_ =	sdelay $0x1  }
0x37f: {  	[tilespmem:v57+s4+$0x0] =	vst.idx.msk vm0, v7  }
0x380: {  	v7 =	vld.idx.msk [tilespmem:v58+s24+$0x0], vm0;
	_ =	sdelay $0x1  }
0x381: {  	v59 =	vor.u32 $0x200, v6  }
0x382: {  	v60 =	vor.u32 $0x280, v4;
	_ =	sdelay $0x1  }
0x383: {  	v7 =	vmul.f32 v7, v5;
	_ =	sdelay $0x1  }
0x384: {  	[tilespmem:v59+s4+$0x0] =	vst.idx.msk vm0, v7  }
0x385: {  	v7 =	vld.idx.msk [tilespmem:v60+s24+$0x0], vm0;
	_ =	sdelay $0x1  }
0x386: {  	v61 =	vor.u32 $0x280, v6  }
0x387: {  	v62 =	vor.u32 $0x300, v4;
	_ =	sdelay $0x1  }
0x388: {  	v7 =	vmul.f32 v7, v5;
	_ =	sdelay $0x1  }
0x389: {  	[tilespmem:v61+s4+$0x0] =	vst.idx.msk vm0, v7  }
0x38a: {  	v7 =	vld.idx.msk [tilespmem:v62+s24+$0x0], vm0;
	_ =	sdelay $0x1  }
0x38b: {  	v63 =	vor.u32 $0x300, v6  }
0x38c: {  	v4 =	vor.u32 $0x380, v4;
	_ =	sdelay $0x1  }
0x38d: {  	v7 =	vmul.f32 v7, v5;
	_ =	sdelay $0x1  }
0x38e: {  	[tilespmem:v63+s4+$0x0] =	vst.idx.msk vm0, v7  }
0x38f: {  	v4 =	vld.idx.msk [tilespmem:v4+s24+$0x0], vm0  }
0x390: {  	s14 =	sadd.s32 $0x10, s14  }
0x391: {  	p2 =	slt.s32 s14, s18;
	v6 =	vor.u32 $0x380, v6  }
.Ltmp22:
0x392: {  	_ = 	snop;
	(pc) =	sbr.rel @p2 .LBB2_13-.Ltmp22, $3  }
0x393: {  	_ = 	snop  }
0x394: {  	v4 =	vmul.f32 v4, v5;
	_ =	sdelay $0x1  }
0x395: {  	s6 =	sadd.s32 $0x10, s6;
	s0 =	sadd.s32 $0x10, s0;
	s13 =	sadd.s32 $0x10, s13;
	[tilespmem:v6+s4+$0x0] =	vst.idx.msk vm0, v4  }
.LBB2_14:
0x396: {  	s0 =	simm.s32 $0x3  }
0x397: {  	_ =	swait.ge [sflag:s0], $0x4000  }
0x398: {  	s29 =	sld [smem:$0x7F5];
	_ =	sdelay $0x2  }
0x399: {  	p2 =	seq.s32 s29, $0x1  }
.Ltmp23:
0x39a: {  	_ = 	snop;
	(pc) =	sbr.rel @p2 .LBB2_15-.Ltmp23, $4  }
0x39b: {  	_ = 	snop  }
0x39c: {  	[sflag:s0] =	ssyncset.done $0x0;
	s15 =	rddreg [dreg:$0xf]  }
0x39d: {  	[sflag:s0] =	ssyncadd.s32 $0xFFFFC000;
	s0 =	sadd.s32 s8, s15  }
0x39e: {  	[tilespmem:s24], [sflag:$0x2] =	stream.linear.gather [hbm4b:s0+s30], $0x4000, $0x38;
	[tilespmem:$0x1E480] =	vst v63  }
0x39f: {  	s6 =	sld [smem:$0x7CA]  }
0x3a0: {  	s0 =	rddreg [dreg:$0x17]  }
0x3a1: {  	s15 =	sadd.s32 $0x20, s0  }
0x3a2: {  	p5 =	slt.s32 s15, s20;
	v4 =	vld [tilespmem:s6+$0x0]  }
.Ltmp24:
0x3a3: {  	_ = 	snop;
	(pc) =	sbr.rel @!p5 .LBB2_58-.Ltmp24, $3  }
0x3a4: {  	_ =	sdelay $0x1  }
0x3a5: {  	p2 =	por $0x0, $0x0  }
0x3a6: {  	p3 =	por $0x0, $0x0;
	p4 =	por $0x0, $0x0;
	s13 =	sld [smem:$0x7CB];
	v8 =	vadd.s32 s0, v0;
	v56 =	vld [tilespmem:s6+$0xFFFFFFF0];
	v60 =	vand.u32 $0x7F, v4;
	v9 =	vshll.u32 v4, $0x3  }
0x3a7: {  	_ =	sdelay $0x3  }
0x3a8: {  	v4 =	vshll.u32 v56, $0x3  }
0x3a9: {  	vm1 =	vlt.s32 v8, v22;
	v5 =	vand.u32 $0x7F, v56;
	v4 =	vand.u32 $0xFFFFFC00, v4  }
0x3aa: {  	s0 =	sadd.s32 $0x10, s0;
	v6 =	vld [tilespmem:s13+$0xFFFFFFF0];
	v30 =	vor.u32 v5, v4  }
0x3ab: {  	s14 =	sld [smem:$0x7CC];
	v4 =	vadd.s32 s0, v0  }
0x3ac: {  	v5 =	vand.u32 $0xFFFFFC00, v9;
	vm4 =	vlt.s32 v4, v22  }
0x3ad: {  	v31 =	vor.u32 v60, v5;
	v4 =	vld [tilespmem:s13+$0x0]  }
0x3ae: {  	v29 =	vld [tilespmem:s14+$0xFFFFFFF0]  }
0x3af: {  	v5 =	vshll.u32 v6, $0x3;
	v7 =	vld.idx.msk [tilespmem:v30+s25+$0x0], vm1  }
0x3b0: {  	v6 =	vand.u32 $0x7F, v6;
	v5 =	vand.u32 $0xFFFFFC00, v5  }
0x3b1: {  	v36 =	vld [tilespmem:s14+$0x0];
	v28 =	vor.u32 v6, v5  }
0x3b2: {  	v6 =	vor.u32 $0x80, v30;
	v8 =	vshll.u32 v4, $0x3;
	v5 =	vld.idx.msk [tilespmem:v31+s25+$0x0], vm4  }
0x3b3: {  	v4 =	vand.u32 $0x7F, v4;
	v8 =	vand.u32 $0xFFFFFC00, v8  }
0x3b4: {  	v34 =	vor.u32 v4, v8;
	v7 =	vmul.f32 v7, v29  }
0x3b5: {  	v4 =	vor.u32 $0x80, v31  }
0x3b6: {  	[tilespmem:v28+s4+$0x0] =	vst.idx.msk vm1, v7  }
0x3b7: {  	v5 =	vmul.f32 v5, v36;
	v6 =	vld.idx.msk [tilespmem:v6+s25+$0x0], vm1  }
0x3b8: {  	s6 =	sadd.s32 $0x20, s6  }
0x3b9: {  	s0 =	sadd.s32 $0x20, s15;
	v7 =	vld [tilespmem:s6+$0x0];
	[tilespmem:v34+s4+$0x0] =	vst.idx.msk vm4, v5;
	v5 =	vor.u32 $0x80, v28  }
0x3ba: {  	v10 =	vor.u32 $0x100, v30;
	p5 =	slt.s32 s0, s20;
	v4 =	vld.idx.msk [tilespmem:v4+s25+$0x0], vm4  }
.Ltmp25:
0x3bb: {  	_ = 	snop;
	(pc) =	sbr.rel @!p5 .LBB2_60-.Ltmp25, $4  }
0x3bc: {  	v6 =	vmul.f32 v6, v29  }
0x3bd: {  	vm0 =	vmmov vm4;
	v58 =	vor.u32 $0x100, v31  }
0x3be: {  	v56 =	vld [tilespmem:s6+$0xFFFFFFF0];
	v55 =	vor.u32 $0x100, v28;
	v8 =	vadd.s32 s15, v0;
	v57 =	vor.u32 $0x80, v34;
	[tilespmem:v5+s4+$0x0] =	vst.idx.msk vm1, v6  }
0x3bf: {  	p2 =	por $0x1, $0x1;
	v60 =	vand.u32 $0x7F, v7;
	v9 =	vshll.u32 v7, $0x3;
	v5 =	vmul.f32 v4, v36;
	v59 =	vld.idx.msk [tilespmem:v10+s25+$0x0], vm1  }
0x3c0: {  	_ =	sdelay $0x2  }
0x3c1: {  	vm3 =	vmmov vm1  }
0x3c2: {  	s13 =	sadd.s32 $0x20, s13;
	vm1 =	vlt.s32 v8, v22;
	v4 =	vshll.u32 v56, $0x3  }
0x3c3: {  	s15 =	sadd.s32 $0x10, s15;
	v7 =	vld [tilespmem:s13+$0xFFFFFFF0];
	[tilespmem:v57+s4+$0x0] =	vst.idx.msk vm0, v5;
	v5 =	vor.u32 $0x180, v30;
	v6 =	vand.u32 $0x7F, v56;
	v4 =	vand.u32 $0xFFFFFC00, v4  }
0x3c4: {  	s29 =	smov.u32 s14;
	v38 =	vor.u32 v6, v4;
	v4 =	vadd.s32 s15, v0  }
0x3c5: {  	s14 =	sadd.s32 $0x20, s29;
	v8 =	vld.idx.msk [tilespmem:v58+s25+$0x0], vm0;
	vm4 =	vlt.s32 v4, v22;
	v4 =	vmul.f32 v59, v29  }
0x3c6: {  	v33 =	vld [tilespmem:s14+$0xFFFFFFF0];
	v6 =	vand.u32 $0xFFFFFC00, v9  }
0x3c7: {  	v35 =	vor.u32 v60, v6;
	v6 =	vld [tilespmem:s13+$0x0];
	[tilespmem:v55+s4+$0x0] =	vst.idx.msk vm3, v4  }
0x3c8: {  	v9 =	vor.u32 $0x100, v34;
	v10 =	vshll.u32 v7, $0x3;
	v5 =	vld.idx.msk [tilespmem:v5+s25+$0x0], vm3  }
0x3c9: {  	v7 =	vand.u32 $0x7F, v7;
	v10 =	vand.u32 $0xFFFFFC00, v10;
	v4 =	vor.u32 $0x180, v31;
	v11 =	vld.idx.msk [tilespmem:v38+s25+$0x0], vm1  }
0x3ca: {  	v37 =	vor.u32 v7, v10;
	v10 =	vor.u32 $0x180, v28  }
0x3cb: {  	v14 =	vor.u32 $0x200, v30;
	v39 =	vld [tilespmem:s14+$0x0];
	v8 =	vmul.f32 v8, v36  }
0x3cc: {  	v12 =	vor.u32 $0x80, v38;
	v13 =	vshll.u32 v6, $0x3;
	v7 =	vld.idx.msk [tilespmem:v35+s25+$0x0], vm4  }
0x3cd: {  	[tilespmem:v9+s4+$0x0] =	vst.idx.msk vm0, v8;
	v6 =	vand.u32 $0x7F, v6;
	v13 =	vand.u32 $0xFFFFFC00, v13;
	v5 =	vmul.f32 v5, v29  }
0x3ce: {  	v32 =	vor.u32 v6, v13;
	v4 =	vld.idx.msk [tilespmem:v4+s25+$0x0], vm0;
	v11 =	vmul.f32 v11, v33  }
0x3cf: {  	v6 =	vor.u32 $0x80, v35;
	[tilespmem:v10+s4+$0x0] =	vst.idx.msk vm3, v5  }
0x3d0: {  	v5 =	vor.u32 $0x180, v34;
	[tilespmem:v37+s4+$0x0] =	vst.idx.msk vm1, v11;
	v9 =	vld.idx.msk [tilespmem:v14+s25+$0x0], vm3  }
0x3d1: {  	v7 =	vmul.f32 v7, v39;
	v8 =	vld.idx.msk [tilespmem:v12+s25+$0x0], vm1  }
0x3d2: {  	s6 =	sadd.s32 $0x20, s6;
	v51 =	vor.u32 $0x200, v28  }
0x3d3: {  	s15 =	sadd.s32 $0x20, s0;
	v10 =	vor.u32 $0x200, v31;
	v11 =	vld [tilespmem:s6+$0x0];
	v4 =	vmul.f32 v4, v36;
	[tilespmem:v32+s4+$0x0] =	vst.idx.msk vm4, v7;
	v7 =	vor.u32 $0x80, v37  }
0x3d4: {  	vm5 =	vmmov vm0;
	v44 =	vor.u32 $0x280, v30;
	v50 =	vor.u32 $0x100, v38;
	p5 =	slt.s32 s15, s20;
	v6 =	vld.idx.msk [tilespmem:v6+s25+$0x0], vm4  }
.Ltmp26:
0x3d5: {  	v43 =	vor.u32 $0x280, v31;
	v40 =	vor.u32 $0x280, v28;
	[tilespmem:v5+s4+$0x0] =	vst.idx.msk vm0, v4;
	v4 =	vmul.f32 v9, v29;
	(pc) =	sbr.rel @!p5 .LBB2_62-.Ltmp26, $4  }
0x3d6: {  	v46 =	vor.u32 $0x200, v34;
	vm6 =	vmmov vm4;
	v63 =	vmul.f32 v8, v33  }
0x3d7: {  	v56 =	vld [tilespmem:s6+$0xFFFFFFF0];
	v58 =	vor.u32 $0x100, v35;
	v55 =	vor.u32 $0x100, v37;
	[tilespmem:v51+s4+$0x0] =	vst.idx.msk vm3, v4;
	v4 =	vimm.s32 $0x0  }
0x3d8: {  	v57 =	vor.u32 $0x80, v32;
	v42 =	vld.idx.msk [tilespmem:v10+s25+$0x0], vm0;
	v60 =	vand.u32 $0x7F, v11;
	[tilespmem:v7+s4+$0x0] =	vst.idx.msk vm1, v63;
	v4 =	vsel vm5, $0xFFFFFFFF, v4  }
0x3d9: {  	p3 =	por $0x1, $0x1;
	v9 =	vshll.u32 v11, $0x3;
	v8 =	vadd.s32 s0, v0;
	v5 =	vmul.f32 v6, v39;
	v59 =	vld.idx.msk [tilespmem:v50+s25+$0x0], vm1;
	[tilespmem:$0x1FEF0] =	vst v4  }
0x3da: {  	_ =	sdelay $0x3  }
0x3db: {  	vm9 =	vmmov vm1;
	vm1 =	vlt.s32 v8, v22  }
0x3dc: {  	s13 =	sadd.s32 $0x20, s13;
	v6 =	vld.idx.msk [tilespmem:v44+s25+$0x0], vm3;
	[tilespmem:v57+s4+$0x0] =	vst.idx.msk vm6, v5;
	v5 =	vand.u32 $0xFFFFFC00, v9;
	v9 =	vor.u32 $0x180, v38;
	v4 =	vshll.u32 v56, $0x3  }
0x3dd: {  	v8 =	vld [tilespmem:s13+$0xFFFFFFF0];
	v10 =	vand.u32 $0x7F, v56;
	v7 =	vmul.f32 v42, v36;
	v4 =	vand.u32 $0xFFFFFC00, v4  }
0x3de: {  	s0 =	sadd.s32 $0x10, s0;
	v13 =	vld [tilespmem:s13+$0x0];
	v47 =	vor.u32 v10, v4  }
0x3df: {  	v4 =	vld.idx.msk [tilespmem:v58+s25+$0x0], vm6;
	v11 =	vmul.f32 v59, v33;
	[tilespmem:v46+s4+$0x0] =	vst.idx.msk vm5, v7;
	v7 =	vadd.s32 s0, v0  }
0x3e0: {  	s14 =	sadd.s32 $0x20, s14;
	v41 =	vor.u32 v60, v5;
	v5 =	vor.u32 $0x300, v30;
	v10 =	vld.idx.msk [tilespmem:v43+s25+$0x0], vm5;
	vm4 =	vlt.s32 v7, v22  }
0x3e1: {  	v50 =	vld [tilespmem:s14+$0xFFFFFFF0];
	v6 =	vmul.f32 v6, v29;
	v7 =	vor.u32 $0x100, v32;
	[tilespmem:v55+s4+$0x0] =	vst.idx.msk vm9, v11  }
0x3e2: {  	v12 =	vor.u32 $0x180, v35;
	v14 =	vor.u32 $0x280, v34;
	v15 =	vshll.u32 v8, $0x3;
	v9 =	vld.idx.msk [tilespmem:v9+s25+$0x0], vm9  }
0x3e3: {  	v16 =	vor.u32 $0x300, v31;
	v15 =	vand.u32 $0xFFFFFC00, v15;
	[tilespmem:v40+s4+$0x0] =	vst.idx.msk vm3, v6;
	v6 =	vand.u32 $0x7F, v8;
	v17 =	vld.idx.msk [tilespmem:v47+s25+$0x0], vm1  }
0x3e4: {  	v19 =	vld [tilespmem:s14+$0x0];
	v45 =	vor.u32 v6, v15;
	v6 =	vor.u32 $0x180, v37;
	v4 =	vmul.f32 v4, v39  }
0x3e5: {  	v5 =	vld.idx.msk [tilespmem:v5+s25+$0x0], vm3;
	v8 =	vmul.f32 v10, v36  }
0x3e6: {  	vm2 =	vmmov vm3;
	v62 =	vor.u32 $0x200, v38;
	v11 =	vshll.u32 v13, $0x3;
	[tilespmem:v7+s4+$0x0] =	vst.idx.msk vm6, v4;
	v10 =	vld.idx.msk [tilespmem:v41+s25+$0x0], vm4  }
0x3e7: {  	v11 =	vand.u32 $0xFFFFFC00, v11;
	v7 =	vor.u32 $0x80, v47;
	v12 =	vld.idx.msk [tilespmem:v12+s25+$0x0], vm6;
	v9 =	vmul.f32 v9, v33;
	[tilespmem:v14+s4+$0x0] =	vst.idx.msk vm0, v8  }
0x3e8: {  	v4 =	vor.u32 $0x300, v28;
	v8 =	vand.u32 $0x7F, v13;
	v14 =	vld.idx.msk [tilespmem:v16+s25+$0x0], vm0;
	v16 =	vmul.f32 v17, v50  }
0x3e9: {  	v63 =	vor.u32 $0x380, v30;
	s6 =	sadd.s32 $0x20, s6;
	vm8 =	vmmov vm6;
	v49 =	vor.u32 v8, v11;
	[tilespmem:v6+s4+$0x0] =	vst.idx.msk vm9, v9  }
0x3ea: {  	vm7 =	vmmov vm5;
	v56 =	vld [tilespmem:s6+$0xFFFFFFF0];
	v8 =	vor.u32 $0x80, v41;
	[tilespmem:v45+s4+$0x0] =	vst.idx.msk vm1, v16;
	v16 =	vor.u32 $0x180, v32  }
0x3eb: {  	v48 =	vor.u32 $0x200, v37;
	v5 =	vmul.f32 v5, v29;
	v6 =	vor.u32 $0x200, v35;
	v15 =	vld.idx.msk [tilespmem:v62+s25+$0x0], vm9  }
0x3ec: {  	v51 =	vor.u32 $0x380, v34;
	v9 =	vor.u32 $0x300, v34;
	v7 =	vld.idx.msk [tilespmem:v7+s25+$0x0], vm1;
	v10 =	vmul.f32 v10, v19  }
0x3ed: {  	v52 =	vor.u32 $0x380, v28;
	v61 =	vor.u32 $0x280, v35;
	v11 =	vld [tilespmem:s6+$0x0];
	[tilespmem:v4+s4+$0x0] =	vst.idx.msk vm2, v5;
	v12 =	vmul.f32 v12, v39  }
0x3ee: {  	vm11 =	vmmov vm6;
	s0 =	sadd.s32 $0x20, s15;
	v13 =	vor.u32 $0x80, v45;
	v5 =	vor.u32 $0x380, v31;
	[tilespmem:v49+s4+$0x0] =	vst.idx.msk vm4, v10;
	v10 =	vld.idx.msk [tilespmem:v63+s25+$0x0], vm2  }
0x3ef: {  	p5 =	slt.s32 s0, s20;
	vm10 =	vmmov vm4;
	v17 =	vor.u32 $0x100, v47;
	v4 =	vmul.f32 v14, v36;
	v14 =	vld.idx.msk [tilespmem:v8+s25+$0x0], vm4;
	[tilespmem:v16+s4+$0x0] =	vst.idx.msk vm6, v12  }
.Ltmp27:
0x3f0: {  	v58 =	vor.u32 $0x100, v41;
	vm13 =	vmmov vm10;
	v12 =	vmul.f32 v15, v33;
	v62 =	vld.idx.msk [tilespmem:v6+s25+$0x0], vm6;
	(pc) =	sbr.rel @!p5 .LBB2_64-.Ltmp27, $4  }
0x3f1: {  	vm12 =	vmmov vm10;
	v63 =	vor.u32 $0x280, v38;
	[tilespmem:v9+s4+$0x0] =	vst.idx.msk vm5, v4;
	v7 =	vmul.f32 v7, v50  }
0x3f2: {  	v55 =	vor.u32 $0x100, v45;
	v57 =	vor.u32 $0x80, v49;
	v60 =	vand.u32 $0x7F, v11;
	[tilespmem:v48+s4+$0x0] =	vst.idx.msk vm9, v12  }
0x3f3: {  	v8 =	vadd.s32 s15, v0;
	v4 =	vor.u32 $0x280, v37;
	v6 =	vor.u32 $0x200, v32;
	v54 =	vld.idx.msk [tilespmem:v5+s25+$0x0], vm5;
	[tilespmem:v13+s4+$0x0] =	vst.idx.msk vm1, v7  }
0x3f4: {  	p4 =	por $0x1, $0x1;
	v9 =	vshll.u32 v11, $0x3;
	v48 =	vmovc v36;
	v53 =	vmul.f32 v10, v29;
	v59 =	vld.idx.msk [tilespmem:v17+s25+$0x0], vm1;
	v5 =	vmul.f32 v14, v19  }
.LBB2_65:
0x3f5: {  	vm14 =	vmmov vm4;
	v10 =	vshll.u32 v56, $0x3;
	v12 =	vmul.f32 v62, v39  }
0x3f6: {  	v9 =	vand.u32 $0xFFFFFC00, v9;
	s13 =	sadd.s32 $0x20, s13;
	v7 =	vmovc v50;
	s29 =	smov.u32 s0;
	s0 =	sadd.s32 $0x20, s0;
	v11 =	vld.idx.msk [tilespmem:v63+s25+$0x0], vm9;
	[tilespmem:v52+s4+$0x0] =	vst.idx.msk vm2, v53;
	vm2 =	vmmov vm9;
	vm9 =	vmmov vm1  }
0x3f7: {  	v13 =	vand.u32 $0x7F, v56;
	p5 =	slt.s32 s0, s20;
	vm1 =	vlt.s32 v8, v22;
	v10 =	vand.u32 $0xFFFFFC00, v10;
	v8 =	vld [tilespmem:s13+$0xFFFFFFF0];
	[tilespmem:v57+s4+$0x0] =	vst.idx.msk vm10, v5  }
0x3f8: {  	s30 =	sadd.s32 $0x10, s15;
	v9 =	vor.u32 v60, v9;
	s15 =	smov.u32 s29;
	v5 =	vor.u32 v13, v10;
	v10 =	vld.idx.msk [tilespmem:v58+s25+$0x0], vm10;
	[tilespmem:v6+s4+$0x0] =	vst.idx.msk vm8, v12  }
0x3f9: {  	s14 =	sadd.s32 $0x20, s14;
	v14 =	vmul.f32 v54, v48;
	v48 =	vmovc v39;
	v39 =	vmovc v19;
	v6 =	vadd.s32 s30, v0;
	v12 =	vor.u32 $0x180, v47;
	v13 =	vld.idx.msk [tilespmem:v61+s25+$0x0], vm8  }
0x3fa: {  	v15 =	vor.u32 $0x300, v38;
	vm4 =	vlt.s32 v6, v22;
	v6 =	vor.u32 $0x100, v49;
	v19 =	vld [tilespmem:s14+$0x0]  }
0x3fb: {  	v17 =	vor.u32 $0x180, v41;
	v52 =	vor.u32 $0x280, v32;
	v16 =	vmul.f32 v59, v7;
	v50 =	vld [tilespmem:s14+$0xFFFFFFF0];
	[tilespmem:v51+s4+$0x0] =	vst.idx.msk vm7, v14  }
0x3fc: {  	v53 =	vor.u32 $0x300, v35;
	v11 =	vmul.f32 v11, v33;
	v14 =	vshll.u32 v8, $0x3;
	v51 =	vld [tilespmem:s13+$0x0]  }
0x3fd: {  	vm7 =	vmmov vm8;
	vm8 =	vmmov vm10;
	v54 =	vld.idx.msk [tilespmem:v5+s25+$0x0], vm1;
	v14 =	vand.u32 $0xFFFFFC00, v14;
	[tilespmem:v55+s4+$0x0] =	vst.idx.msk vm9, v16  }
0x3fe: {  	vm10 =	vmmov vm4;
	v10 =	vmul.f32 v10, v39;
	v12 =	vld.idx.msk [tilespmem:v12+s25+$0x0], vm9;
	[tilespmem:v4+s4+$0x0] =	vst.idx.msk vm2, v11  }
0x3ff: {  	v4 =	vand.u32 $0x7F, v8;
	v11 =	vor.u32 $0x380, v38;
	v13 =	vmul.f32 v13, v48;
	v38 =	vmovc v47;
	v47 =	vmovc v5;
	v8 =	vld.idx.msk [tilespmem:v15+s25+$0x0], vm2  }
0x400: {  	v4 =	vor.u32 v4, v14;
	v14 =	vor.u32 $0x180, v45;
	v5 =	vld.idx.msk [tilespmem:v9+s25+$0x0], vm4;
	[tilespmem:v6+s4+$0x0] =	vst.idx.msk vm13, v10;
	v6 =	vor.u32 $0x300, v37  }
0x401: {  	v16 =	vor.u32 $0x200, v38;
	v10 =	vor.u32 $0x80, v47;
	v15 =	vshll.u32 v51, $0x3;
	v17 =	vld.idx.msk [tilespmem:v17+s25+$0x0], vm12;
	[tilespmem:v52+s4+$0x0] =	vst.idx.msk vm6, v13  }
0x402: {  	v13 =	vand.u32 $0x7F, v51;
	v51 =	vor.u32 $0x180, v49;
	v15 =	vand.u32 $0xFFFFFC00, v15;
	v52 =	vld.idx.msk [tilespmem:v53+s25+$0x0], vm11  }
0x403: {  	s6 =	sadd.s32 $0x20, s6;
	v53 =	vmul.f32 v54, v50;
	v13 =	vor.u32 v13, v15;
	v15 =	vor.u32 $0x80, v9  }
0x404: {  	v55 =	vor.u32 $0x300, v32;
	v54 =	vor.u32 $0x200, v41;
	v12 =	vmul.f32 v12, v7;
	v56 =	vld [tilespmem:s6+$0xFFFFFFF0]  }
0x405: {  	v8 =	vmul.f32 v8, v33;
	v59 =	vld [tilespmem:s6+$0x0];
	[tilespmem:v4+s4+$0x0] =	vst.idx.msk vm1, v53;
	v53 =	vor.u32 $0x380, v35;
	v35 =	vmovc v41;
	v41 =	vmov v9  }
0x406: {  	vm6 =	vmmov vm14;
	vm11 =	vmmov vm14;
	v5 =	vmul.f32 v5, v19;
	v9 =	vld.idx.msk [tilespmem:v10+s25+$0x0], vm1;
	[tilespmem:v14+s4+$0x0] =	vst.idx.msk vm9, v12  }
0x407: {  	vm13 =	vmmov vm4;
	vm12 =	vmmov vm4;
	v12 =	vmul.f32 v17, v39;
	v10 =	vld.idx.msk [tilespmem:v16+s25+$0x0], vm9;
	[tilespmem:v6+s4+$0x0] =	vst.idx.msk vm2, v8  }
0x408: {  	v6 =	vmul.f32 v52, v48;
	[tilespmem:v13+s4+$0x0] =	vst.idx.msk vm10, v5;
	v5 =	vld.idx.msk [tilespmem:v11+s25+$0x0], vm2  }
0x409: {  	v11 =	vor.u32 $0x80, v4;
	v14 =	vld.idx.msk [tilespmem:v15+s25+$0x0], vm10;
	[tilespmem:v51+s4+$0x0] =	vst.idx.msk vm8, v12  }
0x40a: {  	v12 =	vor.u32 $0x100, v47;
	v15 =	vor.u32 $0x200, v45;
	v51 =	vor.u32 $0x380, v32;
	v32 =	vmovc v49;
	v62 =	vld.idx.msk [tilespmem:v54+s25+$0x0], vm8;
	[tilespmem:v55+s4+$0x0] =	vst.idx.msk vm7, v6  }
.Ltmp28:
0x40b: {  	v63 =	vor.u32 $0x280, v38;
	v57 =	vor.u32 $0x80, v13;
	v52 =	vor.u32 $0x380, v37;
	v37 =	vmovc v45;
	v45 =	vmovc v4;
	v54 =	vld.idx.msk [tilespmem:v53+s25+$0x0], vm7;
	(pc) =	sbr.rel @p5 .LBB2_65-.Ltmp28, $4  }
0x40c: {  	v58 =	vor.u32 $0x100, v41;
	v61 =	vor.u32 $0x280, v35;
	v49 =	vmovc v13;
	v9 =	vmul.f32 v9, v50  }
0x40d: {  	v4 =	vor.u32 $0x280, v37;
	v6 =	vor.u32 $0x200, v32;
	v10 =	vmul.f32 v10, v7  }
0x40e: {  	v8 =	vadd.s32 s15, v0;
	v55 =	vor.u32 $0x100, v45;
	v53 =	vmul.f32 v5, v33;
	v33 =	vmovc v7;
	[tilespmem:v11+s4+$0x0] =	vst.idx.msk vm1, v9  }
0x40f: {  	v60 =	vand.u32 $0x7F, v59;
	v9 =	vshll.u32 v59, $0x3;
	v5 =	vmul.f32 v14, v19;
	v59 =	vld.idx.msk [tilespmem:v12+s25+$0x0], vm1;
	[tilespmem:v15+s4+$0x0] =	vst.idx.msk vm9, v10  }
0x410: {  	v7 =	vmov v39;
	v39 =	vmov v19;
	s30 =	simm.s32 $0x0  }
.LBB2_67:
0x411: {  	s6 =	sld [smem:$0x7CB];
	_ =	sdelay $0x1  }
0x412: {  	s0 =	sadd.s32 @p2 $0x20, s13;
	v10 =	vshll.u32 v56, $0x3  }
0x413: {  	vm15 =	vlt.s32 v8, v22;
	s29 =	sadd.s32 $0x10, s15;
	v56 =	vand.u32 $0x7F, v56;
	v10 =	vand.u32 $0xFFFFFC00, v10;
	s6 =	smov.u32 @p2 s0  }
0x414: {  	s13 =	sld [smem:$0x7CC];
	v12 =	vadd.s32 s29, v0;
	v10 =	vor.u32 v56, v10;
	v11 =	vld [tilespmem:s6+$0xFFFFFFF0]  }
0x415: {  	v9 =	vand.u32 $0xFFFFFC00, v9;
	vm5 =	vlt.s32 v12, v22  }
0x416: {  	v60 =	vor.u32 v60, v9;
	s0 =	sadd.s32 @p2 $0x20, s14;
	v56 =	vld [tilespmem:s6+$0x0]  }
0x417: {  	s13 =	smov.u32 @p2 s0  }
0x418: {  	v9 =	vld [tilespmem:s13+$0xFFFFFFF0]  }
0x419: {  	v14 =	vld.idx.msk [tilespmem:v10+s25+$0x0], vm15;
	v13 =	vshll.u32 v11, $0x3  }
0x41a: {  	v8 =	vld [tilespmem:s13+$0x0];
	v11 =	vand.u32 $0x7F, v11;
	v13 =	vand.u32 $0xFFFFFC00, v13  }
0x41b: {  	v15 =	vld.idx.msk [tilespmem:v60+s25+$0x0], vm5;
	v16 =	vshll.u32 v56, $0x3;
	v19 =	vor.u32 v11, v13  }
0x41c: {  	v11 =	vand.u32 $0x7F, v56;
	v56 =	vand.u32 $0xFFFFFC00, v16;
	v13 =	vor.u32 $0x80, v10  }
0x41d: {  	v56 =	vor.u32 v11, v56  }
0x41e: {  	v11 =	vor.u32 $0x80, v60;
	v12 =	vmul.f32 v14, v9;
	_ =	sdelay $0x1  }
0x41f: {  	v14 =	vmul.f32 v15, v8;
	[tilespmem:v19+s4+$0x0] =	vst.idx.msk vm15, v12  }
0x420: {  	v12 =	vld.idx.msk [tilespmem:v13+s25+$0x0], vm15  }
0x421: {  	[tilespmem:v56+s4+$0x0] =	vst.idx.msk vm5, v14  }
0x422: {  	v13 =	vor.u32 $0x80, v19;
	v11 =	vld.idx.msk [tilespmem:v11+s25+$0x0], vm5  }
0x423: {  	vm14 =	vmmov vm5;
	v14 =	vor.u32 $0x100, v10  }
0x424: {  	v15 =	vor.u32 $0x80, v56  }
0x425: {  	[tilespmem:v57+s4+$0x0] =	vst.idx.msk @p2 vm10, v5;
	v5 =	vor.u32 $0x100, v60;
	vm5 =	vmmov @p2 vm1;
	v12 =	vmul.f32 v12, v9  }
0x426: {  	v16 =	vld.idx.msk @p2 [tilespmem:v58+s25+$0x0], vm10  }
0x427: {  	v11 =	vmul.f32 v11, v8;
	[tilespmem:v13+s4+$0x0] =	vst.idx.msk vm15, v12  }
0x428: {  	v17 =	vmov @p2 v50;
	v12 =	vor.u32 @p2 $0x180, v47;
	v13 =	vor.u32 @p2 $0x100, v49;
	v14 =	vld.idx.msk [tilespmem:v14+s25+$0x0], vm15  }
0x429: {  	[tilespmem:v15+s4+$0x0] =	vst.idx.msk vm14, v11;
	v11 =	vor.u32 @p2 $0x180, v41;
	v15 =	vmovc @p2 v39;
	v39 =	vmul.f32 @p2 v59, v17;
	vm15 =	vmmov vm15  }
0x42a: {  	v50 =	vor.u32 $0x100, v19;
	v5 =	vld.idx.msk [tilespmem:v5+s25+$0x0], vm14  }
0x42b: {  	v16 =	vmul.f32 @p2 v16, v15;
	[tilespmem:v55+s4+$0x0] =	vst.idx.msk @p2 vm5, v39;
	v39 =	vor.u32 $0x180, v10  }
0x42c: {  	v55 =	vor.u32 $0x100, v56  }
0x42d: {  	[tilespmem:v13+s4+$0x0] =	vst.idx.msk @p2 vm13, v16;
	v12 =	vld.idx.msk @p2 [tilespmem:v12+s25+$0x0], vm5;
	v14 =	vmul.f32 v14, v9  }
0x42e: {  	v11 =	vld.idx.msk @p2 [tilespmem:v11+s25+$0x0], vm12  }
0x42f: {  	v57 =	vor.u32 @p2 $0x180, v45;
	vm10 =	vmmov @p2 vm10;
	v16 =	vld.idx.msk @p3 [tilespmem:v63+s25+$0x0], vm9;
	v5 =	vmul.f32 v5, v8;
	[tilespmem:v50+s4+$0x0] =	vst.idx.msk vm15, v14  }
0x430: {  	vm1 =	vmmov @p3 vm9;
	v50 =	vor.u32 @p2 $0x180, v49;
	v39 =	vld.idx.msk [tilespmem:v39+s25+$0x0], vm15  }
0x431: {  	[tilespmem:v55+s4+$0x0] =	vst.idx.msk vm14, v5;
	v5 =	vmul.f32 @p3 v62, v7  }
0x432: {  	v63 =	vor.u32 $0x180, v19;
	v12 =	vmul.f32 @p2 v12, v17  }
0x433: {  	[tilespmem:v6+s4+$0x0] =	vst.idx.msk @p3 vm8, v5;
	v5 =	vmul.f32 @p2 v11, v15  }
0x434: {  	v13 =	vor.u32 $0x180, v60;
	[tilespmem:v57+s4+$0x0] =	vst.idx.msk @p2 vm5, v12;
	v12 =	vmul.f32 @p3 v16, v33  }
0x435: {  	[tilespmem:v50+s4+$0x0] =	vst.idx.msk @p2 vm10, v5;
	v39 =	vmul.f32 v39, v9  }
0x436: {  	[tilespmem:v4+s4+$0x0] =	vst.idx.msk @p3 vm1, v12  }
0x437: {  	v14 =	vor.u32 @p2 $0x200, v47;
	[tilespmem:v63+s4+$0x0] =	vst.idx.msk vm15, v39  }
0x438: {  	v55 =	vor.u32 @p2 $0x200, v41;
	v39 =	vld [tilespmem:$0x1FEF0]  }
0x439: {  	v13 =	vld.idx.msk [tilespmem:v13+s25+$0x0], vm14  }
0x43a: {  	vm9 =	vmmov vm14  }
0x43b: {  	v58 =	vor.u32 $0x200, v10;
	v16 =	vor.u32 $0x180, v56  }
0x43c: {  	v30 =	vpsel p2, v47, v30;
	v34 =	vpsel p2, v49, v34;
	v5 =	vld.idx.msk @p2 [tilespmem:v14+s25+$0x0], vm5  }
0x43d: {  	v59 =	vor.u32 $0x200, v60;
	v4 =	vld.idx.msk @p2 [tilespmem:v55+s25+$0x0], vm10;
	vm12 =	vnez.u8 v39;
	v39 =	vor.u32 @p2 $0x200, v49  }
0x43e: {  	vm3 =	vmmov @p2 vm5;
	v6 =	vor.u32 @p2 $0x200, v45;
	v13 =	vmul.f32 v13, v8  }
0x43f: {  	v11 =	vor.u32 @p3 $0x300, v38;
	v15 =	vpsel p2, v15, v36;
	v55 =	vld.idx.msk @p3 [tilespmem:v61+s25+$0x0], vm8;
	vm12 =	vmmov @p2 vm10  }
0x440: {  	v12 =	vor.u32 @p2 $0x280, v47;
	[tilespmem:v16+s4+$0x0] =	vst.idx.msk vm9, v13;
	v14 =	vld.idx.msk [tilespmem:v58+s25+$0x0], vm15;
	v13 =	vpsel p2, v39, v46;
	v39 =	vmov @p2 v41  }
0x441: {  	v12 =	vpsel p2, v12, v44;
	v5 =	vmul.f32 @p2 v5, v17;
	v36 =	vor.u32 @p2 $0x280, v39  }
0x442: {  	v62 =	vor.u32 $0x200, v19;
	v61 =	vld.idx.msk [tilespmem:v59+s25+$0x0], vm9;
	v4 =	vpsel p2, v4, v42;
	v36 =	vpsel p2, v36, v43  }
0x443: {  	vm13 =	vmmov vm15;
	v4 =	vmul.f32 @p2 v4, v15;
	[tilespmem:v6+s4+$0x0] =	vst.idx.msk @p2 vm5, v5;
	v5 =	vor.u32 $0x280, v10  }
0x444: {  	v44 =	vor.u32 @p3 $0x280, v32;
	v11 =	vld.idx.msk @p3 [tilespmem:v11+s25+$0x0], vm1;
	v63 =	vor.u32 $0x200, v56;
	v16 =	vor.u32 @p3 $0x300, v35  }
0x445: {  	v42 =	vmul.f32 @p3 v55, v7;
	v14 =	vmul.f32 v14, v9;
	[tilespmem:v13+s4+$0x0] =	vst.idx.msk @p2 vm12, v4;
	v4 =	vor.u32 $0x280, v60  }
0x446: {  	vm5 =	vmmov @p2 vm4;
	vm4 =	vmmov @p2 vm3;
	v12 =	vld.idx.msk @p2 [tilespmem:v12+s25+$0x0], vm3;
	v46 =	vor.u32 @p3 $0x300, v37  }
0x447: {  	vm10 =	vmmov vm0;
	[tilespmem:v62+s4+$0x0] =	vst.idx.msk vm15, v14;
	v41 =	vmul.f32 v61, v8;
	v13 =	vor.u32 @p2 $0x280, v45;
	v36 =	vld.idx.msk @p2 [tilespmem:v36+s25+$0x0], vm12  }
0x448: {  	vm0 =	vmmov @p2 vm5;
	vm10 =	vmmov @p2 vm5;
	v5 =	vld.idx.msk [tilespmem:v5+s25+$0x0], vm15;
	v13 =	vpsel p2, v13, v40  }
0x449: {  	v31 =	vpsel p2, v39, v31;
	v14 =	vmovc @p2 v17;
	v17 =	vor.u32 @p2 $0x300, v30;
	v39 =	vor.u32 @p2 $0x280, v34;
	[tilespmem:v63+s4+$0x0] =	vst.idx.msk vm9, v41  }
0x44a: {  	v11 =	vmul.f32 @p3 v11, v33;
	v6 =	vpsel p2, v14, v29;
	v14 =	vor.u32 @p2 $0x300, v31;
	v4 =	vld.idx.msk [tilespmem:v4+s25+$0x0], vm9  }
0x44b: {  	[tilespmem:v44+s4+$0x0] =	vst.idx.msk @p3 vm6, v42;
	v29 =	vor.u32 $0x280, v19;
	v12 =	vmul.f32 @p2 v12, v6  }
0x44c: {  	v50 =	vor.u32 $0x300, v10;
	v55 =	vor.u32 $0x280, v56;
	[tilespmem:v46+s4+$0x0] =	vst.idx.msk @p3 vm1, v11;
	v11 =	vmul.f32 @p2 v36, v15  }
0x44d: {  	v57 =	vor.u32 $0x300, v60;
	v16 =	vld.idx.msk @p3 [tilespmem:v16+s25+$0x0], vm11;
	[tilespmem:v13+s4+$0x0] =	vst.idx.msk @p2 vm4, v12  }
0x44e: {  	v38 =	vor.u32 @p3 $0x380, v38;
	vm6 =	vmmov @p3 vm8;
	v5 =	vmul.f32 v5, v9;
	v13 =	vld.idx.msk @p2 [tilespmem:v17+s25+$0x0], vm4;
	[tilespmem:v39+s4+$0x0] =	vst.idx.msk @p2 vm10, v11  }
0x44f: {  	v17 =	vpsel p2, v45, v28;
	v11 =	vor.u32 @p3 $0x300, v32;
	v4 =	vmul.f32 v4, v8;
	v14 =	vld.idx.msk @p2 [tilespmem:v14+s25+$0x0], vm0  }
0x450: {  	vm5 =	vmmov @p2 vm12;
	[tilespmem:v29+s4+$0x0] =	vst.idx.msk vm13, v5;
	v28 =	vor.u32 @p3 $0x380, v35;
	v35 =	vor.u32 @p2 $0x300, v17  }
0x451: {  	v5 =	vmul.f32 @p4 v54, v48;
	v29 =	vor.u32 @p2 $0x380, v30;
	v30 =	vor.u32 @p2 $0x300, v34;
	v36 =	vld.idx.msk [tilespmem:v50+s25+$0x0], vm13;
	[tilespmem:v55+s4+$0x0] =	vst.idx.msk vm14, v4  }
0x452: {  	v58 =	vor.u32 $0x300, v19;
	[tilespmem:v52+s4+$0x0] =	vst.idx.msk @p4 vm2, v53;
	v31 =	vor.u32 @p2 $0x380, v31;
	v4 =	vmul.f32 @p3 v16, v7;
	v12 =	vld.idx.msk [tilespmem:v57+s25+$0x0], vm14  }
0x453: {  	v59 =	vor.u32 $0x300, v56;
	vm15 =	vmmov vm9;
	[tilespmem:v51+s4+$0x0] =	vst.idx.msk @p4 vm7, v5;
	v13 =	vmul.f32 @p2 v13, v6  }
0x454: {  	v10 =	vor.u32 $0x380, v10;
	vm2 =	vmmov @p3 vm6;
	v38 =	vld.idx.msk @p3 [tilespmem:v38+s25+$0x0], vm1;
	[tilespmem:v11+s4+$0x0] =	vst.idx.msk @p3 vm6, v4;
	v4 =	vmul.f32 @p2 v14, v15  }
0x455: {  	v62 =	vor.u32 $0x380, v19;
	v61 =	vor.u32 $0x380, v60;
	vm1 =	vmmov @p3 vm1;
	[tilespmem:v35+s4+$0x0] =	vst.idx.msk @p2 vm4, v13;
	v28 =	vld.idx.msk @p3 [tilespmem:v28+s25+$0x0], vm6  }
0x456: {  	v29 =	vld.idx.msk @p2 [tilespmem:v29+s25+$0x0], vm4;
	v14 =	vor.u32 @p3 $0x380, v32;
	v32 =	vor.u32 @p3 $0x380, v37;
	[tilespmem:v30+s4+$0x0] =	vst.idx.msk @p2 vm5, v4;
	v4 =	vmul.f32 v36, v9  }
0x457: {  	v17 =	vor.u32 @p2 $0x380, v17;
	v30 =	vpsel p3, v32, v0;
	v12 =	vmul.f32 v12, v8;
	v31 =	vld.idx.msk @p2 [tilespmem:v31+s25+$0x0], vm5  }
0x458: {  	v17 =	vpsel p2, v17, v0;
	vm4 =	vmmov @p2 vm4;
	v14 =	vpsel p3, v14, v0;
	[tilespmem:v58+s4+$0x0] =	vst.idx.msk vm13, v4  }
0x459: {  	v16 =	vmul.f32 @p3 v38, v33;
	vm5 =	vmmov @p2 vm5;
	v4 =	vor.u32 @p2 $0x380, v34;
	[tilespmem:v59+s4+$0x0] =	vst.idx.msk vm15, v12;
	v10 =	vld.idx.msk [tilespmem:v10+s25+$0x0], vm13  }
0x45a: {  	v7 =	vpsel p3, v7, v0;
	v11 =	vpsel p3, v28, v0;
	v4 =	vpsel p2, v4, v0;
	v12 =	vld.idx.msk [tilespmem:v61+s25+$0x0], vm15  }
0x45b: {  	v16 =	vpsel p3, v16, v0;
	v6 =	vmul.f32 @p2 v29, v6;
	v5 =	vmul.f32 @p3 v11, v7  }
0x45c: {  	v63 =	vor.u32 $0x380, v56;
	v11 =	vpsel p2, v15, v0;
	[tilespmem:v30+s4+$0x0] =	vst.idx.msk @p3 vm1, v16;
	v13 =	vpsel p2, v31, v0  }
0x45d: {  	[tilespmem:v14+s4+$0x0] =	vst.idx.msk @p3 vm2, v5;
	v5 =	vpsel p2, v6, v0;
	v6 =	vmul.f32 @p2 v13, v11  }
0x45e: {  	[tilespmem:v17+s4+$0x0] =	vst.idx.msk @p2 vm4, v5;
	v5 =	vmul.f32 v10, v9  }
0x45f: {  	[tilespmem:v4+s4+$0x0] =	vst.idx.msk @p2 vm5, v6;
	v4 =	vmul.f32 v12, v8  }
0x460: {  	[tilespmem:v62+s4+$0x0] =	vst.idx.msk vm13, v5  }
0x461: {  	[tilespmem:v63+s4+$0x0] =	vst.idx.msk vm15, v4  }
.LBB2_15:
0x462: {  	s15 =	sld [smem:$0x7F6];
	_ =	sdelay $0x2  }
0x463: {  	p2 =	seq.s32 s15, $0x1  }
.Ltmp29:
0x464: {  	_ = 	snop;
	(pc) =	sbr.rel @p2 .LBB2_17-.Ltmp29, $4  }
0x465: {  	_ = 	snop  }
0x466: {  	s0 =	sld [smem:$0x7CF]  }
0x467: {  	s6 =	sld [smem:$0x7CE]  }
0x468: {  	s13 =	sld [smem:$0x7CD];
	s14 =	smov.u32 s20  }
.LBB2_16:
0x469: {  	v4 =	vld [tilespmem:s0+$0x0];
	_ =	sdelay $0x4  }
0x46a: {  	v5 =	vadd.s32 s14, v0;
	v6 =	vshll.u32 v4, $0x3  }
0x46b: {  	vm0 =	vlt.s32 v5, v22;
	v4 =	vand.u32 $0x7F, v4;
	v5 =	vand.u32 $0xFFFFFC00, v6  }
0x46c: {  	v52 =	vld [tilespmem:s6+$0x0];
	v4 =	vor.u32 v4, v5;
	_ =	sdelay $0x3  }
0x46d: {  	v5 =	vld [tilespmem:s13+$0x0]  }
0x46e: {  	v8 =	vshll.u32 v52, $0x3;
	v7 =	vld.idx.msk [tilespmem:v4+s25+$0x0], vm0  }
0x46f: {  	v6 =	vand.u32 $0x7F, v52;
	v8 =	vand.u32 $0xFFFFFC00, v8  }
0x470: {  	v6 =	vor.u32 v6, v8  }
0x471: {  	v53 =	vor.u32 $0x80, v4;
	_ =	sdelay $0x1  }
0x472: {  	v7 =	vmul.f32 v7, v5;
	_ =	sdelay $0x1  }
0x473: {  	[tilespmem:v6+s4+$0x0] =	vst.idx.msk vm0, v7  }
0x474: {  	v7 =	vld.idx.msk [tilespmem:v53+s25+$0x0], vm0;
	_ =	sdelay $0x1  }
0x475: {  	v54 =	vor.u32 $0x80, v6  }
0x476: {  	v9 =	vor.u32 $0x100, v4;
	_ =	sdelay $0x1  }
0x477: {  	v7 =	vmul.f32 v7, v5;
	_ =	sdelay $0x1  }
0x478: {  	[tilespmem:v54+s4+$0x0] =	vst.idx.msk vm0, v7  }
0x479: {  	v7 =	vld.idx.msk [tilespmem:v9+s25+$0x0], vm0;
	_ =	sdelay $0x1  }
0x47a: {  	v55 =	vor.u32 $0x100, v6  }
0x47b: {  	v56 =	vor.u32 $0x180, v4;
	_ =	sdelay $0x1  }
0x47c: {  	v7 =	vmul.f32 v7, v5;
	_ =	sdelay $0x1  }
0x47d: {  	[tilespmem:v55+s4+$0x0] =	vst.idx.msk vm0, v7  }
0x47e: {  	v7 =	vld.idx.msk [tilespmem:v56+s25+$0x0], vm0;
	_ =	sdelay $0x1  }
0x47f: {  	v57 =	vor.u32 $0x180, v6  }
0x480: {  	v58 =	vor.u32 $0x200, v4;
	_ =	sdelay $0x1  }
0x481: {  	v7 =	vmul.f32 v7, v5;
	_ =	sdelay $0x1  }
0x482: {  	[tilespmem:v57+s4+$0x0] =	vst.idx.msk vm0, v7  }
0x483: {  	v7 =	vld.idx.msk [tilespmem:v58+s25+$0x0], vm0;
	_ =	sdelay $0x1  }
0x484: {  	v59 =	vor.u32 $0x200, v6  }
0x485: {  	v60 =	vor.u32 $0x280, v4;
	_ =	sdelay $0x1  }
0x486: {  	v7 =	vmul.f32 v7, v5;
	_ =	sdelay $0x1  }
0x487: {  	[tilespmem:v59+s4+$0x0] =	vst.idx.msk vm0, v7  }
0x488: {  	v7 =	vld.idx.msk [tilespmem:v60+s25+$0x0], vm0;
	_ =	sdelay $0x1  }
0x489: {  	v61 =	vor.u32 $0x280, v6  }
0x48a: {  	v62 =	vor.u32 $0x300, v4;
	_ =	sdelay $0x1  }
0x48b: {  	v7 =	vmul.f32 v7, v5;
	_ =	sdelay $0x1  }
0x48c: {  	[tilespmem:v61+s4+$0x0] =	vst.idx.msk vm0, v7  }
0x48d: {  	v7 =	vld.idx.msk [tilespmem:v62+s25+$0x0], vm0;
	_ =	sdelay $0x1  }
0x48e: {  	v63 =	vor.u32 $0x300, v6  }
0x48f: {  	v4 =	vor.u32 $0x380, v4;
	_ =	sdelay $0x1  }
0x490: {  	v7 =	vmul.f32 v7, v5;
	_ =	sdelay $0x1  }
0x491: {  	[tilespmem:v63+s4+$0x0] =	vst.idx.msk vm0, v7  }
0x492: {  	v4 =	vld.idx.msk [tilespmem:v4+s25+$0x0], vm0  }
0x493: {  	s14 =	sadd.s32 $0x10, s14  }
0x494: {  	p2 =	slt.s32 s14, s19;
	v6 =	vor.u32 $0x380, v6  }
.Ltmp30:
0x495: {  	_ = 	snop;
	(pc) =	sbr.rel @p2 .LBB2_16-.Ltmp30, $3  }
0x496: {  	_ = 	snop  }
0x497: {  	v4 =	vmul.f32 v4, v5;
	_ =	sdelay $0x1  }
0x498: {  	s6 =	sadd.s32 $0x10, s6;
	s0 =	sadd.s32 $0x10, s0;
	s13 =	sadd.s32 $0x10, s13;
	[tilespmem:v6+s4+$0x0] =	vst.idx.msk vm0, v4  }
.LBB2_17:
0x499: {  	s0 =	simm.s32 $0x4  }
0x49a: {  	_ =	swait.ge [sflag:s0], $0x4000  }
0x49b: {  	s29 =	sld [smem:$0x7F7];
	_ =	sdelay $0x2  }
0x49c: {  	p2 =	seq.s32 s29, $0x1  }
.Ltmp31:
0x49d: {  	_ = 	snop;
	(pc) =	sbr.rel @p2 .LBB2_18-.Ltmp31, $4  }
0x49e: {  	_ = 	snop  }
0x49f: {  	[sflag:s0] =	ssyncset.done $0x0;
	s15 =	rddreg [dreg:$0x10]  }
0x4a0: {  	[sflag:s0] =	ssyncadd.s32 $0xFFFFC000;
	s0 =	sadd.s32 s8, s15  }
0x4a1: {  	[tilespmem:s25], [sflag:$0x3] =	stream.linear.gather [hbm4b:s0+s30], $0x4000, $0x38;
	[tilespmem:$0x1E480] =	vst v63  }
0x4a2: {  	s6 =	sld [smem:$0x7D1]  }
0x4a3: {  	s0 =	rddreg [dreg:$0x18]  }
0x4a4: {  	s15 =	sadd.s32 $0x20, s0  }
0x4a5: {  	p5 =	slt.s32 s15, s10;
	v4 =	vld [tilespmem:s6+$0x0]  }
.Ltmp32:
0x4a6: {  	_ = 	snop;
	(pc) =	sbr.rel @!p5 .LBB2_69-.Ltmp32, $3  }
0x4a7: {  	_ =	sdelay $0x1  }
0x4a8: {  	p2 =	por $0x0, $0x0  }
0x4a9: {  	p3 =	por $0x0, $0x0;
	p4 =	por $0x0, $0x0;
	s13 =	sld [smem:$0x7D2];
	v8 =	vadd.s32 s0, v0;
	v56 =	vld [tilespmem:s6+$0xFFFFFFF0];
	v60 =	vand.u32 $0x7F, v4;
	v9 =	vshll.u32 v4, $0x3  }
0x4aa: {  	_ =	sdelay $0x3  }
0x4ab: {  	v4 =	vshll.u32 v56, $0x3  }
0x4ac: {  	vm1 =	vlt.s32 v8, v23;
	v5 =	vand.u32 $0x7F, v56;
	v4 =	vand.u32 $0xFFFFFC00, v4  }
0x4ad: {  	s0 =	sadd.s32 $0x10, s0;
	v6 =	vld [tilespmem:s13+$0xFFFFFFF0];
	v30 =	vor.u32 v5, v4  }
0x4ae: {  	s14 =	sld [smem:$0x7D3];
	v4 =	vadd.s32 s0, v0  }
0x4af: {  	v5 =	vand.u32 $0xFFFFFC00, v9;
	vm4 =	vlt.s32 v4, v23  }
0x4b0: {  	v31 =	vor.u32 v60, v5;
	v4 =	vld [tilespmem:s13+$0x0]  }
0x4b1: {  	v29 =	vld [tilespmem:s14+$0xFFFFFFF0]  }
0x4b2: {  	v5 =	vshll.u32 v6, $0x3;
	v7 =	vld.idx.msk [tilespmem:v30+s2+$0x0], vm1  }
0x4b3: {  	v6 =	vand.u32 $0x7F, v6;
	v5 =	vand.u32 $0xFFFFFC00, v5  }
0x4b4: {  	v36 =	vld [tilespmem:s14+$0x0];
	v28 =	vor.u32 v6, v5  }
0x4b5: {  	v6 =	vor.u32 $0x80, v30;
	v8 =	vshll.u32 v4, $0x3;
	v5 =	vld.idx.msk [tilespmem:v31+s2+$0x0], vm4  }
0x4b6: {  	v4 =	vand.u32 $0x7F, v4;
	v8 =	vand.u32 $0xFFFFFC00, v8  }
0x4b7: {  	v34 =	vor.u32 v4, v8;
	v7 =	vmul.f32 v7, v29  }
0x4b8: {  	v4 =	vor.u32 $0x80, v31  }
0x4b9: {  	[tilespmem:v28+s4+$0x0] =	vst.idx.msk vm1, v7  }
0x4ba: {  	v5 =	vmul.f32 v5, v36;
	v6 =	vld.idx.msk [tilespmem:v6+s2+$0x0], vm1  }
0x4bb: {  	s6 =	sadd.s32 $0x20, s6  }
0x4bc: {  	s0 =	sadd.s32 $0x20, s15;
	v7 =	vld [tilespmem:s6+$0x0];
	[tilespmem:v34+s4+$0x0] =	vst.idx.msk vm4, v5;
	v5 =	vor.u32 $0x80, v28  }
0x4bd: {  	v10 =	vor.u32 $0x100, v30;
	p5 =	slt.s32 s0, s10;
	v4 =	vld.idx.msk [tilespmem:v4+s2+$0x0], vm4  }
.Ltmp33:
0x4be: {  	_ = 	snop;
	(pc) =	sbr.rel @!p5 .LBB2_71-.Ltmp33, $4  }
0x4bf: {  	v6 =	vmul.f32 v6, v29  }
0x4c0: {  	vm0 =	vmmov vm4;
	v58 =	vor.u32 $0x100, v31  }
0x4c1: {  	v56 =	vld [tilespmem:s6+$0xFFFFFFF0];
	v55 =	vor.u32 $0x100, v28;
	v8 =	vadd.s32 s15, v0;
	v57 =	vor.u32 $0x80, v34;
	[tilespmem:v5+s4+$0x0] =	vst.idx.msk vm1, v6  }
0x4c2: {  	p2 =	por $0x1, $0x1;
	v60 =	vand.u32 $0x7F, v7;
	v9 =	vshll.u32 v7, $0x3;
	v5 =	vmul.f32 v4, v36;
	v59 =	vld.idx.msk [tilespmem:v10+s2+$0x0], vm1  }
0x4c3: {  	_ =	sdelay $0x2  }
0x4c4: {  	vm3 =	vmmov vm1  }
0x4c5: {  	s13 =	sadd.s32 $0x20, s13;
	vm1 =	vlt.s32 v8, v23;
	v4 =	vshll.u32 v56, $0x3  }
0x4c6: {  	s15 =	sadd.s32 $0x10, s15;
	v7 =	vld [tilespmem:s13+$0xFFFFFFF0];
	[tilespmem:v57+s4+$0x0] =	vst.idx.msk vm0, v5;
	v5 =	vor.u32 $0x180, v30;
	v6 =	vand.u32 $0x7F, v56;
	v4 =	vand.u32 $0xFFFFFC00, v4  }
0x4c7: {  	s29 =	smov.u32 s14;
	v38 =	vor.u32 v6, v4;
	v4 =	vadd.s32 s15, v0  }
0x4c8: {  	s14 =	sadd.s32 $0x20, s29;
	v8 =	vld.idx.msk [tilespmem:v58+s2+$0x0], vm0;
	vm4 =	vlt.s32 v4, v23;
	v4 =	vmul.f32 v59, v29  }
0x4c9: {  	v33 =	vld [tilespmem:s14+$0xFFFFFFF0];
	v6 =	vand.u32 $0xFFFFFC00, v9  }
0x4ca: {  	v35 =	vor.u32 v60, v6;
	v6 =	vld [tilespmem:s13+$0x0];
	[tilespmem:v55+s4+$0x0] =	vst.idx.msk vm3, v4  }
0x4cb: {  	v9 =	vor.u32 $0x100, v34;
	v10 =	vshll.u32 v7, $0x3;
	v5 =	vld.idx.msk [tilespmem:v5+s2+$0x0], vm3  }
0x4cc: {  	v7 =	vand.u32 $0x7F, v7;
	v10 =	vand.u32 $0xFFFFFC00, v10;
	v4 =	vor.u32 $0x180, v31;
	v11 =	vld.idx.msk [tilespmem:v38+s2+$0x0], vm1  }
0x4cd: {  	v37 =	vor.u32 v7, v10;
	v10 =	vor.u32 $0x180, v28  }
0x4ce: {  	v14 =	vor.u32 $0x200, v30;
	v39 =	vld [tilespmem:s14+$0x0];
	v8 =	vmul.f32 v8, v36  }
0x4cf: {  	v12 =	vor.u32 $0x80, v38;
	v13 =	vshll.u32 v6, $0x3;
	v7 =	vld.idx.msk [tilespmem:v35+s2+$0x0], vm4  }
0x4d0: {  	[tilespmem:v9+s4+$0x0] =	vst.idx.msk vm0, v8;
	v6 =	vand.u32 $0x7F, v6;
	v13 =	vand.u32 $0xFFFFFC00, v13;
	v5 =	vmul.f32 v5, v29  }
0x4d1: {  	v32 =	vor.u32 v6, v13;
	v4 =	vld.idx.msk [tilespmem:v4+s2+$0x0], vm0;
	v11 =	vmul.f32 v11, v33  }
0x4d2: {  	v6 =	vor.u32 $0x80, v35;
	[tilespmem:v10+s4+$0x0] =	vst.idx.msk vm3, v5  }
0x4d3: {  	v5 =	vor.u32 $0x180, v34;
	[tilespmem:v37+s4+$0x0] =	vst.idx.msk vm1, v11;
	v9 =	vld.idx.msk [tilespmem:v14+s2+$0x0], vm3  }
0x4d4: {  	v7 =	vmul.f32 v7, v39;
	v8 =	vld.idx.msk [tilespmem:v12+s2+$0x0], vm1  }
0x4d5: {  	s6 =	sadd.s32 $0x20, s6;
	v51 =	vor.u32 $0x200, v28  }
0x4d6: {  	s15 =	sadd.s32 $0x20, s0;
	v10 =	vor.u32 $0x200, v31;
	v11 =	vld [tilespmem:s6+$0x0];
	v4 =	vmul.f32 v4, v36;
	[tilespmem:v32+s4+$0x0] =	vst.idx.msk vm4, v7;
	v7 =	vor.u32 $0x80, v37  }
0x4d7: {  	vm5 =	vmmov vm0;
	v44 =	vor.u32 $0x280, v30;
	v50 =	vor.u32 $0x100, v38;
	p5 =	slt.s32 s15, s10;
	v6 =	vld.idx.msk [tilespmem:v6+s2+$0x0], vm4  }
.Ltmp34:
0x4d8: {  	v43 =	vor.u32 $0x280, v31;
	v40 =	vor.u32 $0x280, v28;
	[tilespmem:v5+s4+$0x0] =	vst.idx.msk vm0, v4;
	v4 =	vmul.f32 v9, v29;
	(pc) =	sbr.rel @!p5 .LBB2_73-.Ltmp34, $4  }
0x4d9: {  	v46 =	vor.u32 $0x200, v34;
	vm6 =	vmmov vm4;
	v63 =	vmul.f32 v8, v33  }
0x4da: {  	v56 =	vld [tilespmem:s6+$0xFFFFFFF0];
	v58 =	vor.u32 $0x100, v35;
	v55 =	vor.u32 $0x100, v37;
	[tilespmem:v51+s4+$0x0] =	vst.idx.msk vm3, v4;
	v4 =	vimm.s32 $0x0  }
0x4db: {  	v57 =	vor.u32 $0x80, v32;
	v42 =	vld.idx.msk [tilespmem:v10+s2+$0x0], vm0;
	v60 =	vand.u32 $0x7F, v11;
	[tilespmem:v7+s4+$0x0] =	vst.idx.msk vm1, v63;
	v4 =	vsel vm5, $0xFFFFFFFF, v4  }
0x4dc: {  	p3 =	por $0x1, $0x1;
	v9 =	vshll.u32 v11, $0x3;
	v8 =	vadd.s32 s0, v0;
	v5 =	vmul.f32 v6, v39;
	v59 =	vld.idx.msk [tilespmem:v50+s2+$0x0], vm1;
	[tilespmem:$0x1FEE0] =	vst v4  }
0x4dd: {  	_ =	sdelay $0x3  }
0x4de: {  	vm9 =	vmmov vm1;
	vm1 =	vlt.s32 v8, v23  }
0x4df: {  	s13 =	sadd.s32 $0x20, s13;
	v6 =	vld.idx.msk [tilespmem:v44+s2+$0x0], vm3;
	[tilespmem:v57+s4+$0x0] =	vst.idx.msk vm6, v5;
	v5 =	vand.u32 $0xFFFFFC00, v9;
	v9 =	vor.u32 $0x180, v38;
	v4 =	vshll.u32 v56, $0x3  }
0x4e0: {  	v8 =	vld [tilespmem:s13+$0xFFFFFFF0];
	v10 =	vand.u32 $0x7F, v56;
	v7 =	vmul.f32 v42, v36;
	v4 =	vand.u32 $0xFFFFFC00, v4  }
0x4e1: {  	s0 =	sadd.s32 $0x10, s0;
	v13 =	vld [tilespmem:s13+$0x0];
	v47 =	vor.u32 v10, v4  }
0x4e2: {  	v4 =	vld.idx.msk [tilespmem:v58+s2+$0x0], vm6;
	v11 =	vmul.f32 v59, v33;
	[tilespmem:v46+s4+$0x0] =	vst.idx.msk vm5, v7;
	v7 =	vadd.s32 s0, v0  }
0x4e3: {  	s14 =	sadd.s32 $0x20, s14;
	v41 =	vor.u32 v60, v5;
	v5 =	vor.u32 $0x300, v30;
	v10 =	vld.idx.msk [tilespmem:v43+s2+$0x0], vm5;
	vm4 =	vlt.s32 v7, v23  }
0x4e4: {  	v50 =	vld [tilespmem:s14+$0xFFFFFFF0];
	v6 =	vmul.f32 v6, v29;
	v7 =	vor.u32 $0x100, v32;
	[tilespmem:v55+s4+$0x0] =	vst.idx.msk vm9, v11  }
0x4e5: {  	v12 =	vor.u32 $0x180, v35;
	v14 =	vor.u32 $0x280, v34;
	v15 =	vshll.u32 v8, $0x3;
	v9 =	vld.idx.msk [tilespmem:v9+s2+$0x0], vm9  }
0x4e6: {  	v16 =	vor.u32 $0x300, v31;
	v15 =	vand.u32 $0xFFFFFC00, v15;
	[tilespmem:v40+s4+$0x0] =	vst.idx.msk vm3, v6;
	v6 =	vand.u32 $0x7F, v8;
	v17 =	vld.idx.msk [tilespmem:v47+s2+$0x0], vm1  }
0x4e7: {  	v19 =	vld [tilespmem:s14+$0x0];
	v45 =	vor.u32 v6, v15;
	v6 =	vor.u32 $0x180, v37;
	v4 =	vmul.f32 v4, v39  }
0x4e8: {  	v5 =	vld.idx.msk [tilespmem:v5+s2+$0x0], vm3;
	v8 =	vmul.f32 v10, v36  }
0x4e9: {  	vm2 =	vmmov vm3;
	v62 =	vor.u32 $0x200, v38;
	v11 =	vshll.u32 v13, $0x3;
	[tilespmem:v7+s4+$0x0] =	vst.idx.msk vm6, v4;
	v10 =	vld.idx.msk [tilespmem:v41+s2+$0x0], vm4  }
0x4ea: {  	v11 =	vand.u32 $0xFFFFFC00, v11;
	v7 =	vor.u32 $0x80, v47;
	v12 =	vld.idx.msk [tilespmem:v12+s2+$0x0], vm6;
	v9 =	vmul.f32 v9, v33;
	[tilespmem:v14+s4+$0x0] =	vst.idx.msk vm0, v8  }
0x4eb: {  	v4 =	vor.u32 $0x300, v28;
	v8 =	vand.u32 $0x7F, v13;
	v14 =	vld.idx.msk [tilespmem:v16+s2+$0x0], vm0;
	v16 =	vmul.f32 v17, v50  }
0x4ec: {  	v63 =	vor.u32 $0x380, v30;
	s6 =	sadd.s32 $0x20, s6;
	vm8 =	vmmov vm6;
	v49 =	vor.u32 v8, v11;
	[tilespmem:v6+s4+$0x0] =	vst.idx.msk vm9, v9  }
0x4ed: {  	vm7 =	vmmov vm5;
	v56 =	vld [tilespmem:s6+$0xFFFFFFF0];
	v8 =	vor.u32 $0x80, v41;
	[tilespmem:v45+s4+$0x0] =	vst.idx.msk vm1, v16;
	v16 =	vor.u32 $0x180, v32  }
0x4ee: {  	v48 =	vor.u32 $0x200, v37;
	v5 =	vmul.f32 v5, v29;
	v6 =	vor.u32 $0x200, v35;
	v15 =	vld.idx.msk [tilespmem:v62+s2+$0x0], vm9  }
0x4ef: {  	v51 =	vor.u32 $0x380, v34;
	v9 =	vor.u32 $0x300, v34;
	v7 =	vld.idx.msk [tilespmem:v7+s2+$0x0], vm1;
	v10 =	vmul.f32 v10, v19  }
0x4f0: {  	v52 =	vor.u32 $0x380, v28;
	v61 =	vor.u32 $0x280, v35;
	v11 =	vld [tilespmem:s6+$0x0];
	[tilespmem:v4+s4+$0x0] =	vst.idx.msk vm2, v5;
	v12 =	vmul.f32 v12, v39  }
0x4f1: {  	vm11 =	vmmov vm6;
	s0 =	sadd.s32 $0x20, s15;
	v13 =	vor.u32 $0x80, v45;
	v5 =	vor.u32 $0x380, v31;
	[tilespmem:v49+s4+$0x0] =	vst.idx.msk vm4, v10;
	v10 =	vld.idx.msk [tilespmem:v63+s2+$0x0], vm2  }
0x4f2: {  	p5 =	slt.s32 s0, s10;
	vm10 =	vmmov vm4;
	v17 =	vor.u32 $0x100, v47;
	v4 =	vmul.f32 v14, v36;
	v14 =	vld.idx.msk [tilespmem:v8+s2+$0x0], vm4;
	[tilespmem:v16+s4+$0x0] =	vst.idx.msk vm6, v12  }
.Ltmp35:
0x4f3: {  	v58 =	vor.u32 $0x100, v41;
	vm13 =	vmmov vm10;
	v12 =	vmul.f32 v15, v33;
	v62 =	vld.idx.msk [tilespmem:v6+s2+$0x0], vm6;
	(pc) =	sbr.rel @!p5 .LBB2_75-.Ltmp35, $4  }
0x4f4: {  	vm12 =	vmmov vm10;
	v63 =	vor.u32 $0x280, v38;
	[tilespmem:v9+s4+$0x0] =	vst.idx.msk vm5, v4;
	v7 =	vmul.f32 v7, v50  }
0x4f5: {  	v55 =	vor.u32 $0x100, v45;
	v57 =	vor.u32 $0x80, v49;
	v60 =	vand.u32 $0x7F, v11;
	[tilespmem:v48+s4+$0x0] =	vst.idx.msk vm9, v12  }
0x4f6: {  	v8 =	vadd.s32 s15, v0;
	v4 =	vor.u32 $0x280, v37;
	v6 =	vor.u32 $0x200, v32;
	v54 =	vld.idx.msk [tilespmem:v5+s2+$0x0], vm5;
	[tilespmem:v13+s4+$0x0] =	vst.idx.msk vm1, v7  }
0x4f7: {  	p4 =	por $0x1, $0x1;
	v9 =	vshll.u32 v11, $0x3;
	v48 =	vmovc v36;
	v53 =	vmul.f32 v10, v29;
	v59 =	vld.idx.msk [tilespmem:v17+s2+$0x0], vm1;
	v5 =	vmul.f32 v14, v19  }
.LBB2_76:
0x4f8: {  	vm14 =	vmmov vm4;
	v10 =	vshll.u32 v56, $0x3;
	v12 =	vmul.f32 v62, v39  }
0x4f9: {  	v9 =	vand.u32 $0xFFFFFC00, v9;
	s13 =	sadd.s32 $0x20, s13;
	v7 =	vmovc v50;
	s29 =	smov.u32 s0;
	s0 =	sadd.s32 $0x20, s0;
	v11 =	vld.idx.msk [tilespmem:v63+s2+$0x0], vm9;
	[tilespmem:v52+s4+$0x0] =	vst.idx.msk vm2, v53;
	vm2 =	vmmov vm9;
	vm9 =	vmmov vm1  }
0x4fa: {  	v13 =	vand.u32 $0x7F, v56;
	p5 =	slt.s32 s0, s10;
	vm1 =	vlt.s32 v8, v23;
	v10 =	vand.u32 $0xFFFFFC00, v10;
	v8 =	vld [tilespmem:s13+$0xFFFFFFF0];
	[tilespmem:v57+s4+$0x0] =	vst.idx.msk vm10, v5  }
0x4fb: {  	s30 =	sadd.s32 $0x10, s15;
	v9 =	vor.u32 v60, v9;
	s15 =	smov.u32 s29;
	v5 =	vor.u32 v13, v10;
	v10 =	vld.idx.msk [tilespmem:v58+s2+$0x0], vm10;
	[tilespmem:v6+s4+$0x0] =	vst.idx.msk vm8, v12  }
0x4fc: {  	s14 =	sadd.s32 $0x20, s14;
	v14 =	vmul.f32 v54, v48;
	v48 =	vmovc v39;
	v39 =	vmovc v19;
	v6 =	vadd.s32 s30, v0;
	v12 =	vor.u32 $0x180, v47;
	v13 =	vld.idx.msk [tilespmem:v61+s2+$0x0], vm8  }
0x4fd: {  	v15 =	vor.u32 $0x300, v38;
	vm4 =	vlt.s32 v6, v23;
	v6 =	vor.u32 $0x100, v49;
	v19 =	vld [tilespmem:s14+$0x0]  }
0x4fe: {  	v17 =	vor.u32 $0x180, v41;
	v52 =	vor.u32 $0x280, v32;
	v16 =	vmul.f32 v59, v7;
	v50 =	vld [tilespmem:s14+$0xFFFFFFF0];
	[tilespmem:v51+s4+$0x0] =	vst.idx.msk vm7, v14  }
0x4ff: {  	v53 =	vor.u32 $0x300, v35;
	v11 =	vmul.f32 v11, v33;
	v14 =	vshll.u32 v8, $0x3;
	v51 =	vld [tilespmem:s13+$0x0]  }
0x500: {  	vm7 =	vmmov vm8;
	vm8 =	vmmov vm10;
	v54 =	vld.idx.msk [tilespmem:v5+s2+$0x0], vm1;
	v14 =	vand.u32 $0xFFFFFC00, v14;
	[tilespmem:v55+s4+$0x0] =	vst.idx.msk vm9, v16  }
0x501: {  	vm10 =	vmmov vm4;
	v10 =	vmul.f32 v10, v39;
	v12 =	vld.idx.msk [tilespmem:v12+s2+$0x0], vm9;
	[tilespmem:v4+s4+$0x0] =	vst.idx.msk vm2, v11  }
0x502: {  	v4 =	vand.u32 $0x7F, v8;
	v11 =	vor.u32 $0x380, v38;
	v13 =	vmul.f32 v13, v48;
	v38 =	vmovc v47;
	v47 =	vmovc v5;
	v8 =	vld.idx.msk [tilespmem:v15+s2+$0x0], vm2  }
0x503: {  	v4 =	vor.u32 v4, v14;
	v14 =	vor.u32 $0x180, v45;
	v5 =	vld.idx.msk [tilespmem:v9+s2+$0x0], vm4;
	[tilespmem:v6+s4+$0x0] =	vst.idx.msk vm13, v10;
	v6 =	vor.u32 $0x300, v37  }
0x504: {  	v16 =	vor.u32 $0x200, v38;
	v10 =	vor.u32 $0x80, v47;
	v15 =	vshll.u32 v51, $0x3;
	v17 =	vld.idx.msk [tilespmem:v17+s2+$0x0], vm12;
	[tilespmem:v52+s4+$0x0] =	vst.idx.msk vm6, v13  }
0x505: {  	v13 =	vand.u32 $0x7F, v51;
	v51 =	vor.u32 $0x180, v49;
	v15 =	vand.u32 $0xFFFFFC00, v15;
	v52 =	vld.idx.msk [tilespmem:v53+s2+$0x0], vm11  }
0x506: {  	s6 =	sadd.s32 $0x20, s6;
	v53 =	vmul.f32 v54, v50;
	v13 =	vor.u32 v13, v15;
	v15 =	vor.u32 $0x80, v9  }
0x507: {  	v55 =	vor.u32 $0x300, v32;
	v54 =	vor.u32 $0x200, v41;
	v12 =	vmul.f32 v12, v7;
	v56 =	vld [tilespmem:s6+$0xFFFFFFF0]  }
0x508: {  	v8 =	vmul.f32 v8, v33;
	v59 =	vld [tilespmem:s6+$0x0];
	[tilespmem:v4+s4+$0x0] =	vst.idx.msk vm1, v53;
	v53 =	vor.u32 $0x380, v35;
	v35 =	vmovc v41;
	v41 =	vmov v9  }
0x509: {  	vm6 =	vmmov vm14;
	vm11 =	vmmov vm14;
	v5 =	vmul.f32 v5, v19;
	v9 =	vld.idx.msk [tilespmem:v10+s2+$0x0], vm1;
	[tilespmem:v14+s4+$0x0] =	vst.idx.msk vm9, v12  }
0x50a: {  	vm13 =	vmmov vm4;
	vm12 =	vmmov vm4;
	v12 =	vmul.f32 v17, v39;
	v10 =	vld.idx.msk [tilespmem:v16+s2+$0x0], vm9;
	[tilespmem:v6+s4+$0x0] =	vst.idx.msk vm2, v8  }
0x50b: {  	v6 =	vmul.f32 v52, v48;
	[tilespmem:v13+s4+$0x0] =	vst.idx.msk vm10, v5;
	v5 =	vld.idx.msk [tilespmem:v11+s2+$0x0], vm2  }
0x50c: {  	v11 =	vor.u32 $0x80, v4;
	v14 =	vld.idx.msk [tilespmem:v15+s2+$0x0], vm10;
	[tilespmem:v51+s4+$0x0] =	vst.idx.msk vm8, v12  }
0x50d: {  	v12 =	vor.u32 $0x100, v47;
	v15 =	vor.u32 $0x200, v45;
	v51 =	vor.u32 $0x380, v32;
	v32 =	vmovc v49;
	v62 =	vld.idx.msk [tilespmem:v54+s2+$0x0], vm8;
	[tilespmem:v55+s4+$0x0] =	vst.idx.msk vm7, v6  }
.Ltmp36:
0x50e: {  	v63 =	vor.u32 $0x280, v38;
	v57 =	vor.u32 $0x80, v13;
	v52 =	vor.u32 $0x380, v37;
	v37 =	vmovc v45;
	v45 =	vmovc v4;
	v54 =	vld.idx.msk [tilespmem:v53+s2+$0x0], vm7;
	(pc) =	sbr.rel @p5 .LBB2_76-.Ltmp36, $4  }
0x50f: {  	v58 =	vor.u32 $0x100, v41;
	v61 =	vor.u32 $0x280, v35;
	v49 =	vmovc v13;
	v9 =	vmul.f32 v9, v50  }
0x510: {  	v4 =	vor.u32 $0x280, v37;
	v6 =	vor.u32 $0x200, v32;
	v10 =	vmul.f32 v10, v7  }
0x511: {  	v8 =	vadd.s32 s15, v0;
	v55 =	vor.u32 $0x100, v45;
	v53 =	vmul.f32 v5, v33;
	v33 =	vmovc v7;
	[tilespmem:v11+s4+$0x0] =	vst.idx.msk vm1, v9  }
0x512: {  	v60 =	vand.u32 $0x7F, v59;
	v9 =	vshll.u32 v59, $0x3;
	v5 =	vmul.f32 v14, v19;
	v59 =	vld.idx.msk [tilespmem:v12+s2+$0x0], vm1;
	[tilespmem:v15+s4+$0x0] =	vst.idx.msk vm9, v10  }
0x513: {  	v7 =	vmov v39;
	v39 =	vmov v19;
	s30 =	simm.s32 $0x0  }
.LBB2_78:
0x514: {  	s6 =	sld [smem:$0x7D2];
	_ =	sdelay $0x1  }
0x515: {  	s0 =	sadd.s32 @p2 $0x20, s13;
	v10 =	vshll.u32 v56, $0x3  }
0x516: {  	vm15 =	vlt.s32 v8, v23;
	s29 =	sadd.s32 $0x10, s15;
	v56 =	vand.u32 $0x7F, v56;
	v10 =	vand.u32 $0xFFFFFC00, v10;
	s6 =	smov.u32 @p2 s0  }
0x517: {  	s13 =	sld [smem:$0x7D3];
	v12 =	vadd.s32 s29, v0;
	v10 =	vor.u32 v56, v10;
	v11 =	vld [tilespmem:s6+$0xFFFFFFF0]  }
0x518: {  	v9 =	vand.u32 $0xFFFFFC00, v9;
	vm5 =	vlt.s32 v12, v23  }
0x519: {  	v60 =	vor.u32 v60, v9;
	s0 =	sadd.s32 @p2 $0x20, s14;
	v56 =	vld [tilespmem:s6+$0x0]  }
0x51a: {  	s13 =	smov.u32 @p2 s0  }
0x51b: {  	v9 =	vld [tilespmem:s13+$0xFFFFFFF0]  }
0x51c: {  	v14 =	vld.idx.msk [tilespmem:v10+s2+$0x0], vm15;
	v13 =	vshll.u32 v11, $0x3  }
0x51d: {  	v8 =	vld [tilespmem:s13+$0x0];
	v11 =	vand.u32 $0x7F, v11;
	v13 =	vand.u32 $0xFFFFFC00, v13  }
0x51e: {  	v15 =	vld.idx.msk [tilespmem:v60+s2+$0x0], vm5;
	v16 =	vshll.u32 v56, $0x3;
	v19 =	vor.u32 v11, v13  }
0x51f: {  	v11 =	vand.u32 $0x7F, v56;
	v56 =	vand.u32 $0xFFFFFC00, v16;
	v13 =	vor.u32 $0x80, v10  }
0x520: {  	v56 =	vor.u32 v11, v56  }
0x521: {  	v11 =	vor.u32 $0x80, v60;
	v12 =	vmul.f32 v14, v9;
	_ =	sdelay $0x1  }
0x522: {  	v14 =	vmul.f32 v15, v8;
	[tilespmem:v19+s4+$0x0] =	vst.idx.msk vm15, v12  }
0x523: {  	v12 =	vld.idx.msk [tilespmem:v13+s2+$0x0], vm15  }
0x524: {  	[tilespmem:v56+s4+$0x0] =	vst.idx.msk vm5, v14  }
0x525: {  	v13 =	vor.u32 $0x80, v19;
	v11 =	vld.idx.msk [tilespmem:v11+s2+$0x0], vm5  }
0x526: {  	vm14 =	vmmov vm5;
	v14 =	vor.u32 $0x100, v10  }
0x527: {  	v15 =	vor.u32 $0x80, v56  }
0x528: {  	[tilespmem:v57+s4+$0x0] =	vst.idx.msk @p2 vm10, v5;
	v5 =	vor.u32 $0x100, v60;
	vm5 =	vmmov @p2 vm1;
	v12 =	vmul.f32 v12, v9  }
0x529: {  	v16 =	vld.idx.msk @p2 [tilespmem:v58+s2+$0x0], vm10  }
0x52a: {  	v11 =	vmul.f32 v11, v8;
	[tilespmem:v13+s4+$0x0] =	vst.idx.msk vm15, v12  }
0x52b: {  	v17 =	vmov @p2 v50;
	v12 =	vor.u32 @p2 $0x180, v47;
	v13 =	vor.u32 @p2 $0x100, v49;
	v14 =	vld.idx.msk [tilespmem:v14+s2+$0x0], vm15  }
0x52c: {  	[tilespmem:v15+s4+$0x0] =	vst.idx.msk vm14, v11;
	v11 =	vor.u32 @p2 $0x180, v41;
	v15 =	vmovc @p2 v39;
	v39 =	vmul.f32 @p2 v59, v17;
	vm15 =	vmmov vm15  }
0x52d: {  	v50 =	vor.u32 $0x100, v19;
	v5 =	vld.idx.msk [tilespmem:v5+s2+$0x0], vm14  }
0x52e: {  	v16 =	vmul.f32 @p2 v16, v15;
	[tilespmem:v55+s4+$0x0] =	vst.idx.msk @p2 vm5, v39;
	v39 =	vor.u32 $0x180, v10  }
0x52f: {  	v55 =	vor.u32 $0x100, v56  }
0x530: {  	[tilespmem:v13+s4+$0x0] =	vst.idx.msk @p2 vm13, v16;
	v12 =	vld.idx.msk @p2 [tilespmem:v12+s2+$0x0], vm5;
	v14 =	vmul.f32 v14, v9  }
0x531: {  	v11 =	vld.idx.msk @p2 [tilespmem:v11+s2+$0x0], vm12  }
0x532: {  	v57 =	vor.u32 @p2 $0x180, v45;
	vm10 =	vmmov @p2 vm10;
	v16 =	vld.idx.msk @p3 [tilespmem:v63+s2+$0x0], vm9;
	v5 =	vmul.f32 v5, v8;
	[tilespmem:v50+s4+$0x0] =	vst.idx.msk vm15, v14  }
0x533: {  	vm1 =	vmmov @p3 vm9;
	v50 =	vor.u32 @p2 $0x180, v49;
	v39 =	vld.idx.msk [tilespmem:v39+s2+$0x0], vm15  }
0x534: {  	[tilespmem:v55+s4+$0x0] =	vst.idx.msk vm14, v5;
	v5 =	vmul.f32 @p3 v62, v7  }
0x535: {  	v63 =	vor.u32 $0x180, v19;
	v12 =	vmul.f32 @p2 v12, v17  }
0x536: {  	[tilespmem:v6+s4+$0x0] =	vst.idx.msk @p3 vm8, v5;
	v5 =	vmul.f32 @p2 v11, v15  }
0x537: {  	v13 =	vor.u32 $0x180, v60;
	[tilespmem:v57+s4+$0x0] =	vst.idx.msk @p2 vm5, v12;
	v12 =	vmul.f32 @p3 v16, v33  }
0x538: {  	[tilespmem:v50+s4+$0x0] =	vst.idx.msk @p2 vm10, v5;
	v39 =	vmul.f32 v39, v9  }
0x539: {  	[tilespmem:v4+s4+$0x0] =	vst.idx.msk @p3 vm1, v12  }
0x53a: {  	v14 =	vor.u32 @p2 $0x200, v47;
	[tilespmem:v63+s4+$0x0] =	vst.idx.msk vm15, v39  }
0x53b: {  	v55 =	vor.u32 @p2 $0x200, v41;
	v39 =	vld [tilespmem:$0x1FEE0]  }
0x53c: {  	v13 =	vld.idx.msk [tilespmem:v13+s2+$0x0], vm14  }
0x53d: {  	vm9 =	vmmov vm14  }
0x53e: {  	v58 =	vor.u32 $0x200, v10;
	v16 =	vor.u32 $0x180, v56  }
0x53f: {  	v30 =	vpsel p2, v47, v30;
	v34 =	vpsel p2, v49, v34;
	v5 =	vld.idx.msk @p2 [tilespmem:v14+s2+$0x0], vm5  }
0x540: {  	v59 =	vor.u32 $0x200, v60;
	v4 =	vld.idx.msk @p2 [tilespmem:v55+s2+$0x0], vm10;
	vm12 =	vnez.u8 v39;
	v39 =	vor.u32 @p2 $0x200, v49  }
0x541: {  	vm3 =	vmmov @p2 vm5;
	v6 =	vor.u32 @p2 $0x200, v45;
	v13 =	vmul.f32 v13, v8  }
0x542: {  	v11 =	vor.u32 @p3 $0x300, v38;
	v15 =	vpsel p2, v15, v36;
	v55 =	vld.idx.msk @p3 [tilespmem:v61+s2+$0x0], vm8;
	vm12 =	vmmov @p2 vm10  }
0x543: {  	v12 =	vor.u32 @p2 $0x280, v47;
	[tilespmem:v16+s4+$0x0] =	vst.idx.msk vm9, v13;
	v14 =	vld.idx.msk [tilespmem:v58+s2+$0x0], vm15;
	v13 =	vpsel p2, v39, v46;
	v39 =	vmov @p2 v41  }
0x544: {  	v12 =	vpsel p2, v12, v44;
	v5 =	vmul.f32 @p2 v5, v17;
	v36 =	vor.u32 @p2 $0x280, v39  }
0x545: {  	v62 =	vor.u32 $0x200, v19;
	v61 =	vld.idx.msk [tilespmem:v59+s2+$0x0], vm9;
	v4 =	vpsel p2, v4, v42;
	v36 =	vpsel p2, v36, v43  }
0x546: {  	vm13 =	vmmov vm15;
	v4 =	vmul.f32 @p2 v4, v15;
	[tilespmem:v6+s4+$0x0] =	vst.idx.msk @p2 vm5, v5;
	v5 =	vor.u32 $0x280, v10  }
0x547: {  	v44 =	vor.u32 @p3 $0x280, v32;
	v11 =	vld.idx.msk @p3 [tilespmem:v11+s2+$0x0], vm1;
	v63 =	vor.u32 $0x200, v56;
	v16 =	vor.u32 @p3 $0x300, v35  }
0x548: {  	v42 =	vmul.f32 @p3 v55, v7;
	v14 =	vmul.f32 v14, v9;
	[tilespmem:v13+s4+$0x0] =	vst.idx.msk @p2 vm12, v4;
	v4 =	vor.u32 $0x280, v60  }
0x549: {  	vm5 =	vmmov @p2 vm4;
	vm4 =	vmmov @p2 vm3;
	v12 =	vld.idx.msk @p2 [tilespmem:v12+s2+$0x0], vm3;
	v46 =	vor.u32 @p3 $0x300, v37  }
0x54a: {  	vm10 =	vmmov vm0;
	[tilespmem:v62+s4+$0x0] =	vst.idx.msk vm15, v14;
	v41 =	vmul.f32 v61, v8;
	v13 =	vor.u32 @p2 $0x280, v45;
	v36 =	vld.idx.msk @p2 [tilespmem:v36+s2+$0x0], vm12  }
0x54b: {  	vm0 =	vmmov @p2 vm5;
	vm10 =	vmmov @p2 vm5;
	v5 =	vld.idx.msk [tilespmem:v5+s2+$0x0], vm15;
	v13 =	vpsel p2, v13, v40  }
0x54c: {  	v31 =	vpsel p2, v39, v31;
	v14 =	vmovc @p2 v17;
	v17 =	vor.u32 @p2 $0x300, v30;
	v39 =	vor.u32 @p2 $0x280, v34;
	[tilespmem:v63+s4+$0x0] =	vst.idx.msk vm9, v41  }
0x54d: {  	v11 =	vmul.f32 @p3 v11, v33;
	v6 =	vpsel p2, v14, v29;
	v14 =	vor.u32 @p2 $0x300, v31;
	v4 =	vld.idx.msk [tilespmem:v4+s2+$0x0], vm9  }
0x54e: {  	[tilespmem:v44+s4+$0x0] =	vst.idx.msk @p3 vm6, v42;
	v29 =	vor.u32 $0x280, v19;
	v12 =	vmul.f32 @p2 v12, v6  }
0x54f: {  	v50 =	vor.u32 $0x300, v10;
	v55 =	vor.u32 $0x280, v56;
	[tilespmem:v46+s4+$0x0] =	vst.idx.msk @p3 vm1, v11;
	v11 =	vmul.f32 @p2 v36, v15  }
0x550: {  	v57 =	vor.u32 $0x300, v60;
	v16 =	vld.idx.msk @p3 [tilespmem:v16+s2+$0x0], vm11;
	[tilespmem:v13+s4+$0x0] =	vst.idx.msk @p2 vm4, v12  }
0x551: {  	v38 =	vor.u32 @p3 $0x380, v38;
	vm6 =	vmmov @p3 vm8;
	v5 =	vmul.f32 v5, v9;
	v13 =	vld.idx.msk @p2 [tilespmem:v17+s2+$0x0], vm4;
	[tilespmem:v39+s4+$0x0] =	vst.idx.msk @p2 vm10, v11  }
0x552: {  	v17 =	vpsel p2, v45, v28;
	v11 =	vor.u32 @p3 $0x300, v32;
	v4 =	vmul.f32 v4, v8;
	v14 =	vld.idx.msk @p2 [tilespmem:v14+s2+$0x0], vm0  }
0x553: {  	vm5 =	vmmov @p2 vm12;
	[tilespmem:v29+s4+$0x0] =	vst.idx.msk vm13, v5;
	v28 =	vor.u32 @p3 $0x380, v35;
	v35 =	vor.u32 @p2 $0x300, v17  }
0x554: {  	v5 =	vmul.f32 @p4 v54, v48;
	v29 =	vor.u32 @p2 $0x380, v30;
	v30 =	vor.u32 @p2 $0x300, v34;
	v36 =	vld.idx.msk [tilespmem:v50+s2+$0x0], vm13;
	[tilespmem:v55+s4+$0x0] =	vst.idx.msk vm14, v4  }
0x555: {  	v58 =	vor.u32 $0x300, v19;
	[tilespmem:v52+s4+$0x0] =	vst.idx.msk @p4 vm2, v53;
	v31 =	vor.u32 @p2 $0x380, v31;
	v4 =	vmul.f32 @p3 v16, v7;
	v12 =	vld.idx.msk [tilespmem:v57+s2+$0x0], vm14  }
0x556: {  	v59 =	vor.u32 $0x300, v56;
	vm15 =	vmmov vm9;
	[tilespmem:v51+s4+$0x0] =	vst.idx.msk @p4 vm7, v5;
	v13 =	vmul.f32 @p2 v13, v6  }
0x557: {  	v10 =	vor.u32 $0x380, v10;
	vm2 =	vmmov @p3 vm6;
	v38 =	vld.idx.msk @p3 [tilespmem:v38+s2+$0x0], vm1;
	[tilespmem:v11+s4+$0x0] =	vst.idx.msk @p3 vm6, v4;
	v4 =	vmul.f32 @p2 v14, v15  }
0x558: {  	v62 =	vor.u32 $0x380, v19;
	v61 =	vor.u32 $0x380, v60;
	vm1 =	vmmov @p3 vm1;
	[tilespmem:v35+s4+$0x0] =	vst.idx.msk @p2 vm4, v13;
	v28 =	vld.idx.msk @p3 [tilespmem:v28+s2+$0x0], vm6  }
0x559: {  	v29 =	vld.idx.msk @p2 [tilespmem:v29+s2+$0x0], vm4;
	v14 =	vor.u32 @p3 $0x380, v32;
	v32 =	vor.u32 @p3 $0x380, v37;
	[tilespmem:v30+s4+$0x0] =	vst.idx.msk @p2 vm5, v4;
	v4 =	vmul.f32 v36, v9  }
0x55a: {  	v17 =	vor.u32 @p2 $0x380, v17;
	v30 =	vpsel p3, v32, v0;
	v12 =	vmul.f32 v12, v8;
	v31 =	vld.idx.msk @p2 [tilespmem:v31+s2+$0x0], vm5  }
0x55b: {  	v17 =	vpsel p2, v17, v0;
	vm4 =	vmmov @p2 vm4;
	v14 =	vpsel p3, v14, v0;
	[tilespmem:v58+s4+$0x0] =	vst.idx.msk vm13, v4  }
0x55c: {  	v16 =	vmul.f32 @p3 v38, v33;
	vm5 =	vmmov @p2 vm5;
	v4 =	vor.u32 @p2 $0x380, v34;
	[tilespmem:v59+s4+$0x0] =	vst.idx.msk vm15, v12;
	v10 =	vld.idx.msk [tilespmem:v10+s2+$0x0], vm13  }
0x55d: {  	v7 =	vpsel p3, v7, v0;
	v11 =	vpsel p3, v28, v0;
	v4 =	vpsel p2, v4, v0;
	v12 =	vld.idx.msk [tilespmem:v61+s2+$0x0], vm15  }
0x55e: {  	v16 =	vpsel p3, v16, v0;
	v6 =	vmul.f32 @p2 v29, v6;
	v5 =	vmul.f32 @p3 v11, v7  }
0x55f: {  	v63 =	vor.u32 $0x380, v56;
	v11 =	vpsel p2, v15, v0;
	[tilespmem:v30+s4+$0x0] =	vst.idx.msk @p3 vm1, v16;
	v13 =	vpsel p2, v31, v0  }
0x560: {  	[tilespmem:v14+s4+$0x0] =	vst.idx.msk @p3 vm2, v5;
	v5 =	vpsel p2, v6, v0;
	v6 =	vmul.f32 @p2 v13, v11  }
0x561: {  	[tilespmem:v17+s4+$0x0] =	vst.idx.msk @p2 vm4, v5;
	v5 =	vmul.f32 v10, v9  }
0x562: {  	[tilespmem:v4+s4+$0x0] =	vst.idx.msk @p2 vm5, v6;
	v4 =	vmul.f32 v12, v8  }
0x563: {  	[tilespmem:v62+s4+$0x0] =	vst.idx.msk vm13, v5  }
0x564: {  	[tilespmem:v63+s4+$0x0] =	vst.idx.msk vm15, v4  }
.LBB2_18:
0x565: {  	s15 =	sld [smem:$0x7F8];
	_ =	sdelay $0x2  }
0x566: {  	p2 =	seq.s32 s15, $0x1  }
.Ltmp37:
0x567: {  	_ = 	snop;
	(pc) =	sbr.rel @p2 .LBB2_20-.Ltmp37, $4  }
0x568: {  	_ = 	snop  }
0x569: {  	s0 =	sld [smem:$0x7D6]  }
0x56a: {  	s6 =	sld [smem:$0x7D5]  }
0x56b: {  	s13 =	sld [smem:$0x7D4];
	s14 =	smov.u32 s10  }
.LBB2_19:
0x56c: {  	v4 =	vld [tilespmem:s0+$0x0];
	_ =	sdelay $0x4  }
0x56d: {  	v5 =	vadd.s32 s14, v0;
	v6 =	vshll.u32 v4, $0x3  }
0x56e: {  	vm0 =	vlt.s32 v5, v23;
	v4 =	vand.u32 $0x7F, v4;
	v5 =	vand.u32 $0xFFFFFC00, v6  }
0x56f: {  	v52 =	vld [tilespmem:s6+$0x0];
	v4 =	vor.u32 v4, v5;
	_ =	sdelay $0x3  }
0x570: {  	v5 =	vld [tilespmem:s13+$0x0]  }
0x571: {  	v8 =	vshll.u32 v52, $0x3;
	v7 =	vld.idx.msk [tilespmem:v4+s2+$0x0], vm0  }
0x572: {  	v6 =	vand.u32 $0x7F, v52;
	v8 =	vand.u32 $0xFFFFFC00, v8  }
0x573: {  	v6 =	vor.u32 v6, v8  }
0x574: {  	v53 =	vor.u32 $0x80, v4;
	_ =	sdelay $0x1  }
0x575: {  	v7 =	vmul.f32 v7, v5;
	_ =	sdelay $0x1  }
0x576: {  	[tilespmem:v6+s4+$0x0] =	vst.idx.msk vm0, v7  }
0x577: {  	v7 =	vld.idx.msk [tilespmem:v53+s2+$0x0], vm0;
	_ =	sdelay $0x1  }
0x578: {  	v54 =	vor.u32 $0x80, v6  }
0x579: {  	v9 =	vor.u32 $0x100, v4;
	_ =	sdelay $0x1  }
0x57a: {  	v7 =	vmul.f32 v7, v5;
	_ =	sdelay $0x1  }
0x57b: {  	[tilespmem:v54+s4+$0x0] =	vst.idx.msk vm0, v7  }
0x57c: {  	v7 =	vld.idx.msk [tilespmem:v9+s2+$0x0], vm0;
	_ =	sdelay $0x1  }
0x57d: {  	v55 =	vor.u32 $0x100, v6  }
0x57e: {  	v56 =	vor.u32 $0x180, v4;
	_ =	sdelay $0x1  }
0x57f: {  	v7 =	vmul.f32 v7, v5;
	_ =	sdelay $0x1  }
0x580: {  	[tilespmem:v55+s4+$0x0] =	vst.idx.msk vm0, v7  }
0x581: {  	v7 =	vld.idx.msk [tilespmem:v56+s2+$0x0], vm0;
	_ =	sdelay $0x1  }
0x582: {  	v57 =	vor.u32 $0x180, v6  }
0x583: {  	v58 =	vor.u32 $0x200, v4;
	_ =	sdelay $0x1  }
0x584: {  	v7 =	vmul.f32 v7, v5;
	_ =	sdelay $0x1  }
0x585: {  	[tilespmem:v57+s4+$0x0] =	vst.idx.msk vm0, v7  }
0x586: {  	v7 =	vld.idx.msk [tilespmem:v58+s2+$0x0], vm0;
	_ =	sdelay $0x1  }
0x587: {  	v59 =	vor.u32 $0x200, v6  }
0x588: {  	v60 =	vor.u32 $0x280, v4;
	_ =	sdelay $0x1  }
0x589: {  	v7 =	vmul.f32 v7, v5;
	_ =	sdelay $0x1  }
0x58a: {  	[tilespmem:v59+s4+$0x0] =	vst.idx.msk vm0, v7  }
0x58b: {  	v7 =	vld.idx.msk [tilespmem:v60+s2+$0x0], vm0;
	_ =	sdelay $0x1  }
0x58c: {  	v61 =	vor.u32 $0x280, v6  }
0x58d: {  	v62 =	vor.u32 $0x300, v4;
	_ =	sdelay $0x1  }
0x58e: {  	v7 =	vmul.f32 v7, v5;
	_ =	sdelay $0x1  }
0x58f: {  	[tilespmem:v61+s4+$0x0] =	vst.idx.msk vm0, v7  }
0x590: {  	v7 =	vld.idx.msk [tilespmem:v62+s2+$0x0], vm0;
	_ =	sdelay $0x1  }
0x591: {  	v63 =	vor.u32 $0x300, v6  }
0x592: {  	v4 =	vor.u32 $0x380, v4;
	_ =	sdelay $0x1  }
0x593: {  	v7 =	vmul.f32 v7, v5;
	_ =	sdelay $0x1  }
0x594: {  	[tilespmem:v63+s4+$0x0] =	vst.idx.msk vm0, v7  }
0x595: {  	v4 =	vld.idx.msk [tilespmem:v4+s2+$0x0], vm0  }
0x596: {  	s14 =	sadd.s32 $0x10, s14  }
0x597: {  	p2 =	slt.s32 s14, s21;
	v6 =	vor.u32 $0x380, v6  }
.Ltmp38:
0x598: {  	_ = 	snop;
	(pc) =	sbr.rel @p2 .LBB2_19-.Ltmp38, $3  }
0x599: {  	_ = 	snop  }
0x59a: {  	v4 =	vmul.f32 v4, v5;
	_ =	sdelay $0x1  }
0x59b: {  	s6 =	sadd.s32 $0x10, s6;
	s0 =	sadd.s32 $0x10, s0;
	s13 =	sadd.s32 $0x10, s13;
	[tilespmem:v6+s4+$0x0] =	vst.idx.msk vm0, v4  }
.LBB2_20:
0x59c: {  	s0 =	simm.s32 $0x1  }
0x59d: {  	_ =	swait.ge [sflag:s0], $0x4000  }
0x59e: {  	s29 =	sld [smem:$0x7F9];
	_ =	sdelay $0x2  }
0x59f: {  	p2 =	seq.s32 s29, $0x1  }
.Ltmp39:
0x5a0: {  	_ = 	snop;
	(pc) =	sbr.rel @p2 .LBB2_21-.Ltmp39, $4  }
0x5a1: {  	_ = 	snop  }
0x5a2: {  	[sflag:s0] =	ssyncset.done $0x0;
	s15 =	rddreg [dreg:$0x11]  }
0x5a3: {  	[sflag:s0] =	ssyncadd.s32 $0xFFFFC000;
	s0 =	sadd.s32 s8, s15  }
0x5a4: {  	[tilespmem:s2], [sflag:$0x4] =	stream.linear.gather [hbm4b:s0+s30], $0x4000, $0x38;
	[tilespmem:$0x1E480] =	vst v63  }
0x5a5: {  	s6 =	sld [smem:$0x7D7]  }
0x5a6: {  	s0 =	rddreg [dreg:$0x19]  }
0x5a7: {  	s14 =	sadd.s32 $0x20, s0  }
0x5a8: {  	p5 =	slt.s32 s14, s22;
	v4 =	vld [tilespmem:s6+$0x0]  }
.Ltmp40:
0x5a9: {  	_ = 	snop;
	(pc) =	sbr.rel @!p5 .LBB2_80-.Ltmp40, $3  }
0x5aa: {  	_ =	sdelay $0x1  }
0x5ab: {  	p2 =	por $0x0, $0x0  }
0x5ac: {  	p3 =	por $0x0, $0x0;
	p4 =	por $0x0, $0x0;
	s8 =	sld [smem:$0x7D8];
	v8 =	vadd.s32 s0, v0;
	v56 =	vld [tilespmem:s6+$0xFFFFFFF0];
	v60 =	vand.u32 $0x7F, v4;
	v9 =	vshll.u32 v4, $0x3  }
0x5ad: {  	_ =	sdelay $0x3  }
0x5ae: {  	v4 =	vshll.u32 v56, $0x3  }
0x5af: {  	vm1 =	vlt.s32 v8, v24;
	v5 =	vand.u32 $0x7F, v56;
	v4 =	vand.u32 $0xFFFFFC00, v4  }
0x5b0: {  	s0 =	sadd.s32 $0x10, s0;
	v6 =	vld [tilespmem:s8+$0xFFFFFFF0];
	v30 =	vor.u32 v5, v4  }
0x5b1: {  	s13 =	sld [smem:$0x7D9];
	v4 =	vadd.s32 s0, v0  }
0x5b2: {  	v5 =	vand.u32 $0xFFFFFC00, v9;
	vm4 =	vlt.s32 v4, v24  }
0x5b3: {  	v31 =	vor.u32 v60, v5;
	v4 =	vld [tilespmem:s8+$0x0]  }
0x5b4: {  	v29 =	vld [tilespmem:s13+$0xFFFFFFF0]  }
0x5b5: {  	v5 =	vshll.u32 v6, $0x3;
	v7 =	vld.idx.msk [tilespmem:v30+s23+$0x0], vm1  }
0x5b6: {  	v6 =	vand.u32 $0x7F, v6;
	v5 =	vand.u32 $0xFFFFFC00, v5  }
0x5b7: {  	v36 =	vld [tilespmem:s13+$0x0];
	v28 =	vor.u32 v6, v5  }
0x5b8: {  	v6 =	vor.u32 $0x80, v30;
	v8 =	vshll.u32 v4, $0x3;
	v5 =	vld.idx.msk [tilespmem:v31+s23+$0x0], vm4  }
0x5b9: {  	v4 =	vand.u32 $0x7F, v4;
	v8 =	vand.u32 $0xFFFFFC00, v8  }
0x5ba: {  	v34 =	vor.u32 v4, v8;
	v7 =	vmul.f32 v7, v29  }
0x5bb: {  	v4 =	vor.u32 $0x80, v31  }
0x5bc: {  	[tilespmem:v28+s4+$0x0] =	vst.idx.msk vm1, v7  }
0x5bd: {  	v5 =	vmul.f32 v5, v36;
	v6 =	vld.idx.msk [tilespmem:v6+s23+$0x0], vm1  }
0x5be: {  	s6 =	sadd.s32 $0x20, s6  }
0x5bf: {  	s0 =	sadd.s32 $0x20, s14;
	v7 =	vld [tilespmem:s6+$0x0];
	[tilespmem:v34+s4+$0x0] =	vst.idx.msk vm4, v5;
	v5 =	vor.u32 $0x80, v28  }
0x5c0: {  	v10 =	vor.u32 $0x100, v30;
	p5 =	slt.s32 s0, s22;
	v4 =	vld.idx.msk [tilespmem:v4+s23+$0x0], vm4  }
.Ltmp41:
0x5c1: {  	_ = 	snop;
	(pc) =	sbr.rel @!p5 .LBB2_82-.Ltmp41, $4  }
0x5c2: {  	v6 =	vmul.f32 v6, v29  }
0x5c3: {  	vm0 =	vmmov vm4;
	v58 =	vor.u32 $0x100, v31  }
0x5c4: {  	v56 =	vld [tilespmem:s6+$0xFFFFFFF0];
	v55 =	vor.u32 $0x100, v28;
	v8 =	vadd.s32 s14, v0;
	v57 =	vor.u32 $0x80, v34;
	[tilespmem:v5+s4+$0x0] =	vst.idx.msk vm1, v6  }
0x5c5: {  	p2 =	por $0x1, $0x1;
	v60 =	vand.u32 $0x7F, v7;
	v9 =	vshll.u32 v7, $0x3;
	v5 =	vmul.f32 v4, v36;
	v59 =	vld.idx.msk [tilespmem:v10+s23+$0x0], vm1  }
0x5c6: {  	_ =	sdelay $0x2  }
0x5c7: {  	vm3 =	vmmov vm1  }
0x5c8: {  	s8 =	sadd.s32 $0x20, s8;
	vm1 =	vlt.s32 v8, v24;
	v4 =	vshll.u32 v56, $0x3  }
0x5c9: {  	s29 =	sadd.s32 $0x10, s14;
	v7 =	vld [tilespmem:s8+$0xFFFFFFF0];
	[tilespmem:v57+s4+$0x0] =	vst.idx.msk vm0, v5;
	v5 =	vor.u32 $0x180, v30;
	v6 =	vand.u32 $0x7F, v56;
	v4 =	vand.u32 $0xFFFFFC00, v4  }
0x5ca: {  	s15 =	smov.u32 s13;
	v38 =	vor.u32 v6, v4;
	v4 =	vadd.s32 s29, v0  }
0x5cb: {  	s13 =	sadd.s32 $0x20, s15;
	v8 =	vld.idx.msk [tilespmem:v58+s23+$0x0], vm0;
	vm4 =	vlt.s32 v4, v24;
	v4 =	vmul.f32 v59, v29  }
0x5cc: {  	v33 =	vld [tilespmem:s13+$0xFFFFFFF0];
	v6 =	vand.u32 $0xFFFFFC00, v9  }
0x5cd: {  	v35 =	vor.u32 v60, v6;
	v6 =	vld [tilespmem:s8+$0x0];
	[tilespmem:v55+s4+$0x0] =	vst.idx.msk vm3, v4  }
0x5ce: {  	v9 =	vor.u32 $0x100, v34;
	v10 =	vshll.u32 v7, $0x3;
	v5 =	vld.idx.msk [tilespmem:v5+s23+$0x0], vm3  }
0x5cf: {  	v7 =	vand.u32 $0x7F, v7;
	v10 =	vand.u32 $0xFFFFFC00, v10;
	v4 =	vor.u32 $0x180, v31;
	v11 =	vld.idx.msk [tilespmem:v38+s23+$0x0], vm1  }
0x5d0: {  	v37 =	vor.u32 v7, v10;
	v10 =	vor.u32 $0x180, v28  }
0x5d1: {  	v14 =	vor.u32 $0x200, v30;
	v39 =	vld [tilespmem:s13+$0x0];
	v8 =	vmul.f32 v8, v36  }
0x5d2: {  	v12 =	vor.u32 $0x80, v38;
	v13 =	vshll.u32 v6, $0x3;
	v7 =	vld.idx.msk [tilespmem:v35+s23+$0x0], vm4  }
0x5d3: {  	[tilespmem:v9+s4+$0x0] =	vst.idx.msk vm0, v8;
	v6 =	vand.u32 $0x7F, v6;
	v13 =	vand.u32 $0xFFFFFC00, v13;
	v5 =	vmul.f32 v5, v29  }
0x5d4: {  	v32 =	vor.u32 v6, v13;
	v4 =	vld.idx.msk [tilespmem:v4+s23+$0x0], vm0;
	v11 =	vmul.f32 v11, v33  }
0x5d5: {  	v6 =	vor.u32 $0x80, v35;
	[tilespmem:v10+s4+$0x0] =	vst.idx.msk vm3, v5  }
0x5d6: {  	v5 =	vor.u32 $0x180, v34;
	[tilespmem:v37+s4+$0x0] =	vst.idx.msk vm1, v11;
	v9 =	vld.idx.msk [tilespmem:v14+s23+$0x0], vm3  }
0x5d7: {  	v7 =	vmul.f32 v7, v39;
	v8 =	vld.idx.msk [tilespmem:v12+s23+$0x0], vm1  }
0x5d8: {  	s6 =	sadd.s32 $0x20, s6;
	v51 =	vor.u32 $0x200, v28  }
0x5d9: {  	s14 =	sadd.s32 $0x20, s0;
	v10 =	vor.u32 $0x200, v31;
	v11 =	vld [tilespmem:s6+$0x0];
	v4 =	vmul.f32 v4, v36;
	[tilespmem:v32+s4+$0x0] =	vst.idx.msk vm4, v7;
	v7 =	vor.u32 $0x80, v37  }
0x5da: {  	vm5 =	vmmov vm0;
	v44 =	vor.u32 $0x280, v30;
	p5 =	slt.s32 s14, s22;
	v50 =	vor.u32 $0x100, v38;
	v6 =	vld.idx.msk [tilespmem:v6+s23+$0x0], vm4  }
.Ltmp42:
0x5db: {  	v43 =	vor.u32 $0x280, v31;
	v40 =	vor.u32 $0x280, v28;
	[tilespmem:v5+s4+$0x0] =	vst.idx.msk vm0, v4;
	v4 =	vmul.f32 v9, v29;
	(pc) =	sbr.rel @!p5 .LBB2_84-.Ltmp42, $4  }
0x5dc: {  	v46 =	vor.u32 $0x200, v34;
	vm6 =	vmmov vm4;
	v63 =	vmul.f32 v8, v33  }
0x5dd: {  	v56 =	vld [tilespmem:s6+$0xFFFFFFF0];
	v58 =	vor.u32 $0x100, v35;
	v55 =	vor.u32 $0x100, v37;
	[tilespmem:v51+s4+$0x0] =	vst.idx.msk vm3, v4;
	v4 =	vimm.s32 $0x0  }
0x5de: {  	v57 =	vor.u32 $0x80, v32;
	v42 =	vld.idx.msk [tilespmem:v10+s23+$0x0], vm0;
	v60 =	vand.u32 $0x7F, v11;
	[tilespmem:v7+s4+$0x0] =	vst.idx.msk vm1, v63;
	v4 =	vsel vm5, $0xFFFFFFFF, v4  }
0x5df: {  	p3 =	por $0x1, $0x1;
	v9 =	vshll.u32 v11, $0x3;
	v8 =	vadd.s32 s0, v0;
	v5 =	vmul.f32 v6, v39;
	v59 =	vld.idx.msk [tilespmem:v50+s23+$0x0], vm1;
	[tilespmem:$0x1FED0] =	vst v4  }
0x5e0: {  	_ =	sdelay $0x3  }
0x5e1: {  	vm9 =	vmmov vm1;
	vm1 =	vlt.s32 v8, v24  }
0x5e2: {  	s8 =	sadd.s32 $0x20, s8;
	v6 =	vld.idx.msk [tilespmem:v44+s23+$0x0], vm3;
	[tilespmem:v57+s4+$0x0] =	vst.idx.msk vm6, v5;
	v5 =	vand.u32 $0xFFFFFC00, v9;
	v9 =	vor.u32 $0x180, v38;
	v4 =	vshll.u32 v56, $0x3  }
0x5e3: {  	v8 =	vld [tilespmem:s8+$0xFFFFFFF0];
	v10 =	vand.u32 $0x7F, v56;
	v7 =	vmul.f32 v42, v36;
	v4 =	vand.u32 $0xFFFFFC00, v4  }
0x5e4: {  	s0 =	sadd.s32 $0x10, s0;
	v13 =	vld [tilespmem:s8+$0x0];
	v47 =	vor.u32 v10, v4  }
0x5e5: {  	v4 =	vld.idx.msk [tilespmem:v58+s23+$0x0], vm6;
	v11 =	vmul.f32 v59, v33;
	[tilespmem:v46+s4+$0x0] =	vst.idx.msk vm5, v7;
	v7 =	vadd.s32 s0, v0  }
0x5e6: {  	s13 =	sadd.s32 $0x20, s13;
	v41 =	vor.u32 v60, v5;
	v5 =	vor.u32 $0x300, v30;
	v10 =	vld.idx.msk [tilespmem:v43+s23+$0x0], vm5;
	vm4 =	vlt.s32 v7, v24  }
0x5e7: {  	v50 =	vld [tilespmem:s13+$0xFFFFFFF0];
	v6 =	vmul.f32 v6, v29;
	v7 =	vor.u32 $0x100, v32;
	[tilespmem:v55+s4+$0x0] =	vst.idx.msk vm9, v11  }
0x5e8: {  	v12 =	vor.u32 $0x180, v35;
	v14 =	vor.u32 $0x280, v34;
	v15 =	vshll.u32 v8, $0x3;
	v9 =	vld.idx.msk [tilespmem:v9+s23+$0x0], vm9  }
0x5e9: {  	v16 =	vor.u32 $0x300, v31;
	v15 =	vand.u32 $0xFFFFFC00, v15;
	[tilespmem:v40+s4+$0x0] =	vst.idx.msk vm3, v6;
	v6 =	vand.u32 $0x7F, v8;
	v17 =	vld.idx.msk [tilespmem:v47+s23+$0x0], vm1  }
0x5ea: {  	v19 =	vld [tilespmem:s13+$0x0];
	v45 =	vor.u32 v6, v15;
	v6 =	vor.u32 $0x180, v37;
	v4 =	vmul.f32 v4, v39  }
0x5eb: {  	v5 =	vld.idx.msk [tilespmem:v5+s23+$0x0], vm3;
	v8 =	vmul.f32 v10, v36  }
0x5ec: {  	vm2 =	vmmov vm3;
	v62 =	vor.u32 $0x200, v38;
	v11 =	vshll.u32 v13, $0x3;
	[tilespmem:v7+s4+$0x0] =	vst.idx.msk vm6, v4;
	v10 =	vld.idx.msk [tilespmem:v41+s23+$0x0], vm4  }
0x5ed: {  	v11 =	vand.u32 $0xFFFFFC00, v11;
	v7 =	vor.u32 $0x80, v47;
	v12 =	vld.idx.msk [tilespmem:v12+s23+$0x0], vm6;
	v9 =	vmul.f32 v9, v33;
	[tilespmem:v14+s4+$0x0] =	vst.idx.msk vm0, v8  }
0x5ee: {  	v4 =	vor.u32 $0x300, v28;
	v8 =	vand.u32 $0x7F, v13;
	v14 =	vld.idx.msk [tilespmem:v16+s23+$0x0], vm0;
	v16 =	vmul.f32 v17, v50  }
0x5ef: {  	v63 =	vor.u32 $0x380, v30;
	s6 =	sadd.s32 $0x20, s6;
	vm8 =	vmmov vm6;
	v49 =	vor.u32 v8, v11;
	[tilespmem:v6+s4+$0x0] =	vst.idx.msk vm9, v9  }
0x5f0: {  	vm7 =	vmmov vm5;
	v56 =	vld [tilespmem:s6+$0xFFFFFFF0];
	v8 =	vor.u32 $0x80, v41;
	[tilespmem:v45+s4+$0x0] =	vst.idx.msk vm1, v16;
	v16 =	vor.u32 $0x180, v32  }
0x5f1: {  	v48 =	vor.u32 $0x200, v37;
	v5 =	vmul.f32 v5, v29;
	v6 =	vor.u32 $0x200, v35;
	v15 =	vld.idx.msk [tilespmem:v62+s23+$0x0], vm9  }
0x5f2: {  	v51 =	vor.u32 $0x380, v34;
	v9 =	vor.u32 $0x300, v34;
	v7 =	vld.idx.msk [tilespmem:v7+s23+$0x0], vm1;
	v10 =	vmul.f32 v10, v19  }
0x5f3: {  	v52 =	vor.u32 $0x380, v28;
	v61 =	vor.u32 $0x280, v35;
	v11 =	vld [tilespmem:s6+$0x0];
	[tilespmem:v4+s4+$0x0] =	vst.idx.msk vm2, v5;
	v12 =	vmul.f32 v12, v39  }
0x5f4: {  	vm11 =	vmmov vm6;
	s0 =	sadd.s32 $0x20, s14;
	v13 =	vor.u32 $0x80, v45;
	v5 =	vor.u32 $0x380, v31;
	[tilespmem:v49+s4+$0x0] =	vst.idx.msk vm4, v10;
	v10 =	vld.idx.msk [tilespmem:v63+s23+$0x0], vm2  }
0x5f5: {  	p5 =	slt.s32 s0, s22;
	vm10 =	vmmov vm4;
	v17 =	vor.u32 $0x100, v47;
	v4 =	vmul.f32 v14, v36;
	v14 =	vld.idx.msk [tilespmem:v8+s23+$0x0], vm4;
	[tilespmem:v16+s4+$0x0] =	vst.idx.msk vm6, v12  }
.Ltmp43:
0x5f6: {  	v58 =	vor.u32 $0x100, v41;
	vm13 =	vmmov vm10;
	v12 =	vmul.f32 v15, v33;
	v62 =	vld.idx.msk [tilespmem:v6+s23+$0x0], vm6;
	(pc) =	sbr.rel @!p5 .LBB2_86-.Ltmp43, $4  }
0x5f7: {  	vm12 =	vmmov vm10;
	v63 =	vor.u32 $0x280, v38;
	[tilespmem:v9+s4+$0x0] =	vst.idx.msk vm5, v4;
	v7 =	vmul.f32 v7, v50  }
0x5f8: {  	v55 =	vor.u32 $0x100, v45;
	v57 =	vor.u32 $0x80, v49;
	v60 =	vand.u32 $0x7F, v11;
	[tilespmem:v48+s4+$0x0] =	vst.idx.msk vm9, v12  }
0x5f9: {  	v8 =	vadd.s32 s14, v0;
	v4 =	vor.u32 $0x280, v37;
	v6 =	vor.u32 $0x200, v32;
	v54 =	vld.idx.msk [tilespmem:v5+s23+$0x0], vm5;
	[tilespmem:v13+s4+$0x0] =	vst.idx.msk vm1, v7  }
0x5fa: {  	p4 =	por $0x1, $0x1;
	v9 =	vshll.u32 v11, $0x3;
	v48 =	vmovc v36;
	v53 =	vmul.f32 v10, v29;
	v59 =	vld.idx.msk [tilespmem:v17+s23+$0x0], vm1;
	v5 =	vmul.f32 v14, v19  }
.LBB2_87:
0x5fb: {  	vm14 =	vmmov vm4;
	v10 =	vshll.u32 v56, $0x3;
	v12 =	vmul.f32 v62, v39  }
0x5fc: {  	v9 =	vand.u32 $0xFFFFFC00, v9;
	s8 =	sadd.s32 $0x20, s8;
	v7 =	vmovc v50;
	s15 =	smov.u32 s0;
	s0 =	sadd.s32 $0x20, s0;
	v11 =	vld.idx.msk [tilespmem:v63+s23+$0x0], vm9;
	[tilespmem:v52+s4+$0x0] =	vst.idx.msk vm2, v53;
	vm2 =	vmmov vm9;
	vm9 =	vmmov vm1  }
0x5fd: {  	v13 =	vand.u32 $0x7F, v56;
	p5 =	slt.s32 s0, s22;
	vm1 =	vlt.s32 v8, v24;
	v10 =	vand.u32 $0xFFFFFC00, v10;
	v8 =	vld [tilespmem:s8+$0xFFFFFFF0];
	[tilespmem:v57+s4+$0x0] =	vst.idx.msk vm10, v5  }
0x5fe: {  	s29 =	sadd.s32 $0x10, s14;
	v9 =	vor.u32 v60, v9;
	s14 =	smov.u32 s15;
	v5 =	vor.u32 v13, v10;
	v10 =	vld.idx.msk [tilespmem:v58+s23+$0x0], vm10;
	[tilespmem:v6+s4+$0x0] =	vst.idx.msk vm8, v12  }
0x5ff: {  	s13 =	sadd.s32 $0x20, s13;
	v14 =	vmul.f32 v54, v48;
	v48 =	vmovc v39;
	v39 =	vmovc v19;
	v6 =	vadd.s32 s29, v0;
	v12 =	vor.u32 $0x180, v47;
	v13 =	vld.idx.msk [tilespmem:v61+s23+$0x0], vm8  }
0x600: {  	v15 =	vor.u32 $0x300, v38;
	vm4 =	vlt.s32 v6, v24;
	v6 =	vor.u32 $0x100, v49;
	v19 =	vld [tilespmem:s13+$0x0]  }
0x601: {  	v17 =	vor.u32 $0x180, v41;
	v52 =	vor.u32 $0x280, v32;
	v16 =	vmul.f32 v59, v7;
	v50 =	vld [tilespmem:s13+$0xFFFFFFF0];
	[tilespmem:v51+s4+$0x0] =	vst.idx.msk vm7, v14  }
0x602: {  	v53 =	vor.u32 $0x300, v35;
	v11 =	vmul.f32 v11, v33;
	v14 =	vshll.u32 v8, $0x3;
	v51 =	vld [tilespmem:s8+$0x0]  }
0x603: {  	vm7 =	vmmov vm8;
	vm8 =	vmmov vm10;
	v54 =	vld.idx.msk [tilespmem:v5+s23+$0x0], vm1;
	v14 =	vand.u32 $0xFFFFFC00, v14;
	[tilespmem:v55+s4+$0x0] =	vst.idx.msk vm9, v16  }
0x604: {  	vm10 =	vmmov vm4;
	v10 =	vmul.f32 v10, v39;
	v12 =	vld.idx.msk [tilespmem:v12+s23+$0x0], vm9;
	[tilespmem:v4+s4+$0x0] =	vst.idx.msk vm2, v11  }
0x605: {  	v4 =	vand.u32 $0x7F, v8;
	v11 =	vor.u32 $0x380, v38;
	v13 =	vmul.f32 v13, v48;
	v38 =	vmovc v47;
	v47 =	vmovc v5;
	v8 =	vld.idx.msk [tilespmem:v15+s23+$0x0], vm2  }
0x606: {  	v4 =	vor.u32 v4, v14;
	v14 =	vor.u32 $0x180, v45;
	v5 =	vld.idx.msk [tilespmem:v9+s23+$0x0], vm4;
	[tilespmem:v6+s4+$0x0] =	vst.idx.msk vm13, v10;
	v6 =	vor.u32 $0x300, v37  }
0x607: {  	v16 =	vor.u32 $0x200, v38;
	v10 =	vor.u32 $0x80, v47;
	v15 =	vshll.u32 v51, $0x3;
	v17 =	vld.idx.msk [tilespmem:v17+s23+$0x0], vm12;
	[tilespmem:v52+s4+$0x0] =	vst.idx.msk vm6, v13  }
0x608: {  	v13 =	vand.u32 $0x7F, v51;
	v51 =	vor.u32 $0x180, v49;
	v15 =	vand.u32 $0xFFFFFC00, v15;
	v52 =	vld.idx.msk [tilespmem:v53+s23+$0x0], vm11  }
0x609: {  	s6 =	sadd.s32 $0x20, s6;
	v53 =	vmul.f32 v54, v50;
	v13 =	vor.u32 v13, v15;
	v15 =	vor.u32 $0x80, v9  }
0x60a: {  	v55 =	vor.u32 $0x300, v32;
	v54 =	vor.u32 $0x200, v41;
	v12 =	vmul.f32 v12, v7;
	v56 =	vld [tilespmem:s6+$0xFFFFFFF0]  }
0x60b: {  	v8 =	vmul.f32 v8, v33;
	v59 =	vld [tilespmem:s6+$0x0];
	[tilespmem:v4+s4+$0x0] =	vst.idx.msk vm1, v53;
	v53 =	vor.u32 $0x380, v35;
	v35 =	vmovc v41;
	v41 =	vmov v9  }
0x60c: {  	vm6 =	vmmov vm14;
	vm11 =	vmmov vm14;
	v5 =	vmul.f32 v5, v19;
	v9 =	vld.idx.msk [tilespmem:v10+s23+$0x0], vm1;
	[tilespmem:v14+s4+$0x0] =	vst.idx.msk vm9, v12  }
0x60d: {  	vm13 =	vmmov vm4;
	vm12 =	vmmov vm4;
	v12 =	vmul.f32 v17, v39;
	v10 =	vld.idx.msk [tilespmem:v16+s23+$0x0], vm9;
	[tilespmem:v6+s4+$0x0] =	vst.idx.msk vm2, v8  }
0x60e: {  	v6 =	vmul.f32 v52, v48;
	[tilespmem:v13+s4+$0x0] =	vst.idx.msk vm10, v5;
	v5 =	vld.idx.msk [tilespmem:v11+s23+$0x0], vm2  }
0x60f: {  	v11 =	vor.u32 $0x80, v4;
	v14 =	vld.idx.msk [tilespmem:v15+s23+$0x0], vm10;
	[tilespmem:v51+s4+$0x0] =	vst.idx.msk vm8, v12  }
0x610: {  	v12 =	vor.u32 $0x100, v47;
	v15 =	vor.u32 $0x200, v45;
	v51 =	vor.u32 $0x380, v32;
	v32 =	vmovc v49;
	v62 =	vld.idx.msk [tilespmem:v54+s23+$0x0], vm8;
	[tilespmem:v55+s4+$0x0] =	vst.idx.msk vm7, v6  }
.Ltmp44:
0x611: {  	v63 =	vor.u32 $0x280, v38;
	v57 =	vor.u32 $0x80, v13;
	v52 =	vor.u32 $0x380, v37;
	v37 =	vmovc v45;
	v45 =	vmovc v4;
	v54 =	vld.idx.msk [tilespmem:v53+s23+$0x0], vm7;
	(pc) =	sbr.rel @p5 .LBB2_87-.Ltmp44, $4  }
0x612: {  	v58 =	vor.u32 $0x100, v41;
	v61 =	vor.u32 $0x280, v35;
	v49 =	vmovc v13;
	v9 =	vmul.f32 v9, v50  }
0x613: {  	v4 =	vor.u32 $0x280, v37;
	v6 =	vor.u32 $0x200, v32;
	v10 =	vmul.f32 v10, v7  }
0x614: {  	v8 =	vadd.s32 s14, v0;
	v55 =	vor.u32 $0x100, v45;
	v53 =	vmul.f32 v5, v33;
	v33 =	vmovc v7;
	[tilespmem:v11+s4+$0x0] =	vst.idx.msk vm1, v9  }
0x615: {  	v60 =	vand.u32 $0x7F, v59;
	v9 =	vshll.u32 v59, $0x3;
	v5 =	vmul.f32 v14, v19;
	v59 =	vld.idx.msk [tilespmem:v12+s23+$0x0], vm1;
	[tilespmem:v15+s4+$0x0] =	vst.idx.msk vm9, v10  }
0x616: {  	v7 =	vmov v39;
	v39 =	vmov v19  }
.LBB2_89:
0x617: {  	s6 =	sld [smem:$0x7D8];
	_ =	sdelay $0x1  }
0x618: {  	s0 =	sadd.s32 @p2 $0x20, s8;
	v10 =	vshll.u32 v56, $0x3  }
0x619: {  	vm15 =	vlt.s32 v8, v24;
	s29 =	sadd.s32 $0x10, s14;
	v56 =	vand.u32 $0x7F, v56;
	v10 =	vand.u32 $0xFFFFFC00, v10;
	s6 =	smov.u32 @p2 s0  }
0x61a: {  	s8 =	sld [smem:$0x7D9];
	v12 =	vadd.s32 s29, v0;
	v10 =	vor.u32 v56, v10;
	v11 =	vld [tilespmem:s6+$0xFFFFFFF0]  }
0x61b: {  	v9 =	vand.u32 $0xFFFFFC00, v9;
	vm5 =	vlt.s32 v12, v24  }
0x61c: {  	v60 =	vor.u32 v60, v9;
	s0 =	sadd.s32 @p2 $0x20, s13;
	v56 =	vld [tilespmem:s6+$0x0]  }
0x61d: {  	s8 =	smov.u32 @p2 s0  }
0x61e: {  	v9 =	vld [tilespmem:s8+$0xFFFFFFF0]  }
0x61f: {  	v14 =	vld.idx.msk [tilespmem:v10+s23+$0x0], vm15;
	v13 =	vshll.u32 v11, $0x3  }
0x620: {  	v8 =	vld [tilespmem:s8+$0x0];
	v11 =	vand.u32 $0x7F, v11;
	v13 =	vand.u32 $0xFFFFFC00, v13  }
0x621: {  	v15 =	vld.idx.msk [tilespmem:v60+s23+$0x0], vm5;
	v16 =	vshll.u32 v56, $0x3;
	v19 =	vor.u32 v11, v13  }
0x622: {  	v11 =	vand.u32 $0x7F, v56;
	v56 =	vand.u32 $0xFFFFFC00, v16;
	v13 =	vor.u32 $0x80, v10  }
0x623: {  	v56 =	vor.u32 v11, v56  }
0x624: {  	v11 =	vor.u32 $0x80, v60;
	v12 =	vmul.f32 v14, v9;
	_ =	sdelay $0x1  }
0x625: {  	v14 =	vmul.f32 v15, v8;
	[tilespmem:v19+s4+$0x0] =	vst.idx.msk vm15, v12  }
0x626: {  	v12 =	vld.idx.msk [tilespmem:v13+s23+$0x0], vm15  }
0x627: {  	[tilespmem:v56+s4+$0x0] =	vst.idx.msk vm5, v14  }
0x628: {  	v13 =	vor.u32 $0x80, v19;
	v11 =	vld.idx.msk [tilespmem:v11+s23+$0x0], vm5  }
0x629: {  	vm14 =	vmmov vm5;
	v14 =	vor.u32 $0x100, v10  }
0x62a: {  	v15 =	vor.u32 $0x80, v56  }
0x62b: {  	[tilespmem:v57+s4+$0x0] =	vst.idx.msk @p2 vm10, v5;
	v5 =	vor.u32 $0x100, v60;
	vm5 =	vmmov @p2 vm1;
	v12 =	vmul.f32 v12, v9  }
0x62c: {  	v16 =	vld.idx.msk @p2 [tilespmem:v58+s23+$0x0], vm10  }
0x62d: {  	v11 =	vmul.f32 v11, v8;
	[tilespmem:v13+s4+$0x0] =	vst.idx.msk vm15, v12  }
0x62e: {  	v17 =	vmov @p2 v50;
	v12 =	vor.u32 @p2 $0x180, v47;
	v13 =	vor.u32 @p2 $0x100, v49;
	v14 =	vld.idx.msk [tilespmem:v14+s23+$0x0], vm15  }
0x62f: {  	[tilespmem:v15+s4+$0x0] =	vst.idx.msk vm14, v11;
	v11 =	vor.u32 @p2 $0x180, v41;
	v15 =	vmovc @p2 v39;
	v39 =	vmul.f32 @p2 v59, v17;
	vm15 =	vmmov vm15  }
0x630: {  	v50 =	vor.u32 $0x100, v19;
	v5 =	vld.idx.msk [tilespmem:v5+s23+$0x0], vm14  }
0x631: {  	v16 =	vmul.f32 @p2 v16, v15;
	[tilespmem:v55+s4+$0x0] =	vst.idx.msk @p2 vm5, v39;
	v39 =	vor.u32 $0x180, v10  }
0x632: {  	v55 =	vor.u32 $0x100, v56  }
0x633: {  	[tilespmem:v13+s4+$0x0] =	vst.idx.msk @p2 vm13, v16;
	v12 =	vld.idx.msk @p2 [tilespmem:v12+s23+$0x0], vm5;
	v14 =	vmul.f32 v14, v9  }
0x634: {  	v11 =	vld.idx.msk @p2 [tilespmem:v11+s23+$0x0], vm12  }
0x635: {  	v57 =	vor.u32 @p2 $0x180, v45;
	vm10 =	vmmov @p2 vm10;
	v16 =	vld.idx.msk @p3 [tilespmem:v63+s23+$0x0], vm9;
	v5 =	vmul.f32 v5, v8;
	[tilespmem:v50+s4+$0x0] =	vst.idx.msk vm15, v14  }
0x636: {  	vm1 =	vmmov @p3 vm9;
	v50 =	vor.u32 @p2 $0x180, v49;
	v39 =	vld.idx.msk [tilespmem:v39+s23+$0x0], vm15  }
0x637: {  	[tilespmem:v55+s4+$0x0] =	vst.idx.msk vm14, v5;
	v5 =	vmul.f32 @p3 v62, v7  }
0x638: {  	v63 =	vor.u32 $0x180, v19;
	v12 =	vmul.f32 @p2 v12, v17  }
0x639: {  	[tilespmem:v6+s4+$0x0] =	vst.idx.msk @p3 vm8, v5;
	v5 =	vmul.f32 @p2 v11, v15  }
0x63a: {  	v13 =	vor.u32 $0x180, v60;
	[tilespmem:v57+s4+$0x0] =	vst.idx.msk @p2 vm5, v12;
	v12 =	vmul.f32 @p3 v16, v33  }
0x63b: {  	[tilespmem:v50+s4+$0x0] =	vst.idx.msk @p2 vm10, v5;
	v39 =	vmul.f32 v39, v9  }
0x63c: {  	[tilespmem:v4+s4+$0x0] =	vst.idx.msk @p3 vm1, v12  }
0x63d: {  	v14 =	vor.u32 @p2 $0x200, v47;
	[tilespmem:v63+s4+$0x0] =	vst.idx.msk vm15, v39  }
0x63e: {  	v55 =	vor.u32 @p2 $0x200, v41;
	v39 =	vld [tilespmem:$0x1FED0]  }
0x63f: {  	v13 =	vld.idx.msk [tilespmem:v13+s23+$0x0], vm14  }
0x640: {  	vm9 =	vmmov vm14  }
0x641: {  	v58 =	vor.u32 $0x200, v10;
	v16 =	vor.u32 $0x180, v56  }
0x642: {  	v30 =	vpsel p2, v47, v30;
	v34 =	vpsel p2, v49, v34;
	v5 =	vld.idx.msk @p2 [tilespmem:v14+s23+$0x0], vm5  }
0x643: {  	v59 =	vor.u32 $0x200, v60;
	v4 =	vld.idx.msk @p2 [tilespmem:v55+s23+$0x0], vm10;
	vm12 =	vnez.u8 v39;
	v39 =	vor.u32 @p2 $0x200, v49  }
0x644: {  	vm3 =	vmmov @p2 vm5;
	v6 =	vor.u32 @p2 $0x200, v45;
	v13 =	vmul.f32 v13, v8  }
0x645: {  	v11 =	vor.u32 @p3 $0x300, v38;
	v15 =	vpsel p2, v15, v36;
	v55 =	vld.idx.msk @p3 [tilespmem:v61+s23+$0x0], vm8;
	vm12 =	vmmov @p2 vm10  }
0x646: {  	v12 =	vor.u32 @p2 $0x280, v47;
	[tilespmem:v16+s4+$0x0] =	vst.idx.msk vm9, v13;
	v14 =	vld.idx.msk [tilespmem:v58+s23+$0x0], vm15;
	v13 =	vpsel p2, v39, v46;
	v39 =	vmov @p2 v41  }
0x647: {  	v12 =	vpsel p2, v12, v44;
	v5 =	vmul.f32 @p2 v5, v17;
	v36 =	vor.u32 @p2 $0x280, v39  }
0x648: {  	v62 =	vor.u32 $0x200, v19;
	v61 =	vld.idx.msk [tilespmem:v59+s23+$0x0], vm9;
	v4 =	vpsel p2, v4, v42;
	v36 =	vpsel p2, v36, v43  }
0x649: {  	vm13 =	vmmov vm15;
	v4 =	vmul.f32 @p2 v4, v15;
	[tilespmem:v6+s4+$0x0] =	vst.idx.msk @p2 vm5, v5;
	v5 =	vor.u32 $0x280, v10  }
0x64a: {  	v44 =	vor.u32 @p3 $0x280, v32;
	v11 =	vld.idx.msk @p3 [tilespmem:v11+s23+$0x0], vm1;
	v63 =	vor.u32 $0x200, v56;
	v16 =	vor.u32 @p3 $0x300, v35  }
0x64b: {  	v42 =	vmul.f32 @p3 v55, v7;
	v14 =	vmul.f32 v14, v9;
	[tilespmem:v13+s4+$0x0] =	vst.idx.msk @p2 vm12, v4;
	v4 =	vor.u32 $0x280, v60  }
0x64c: {  	vm5 =	vmmov @p2 vm4;
	vm4 =	vmmov @p2 vm3;
	v12 =	vld.idx.msk @p2 [tilespmem:v12+s23+$0x0], vm3;
	v46 =	vor.u32 @p3 $0x300, v37  }
0x64d: {  	vm10 =	vmmov vm0;
	[tilespmem:v62+s4+$0x0] =	vst.idx.msk vm15, v14;
	v41 =	vmul.f32 v61, v8;
	v13 =	vor.u32 @p2 $0x280, v45;
	v36 =	vld.idx.msk @p2 [tilespmem:v36+s23+$0x0], vm12  }
0x64e: {  	vm0 =	vmmov @p2 vm5;
	vm10 =	vmmov @p2 vm5;
	v5 =	vld.idx.msk [tilespmem:v5+s23+$0x0], vm15;
	v13 =	vpsel p2, v13, v40  }
0x64f: {  	v31 =	vpsel p2, v39, v31;
	v14 =	vmovc @p2 v17;
	v17 =	vor.u32 @p2 $0x300, v30;
	v39 =	vor.u32 @p2 $0x280, v34;
	[tilespmem:v63+s4+$0x0] =	vst.idx.msk vm9, v41  }
0x650: {  	v11 =	vmul.f32 @p3 v11, v33;
	v6 =	vpsel p2, v14, v29;
	v14 =	vor.u32 @p2 $0x300, v31;
	v4 =	vld.idx.msk [tilespmem:v4+s23+$0x0], vm9  }
0x651: {  	[tilespmem:v44+s4+$0x0] =	vst.idx.msk @p3 vm6, v42;
	v29 =	vor.u32 $0x280, v19;
	v12 =	vmul.f32 @p2 v12, v6  }
0x652: {  	v50 =	vor.u32 $0x300, v10;
	v55 =	vor.u32 $0x280, v56;
	[tilespmem:v46+s4+$0x0] =	vst.idx.msk @p3 vm1, v11;
	v11 =	vmul.f32 @p2 v36, v15  }
0x653: {  	v57 =	vor.u32 $0x300, v60;
	v16 =	vld.idx.msk @p3 [tilespmem:v16+s23+$0x0], vm11;
	[tilespmem:v13+s4+$0x0] =	vst.idx.msk @p2 vm4, v12  }
0x654: {  	v38 =	vor.u32 @p3 $0x380, v38;
	vm6 =	vmmov @p3 vm8;
	v5 =	vmul.f32 v5, v9;
	v13 =	vld.idx.msk @p2 [tilespmem:v17+s23+$0x0], vm4;
	[tilespmem:v39+s4+$0x0] =	vst.idx.msk @p2 vm10, v11  }
0x655: {  	v17 =	vpsel p2, v45, v28;
	v11 =	vor.u32 @p3 $0x300, v32;
	v4 =	vmul.f32 v4, v8;
	v14 =	vld.idx.msk @p2 [tilespmem:v14+s23+$0x0], vm0  }
0x656: {  	vm5 =	vmmov @p2 vm12;
	[tilespmem:v29+s4+$0x0] =	vst.idx.msk vm13, v5;
	v28 =	vor.u32 @p3 $0x380, v35;
	v35 =	vor.u32 @p2 $0x300, v17  }
0x657: {  	v5 =	vmul.f32 @p4 v54, v48;
	v29 =	vor.u32 @p2 $0x380, v30;
	v30 =	vor.u32 @p2 $0x300, v34;
	v36 =	vld.idx.msk [tilespmem:v50+s23+$0x0], vm13;
	[tilespmem:v55+s4+$0x0] =	vst.idx.msk vm14, v4  }
0x658: {  	v58 =	vor.u32 $0x300, v19;
	[tilespmem:v52+s4+$0x0] =	vst.idx.msk @p4 vm2, v53;
	v31 =	vor.u32 @p2 $0x380, v31;
	v4 =	vmul.f32 @p3 v16, v7;
	v12 =	vld.idx.msk [tilespmem:v57+s23+$0x0], vm14  }
0x659: {  	v59 =	vor.u32 $0x300, v56;
	vm15 =	vmmov vm9;
	[tilespmem:v51+s4+$0x0] =	vst.idx.msk @p4 vm7, v5;
	v13 =	vmul.f32 @p2 v13, v6  }
0x65a: {  	v10 =	vor.u32 $0x380, v10;
	vm2 =	vmmov @p3 vm6;
	v38 =	vld.idx.msk @p3 [tilespmem:v38+s23+$0x0], vm1;
	[tilespmem:v11+s4+$0x0] =	vst.idx.msk @p3 vm6, v4;
	v4 =	vmul.f32 @p2 v14, v15  }
0x65b: {  	v62 =	vor.u32 $0x380, v19;
	v61 =	vor.u32 $0x380, v60;
	vm1 =	vmmov @p3 vm1;
	[tilespmem:v35+s4+$0x0] =	vst.idx.msk @p2 vm4, v13;
	v28 =	vld.idx.msk @p3 [tilespmem:v28+s23+$0x0], vm6  }
0x65c: {  	v29 =	vld.idx.msk @p2 [tilespmem:v29+s23+$0x0], vm4;
	v14 =	vor.u32 @p3 $0x380, v32;
	v32 =	vor.u32 @p3 $0x380, v37;
	[tilespmem:v30+s4+$0x0] =	vst.idx.msk @p2 vm5, v4;
	v4 =	vmul.f32 v36, v9  }
0x65d: {  	v17 =	vor.u32 @p2 $0x380, v17;
	v30 =	vpsel p3, v32, v0;
	v12 =	vmul.f32 v12, v8;
	v31 =	vld.idx.msk @p2 [tilespmem:v31+s23+$0x0], vm5  }
0x65e: {  	v17 =	vpsel p2, v17, v0;
	vm4 =	vmmov @p2 vm4;
	v14 =	vpsel p3, v14, v0;
	[tilespmem:v58+s4+$0x0] =	vst.idx.msk vm13, v4  }
0x65f: {  	v16 =	vmul.f32 @p3 v38, v33;
	vm5 =	vmmov @p2 vm5;
	v4 =	vor.u32 @p2 $0x380, v34;
	[tilespmem:v59+s4+$0x0] =	vst.idx.msk vm15, v12;
	v10 =	vld.idx.msk [tilespmem:v10+s23+$0x0], vm13  }
0x660: {  	v7 =	vpsel p3, v7, v0;
	v11 =	vpsel p3, v28, v0;
	v4 =	vpsel p2, v4, v0;
	v12 =	vld.idx.msk [tilespmem:v61+s23+$0x0], vm15  }
0x661: {  	v16 =	vpsel p3, v16, v0;
	v6 =	vmul.f32 @p2 v29, v6;
	v5 =	vmul.f32 @p3 v11, v7  }
0x662: {  	v63 =	vor.u32 $0x380, v56;
	v11 =	vpsel p2, v15, v0;
	[tilespmem:v30+s4+$0x0] =	vst.idx.msk @p3 vm1, v16;
	v13 =	vpsel p2, v31, v0  }
0x663: {  	[tilespmem:v14+s4+$0x0] =	vst.idx.msk @p3 vm2, v5;
	v5 =	vpsel p2, v6, v0;
	v6 =	vmul.f32 @p2 v13, v11  }
0x664: {  	[tilespmem:v17+s4+$0x0] =	vst.idx.msk @p2 vm4, v5;
	v5 =	vmul.f32 v10, v9  }
0x665: {  	[tilespmem:v4+s4+$0x0] =	vst.idx.msk @p2 vm5, v6;
	v4 =	vmul.f32 v12, v8  }
0x666: {  	[tilespmem:v62+s4+$0x0] =	vst.idx.msk vm13, v5  }
0x667: {  	[tilespmem:v63+s4+$0x0] =	vst.idx.msk vm15, v4  }
.LBB2_21:
0x668: {  	s14 =	sld [smem:$0x7FA];
	_ =	sdelay $0x2  }
0x669: {  	p2 =	seq.s32 s14, $0x1  }
.Ltmp45:
0x66a: {  	_ = 	snop;
	(pc) =	sbr.rel @p2 .LBB2_23-.Ltmp45, $4  }
0x66b: {  	_ = 	snop  }
0x66c: {  	s0 =	sld [smem:$0x7DC]  }
0x66d: {  	s6 =	sld [smem:$0x7DB]  }
0x66e: {  	s8 =	sld [smem:$0x7DA];
	s13 =	smov.u32 s22  }
.LBB2_22:
0x66f: {  	v4 =	vld [tilespmem:s0+$0x0];
	_ =	sdelay $0x4  }
0x670: {  	v5 =	vadd.s32 s13, v0;
	v6 =	vshll.u32 v4, $0x3  }
0x671: {  	vm0 =	vlt.s32 v5, v24;
	v4 =	vand.u32 $0x7F, v4;
	v5 =	vand.u32 $0xFFFFFC00, v6  }
0x672: {  	v52 =	vld [tilespmem:s6+$0x0];
	v4 =	vor.u32 v4, v5;
	_ =	sdelay $0x3  }
0x673: {  	v5 =	vld [tilespmem:s8+$0x0]  }
0x674: {  	v8 =	vshll.u32 v52, $0x3;
	v7 =	vld.idx.msk [tilespmem:v4+s23+$0x0], vm0  }
0x675: {  	v6 =	vand.u32 $0x7F, v52;
	v8 =	vand.u32 $0xFFFFFC00, v8  }
0x676: {  	v6 =	vor.u32 v6, v8  }
0x677: {  	v53 =	vor.u32 $0x80, v4;
	_ =	sdelay $0x1  }
0x678: {  	v7 =	vmul.f32 v7, v5;
	_ =	sdelay $0x1  }
0x679: {  	[tilespmem:v6+s4+$0x0] =	vst.idx.msk vm0, v7  }
0x67a: {  	v7 =	vld.idx.msk [tilespmem:v53+s23+$0x0], vm0;
	_ =	sdelay $0x1  }
0x67b: {  	v54 =	vor.u32 $0x80, v6  }
0x67c: {  	v9 =	vor.u32 $0x100, v4;
	_ =	sdelay $0x1  }
0x67d: {  	v7 =	vmul.f32 v7, v5;
	_ =	sdelay $0x1  }
0x67e: {  	[tilespmem:v54+s4+$0x0] =	vst.idx.msk vm0, v7  }
0x67f: {  	v7 =	vld.idx.msk [tilespmem:v9+s23+$0x0], vm0;
	_ =	sdelay $0x1  }
0x680: {  	v55 =	vor.u32 $0x100, v6  }
0x681: {  	v56 =	vor.u32 $0x180, v4;
	_ =	sdelay $0x1  }
0x682: {  	v7 =	vmul.f32 v7, v5;
	_ =	sdelay $0x1  }
0x683: {  	[tilespmem:v55+s4+$0x0] =	vst.idx.msk vm0, v7  }
0x684: {  	v7 =	vld.idx.msk [tilespmem:v56+s23+$0x0], vm0;
	_ =	sdelay $0x1  }
0x685: {  	v57 =	vor.u32 $0x180, v6  }
0x686: {  	v58 =	vor.u32 $0x200, v4;
	_ =	sdelay $0x1  }
0x687: {  	v7 =	vmul.f32 v7, v5;
	_ =	sdelay $0x1  }
0x688: {  	[tilespmem:v57+s4+$0x0] =	vst.idx.msk vm0, v7  }
0x689: {  	v7 =	vld.idx.msk [tilespmem:v58+s23+$0x0], vm0;
	_ =	sdelay $0x1  }
0x68a: {  	v59 =	vor.u32 $0x200, v6  }
0x68b: {  	v60 =	vor.u32 $0x280, v4;
	_ =	sdelay $0x1  }
0x68c: {  	v7 =	vmul.f32 v7, v5;
	_ =	sdelay $0x1  }
0x68d: {  	[tilespmem:v59+s4+$0x0] =	vst.idx.msk vm0, v7  }
0x68e: {  	v7 =	vld.idx.msk [tilespmem:v60+s23+$0x0], vm0;
	_ =	sdelay $0x1  }
0x68f: {  	v61 =	vor.u32 $0x280, v6  }
0x690: {  	v62 =	vor.u32 $0x300, v4;
	_ =	sdelay $0x1  }
0x691: {  	v7 =	vmul.f32 v7, v5;
	_ =	sdelay $0x1  }
0x692: {  	[tilespmem:v61+s4+$0x0] =	vst.idx.msk vm0, v7  }
0x693: {  	v7 =	vld.idx.msk [tilespmem:v62+s23+$0x0], vm0;
	_ =	sdelay $0x1  }
0x694: {  	v63 =	vor.u32 $0x300, v6  }
0x695: {  	v4 =	vor.u32 $0x380, v4;
	_ =	sdelay $0x1  }
0x696: {  	v7 =	vmul.f32 v7, v5;
	_ =	sdelay $0x1  }
0x697: {  	[tilespmem:v63+s4+$0x0] =	vst.idx.msk vm0, v7  }
0x698: {  	v4 =	vld.idx.msk [tilespmem:v4+s23+$0x0], vm0  }
0x699: {  	s13 =	sadd.s32 $0x10, s13  }
0x69a: {  	p2 =	slt.s32 s13, s26;
	v6 =	vor.u32 $0x380, v6  }
.Ltmp46:
0x69b: {  	_ = 	snop;
	(pc) =	sbr.rel @p2 .LBB2_22-.Ltmp46, $3  }
0x69c: {  	_ = 	snop  }
0x69d: {  	v4 =	vmul.f32 v4, v5;
	_ =	sdelay $0x1  }
0x69e: {  	s6 =	sadd.s32 $0x10, s6;
	s0 =	sadd.s32 $0x10, s0;
	s8 =	sadd.s32 $0x10, s8;
	[tilespmem:v6+s4+$0x0] =	vst.idx.msk vm0, v4  }
.LBB2_23:
0x69f: {  	s0 =	simm.s32 $0x2  }
0x6a0: {  	_ =	swait.ge [sflag:s0], $0x4000  }
0x6a1: {  	s29 =	sld [smem:$0x7FB];
	_ =	sdelay $0x2  }
0x6a2: {  	p2 =	seq.s32 s29, $0x1  }
.Ltmp47:
0x6a3: {  	_ = 	snop;
	(pc) =	sbr.rel @p2 .LBB2_24-.Ltmp47, $3  }
0x6a4: {  	_ =	sdelay $0x1  }
0x6a5: {  	[sflag:s0] =	ssyncset.done $0x0  }
0x6a6: {  	[sflag:s0] =	ssyncadd.s32 $0xFFFFC000  }
0x6a7: {  	s6 =	sld [smem:$0x7DE]  }
0x6a8: {  	s0 =	rddreg [dreg:$0x1a]  }
0x6a9: {  	s14 =	sadd.s32 $0x20, s0  }
0x6aa: {  	p5 =	slt.s32 s14, s1;
	v4 =	vld [tilespmem:s6+$0x0]  }
.Ltmp48:
0x6ab: {  	_ = 	snop;
	(pc) =	sbr.rel @!p5 .LBB2_91-.Ltmp48, $3  }
0x6ac: {  	_ =	sdelay $0x1  }
0x6ad: {  	p2 =	por $0x0, $0x0  }
0x6ae: {  	p3 =	por $0x0, $0x0;
	p4 =	por $0x0, $0x0;
	s8 =	sld [smem:$0x7DF];
	v8 =	vadd.s32 s0, v0;
	v56 =	vld [tilespmem:s6+$0xFFFFFFF0];
	v60 =	vand.u32 $0x7F, v4;
	v9 =	vshll.u32 v4, $0x3  }
0x6af: {  	_ =	sdelay $0x3  }
0x6b0: {  	v4 =	vshll.u32 v56, $0x3  }
0x6b1: {  	vm1 =	vlt.s32 v8, v25;
	v5 =	vand.u32 $0x7F, v56;
	v4 =	vand.u32 $0xFFFFFC00, v4  }
0x6b2: {  	s0 =	sadd.s32 $0x10, s0;
	v6 =	vld [tilespmem:s8+$0xFFFFFFF0];
	v30 =	vor.u32 v5, v4  }
0x6b3: {  	s13 =	sld [smem:$0x7E0];
	v4 =	vadd.s32 s0, v0  }
0x6b4: {  	v5 =	vand.u32 $0xFFFFFC00, v9;
	vm4 =	vlt.s32 v4, v25  }
0x6b5: {  	v31 =	vor.u32 v60, v5;
	v4 =	vld [tilespmem:s8+$0x0]  }
0x6b6: {  	v29 =	vld [tilespmem:s13+$0xFFFFFFF0]  }
0x6b7: {  	v5 =	vshll.u32 v6, $0x3;
	v7 =	vld.idx.msk [tilespmem:v30+s24+$0x0], vm1  }
0x6b8: {  	v6 =	vand.u32 $0x7F, v6;
	v5 =	vand.u32 $0xFFFFFC00, v5  }
0x6b9: {  	v36 =	vld [tilespmem:s13+$0x0];
	v28 =	vor.u32 v6, v5  }
0x6ba: {  	v6 =	vor.u32 $0x80, v30;
	v8 =	vshll.u32 v4, $0x3;
	v5 =	vld.idx.msk [tilespmem:v31+s24+$0x0], vm4  }
0x6bb: {  	v4 =	vand.u32 $0x7F, v4;
	v8 =	vand.u32 $0xFFFFFC00, v8  }
0x6bc: {  	v34 =	vor.u32 v4, v8;
	v7 =	vmul.f32 v7, v29  }
0x6bd: {  	v4 =	vor.u32 $0x80, v31  }
0x6be: {  	[tilespmem:v28+s4+$0x0] =	vst.idx.msk vm1, v7  }
0x6bf: {  	v5 =	vmul.f32 v5, v36;
	v6 =	vld.idx.msk [tilespmem:v6+s24+$0x0], vm1  }
0x6c0: {  	s6 =	sadd.s32 $0x20, s6  }
0x6c1: {  	s0 =	sadd.s32 $0x20, s14;
	v7 =	vld [tilespmem:s6+$0x0];
	[tilespmem:v34+s4+$0x0] =	vst.idx.msk vm4, v5;
	v5 =	vor.u32 $0x80, v28  }
0x6c2: {  	v10 =	vor.u32 $0x100, v30;
	p5 =	slt.s32 s0, s1;
	v4 =	vld.idx.msk [tilespmem:v4+s24+$0x0], vm4  }
.Ltmp49:
0x6c3: {  	_ = 	snop;
	(pc) =	sbr.rel @!p5 .LBB2_93-.Ltmp49, $4  }
0x6c4: {  	v6 =	vmul.f32 v6, v29  }
0x6c5: {  	vm0 =	vmmov vm4;
	v58 =	vor.u32 $0x100, v31  }
0x6c6: {  	v56 =	vld [tilespmem:s6+$0xFFFFFFF0];
	v55 =	vor.u32 $0x100, v28;
	v8 =	vadd.s32 s14, v0;
	v57 =	vor.u32 $0x80, v34;
	[tilespmem:v5+s4+$0x0] =	vst.idx.msk vm1, v6  }
0x6c7: {  	p2 =	por $0x1, $0x1;
	v60 =	vand.u32 $0x7F, v7;
	v9 =	vshll.u32 v7, $0x3;
	v5 =	vmul.f32 v4, v36;
	v59 =	vld.idx.msk [tilespmem:v10+s24+$0x0], vm1  }
0x6c8: {  	_ =	sdelay $0x2  }
0x6c9: {  	vm3 =	vmmov vm1  }
0x6ca: {  	s8 =	sadd.s32 $0x20, s8;
	vm1 =	vlt.s32 v8, v25;
	v4 =	vshll.u32 v56, $0x3  }
0x6cb: {  	s29 =	sadd.s32 $0x10, s14;
	v7 =	vld [tilespmem:s8+$0xFFFFFFF0];
	[tilespmem:v57+s4+$0x0] =	vst.idx.msk vm0, v5;
	v5 =	vor.u32 $0x180, v30;
	v6 =	vand.u32 $0x7F, v56;
	v4 =	vand.u32 $0xFFFFFC00, v4  }
0x6cc: {  	s15 =	smov.u32 s13;
	v38 =	vor.u32 v6, v4;
	v4 =	vadd.s32 s29, v0  }
0x6cd: {  	s13 =	sadd.s32 $0x20, s15;
	v8 =	vld.idx.msk [tilespmem:v58+s24+$0x0], vm0;
	vm4 =	vlt.s32 v4, v25;
	v4 =	vmul.f32 v59, v29  }
0x6ce: {  	v33 =	vld [tilespmem:s13+$0xFFFFFFF0];
	v6 =	vand.u32 $0xFFFFFC00, v9  }
0x6cf: {  	v35 =	vor.u32 v60, v6;
	v6 =	vld [tilespmem:s8+$0x0];
	[tilespmem:v55+s4+$0x0] =	vst.idx.msk vm3, v4  }
0x6d0: {  	v9 =	vor.u32 $0x100, v34;
	v10 =	vshll.u32 v7, $0x3;
	v5 =	vld.idx.msk [tilespmem:v5+s24+$0x0], vm3  }
0x6d1: {  	v7 =	vand.u32 $0x7F, v7;
	v10 =	vand.u32 $0xFFFFFC00, v10;
	v4 =	vor.u32 $0x180, v31;
	v11 =	vld.idx.msk [tilespmem:v38+s24+$0x0], vm1  }
0x6d2: {  	v37 =	vor.u32 v7, v10;
	v10 =	vor.u32 $0x180, v28  }
0x6d3: {  	v14 =	vor.u32 $0x200, v30;
	v39 =	vld [tilespmem:s13+$0x0];
	v8 =	vmul.f32 v8, v36  }
0x6d4: {  	v12 =	vor.u32 $0x80, v38;
	v13 =	vshll.u32 v6, $0x3;
	v7 =	vld.idx.msk [tilespmem:v35+s24+$0x0], vm4  }
0x6d5: {  	[tilespmem:v9+s4+$0x0] =	vst.idx.msk vm0, v8;
	v6 =	vand.u32 $0x7F, v6;
	v13 =	vand.u32 $0xFFFFFC00, v13;
	v5 =	vmul.f32 v5, v29  }
0x6d6: {  	v32 =	vor.u32 v6, v13;
	v4 =	vld.idx.msk [tilespmem:v4+s24+$0x0], vm0;
	v11 =	vmul.f32 v11, v33  }
0x6d7: {  	v6 =	vor.u32 $0x80, v35;
	[tilespmem:v10+s4+$0x0] =	vst.idx.msk vm3, v5  }
0x6d8: {  	v5 =	vor.u32 $0x180, v34;
	[tilespmem:v37+s4+$0x0] =	vst.idx.msk vm1, v11;
	v9 =	vld.idx.msk [tilespmem:v14+s24+$0x0], vm3  }
0x6d9: {  	v7 =	vmul.f32 v7, v39;
	v8 =	vld.idx.msk [tilespmem:v12+s24+$0x0], vm1  }
0x6da: {  	s6 =	sadd.s32 $0x20, s6;
	v51 =	vor.u32 $0x200, v28  }
0x6db: {  	s14 =	sadd.s32 $0x20, s0;
	v10 =	vor.u32 $0x200, v31;
	v11 =	vld [tilespmem:s6+$0x0];
	v4 =	vmul.f32 v4, v36;
	[tilespmem:v32+s4+$0x0] =	vst.idx.msk vm4, v7;
	v7 =	vor.u32 $0x80, v37  }
0x6dc: {  	vm5 =	vmmov vm0;
	v44 =	vor.u32 $0x280, v30;
	p5 =	slt.s32 s14, s1;
	v50 =	vor.u32 $0x100, v38;
	v6 =	vld.idx.msk [tilespmem:v6+s24+$0x0], vm4  }
.Ltmp50:
0x6dd: {  	v43 =	vor.u32 $0x280, v31;
	v40 =	vor.u32 $0x280, v28;
	[tilespmem:v5+s4+$0x0] =	vst.idx.msk vm0, v4;
	v4 =	vmul.f32 v9, v29;
	(pc) =	sbr.rel @!p5 .LBB2_95-.Ltmp50, $4  }
0x6de: {  	v46 =	vor.u32 $0x200, v34;
	vm6 =	vmmov vm4;
	v63 =	vmul.f32 v8, v33  }
0x6df: {  	v56 =	vld [tilespmem:s6+$0xFFFFFFF0];
	v58 =	vor.u32 $0x100, v35;
	v55 =	vor.u32 $0x100, v37;
	[tilespmem:v51+s4+$0x0] =	vst.idx.msk vm3, v4;
	v4 =	vimm.s32 $0x0  }
0x6e0: {  	v57 =	vor.u32 $0x80, v32;
	v42 =	vld.idx.msk [tilespmem:v10+s24+$0x0], vm0;
	v60 =	vand.u32 $0x7F, v11;
	[tilespmem:v7+s4+$0x0] =	vst.idx.msk vm1, v63;
	v4 =	vsel vm5, $0xFFFFFFFF, v4  }
0x6e1: {  	p3 =	por $0x1, $0x1;
	v9 =	vshll.u32 v11, $0x3;
	v8 =	vadd.s32 s0, v0;
	v5 =	vmul.f32 v6, v39;
	v59 =	vld.idx.msk [tilespmem:v50+s24+$0x0], vm1;
	[tilespmem:$0x1FEC0] =	vst v4  }
0x6e2: {  	_ =	sdelay $0x3  }
0x6e3: {  	vm9 =	vmmov vm1;
	vm1 =	vlt.s32 v8, v25  }
0x6e4: {  	s8 =	sadd.s32 $0x20, s8;
	v6 =	vld.idx.msk [tilespmem:v44+s24+$0x0], vm3;
	[tilespmem:v57+s4+$0x0] =	vst.idx.msk vm6, v5;
	v5 =	vand.u32 $0xFFFFFC00, v9;
	v9 =	vor.u32 $0x180, v38;
	v4 =	vshll.u32 v56, $0x3  }
0x6e5: {  	v8 =	vld [tilespmem:s8+$0xFFFFFFF0];
	v10 =	vand.u32 $0x7F, v56;
	v7 =	vmul.f32 v42, v36;
	v4 =	vand.u32 $0xFFFFFC00, v4  }
0x6e6: {  	s0 =	sadd.s32 $0x10, s0;
	v13 =	vld [tilespmem:s8+$0x0];
	v47 =	vor.u32 v10, v4  }
0x6e7: {  	v4 =	vld.idx.msk [tilespmem:v58+s24+$0x0], vm6;
	v11 =	vmul.f32 v59, v33;
	[tilespmem:v46+s4+$0x0] =	vst.idx.msk vm5, v7;
	v7 =	vadd.s32 s0, v0  }
0x6e8: {  	s13 =	sadd.s32 $0x20, s13;
	v41 =	vor.u32 v60, v5;
	v5 =	vor.u32 $0x300, v30;
	v10 =	vld.idx.msk [tilespmem:v43+s24+$0x0], vm5;
	vm4 =	vlt.s32 v7, v25  }
0x6e9: {  	v50 =	vld [tilespmem:s13+$0xFFFFFFF0];
	v6 =	vmul.f32 v6, v29;
	v7 =	vor.u32 $0x100, v32;
	[tilespmem:v55+s4+$0x0] =	vst.idx.msk vm9, v11  }
0x6ea: {  	v12 =	vor.u32 $0x180, v35;
	v14 =	vor.u32 $0x280, v34;
	v15 =	vshll.u32 v8, $0x3;
	v9 =	vld.idx.msk [tilespmem:v9+s24+$0x0], vm9  }
0x6eb: {  	v16 =	vor.u32 $0x300, v31;
	v15 =	vand.u32 $0xFFFFFC00, v15;
	[tilespmem:v40+s4+$0x0] =	vst.idx.msk vm3, v6;
	v6 =	vand.u32 $0x7F, v8;
	v17 =	vld.idx.msk [tilespmem:v47+s24+$0x0], vm1  }
0x6ec: {  	v19 =	vld [tilespmem:s13+$0x0];
	v45 =	vor.u32 v6, v15;
	v6 =	vor.u32 $0x180, v37;
	v4 =	vmul.f32 v4, v39  }
0x6ed: {  	v5 =	vld.idx.msk [tilespmem:v5+s24+$0x0], vm3;
	v8 =	vmul.f32 v10, v36  }
0x6ee: {  	vm2 =	vmmov vm3;
	v62 =	vor.u32 $0x200, v38;
	v11 =	vshll.u32 v13, $0x3;
	[tilespmem:v7+s4+$0x0] =	vst.idx.msk vm6, v4;
	v10 =	vld.idx.msk [tilespmem:v41+s24+$0x0], vm4  }
0x6ef: {  	v11 =	vand.u32 $0xFFFFFC00, v11;
	v7 =	vor.u32 $0x80, v47;
	v12 =	vld.idx.msk [tilespmem:v12+s24+$0x0], vm6;
	v9 =	vmul.f32 v9, v33;
	[tilespmem:v14+s4+$0x0] =	vst.idx.msk vm0, v8  }
0x6f0: {  	v4 =	vor.u32 $0x300, v28;
	v8 =	vand.u32 $0x7F, v13;
	v14 =	vld.idx.msk [tilespmem:v16+s24+$0x0], vm0;
	v16 =	vmul.f32 v17, v50  }
0x6f1: {  	v63 =	vor.u32 $0x380, v30;
	s6 =	sadd.s32 $0x20, s6;
	vm8 =	vmmov vm6;
	v49 =	vor.u32 v8, v11;
	[tilespmem:v6+s4+$0x0] =	vst.idx.msk vm9, v9  }
0x6f2: {  	vm7 =	vmmov vm5;
	v56 =	vld [tilespmem:s6+$0xFFFFFFF0];
	v8 =	vor.u32 $0x80, v41;
	[tilespmem:v45+s4+$0x0] =	vst.idx.msk vm1, v16;
	v16 =	vor.u32 $0x180, v32  }
0x6f3: {  	v48 =	vor.u32 $0x200, v37;
	v5 =	vmul.f32 v5, v29;
	v6 =	vor.u32 $0x200, v35;
	v15 =	vld.idx.msk [tilespmem:v62+s24+$0x0], vm9  }
0x6f4: {  	v51 =	vor.u32 $0x380, v34;
	v9 =	vor.u32 $0x300, v34;
	v7 =	vld.idx.msk [tilespmem:v7+s24+$0x0], vm1;
	v10 =	vmul.f32 v10, v19  }
0x6f5: {  	v52 =	vor.u32 $0x380, v28;
	v61 =	vor.u32 $0x280, v35;
	v11 =	vld [tilespmem:s6+$0x0];
	[tilespmem:v4+s4+$0x0] =	vst.idx.msk vm2, v5;
	v12 =	vmul.f32 v12, v39  }
0x6f6: {  	vm11 =	vmmov vm6;
	s0 =	sadd.s32 $0x20, s14;
	v13 =	vor.u32 $0x80, v45;
	v5 =	vor.u32 $0x380, v31;
	[tilespmem:v49+s4+$0x0] =	vst.idx.msk vm4, v10;
	v10 =	vld.idx.msk [tilespmem:v63+s24+$0x0], vm2  }
0x6f7: {  	p5 =	slt.s32 s0, s1;
	vm10 =	vmmov vm4;
	v17 =	vor.u32 $0x100, v47;
	v4 =	vmul.f32 v14, v36;
	v14 =	vld.idx.msk [tilespmem:v8+s24+$0x0], vm4;
	[tilespmem:v16+s4+$0x0] =	vst.idx.msk vm6, v12  }
.Ltmp51:
0x6f8: {  	v58 =	vor.u32 $0x100, v41;
	vm13 =	vmmov vm10;
	v12 =	vmul.f32 v15, v33;
	v62 =	vld.idx.msk [tilespmem:v6+s24+$0x0], vm6;
	(pc) =	sbr.rel @!p5 .LBB2_97-.Ltmp51, $4  }
0x6f9: {  	vm12 =	vmmov vm10;
	v63 =	vor.u32 $0x280, v38;
	[tilespmem:v9+s4+$0x0] =	vst.idx.msk vm5, v4;
	v7 =	vmul.f32 v7, v50  }
0x6fa: {  	v55 =	vor.u32 $0x100, v45;
	v57 =	vor.u32 $0x80, v49;
	v60 =	vand.u32 $0x7F, v11;
	[tilespmem:v48+s4+$0x0] =	vst.idx.msk vm9, v12  }
0x6fb: {  	v8 =	vadd.s32 s14, v0;
	v4 =	vor.u32 $0x280, v37;
	v6 =	vor.u32 $0x200, v32;
	v54 =	vld.idx.msk [tilespmem:v5+s24+$0x0], vm5;
	[tilespmem:v13+s4+$0x0] =	vst.idx.msk vm1, v7  }
0x6fc: {  	p4 =	por $0x1, $0x1;
	v9 =	vshll.u32 v11, $0x3;
	v48 =	vmovc v36;
	v53 =	vmul.f32 v10, v29;
	v59 =	vld.idx.msk [tilespmem:v17+s24+$0x0], vm1;
	v5 =	vmul.f32 v14, v19  }
.LBB2_98:
0x6fd: {  	vm14 =	vmmov vm4;
	v10 =	vshll.u32 v56, $0x3;
	v12 =	vmul.f32 v62, v39  }
0x6fe: {  	v9 =	vand.u32 $0xFFFFFC00, v9;
	s8 =	sadd.s32 $0x20, s8;
	v7 =	vmovc v50;
	s15 =	smov.u32 s0;
	s0 =	sadd.s32 $0x20, s0;
	v11 =	vld.idx.msk [tilespmem:v63+s24+$0x0], vm9;
	[tilespmem:v52+s4+$0x0] =	vst.idx.msk vm2, v53;
	vm2 =	vmmov vm9;
	vm9 =	vmmov vm1  }
0x6ff: {  	v13 =	vand.u32 $0x7F, v56;
	p5 =	slt.s32 s0, s1;
	vm1 =	vlt.s32 v8, v25;
	v10 =	vand.u32 $0xFFFFFC00, v10;
	v8 =	vld [tilespmem:s8+$0xFFFFFFF0];
	[tilespmem:v57+s4+$0x0] =	vst.idx.msk vm10, v5  }
0x700: {  	s29 =	sadd.s32 $0x10, s14;
	v9 =	vor.u32 v60, v9;
	s14 =	smov.u32 s15;
	v5 =	vor.u32 v13, v10;
	v10 =	vld.idx.msk [tilespmem:v58+s24+$0x0], vm10;
	[tilespmem:v6+s4+$0x0] =	vst.idx.msk vm8, v12  }
0x701: {  	s13 =	sadd.s32 $0x20, s13;
	v14 =	vmul.f32 v54, v48;
	v48 =	vmovc v39;
	v39 =	vmovc v19;
	v6 =	vadd.s32 s29, v0;
	v12 =	vor.u32 $0x180, v47;
	v13 =	vld.idx.msk [tilespmem:v61+s24+$0x0], vm8  }
0x702: {  	v15 =	vor.u32 $0x300, v38;
	vm4 =	vlt.s32 v6, v25;
	v6 =	vor.u32 $0x100, v49;
	v19 =	vld [tilespmem:s13+$0x0]  }
0x703: {  	v17 =	vor.u32 $0x180, v41;
	v52 =	vor.u32 $0x280, v32;
	v16 =	vmul.f32 v59, v7;
	v50 =	vld [tilespmem:s13+$0xFFFFFFF0];
	[tilespmem:v51+s4+$0x0] =	vst.idx.msk vm7, v14  }
0x704: {  	v53 =	vor.u32 $0x300, v35;
	v11 =	vmul.f32 v11, v33;
	v14 =	vshll.u32 v8, $0x3;
	v51 =	vld [tilespmem:s8+$0x0]  }
0x705: {  	vm7 =	vmmov vm8;
	vm8 =	vmmov vm10;
	v54 =	vld.idx.msk [tilespmem:v5+s24+$0x0], vm1;
	v14 =	vand.u32 $0xFFFFFC00, v14;
	[tilespmem:v55+s4+$0x0] =	vst.idx.msk vm9, v16  }
0x706: {  	vm10 =	vmmov vm4;
	v10 =	vmul.f32 v10, v39;
	v12 =	vld.idx.msk [tilespmem:v12+s24+$0x0], vm9;
	[tilespmem:v4+s4+$0x0] =	vst.idx.msk vm2, v11  }
0x707: {  	v4 =	vand.u32 $0x7F, v8;
	v11 =	vor.u32 $0x380, v38;
	v13 =	vmul.f32 v13, v48;
	v38 =	vmovc v47;
	v47 =	vmovc v5;
	v8 =	vld.idx.msk [tilespmem:v15+s24+$0x0], vm2  }
0x708: {  	v4 =	vor.u32 v4, v14;
	v14 =	vor.u32 $0x180, v45;
	v5 =	vld.idx.msk [tilespmem:v9+s24+$0x0], vm4;
	[tilespmem:v6+s4+$0x0] =	vst.idx.msk vm13, v10;
	v6 =	vor.u32 $0x300, v37  }
0x709: {  	v16 =	vor.u32 $0x200, v38;
	v10 =	vor.u32 $0x80, v47;
	v15 =	vshll.u32 v51, $0x3;
	v17 =	vld.idx.msk [tilespmem:v17+s24+$0x0], vm12;
	[tilespmem:v52+s4+$0x0] =	vst.idx.msk vm6, v13  }
0x70a: {  	v13 =	vand.u32 $0x7F, v51;
	v51 =	vor.u32 $0x180, v49;
	v15 =	vand.u32 $0xFFFFFC00, v15;
	v52 =	vld.idx.msk [tilespmem:v53+s24+$0x0], vm11  }
0x70b: {  	s6 =	sadd.s32 $0x20, s6;
	v53 =	vmul.f32 v54, v50;
	v13 =	vor.u32 v13, v15;
	v15 =	vor.u32 $0x80, v9  }
0x70c: {  	v55 =	vor.u32 $0x300, v32;
	v54 =	vor.u32 $0x200, v41;
	v12 =	vmul.f32 v12, v7;
	v56 =	vld [tilespmem:s6+$0xFFFFFFF0]  }
0x70d: {  	v8 =	vmul.f32 v8, v33;
	v59 =	vld [tilespmem:s6+$0x0];
	[tilespmem:v4+s4+$0x0] =	vst.idx.msk vm1, v53;
	v53 =	vor.u32 $0x380, v35;
	v35 =	vmovc v41;
	v41 =	vmov v9  }
0x70e: {  	vm6 =	vmmov vm14;
	vm11 =	vmmov vm14;
	v5 =	vmul.f32 v5, v19;
	v9 =	vld.idx.msk [tilespmem:v10+s24+$0x0], vm1;
	[tilespmem:v14+s4+$0x0] =	vst.idx.msk vm9, v12  }
0x70f: {  	vm13 =	vmmov vm4;
	vm12 =	vmmov vm4;
	v12 =	vmul.f32 v17, v39;
	v10 =	vld.idx.msk [tilespmem:v16+s24+$0x0], vm9;
	[tilespmem:v6+s4+$0x0] =	vst.idx.msk vm2, v8  }
0x710: {  	v6 =	vmul.f32 v52, v48;
	[tilespmem:v13+s4+$0x0] =	vst.idx.msk vm10, v5;
	v5 =	vld.idx.msk [tilespmem:v11+s24+$0x0], vm2  }
0x711: {  	v11 =	vor.u32 $0x80, v4;
	v14 =	vld.idx.msk [tilespmem:v15+s24+$0x0], vm10;
	[tilespmem:v51+s4+$0x0] =	vst.idx.msk vm8, v12  }
0x712: {  	v12 =	vor.u32 $0x100, v47;
	v15 =	vor.u32 $0x200, v45;
	v51 =	vor.u32 $0x380, v32;
	v32 =	vmovc v49;
	v62 =	vld.idx.msk [tilespmem:v54+s24+$0x0], vm8;
	[tilespmem:v55+s4+$0x0] =	vst.idx.msk vm7, v6  }
.Ltmp52:
0x713: {  	v63 =	vor.u32 $0x280, v38;
	v57 =	vor.u32 $0x80, v13;
	v52 =	vor.u32 $0x380, v37;
	v37 =	vmovc v45;
	v45 =	vmovc v4;
	v54 =	vld.idx.msk [tilespmem:v53+s24+$0x0], vm7;
	(pc) =	sbr.rel @p5 .LBB2_98-.Ltmp52, $4  }
0x714: {  	v58 =	vor.u32 $0x100, v41;
	v61 =	vor.u32 $0x280, v35;
	v49 =	vmovc v13;
	v9 =	vmul.f32 v9, v50  }
0x715: {  	v4 =	vor.u32 $0x280, v37;
	v6 =	vor.u32 $0x200, v32;
	v10 =	vmul.f32 v10, v7  }
0x716: {  	v8 =	vadd.s32 s14, v0;
	v55 =	vor.u32 $0x100, v45;
	v53 =	vmul.f32 v5, v33;
	v33 =	vmovc v7;
	[tilespmem:v11+s4+$0x0] =	vst.idx.msk vm1, v9  }
0x717: {  	v60 =	vand.u32 $0x7F, v59;
	v9 =	vshll.u32 v59, $0x3;
	v5 =	vmul.f32 v14, v19;
	v59 =	vld.idx.msk [tilespmem:v12+s24+$0x0], vm1;
	[tilespmem:v15+s4+$0x0] =	vst.idx.msk vm9, v10  }
0x718: {  	v7 =	vmov v39;
	v39 =	vmov v19  }
.LBB2_100:
0x719: {  	s6 =	sld [smem:$0x7DF];
	_ =	sdelay $0x1  }
0x71a: {  	s0 =	sadd.s32 @p2 $0x20, s8;
	v10 =	vshll.u32 v56, $0x3  }
0x71b: {  	vm15 =	vlt.s32 v8, v25;
	s29 =	sadd.s32 $0x10, s14;
	v56 =	vand.u32 $0x7F, v56;
	v10 =	vand.u32 $0xFFFFFC00, v10;
	s6 =	smov.u32 @p2 s0  }
0x71c: {  	s8 =	sld [smem:$0x7E0];
	v12 =	vadd.s32 s29, v0;
	v10 =	vor.u32 v56, v10;
	v11 =	vld [tilespmem:s6+$0xFFFFFFF0]  }
0x71d: {  	v9 =	vand.u32 $0xFFFFFC00, v9;
	vm5 =	vlt.s32 v12, v25  }
0x71e: {  	v60 =	vor.u32 v60, v9;
	s0 =	sadd.s32 @p2 $0x20, s13;
	v56 =	vld [tilespmem:s6+$0x0]  }
0x71f: {  	s8 =	smov.u32 @p2 s0  }
0x720: {  	v9 =	vld [tilespmem:s8+$0xFFFFFFF0]  }
0x721: {  	v14 =	vld.idx.msk [tilespmem:v10+s24+$0x0], vm15;
	v13 =	vshll.u32 v11, $0x3  }
0x722: {  	v8 =	vld [tilespmem:s8+$0x0];
	v11 =	vand.u32 $0x7F, v11;
	v13 =	vand.u32 $0xFFFFFC00, v13  }
0x723: {  	v15 =	vld.idx.msk [tilespmem:v60+s24+$0x0], vm5;
	v16 =	vshll.u32 v56, $0x3;
	v19 =	vor.u32 v11, v13  }
0x724: {  	v11 =	vand.u32 $0x7F, v56;
	v56 =	vand.u32 $0xFFFFFC00, v16;
	v13 =	vor.u32 $0x80, v10  }
0x725: {  	v56 =	vor.u32 v11, v56  }
0x726: {  	v11 =	vor.u32 $0x80, v60;
	v12 =	vmul.f32 v14, v9;
	_ =	sdelay $0x1  }
0x727: {  	v14 =	vmul.f32 v15, v8;
	[tilespmem:v19+s4+$0x0] =	vst.idx.msk vm15, v12  }
0x728: {  	v12 =	vld.idx.msk [tilespmem:v13+s24+$0x0], vm15  }
0x729: {  	[tilespmem:v56+s4+$0x0] =	vst.idx.msk vm5, v14  }
0x72a: {  	v13 =	vor.u32 $0x80, v19;
	v11 =	vld.idx.msk [tilespmem:v11+s24+$0x0], vm5  }
0x72b: {  	vm14 =	vmmov vm5;
	v14 =	vor.u32 $0x100, v10  }
0x72c: {  	v15 =	vor.u32 $0x80, v56  }
0x72d: {  	[tilespmem:v57+s4+$0x0] =	vst.idx.msk @p2 vm10, v5;
	v5 =	vor.u32 $0x100, v60;
	vm5 =	vmmov @p2 vm1;
	v12 =	vmul.f32 v12, v9  }
0x72e: {  	v16 =	vld.idx.msk @p2 [tilespmem:v58+s24+$0x0], vm10  }
0x72f: {  	v11 =	vmul.f32 v11, v8;
	[tilespmem:v13+s4+$0x0] =	vst.idx.msk vm15, v12  }
0x730: {  	v17 =	vmov @p2 v50;
	v12 =	vor.u32 @p2 $0x180, v47;
	v13 =	vor.u32 @p2 $0x100, v49;
	v14 =	vld.idx.msk [tilespmem:v14+s24+$0x0], vm15  }
0x731: {  	[tilespmem:v15+s4+$0x0] =	vst.idx.msk vm14, v11;
	v11 =	vor.u32 @p2 $0x180, v41;
	v15 =	vmovc @p2 v39;
	v39 =	vmul.f32 @p2 v59, v17;
	vm15 =	vmmov vm15  }
0x732: {  	v50 =	vor.u32 $0x100, v19;
	v5 =	vld.idx.msk [tilespmem:v5+s24+$0x0], vm14  }
0x733: {  	v16 =	vmul.f32 @p2 v16, v15;
	[tilespmem:v55+s4+$0x0] =	vst.idx.msk @p2 vm5, v39;
	v39 =	vor.u32 $0x180, v10  }
0x734: {  	v55 =	vor.u32 $0x100, v56  }
0x735: {  	[tilespmem:v13+s4+$0x0] =	vst.idx.msk @p2 vm13, v16;
	v12 =	vld.idx.msk @p2 [tilespmem:v12+s24+$0x0], vm5;
	v14 =	vmul.f32 v14, v9  }
0x736: {  	v11 =	vld.idx.msk @p2 [tilespmem:v11+s24+$0x0], vm12  }
0x737: {  	v57 =	vor.u32 @p2 $0x180, v45;
	vm10 =	vmmov @p2 vm10;
	v16 =	vld.idx.msk @p3 [tilespmem:v63+s24+$0x0], vm9;
	v5 =	vmul.f32 v5, v8;
	[tilespmem:v50+s4+$0x0] =	vst.idx.msk vm15, v14  }
0x738: {  	vm1 =	vmmov @p3 vm9;
	v50 =	vor.u32 @p2 $0x180, v49;
	v39 =	vld.idx.msk [tilespmem:v39+s24+$0x0], vm15  }
0x739: {  	[tilespmem:v55+s4+$0x0] =	vst.idx.msk vm14, v5;
	v5 =	vmul.f32 @p3 v62, v7  }
0x73a: {  	v63 =	vor.u32 $0x180, v19;
	v12 =	vmul.f32 @p2 v12, v17  }
0x73b: {  	[tilespmem:v6+s4+$0x0] =	vst.idx.msk @p3 vm8, v5;
	v5 =	vmul.f32 @p2 v11, v15  }
0x73c: {  	v13 =	vor.u32 $0x180, v60;
	[tilespmem:v57+s4+$0x0] =	vst.idx.msk @p2 vm5, v12;
	v12 =	vmul.f32 @p3 v16, v33  }
0x73d: {  	[tilespmem:v50+s4+$0x0] =	vst.idx.msk @p2 vm10, v5;
	v39 =	vmul.f32 v39, v9  }
0x73e: {  	[tilespmem:v4+s4+$0x0] =	vst.idx.msk @p3 vm1, v12  }
0x73f: {  	v14 =	vor.u32 @p2 $0x200, v47;
	[tilespmem:v63+s4+$0x0] =	vst.idx.msk vm15, v39  }
0x740: {  	v55 =	vor.u32 @p2 $0x200, v41;
	v39 =	vld [tilespmem:$0x1FEC0]  }
0x741: {  	v13 =	vld.idx.msk [tilespmem:v13+s24+$0x0], vm14  }
0x742: {  	vm9 =	vmmov vm14  }
0x743: {  	v58 =	vor.u32 $0x200, v10;
	v16 =	vor.u32 $0x180, v56  }
0x744: {  	v30 =	vpsel p2, v47, v30;
	v34 =	vpsel p2, v49, v34;
	v5 =	vld.idx.msk @p2 [tilespmem:v14+s24+$0x0], vm5  }
0x745: {  	v59 =	vor.u32 $0x200, v60;
	v4 =	vld.idx.msk @p2 [tilespmem:v55+s24+$0x0], vm10;
	vm12 =	vnez.u8 v39;
	v39 =	vor.u32 @p2 $0x200, v49  }
0x746: {  	vm3 =	vmmov @p2 vm5;
	v6 =	vor.u32 @p2 $0x200, v45;
	v13 =	vmul.f32 v13, v8  }
0x747: {  	v11 =	vor.u32 @p3 $0x300, v38;
	v15 =	vpsel p2, v15, v36;
	v55 =	vld.idx.msk @p3 [tilespmem:v61+s24+$0x0], vm8;
	vm12 =	vmmov @p2 vm10  }
0x748: {  	v12 =	vor.u32 @p2 $0x280, v47;
	[tilespmem:v16+s4+$0x0] =	vst.idx.msk vm9, v13;
	v14 =	vld.idx.msk [tilespmem:v58+s24+$0x0], vm15;
	v13 =	vpsel p2, v39, v46;
	v39 =	vmov @p2 v41  }
0x749: {  	v12 =	vpsel p2, v12, v44;
	v5 =	vmul.f32 @p2 v5, v17;
	v36 =	vor.u32 @p2 $0x280, v39  }
0x74a: {  	v62 =	vor.u32 $0x200, v19;
	v61 =	vld.idx.msk [tilespmem:v59+s24+$0x0], vm9;
	v4 =	vpsel p2, v4, v42;
	v36 =	vpsel p2, v36, v43  }
0x74b: {  	vm13 =	vmmov vm15;
	v4 =	vmul.f32 @p2 v4, v15;
	[tilespmem:v6+s4+$0x0] =	vst.idx.msk @p2 vm5, v5;
	v5 =	vor.u32 $0x280, v10  }
0x74c: {  	v44 =	vor.u32 @p3 $0x280, v32;
	v11 =	vld.idx.msk @p3 [tilespmem:v11+s24+$0x0], vm1;
	v63 =	vor.u32 $0x200, v56;
	v16 =	vor.u32 @p3 $0x300, v35  }
0x74d: {  	v42 =	vmul.f32 @p3 v55, v7;
	v14 =	vmul.f32 v14, v9;
	[tilespmem:v13+s4+$0x0] =	vst.idx.msk @p2 vm12, v4;
	v4 =	vor.u32 $0x280, v60  }
0x74e: {  	vm5 =	vmmov @p2 vm4;
	vm4 =	vmmov @p2 vm3;
	v12 =	vld.idx.msk @p2 [tilespmem:v12+s24+$0x0], vm3;
	v46 =	vor.u32 @p3 $0x300, v37  }
0x74f: {  	vm10 =	vmmov vm0;
	[tilespmem:v62+s4+$0x0] =	vst.idx.msk vm15, v14;
	v41 =	vmul.f32 v61, v8;
	v13 =	vor.u32 @p2 $0x280, v45;
	v36 =	vld.idx.msk @p2 [tilespmem:v36+s24+$0x0], vm12  }
0x750: {  	vm0 =	vmmov @p2 vm5;
	vm10 =	vmmov @p2 vm5;
	v5 =	vld.idx.msk [tilespmem:v5+s24+$0x0], vm15;
	v13 =	vpsel p2, v13, v40  }
0x751: {  	v31 =	vpsel p2, v39, v31;
	v14 =	vmovc @p2 v17;
	v17 =	vor.u32 @p2 $0x300, v30;
	v39 =	vor.u32 @p2 $0x280, v34;
	[tilespmem:v63+s4+$0x0] =	vst.idx.msk vm9, v41  }
0x752: {  	v11 =	vmul.f32 @p3 v11, v33;
	v6 =	vpsel p2, v14, v29;
	v14 =	vor.u32 @p2 $0x300, v31;
	v4 =	vld.idx.msk [tilespmem:v4+s24+$0x0], vm9  }
0x753: {  	[tilespmem:v44+s4+$0x0] =	vst.idx.msk @p3 vm6, v42;
	v29 =	vor.u32 $0x280, v19;
	v12 =	vmul.f32 @p2 v12, v6  }
0x754: {  	v50 =	vor.u32 $0x300, v10;
	v55 =	vor.u32 $0x280, v56;
	[tilespmem:v46+s4+$0x0] =	vst.idx.msk @p3 vm1, v11;
	v11 =	vmul.f32 @p2 v36, v15  }
0x755: {  	v57 =	vor.u32 $0x300, v60;
	v16 =	vld.idx.msk @p3 [tilespmem:v16+s24+$0x0], vm11;
	[tilespmem:v13+s4+$0x0] =	vst.idx.msk @p2 vm4, v12  }
0x756: {  	v38 =	vor.u32 @p3 $0x380, v38;
	vm6 =	vmmov @p3 vm8;
	v5 =	vmul.f32 v5, v9;
	v13 =	vld.idx.msk @p2 [tilespmem:v17+s24+$0x0], vm4;
	[tilespmem:v39+s4+$0x0] =	vst.idx.msk @p2 vm10, v11  }
0x757: {  	v17 =	vpsel p2, v45, v28;
	v11 =	vor.u32 @p3 $0x300, v32;
	v4 =	vmul.f32 v4, v8;
	v14 =	vld.idx.msk @p2 [tilespmem:v14+s24+$0x0], vm0  }
0x758: {  	vm5 =	vmmov @p2 vm12;
	[tilespmem:v29+s4+$0x0] =	vst.idx.msk vm13, v5;
	v28 =	vor.u32 @p3 $0x380, v35;
	v35 =	vor.u32 @p2 $0x300, v17  }
0x759: {  	v5 =	vmul.f32 @p4 v54, v48;
	v29 =	vor.u32 @p2 $0x380, v30;
	v30 =	vor.u32 @p2 $0x300, v34;
	v36 =	vld.idx.msk [tilespmem:v50+s24+$0x0], vm13;
	[tilespmem:v55+s4+$0x0] =	vst.idx.msk vm14, v4  }
0x75a: {  	v58 =	vor.u32 $0x300, v19;
	[tilespmem:v52+s4+$0x0] =	vst.idx.msk @p4 vm2, v53;
	v31 =	vor.u32 @p2 $0x380, v31;
	v4 =	vmul.f32 @p3 v16, v7;
	v12 =	vld.idx.msk [tilespmem:v57+s24+$0x0], vm14  }
0x75b: {  	v59 =	vor.u32 $0x300, v56;
	vm15 =	vmmov vm9;
	[tilespmem:v51+s4+$0x0] =	vst.idx.msk @p4 vm7, v5;
	v13 =	vmul.f32 @p2 v13, v6  }
0x75c: {  	v10 =	vor.u32 $0x380, v10;
	vm2 =	vmmov @p3 vm6;
	v38 =	vld.idx.msk @p3 [tilespmem:v38+s24+$0x0], vm1;
	[tilespmem:v11+s4+$0x0] =	vst.idx.msk @p3 vm6, v4;
	v4 =	vmul.f32 @p2 v14, v15  }
0x75d: {  	v62 =	vor.u32 $0x380, v19;
	v61 =	vor.u32 $0x380, v60;
	vm1 =	vmmov @p3 vm1;
	[tilespmem:v35+s4+$0x0] =	vst.idx.msk @p2 vm4, v13;
	v28 =	vld.idx.msk @p3 [tilespmem:v28+s24+$0x0], vm6  }
0x75e: {  	v29 =	vld.idx.msk @p2 [tilespmem:v29+s24+$0x0], vm4;
	v14 =	vor.u32 @p3 $0x380, v32;
	v32 =	vor.u32 @p3 $0x380, v37;
	[tilespmem:v30+s4+$0x0] =	vst.idx.msk @p2 vm5, v4;
	v4 =	vmul.f32 v36, v9  }
0x75f: {  	v17 =	vor.u32 @p2 $0x380, v17;
	v30 =	vpsel p3, v32, v0;
	v12 =	vmul.f32 v12, v8;
	v31 =	vld.idx.msk @p2 [tilespmem:v31+s24+$0x0], vm5  }
0x760: {  	v17 =	vpsel p2, v17, v0;
	vm4 =	vmmov @p2 vm4;
	v14 =	vpsel p3, v14, v0;
	[tilespmem:v58+s4+$0x0] =	vst.idx.msk vm13, v4  }
0x761: {  	v16 =	vmul.f32 @p3 v38, v33;
	vm5 =	vmmov @p2 vm5;
	v4 =	vor.u32 @p2 $0x380, v34;
	[tilespmem:v59+s4+$0x0] =	vst.idx.msk vm15, v12;
	v10 =	vld.idx.msk [tilespmem:v10+s24+$0x0], vm13  }
0x762: {  	v7 =	vpsel p3, v7, v0;
	v11 =	vpsel p3, v28, v0;
	v4 =	vpsel p2, v4, v0;
	v12 =	vld.idx.msk [tilespmem:v61+s24+$0x0], vm15  }
0x763: {  	v16 =	vpsel p3, v16, v0;
	v6 =	vmul.f32 @p2 v29, v6;
	v5 =	vmul.f32 @p3 v11, v7  }
0x764: {  	v63 =	vor.u32 $0x380, v56;
	v11 =	vpsel p2, v15, v0;
	[tilespmem:v30+s4+$0x0] =	vst.idx.msk @p3 vm1, v16;
	v13 =	vpsel p2, v31, v0  }
0x765: {  	[tilespmem:v14+s4+$0x0] =	vst.idx.msk @p3 vm2, v5;
	v5 =	vpsel p2, v6, v0;
	v6 =	vmul.f32 @p2 v13, v11  }
0x766: {  	[tilespmem:v17+s4+$0x0] =	vst.idx.msk @p2 vm4, v5;
	v5 =	vmul.f32 v10, v9  }
0x767: {  	[tilespmem:v4+s4+$0x0] =	vst.idx.msk @p2 vm5, v6;
	v4 =	vmul.f32 v12, v8  }
0x768: {  	[tilespmem:v62+s4+$0x0] =	vst.idx.msk vm13, v5  }
0x769: {  	[tilespmem:v63+s4+$0x0] =	vst.idx.msk vm15, v4  }
.LBB2_24:
0x76a: {  	s14 =	sld [smem:$0x7FC];
	_ =	sdelay $0x2  }
0x76b: {  	p2 =	seq.s32 s14, $0x1  }
.Ltmp53:
0x76c: {  	_ = 	snop;
	(pc) =	sbr.rel @p2 .LBB2_26-.Ltmp53, $4  }
0x76d: {  	_ = 	snop  }
0x76e: {  	s0 =	sld [smem:$0x7E3]  }
0x76f: {  	s6 =	sld [smem:$0x7E2]  }
0x770: {  	s8 =	sld [smem:$0x7E1];
	s13 =	smov.u32 s1  }
.LBB2_25:
0x771: {  	v4 =	vld [tilespmem:s0+$0x0];
	_ =	sdelay $0x4  }
0x772: {  	v5 =	vadd.s32 s13, v0;
	v6 =	vshll.u32 v4, $0x3  }
0x773: {  	vm0 =	vlt.s32 v5, v25;
	v4 =	vand.u32 $0x7F, v4;
	v5 =	vand.u32 $0xFFFFFC00, v6  }
0x774: {  	v52 =	vld [tilespmem:s6+$0x0];
	v4 =	vor.u32 v4, v5;
	_ =	sdelay $0x3  }
0x775: {  	v5 =	vld [tilespmem:s8+$0x0]  }
0x776: {  	v8 =	vshll.u32 v52, $0x3;
	v7 =	vld.idx.msk [tilespmem:v4+s24+$0x0], vm0  }
0x777: {  	v6 =	vand.u32 $0x7F, v52;
	v8 =	vand.u32 $0xFFFFFC00, v8  }
0x778: {  	v6 =	vor.u32 v6, v8  }
0x779: {  	v53 =	vor.u32 $0x80, v4;
	_ =	sdelay $0x1  }
0x77a: {  	v7 =	vmul.f32 v7, v5;
	_ =	sdelay $0x1  }
0x77b: {  	[tilespmem:v6+s4+$0x0] =	vst.idx.msk vm0, v7  }
0x77c: {  	v7 =	vld.idx.msk [tilespmem:v53+s24+$0x0], vm0;
	_ =	sdelay $0x1  }
0x77d: {  	v54 =	vor.u32 $0x80, v6  }
0x77e: {  	v9 =	vor.u32 $0x100, v4;
	_ =	sdelay $0x1  }
0x77f: {  	v7 =	vmul.f32 v7, v5;
	_ =	sdelay $0x1  }
0x780: {  	[tilespmem:v54+s4+$0x0] =	vst.idx.msk vm0, v7  }
0x781: {  	v7 =	vld.idx.msk [tilespmem:v9+s24+$0x0], vm0;
	_ =	sdelay $0x1  }
0x782: {  	v55 =	vor.u32 $0x100, v6  }
0x783: {  	v56 =	vor.u32 $0x180, v4;
	_ =	sdelay $0x1  }
0x784: {  	v7 =	vmul.f32 v7, v5;
	_ =	sdelay $0x1  }
0x785: {  	[tilespmem:v55+s4+$0x0] =	vst.idx.msk vm0, v7  }
0x786: {  	v7 =	vld.idx.msk [tilespmem:v56+s24+$0x0], vm0;
	_ =	sdelay $0x1  }
0x787: {  	v57 =	vor.u32 $0x180, v6  }
0x788: {  	v58 =	vor.u32 $0x200, v4;
	_ =	sdelay $0x1  }
0x789: {  	v7 =	vmul.f32 v7, v5;
	_ =	sdelay $0x1  }
0x78a: {  	[tilespmem:v57+s4+$0x0] =	vst.idx.msk vm0, v7  }
0x78b: {  	v7 =	vld.idx.msk [tilespmem:v58+s24+$0x0], vm0;
	_ =	sdelay $0x1  }
0x78c: {  	v59 =	vor.u32 $0x200, v6  }
0x78d: {  	v60 =	vor.u32 $0x280, v4;
	_ =	sdelay $0x1  }
0x78e: {  	v7 =	vmul.f32 v7, v5;
	_ =	sdelay $0x1  }
0x78f: {  	[tilespmem:v59+s4+$0x0] =	vst.idx.msk vm0, v7  }
0x790: {  	v7 =	vld.idx.msk [tilespmem:v60+s24+$0x0], vm0;
	_ =	sdelay $0x1  }
0x791: {  	v61 =	vor.u32 $0x280, v6  }
0x792: {  	v62 =	vor.u32 $0x300, v4;
	_ =	sdelay $0x1  }
0x793: {  	v7 =	vmul.f32 v7, v5;
	_ =	sdelay $0x1  }
0x794: {  	[tilespmem:v61+s4+$0x0] =	vst.idx.msk vm0, v7  }
0x795: {  	v7 =	vld.idx.msk [tilespmem:v62+s24+$0x0], vm0;
	_ =	sdelay $0x1  }
0x796: {  	v63 =	vor.u32 $0x300, v6  }
0x797: {  	v4 =	vor.u32 $0x380, v4;
	_ =	sdelay $0x1  }
0x798: {  	v7 =	vmul.f32 v7, v5;
	_ =	sdelay $0x1  }
0x799: {  	[tilespmem:v63+s4+$0x0] =	vst.idx.msk vm0, v7  }
0x79a: {  	v4 =	vld.idx.msk [tilespmem:v4+s24+$0x0], vm0  }
0x79b: {  	s13 =	sadd.s32 $0x10, s13  }
0x79c: {  	p2 =	slt.s32 s13, s5;
	v6 =	vor.u32 $0x380, v6  }
.Ltmp54:
0x79d: {  	_ = 	snop;
	(pc) =	sbr.rel @p2 .LBB2_25-.Ltmp54, $3  }
0x79e: {  	_ = 	snop  }
0x79f: {  	v4 =	vmul.f32 v4, v5;
	_ =	sdelay $0x1  }
0x7a0: {  	s6 =	sadd.s32 $0x10, s6;
	s0 =	sadd.s32 $0x10, s0;
	s8 =	sadd.s32 $0x10, s8;
	[tilespmem:v6+s4+$0x0] =	vst.idx.msk vm0, v4  }
.LBB2_26:
0x7a1: {  	s0 =	simm.s32 $0x3  }
0x7a2: {  	_ =	swait.ge [sflag:s0], $0x4000  }
0x7a3: {  	s29 =	sld [smem:$0x7FD];
	_ =	sdelay $0x2  }
0x7a4: {  	p2 =	seq.s32 s29, $0x1  }
.Ltmp55:
0x7a5: {  	_ = 	snop;
	(pc) =	sbr.rel @p2 .LBB2_27-.Ltmp55, $3  }
0x7a6: {  	_ =	sdelay $0x1  }
0x7a7: {  	[sflag:s0] =	ssyncset.done $0x0  }
0x7a8: {  	[sflag:s0] =	ssyncadd.s32 $0xFFFFC000  }
0x7a9: {  	s6 =	sld [smem:$0x7E5]  }
0x7aa: {  	s0 =	rddreg [dreg:$0x1b]  }
0x7ab: {  	s14 =	sadd.s32 $0x20, s0  }
0x7ac: {  	p5 =	slt.s32 s14, s16;
	v4 =	vld [tilespmem:s6+$0x0]  }
.Ltmp56:
0x7ad: {  	_ = 	snop;
	(pc) =	sbr.rel @!p5 .LBB2_102-.Ltmp56, $3  }
0x7ae: {  	_ =	sdelay $0x1  }
0x7af: {  	p2 =	por $0x0, $0x0  }
0x7b0: {  	p3 =	por $0x0, $0x0;
	p4 =	por $0x0, $0x0;
	s8 =	sld [smem:$0x7E6];
	v8 =	vadd.s32 s0, v0;
	v56 =	vld [tilespmem:s6+$0xFFFFFFF0];
	v60 =	vand.u32 $0x7F, v4;
	v9 =	vshll.u32 v4, $0x3  }
0x7b1: {  	_ =	sdelay $0x3  }
0x7b2: {  	v4 =	vshll.u32 v56, $0x3  }
0x7b3: {  	vm1 =	vlt.s32 v8, v26;
	v5 =	vand.u32 $0x7F, v56;
	v4 =	vand.u32 $0xFFFFFC00, v4  }
0x7b4: {  	s0 =	sadd.s32 $0x10, s0;
	v6 =	vld [tilespmem:s8+$0xFFFFFFF0];
	v30 =	vor.u32 v5, v4  }
0x7b5: {  	s13 =	sld [smem:$0x7E7];
	v4 =	vadd.s32 s0, v0  }
0x7b6: {  	v5 =	vand.u32 $0xFFFFFC00, v9;
	vm4 =	vlt.s32 v4, v26  }
0x7b7: {  	v31 =	vor.u32 v60, v5;
	v4 =	vld [tilespmem:s8+$0x0]  }
0x7b8: {  	v29 =	vld [tilespmem:s13+$0xFFFFFFF0]  }
0x7b9: {  	v5 =	vshll.u32 v6, $0x3;
	v7 =	vld.idx.msk [tilespmem:v30+s25+$0x0], vm1  }
0x7ba: {  	v6 =	vand.u32 $0x7F, v6;
	v5 =	vand.u32 $0xFFFFFC00, v5  }
0x7bb: {  	v36 =	vld [tilespmem:s13+$0x0];
	v28 =	vor.u32 v6, v5  }
0x7bc: {  	v6 =	vor.u32 $0x80, v30;
	v8 =	vshll.u32 v4, $0x3;
	v5 =	vld.idx.msk [tilespmem:v31+s25+$0x0], vm4  }
0x7bd: {  	v4 =	vand.u32 $0x7F, v4;
	v8 =	vand.u32 $0xFFFFFC00, v8  }
0x7be: {  	v34 =	vor.u32 v4, v8;
	v7 =	vmul.f32 v7, v29  }
0x7bf: {  	v4 =	vor.u32 $0x80, v31  }
0x7c0: {  	[tilespmem:v28+s4+$0x0] =	vst.idx.msk vm1, v7  }
0x7c1: {  	v5 =	vmul.f32 v5, v36;
	v6 =	vld.idx.msk [tilespmem:v6+s25+$0x0], vm1  }
0x7c2: {  	s6 =	sadd.s32 $0x20, s6  }
0x7c3: {  	s0 =	sadd.s32 $0x20, s14;
	v7 =	vld [tilespmem:s6+$0x0];
	[tilespmem:v34+s4+$0x0] =	vst.idx.msk vm4, v5;
	v5 =	vor.u32 $0x80, v28  }
0x7c4: {  	v10 =	vor.u32 $0x100, v30;
	p5 =	slt.s32 s0, s16;
	v4 =	vld.idx.msk [tilespmem:v4+s25+$0x0], vm4  }
.Ltmp57:
0x7c5: {  	_ = 	snop;
	(pc) =	sbr.rel @!p5 .LBB2_104-.Ltmp57, $4  }
0x7c6: {  	v6 =	vmul.f32 v6, v29  }
0x7c7: {  	vm0 =	vmmov vm4;
	v58 =	vor.u32 $0x100, v31  }
0x7c8: {  	v56 =	vld [tilespmem:s6+$0xFFFFFFF0];
	v55 =	vor.u32 $0x100, v28;
	v8 =	vadd.s32 s14, v0;
	v57 =	vor.u32 $0x80, v34;
	[tilespmem:v5+s4+$0x0] =	vst.idx.msk vm1, v6  }
0x7c9: {  	p2 =	por $0x1, $0x1;
	v60 =	vand.u32 $0x7F, v7;
	v9 =	vshll.u32 v7, $0x3;
	v5 =	vmul.f32 v4, v36;
	v59 =	vld.idx.msk [tilespmem:v10+s25+$0x0], vm1  }
0x7ca: {  	_ =	sdelay $0x2  }
0x7cb: {  	vm3 =	vmmov vm1  }
0x7cc: {  	s8 =	sadd.s32 $0x20, s8;
	vm1 =	vlt.s32 v8, v26;
	v4 =	vshll.u32 v56, $0x3  }
0x7cd: {  	s29 =	sadd.s32 $0x10, s14;
	v7 =	vld [tilespmem:s8+$0xFFFFFFF0];
	[tilespmem:v57+s4+$0x0] =	vst.idx.msk vm0, v5;
	v5 =	vor.u32 $0x180, v30;
	v6 =	vand.u32 $0x7F, v56;
	v4 =	vand.u32 $0xFFFFFC00, v4  }
0x7ce: {  	s15 =	smov.u32 s13;
	v38 =	vor.u32 v6, v4;
	v4 =	vadd.s32 s29, v0  }
0x7cf: {  	s13 =	sadd.s32 $0x20, s15;
	v8 =	vld.idx.msk [tilespmem:v58+s25+$0x0], vm0;
	vm4 =	vlt.s32 v4, v26;
	v4 =	vmul.f32 v59, v29  }
0x7d0: {  	v33 =	vld [tilespmem:s13+$0xFFFFFFF0];
	v6 =	vand.u32 $0xFFFFFC00, v9  }
0x7d1: {  	v35 =	vor.u32 v60, v6;
	v6 =	vld [tilespmem:s8+$0x0];
	[tilespmem:v55+s4+$0x0] =	vst.idx.msk vm3, v4  }
0x7d2: {  	v9 =	vor.u32 $0x100, v34;
	v10 =	vshll.u32 v7, $0x3;
	v5 =	vld.idx.msk [tilespmem:v5+s25+$0x0], vm3  }
0x7d3: {  	v7 =	vand.u32 $0x7F, v7;
	v10 =	vand.u32 $0xFFFFFC00, v10;
	v4 =	vor.u32 $0x180, v31;
	v11 =	vld.idx.msk [tilespmem:v38+s25+$0x0], vm1  }
0x7d4: {  	v37 =	vor.u32 v7, v10;
	v10 =	vor.u32 $0x180, v28  }
0x7d5: {  	v14 =	vor.u32 $0x200, v30;
	v39 =	vld [tilespmem:s13+$0x0];
	v8 =	vmul.f32 v8, v36  }
0x7d6: {  	v12 =	vor.u32 $0x80, v38;
	v13 =	vshll.u32 v6, $0x3;
	v7 =	vld.idx.msk [tilespmem:v35+s25+$0x0], vm4  }
0x7d7: {  	[tilespmem:v9+s4+$0x0] =	vst.idx.msk vm0, v8;
	v6 =	vand.u32 $0x7F, v6;
	v13 =	vand.u32 $0xFFFFFC00, v13;
	v5 =	vmul.f32 v5, v29  }
0x7d8: {  	v32 =	vor.u32 v6, v13;
	v4 =	vld.idx.msk [tilespmem:v4+s25+$0x0], vm0;
	v11 =	vmul.f32 v11, v33  }
0x7d9: {  	v6 =	vor.u32 $0x80, v35;
	[tilespmem:v10+s4+$0x0] =	vst.idx.msk vm3, v5  }
0x7da: {  	v5 =	vor.u32 $0x180, v34;
	[tilespmem:v37+s4+$0x0] =	vst.idx.msk vm1, v11;
	v9 =	vld.idx.msk [tilespmem:v14+s25+$0x0], vm3  }
0x7db: {  	v7 =	vmul.f32 v7, v39;
	v8 =	vld.idx.msk [tilespmem:v12+s25+$0x0], vm1  }
0x7dc: {  	s6 =	sadd.s32 $0x20, s6;
	v51 =	vor.u32 $0x200, v28  }
0x7dd: {  	s14 =	sadd.s32 $0x20, s0;
	v10 =	vor.u32 $0x200, v31;
	v11 =	vld [tilespmem:s6+$0x0];
	v4 =	vmul.f32 v4, v36;
	[tilespmem:v32+s4+$0x0] =	vst.idx.msk vm4, v7;
	v7 =	vor.u32 $0x80, v37  }
0x7de: {  	vm5 =	vmmov vm0;
	v44 =	vor.u32 $0x280, v30;
	p5 =	slt.s32 s14, s16;
	v50 =	vor.u32 $0x100, v38;
	v6 =	vld.idx.msk [tilespmem:v6+s25+$0x0], vm4  }
.Ltmp58:
0x7df: {  	v43 =	vor.u32 $0x280, v31;
	v40 =	vor.u32 $0x280, v28;
	[tilespmem:v5+s4+$0x0] =	vst.idx.msk vm0, v4;
	v4 =	vmul.f32 v9, v29;
	(pc) =	sbr.rel @!p5 .LBB2_106-.Ltmp58, $4  }
0x7e0: {  	v46 =	vor.u32 $0x200, v34;
	vm6 =	vmmov vm4;
	v63 =	vmul.f32 v8, v33  }
0x7e1: {  	v56 =	vld [tilespmem:s6+$0xFFFFFFF0];
	v58 =	vor.u32 $0x100, v35;
	v55 =	vor.u32 $0x100, v37;
	[tilespmem:v51+s4+$0x0] =	vst.idx.msk vm3, v4;
	v4 =	vimm.s32 $0x0  }
0x7e2: {  	v57 =	vor.u32 $0x80, v32;
	v42 =	vld.idx.msk [tilespmem:v10+s25+$0x0], vm0;
	v60 =	vand.u32 $0x7F, v11;
	[tilespmem:v7+s4+$0x0] =	vst.idx.msk vm1, v63;
	v4 =	vsel vm5, $0xFFFFFFFF, v4  }
0x7e3: {  	p3 =	por $0x1, $0x1;
	v9 =	vshll.u32 v11, $0x3;
	v8 =	vadd.s32 s0, v0;
	v5 =	vmul.f32 v6, v39;
	v59 =	vld.idx.msk [tilespmem:v50+s25+$0x0], vm1;
	[tilespmem:$0x1FEB0] =	vst v4  }
0x7e4: {  	_ =	sdelay $0x3  }
0x7e5: {  	vm9 =	vmmov vm1;
	vm1 =	vlt.s32 v8, v26  }
0x7e6: {  	s8 =	sadd.s32 $0x20, s8;
	v6 =	vld.idx.msk [tilespmem:v44+s25+$0x0], vm3;
	[tilespmem:v57+s4+$0x0] =	vst.idx.msk vm6, v5;
	v5 =	vand.u32 $0xFFFFFC00, v9;
	v9 =	vor.u32 $0x180, v38;
	v4 =	vshll.u32 v56, $0x3  }
0x7e7: {  	v8 =	vld [tilespmem:s8+$0xFFFFFFF0];
	v10 =	vand.u32 $0x7F, v56;
	v7 =	vmul.f32 v42, v36;
	v4 =	vand.u32 $0xFFFFFC00, v4  }
0x7e8: {  	s0 =	sadd.s32 $0x10, s0;
	v13 =	vld [tilespmem:s8+$0x0];
	v47 =	vor.u32 v10, v4  }
0x7e9: {  	v4 =	vld.idx.msk [tilespmem:v58+s25+$0x0], vm6;
	v11 =	vmul.f32 v59, v33;
	[tilespmem:v46+s4+$0x0] =	vst.idx.msk vm5, v7;
	v7 =	vadd.s32 s0, v0  }
0x7ea: {  	s13 =	sadd.s32 $0x20, s13;
	v41 =	vor.u32 v60, v5;
	v5 =	vor.u32 $0x300, v30;
	v10 =	vld.idx.msk [tilespmem:v43+s25+$0x0], vm5;
	vm4 =	vlt.s32 v7, v26  }
0x7eb: {  	v50 =	vld [tilespmem:s13+$0xFFFFFFF0];
	v6 =	vmul.f32 v6, v29;
	v7 =	vor.u32 $0x100, v32;
	[tilespmem:v55+s4+$0x0] =	vst.idx.msk vm9, v11  }
0x7ec: {  	v12 =	vor.u32 $0x180, v35;
	v14 =	vor.u32 $0x280, v34;
	v15 =	vshll.u32 v8, $0x3;
	v9 =	vld.idx.msk [tilespmem:v9+s25+$0x0], vm9  }
0x7ed: {  	v16 =	vor.u32 $0x300, v31;
	v15 =	vand.u32 $0xFFFFFC00, v15;
	[tilespmem:v40+s4+$0x0] =	vst.idx.msk vm3, v6;
	v6 =	vand.u32 $0x7F, v8;
	v17 =	vld.idx.msk [tilespmem:v47+s25+$0x0], vm1  }
0x7ee: {  	v19 =	vld [tilespmem:s13+$0x0];
	v45 =	vor.u32 v6, v15;
	v6 =	vor.u32 $0x180, v37;
	v4 =	vmul.f32 v4, v39  }
0x7ef: {  	v5 =	vld.idx.msk [tilespmem:v5+s25+$0x0], vm3;
	v8 =	vmul.f32 v10, v36  }
0x7f0: {  	vm2 =	vmmov vm3;
	v62 =	vor.u32 $0x200, v38;
	v11 =	vshll.u32 v13, $0x3;
	[tilespmem:v7+s4+$0x0] =	vst.idx.msk vm6, v4;
	v10 =	vld.idx.msk [tilespmem:v41+s25+$0x0], vm4  }
0x7f1: {  	v11 =	vand.u32 $0xFFFFFC00, v11;
	v7 =	vor.u32 $0x80, v47;
	v12 =	vld.idx.msk [tilespmem:v12+s25+$0x0], vm6;
	v9 =	vmul.f32 v9, v33;
	[tilespmem:v14+s4+$0x0] =	vst.idx.msk vm0, v8  }
0x7f2: {  	v4 =	vor.u32 $0x300, v28;
	v8 =	vand.u32 $0x7F, v13;
	v14 =	vld.idx.msk [tilespmem:v16+s25+$0x0], vm0;
	v16 =	vmul.f32 v17, v50  }
0x7f3: {  	v63 =	vor.u32 $0x380, v30;
	s6 =	sadd.s32 $0x20, s6;
	vm8 =	vmmov vm6;
	v49 =	vor.u32 v8, v11;
	[tilespmem:v6+s4+$0x0] =	vst.idx.msk vm9, v9  }
0x7f4: {  	vm7 =	vmmov vm5;
	v56 =	vld [tilespmem:s6+$0xFFFFFFF0];
	v8 =	vor.u32 $0x80, v41;
	[tilespmem:v45+s4+$0x0] =	vst.idx.msk vm1, v16;
	v16 =	vor.u32 $0x180, v32  }
0x7f5: {  	v48 =	vor.u32 $0x200, v37;
	v5 =	vmul.f32 v5, v29;
	v6 =	vor.u32 $0x200, v35;
	v15 =	vld.idx.msk [tilespmem:v62+s25+$0x0], vm9  }
0x7f6: {  	v51 =	vor.u32 $0x380, v34;
	v9 =	vor.u32 $0x300, v34;
	v7 =	vld.idx.msk [tilespmem:v7+s25+$0x0], vm1;
	v10 =	vmul.f32 v10, v19  }
0x7f7: {  	v52 =	vor.u32 $0x380, v28;
	v61 =	vor.u32 $0x280, v35;
	v11 =	vld [tilespmem:s6+$0x0];
	[tilespmem:v4+s4+$0x0] =	vst.idx.msk vm2, v5;
	v12 =	vmul.f32 v12, v39  }
0x7f8: {  	vm11 =	vmmov vm6;
	s0 =	sadd.s32 $0x20, s14;
	v13 =	vor.u32 $0x80, v45;
	v5 =	vor.u32 $0x380, v31;
	[tilespmem:v49+s4+$0x0] =	vst.idx.msk vm4, v10;
	v10 =	vld.idx.msk [tilespmem:v63+s25+$0x0], vm2  }
0x7f9: {  	p5 =	slt.s32 s0, s16;
	vm10 =	vmmov vm4;
	v17 =	vor.u32 $0x100, v47;
	v4 =	vmul.f32 v14, v36;
	v14 =	vld.idx.msk [tilespmem:v8+s25+$0x0], vm4;
	[tilespmem:v16+s4+$0x0] =	vst.idx.msk vm6, v12  }
.Ltmp59:
0x7fa: {  	v58 =	vor.u32 $0x100, v41;
	vm13 =	vmmov vm10;
	v12 =	vmul.f32 v15, v33;
	v62 =	vld.idx.msk [tilespmem:v6+s25+$0x0], vm6;
	(pc) =	sbr.rel @!p5 .LBB2_108-.Ltmp59, $4  }
0x7fb: {  	vm12 =	vmmov vm10;
	v63 =	vor.u32 $0x280, v38;
	[tilespmem:v9+s4+$0x0] =	vst.idx.msk vm5, v4;
	v7 =	vmul.f32 v7, v50  }
0x7fc: {  	v55 =	vor.u32 $0x100, v45;
	v57 =	vor.u32 $0x80, v49;
	v60 =	vand.u32 $0x7F, v11;
	[tilespmem:v48+s4+$0x0] =	vst.idx.msk vm9, v12  }
0x7fd: {  	v8 =	vadd.s32 s14, v0;
	v4 =	vor.u32 $0x280, v37;
	v6 =	vor.u32 $0x200, v32;
	v54 =	vld.idx.msk [tilespmem:v5+s25+$0x0], vm5;
	[tilespmem:v13+s4+$0x0] =	vst.idx.msk vm1, v7  }
0x7fe: {  	p4 =	por $0x1, $0x1;
	v9 =	vshll.u32 v11, $0x3;
	v48 =	vmovc v36;
	v53 =	vmul.f32 v10, v29;
	v59 =	vld.idx.msk [tilespmem:v17+s25+$0x0], vm1;
	v5 =	vmul.f32 v14, v19  }
.LBB2_109:
0x7ff: {  	vm14 =	vmmov vm4;
	v10 =	vshll.u32 v56, $0x3;
	v12 =	vmul.f32 v62, v39  }
0x800: {  	v9 =	vand.u32 $0xFFFFFC00, v9;
	s8 =	sadd.s32 $0x20, s8;
	v7 =	vmovc v50;
	s15 =	smov.u32 s0;
	s0 =	sadd.s32 $0x20, s0;
	v11 =	vld.idx.msk [tilespmem:v63+s25+$0x0], vm9;
	[tilespmem:v52+s4+$0x0] =	vst.idx.msk vm2, v53;
	vm2 =	vmmov vm9;
	vm9 =	vmmov vm1  }
0x801: {  	v13 =	vand.u32 $0x7F, v56;
	p5 =	slt.s32 s0, s16;
	vm1 =	vlt.s32 v8, v26;
	v10 =	vand.u32 $0xFFFFFC00, v10;
	v8 =	vld [tilespmem:s8+$0xFFFFFFF0];
	[tilespmem:v57+s4+$0x0] =	vst.idx.msk vm10, v5  }
0x802: {  	s29 =	sadd.s32 $0x10, s14;
	v9 =	vor.u32 v60, v9;
	s14 =	smov.u32 s15;
	v5 =	vor.u32 v13, v10;
	v10 =	vld.idx.msk [tilespmem:v58+s25+$0x0], vm10;
	[tilespmem:v6+s4+$0x0] =	vst.idx.msk vm8, v12  }
0x803: {  	s13 =	sadd.s32 $0x20, s13;
	v14 =	vmul.f32 v54, v48;
	v48 =	vmovc v39;
	v39 =	vmovc v19;
	v6 =	vadd.s32 s29, v0;
	v12 =	vor.u32 $0x180, v47;
	v13 =	vld.idx.msk [tilespmem:v61+s25+$0x0], vm8  }
0x804: {  	v15 =	vor.u32 $0x300, v38;
	vm4 =	vlt.s32 v6, v26;
	v6 =	vor.u32 $0x100, v49;
	v19 =	vld [tilespmem:s13+$0x0]  }
0x805: {  	v17 =	vor.u32 $0x180, v41;
	v52 =	vor.u32 $0x280, v32;
	v16 =	vmul.f32 v59, v7;
	v50 =	vld [tilespmem:s13+$0xFFFFFFF0];
	[tilespmem:v51+s4+$0x0] =	vst.idx.msk vm7, v14  }
0x806: {  	v53 =	vor.u32 $0x300, v35;
	v11 =	vmul.f32 v11, v33;
	v14 =	vshll.u32 v8, $0x3;
	v51 =	vld [tilespmem:s8+$0x0]  }
0x807: {  	vm7 =	vmmov vm8;
	vm8 =	vmmov vm10;
	v54 =	vld.idx.msk [tilespmem:v5+s25+$0x0], vm1;
	v14 =	vand.u32 $0xFFFFFC00, v14;
	[tilespmem:v55+s4+$0x0] =	vst.idx.msk vm9, v16  }
0x808: {  	vm10 =	vmmov vm4;
	v10 =	vmul.f32 v10, v39;
	v12 =	vld.idx.msk [tilespmem:v12+s25+$0x0], vm9;
	[tilespmem:v4+s4+$0x0] =	vst.idx.msk vm2, v11  }
0x809: {  	v4 =	vand.u32 $0x7F, v8;
	v11 =	vor.u32 $0x380, v38;
	v13 =	vmul.f32 v13, v48;
	v38 =	vmovc v47;
	v47 =	vmovc v5;
	v8 =	vld.idx.msk [tilespmem:v15+s25+$0x0], vm2  }
0x80a: {  	v4 =	vor.u32 v4, v14;
	v14 =	vor.u32 $0x180, v45;
	v5 =	vld.idx.msk [tilespmem:v9+s25+$0x0], vm4;
	[tilespmem:v6+s4+$0x0] =	vst.idx.msk vm13, v10;
	v6 =	vor.u32 $0x300, v37  }
0x80b: {  	v16 =	vor.u32 $0x200, v38;
	v10 =	vor.u32 $0x80, v47;
	v15 =	vshll.u32 v51, $0x3;
	v17 =	vld.idx.msk [tilespmem:v17+s25+$0x0], vm12;
	[tilespmem:v52+s4+$0x0] =	vst.idx.msk vm6, v13  }
0x80c: {  	v13 =	vand.u32 $0x7F, v51;
	v51 =	vor.u32 $0x180, v49;
	v15 =	vand.u32 $0xFFFFFC00, v15;
	v52 =	vld.idx.msk [tilespmem:v53+s25+$0x0], vm11  }
0x80d: {  	s6 =	sadd.s32 $0x20, s6;
	v53 =	vmul.f32 v54, v50;
	v13 =	vor.u32 v13, v15;
	v15 =	vor.u32 $0x80, v9  }
0x80e: {  	v55 =	vor.u32 $0x300, v32;
	v54 =	vor.u32 $0x200, v41;
	v12 =	vmul.f32 v12, v7;
	v56 =	vld [tilespmem:s6+$0xFFFFFFF0]  }
0x80f: {  	v8 =	vmul.f32 v8, v33;
	v59 =	vld [tilespmem:s6+$0x0];
	[tilespmem:v4+s4+$0x0] =	vst.idx.msk vm1, v53;
	v53 =	vor.u32 $0x380, v35;
	v35 =	vmovc v41;
	v41 =	vmov v9  }
0x810: {  	vm6 =	vmmov vm14;
	vm11 =	vmmov vm14;
	v5 =	vmul.f32 v5, v19;
	v9 =	vld.idx.msk [tilespmem:v10+s25+$0x0], vm1;
	[tilespmem:v14+s4+$0x0] =	vst.idx.msk vm9, v12  }
0x811: {  	vm13 =	vmmov vm4;
	vm12 =	vmmov vm4;
	v12 =	vmul.f32 v17, v39;
	v10 =	vld.idx.msk [tilespmem:v16+s25+$0x0], vm9;
	[tilespmem:v6+s4+$0x0] =	vst.idx.msk vm2, v8  }
0x812: {  	v6 =	vmul.f32 v52, v48;
	[tilespmem:v13+s4+$0x0] =	vst.idx.msk vm10, v5;
	v5 =	vld.idx.msk [tilespmem:v11+s25+$0x0], vm2  }
0x813: {  	v11 =	vor.u32 $0x80, v4;
	v14 =	vld.idx.msk [tilespmem:v15+s25+$0x0], vm10;
	[tilespmem:v51+s4+$0x0] =	vst.idx.msk vm8, v12  }
0x814: {  	v12 =	vor.u32 $0x100, v47;
	v15 =	vor.u32 $0x200, v45;
	v51 =	vor.u32 $0x380, v32;
	v32 =	vmovc v49;
	v62 =	vld.idx.msk [tilespmem:v54+s25+$0x0], vm8;
	[tilespmem:v55+s4+$0x0] =	vst.idx.msk vm7, v6  }
.Ltmp60:
0x815: {  	v63 =	vor.u32 $0x280, v38;
	v57 =	vor.u32 $0x80, v13;
	v52 =	vor.u32 $0x380, v37;
	v37 =	vmovc v45;
	v45 =	vmovc v4;
	v54 =	vld.idx.msk [tilespmem:v53+s25+$0x0], vm7;
	(pc) =	sbr.rel @p5 .LBB2_109-.Ltmp60, $4  }
0x816: {  	v58 =	vor.u32 $0x100, v41;
	v61 =	vor.u32 $0x280, v35;
	v49 =	vmovc v13;
	v9 =	vmul.f32 v9, v50  }
0x817: {  	v4 =	vor.u32 $0x280, v37;
	v6 =	vor.u32 $0x200, v32;
	v10 =	vmul.f32 v10, v7  }
0x818: {  	v8 =	vadd.s32 s14, v0;
	v55 =	vor.u32 $0x100, v45;
	v53 =	vmul.f32 v5, v33;
	v33 =	vmovc v7;
	[tilespmem:v11+s4+$0x0] =	vst.idx.msk vm1, v9  }
0x819: {  	v60 =	vand.u32 $0x7F, v59;
	v9 =	vshll.u32 v59, $0x3;
	v5 =	vmul.f32 v14, v19;
	v59 =	vld.idx.msk [tilespmem:v12+s25+$0x0], vm1;
	[tilespmem:v15+s4+$0x0] =	vst.idx.msk vm9, v10  }
0x81a: {  	v7 =	vmov v39;
	v39 =	vmov v19  }
.LBB2_111:
0x81b: {  	s6 =	sld [smem:$0x7E6];
	_ =	sdelay $0x1  }
0x81c: {  	s0 =	sadd.s32 @p2 $0x20, s8;
	v10 =	vshll.u32 v56, $0x3  }
0x81d: {  	vm15 =	vlt.s32 v8, v26;
	s29 =	sadd.s32 $0x10, s14;
	v56 =	vand.u32 $0x7F, v56;
	v10 =	vand.u32 $0xFFFFFC00, v10;
	s6 =	smov.u32 @p2 s0  }
0x81e: {  	s8 =	sld [smem:$0x7E7];
	v12 =	vadd.s32 s29, v0;
	v10 =	vor.u32 v56, v10;
	v11 =	vld [tilespmem:s6+$0xFFFFFFF0]  }
0x81f: {  	v9 =	vand.u32 $0xFFFFFC00, v9;
	vm5 =	vlt.s32 v12, v26  }
0x820: {  	v60 =	vor.u32 v60, v9;
	s0 =	sadd.s32 @p2 $0x20, s13;
	v56 =	vld [tilespmem:s6+$0x0]  }
0x821: {  	s8 =	smov.u32 @p2 s0  }
0x822: {  	v9 =	vld [tilespmem:s8+$0xFFFFFFF0]  }
0x823: {  	v14 =	vld.idx.msk [tilespmem:v10+s25+$0x0], vm15;
	v13 =	vshll.u32 v11, $0x3  }
0x824: {  	v8 =	vld [tilespmem:s8+$0x0];
	v11 =	vand.u32 $0x7F, v11;
	v13 =	vand.u32 $0xFFFFFC00, v13  }
0x825: {  	v15 =	vld.idx.msk [tilespmem:v60+s25+$0x0], vm5;
	v16 =	vshll.u32 v56, $0x3;
	v19 =	vor.u32 v11, v13  }
0x826: {  	v11 =	vand.u32 $0x7F, v56;
	v56 =	vand.u32 $0xFFFFFC00, v16;
	v13 =	vor.u32 $0x80, v10  }
0x827: {  	v56 =	vor.u32 v11, v56  }
0x828: {  	v11 =	vor.u32 $0x80, v60;
	v12 =	vmul.f32 v14, v9;
	_ =	sdelay $0x1  }
0x829: {  	v14 =	vmul.f32 v15, v8;
	[tilespmem:v19+s4+$0x0] =	vst.idx.msk vm15, v12  }
0x82a: {  	v12 =	vld.idx.msk [tilespmem:v13+s25+$0x0], vm15  }
0x82b: {  	[tilespmem:v56+s4+$0x0] =	vst.idx.msk vm5, v14  }
0x82c: {  	v13 =	vor.u32 $0x80, v19;
	v11 =	vld.idx.msk [tilespmem:v11+s25+$0x0], vm5  }
0x82d: {  	vm14 =	vmmov vm5;
	v14 =	vor.u32 $0x100, v10  }
0x82e: {  	v15 =	vor.u32 $0x80, v56  }
0x82f: {  	[tilespmem:v57+s4+$0x0] =	vst.idx.msk @p2 vm10, v5;
	v5 =	vor.u32 $0x100, v60;
	vm5 =	vmmov @p2 vm1;
	v12 =	vmul.f32 v12, v9  }
0x830: {  	v16 =	vld.idx.msk @p2 [tilespmem:v58+s25+$0x0], vm10  }
0x831: {  	v11 =	vmul.f32 v11, v8;
	[tilespmem:v13+s4+$0x0] =	vst.idx.msk vm15, v12  }
0x832: {  	v17 =	vmov @p2 v50;
	v12 =	vor.u32 @p2 $0x180, v47;
	v13 =	vor.u32 @p2 $0x100, v49;
	v14 =	vld.idx.msk [tilespmem:v14+s25+$0x0], vm15  }
0x833: {  	[tilespmem:v15+s4+$0x0] =	vst.idx.msk vm14, v11;
	v11 =	vor.u32 @p2 $0x180, v41;
	v15 =	vmovc @p2 v39;
	v39 =	vmul.f32 @p2 v59, v17;
	vm15 =	vmmov vm15  }
0x834: {  	v50 =	vor.u32 $0x100, v19;
	v5 =	vld.idx.msk [tilespmem:v5+s25+$0x0], vm14  }
0x835: {  	v16 =	vmul.f32 @p2 v16, v15;
	[tilespmem:v55+s4+$0x0] =	vst.idx.msk @p2 vm5, v39;
	v39 =	vor.u32 $0x180, v10  }
0x836: {  	v55 =	vor.u32 $0x100, v56  }
0x837: {  	[tilespmem:v13+s4+$0x0] =	vst.idx.msk @p2 vm13, v16;
	v12 =	vld.idx.msk @p2 [tilespmem:v12+s25+$0x0], vm5;
	v14 =	vmul.f32 v14, v9  }
0x838: {  	v11 =	vld.idx.msk @p2 [tilespmem:v11+s25+$0x0], vm12  }
0x839: {  	v57 =	vor.u32 @p2 $0x180, v45;
	vm10 =	vmmov @p2 vm10;
	v16 =	vld.idx.msk @p3 [tilespmem:v63+s25+$0x0], vm9;
	v5 =	vmul.f32 v5, v8;
	[tilespmem:v50+s4+$0x0] =	vst.idx.msk vm15, v14  }
0x83a: {  	vm1 =	vmmov @p3 vm9;
	v50 =	vor.u32 @p2 $0x180, v49;
	v39 =	vld.idx.msk [tilespmem:v39+s25+$0x0], vm15  }
0x83b: {  	[tilespmem:v55+s4+$0x0] =	vst.idx.msk vm14, v5;
	v5 =	vmul.f32 @p3 v62, v7  }
0x83c: {  	v63 =	vor.u32 $0x180, v19;
	v12 =	vmul.f32 @p2 v12, v17  }
0x83d: {  	[tilespmem:v6+s4+$0x0] =	vst.idx.msk @p3 vm8, v5;
	v5 =	vmul.f32 @p2 v11, v15  }
0x83e: {  	v13 =	vor.u32 $0x180, v60;
	[tilespmem:v57+s4+$0x0] =	vst.idx.msk @p2 vm5, v12;
	v12 =	vmul.f32 @p3 v16, v33  }
0x83f: {  	[tilespmem:v50+s4+$0x0] =	vst.idx.msk @p2 vm10, v5;
	v39 =	vmul.f32 v39, v9  }
0x840: {  	[tilespmem:v4+s4+$0x0] =	vst.idx.msk @p3 vm1, v12  }
0x841: {  	v14 =	vor.u32 @p2 $0x200, v47;
	[tilespmem:v63+s4+$0x0] =	vst.idx.msk vm15, v39  }
0x842: {  	v55 =	vor.u32 @p2 $0x200, v41;
	v39 =	vld [tilespmem:$0x1FEB0]  }
0x843: {  	v13 =	vld.idx.msk [tilespmem:v13+s25+$0x0], vm14  }
0x844: {  	vm9 =	vmmov vm14  }
0x845: {  	v58 =	vor.u32 $0x200, v10;
	v16 =	vor.u32 $0x180, v56  }
0x846: {  	v30 =	vpsel p2, v47, v30;
	v34 =	vpsel p2, v49, v34;
	v5 =	vld.idx.msk @p2 [tilespmem:v14+s25+$0x0], vm5  }
0x847: {  	v59 =	vor.u32 $0x200, v60;
	v4 =	vld.idx.msk @p2 [tilespmem:v55+s25+$0x0], vm10;
	vm12 =	vnez.u8 v39;
	v39 =	vor.u32 @p2 $0x200, v49  }
0x848: {  	vm3 =	vmmov @p2 vm5;
	v6 =	vor.u32 @p2 $0x200, v45;
	v13 =	vmul.f32 v13, v8  }
0x849: {  	v11 =	vor.u32 @p3 $0x300, v38;
	v15 =	vpsel p2, v15, v36;
	v55 =	vld.idx.msk @p3 [tilespmem:v61+s25+$0x0], vm8;
	vm12 =	vmmov @p2 vm10  }
0x84a: {  	v12 =	vor.u32 @p2 $0x280, v47;
	[tilespmem:v16+s4+$0x0] =	vst.idx.msk vm9, v13;
	v14 =	vld.idx.msk [tilespmem:v58+s25+$0x0], vm15;
	v13 =	vpsel p2, v39, v46;
	v39 =	vmov @p2 v41  }
0x84b: {  	v12 =	vpsel p2, v12, v44;
	v5 =	vmul.f32 @p2 v5, v17;
	v36 =	vor.u32 @p2 $0x280, v39  }
0x84c: {  	v62 =	vor.u32 $0x200, v19;
	v61 =	vld.idx.msk [tilespmem:v59+s25+$0x0], vm9;
	v4 =	vpsel p2, v4, v42;
	v36 =	vpsel p2, v36, v43  }
0x84d: {  	vm13 =	vmmov vm15;
	v4 =	vmul.f32 @p2 v4, v15;
	[tilespmem:v6+s4+$0x0] =	vst.idx.msk @p2 vm5, v5;
	v5 =	vor.u32 $0x280, v10  }
0x84e: {  	v44 =	vor.u32 @p3 $0x280, v32;
	v11 =	vld.idx.msk @p3 [tilespmem:v11+s25+$0x0], vm1;
	v63 =	vor.u32 $0x200, v56;
	v16 =	vor.u32 @p3 $0x300, v35  }
0x84f: {  	v42 =	vmul.f32 @p3 v55, v7;
	v14 =	vmul.f32 v14, v9;
	[tilespmem:v13+s4+$0x0] =	vst.idx.msk @p2 vm12, v4;
	v4 =	vor.u32 $0x280, v60  }
0x850: {  	vm5 =	vmmov @p2 vm4;
	vm4 =	vmmov @p2 vm3;
	v12 =	vld.idx.msk @p2 [tilespmem:v12+s25+$0x0], vm3;
	v46 =	vor.u32 @p3 $0x300, v37  }
0x851: {  	vm10 =	vmmov vm0;
	[tilespmem:v62+s4+$0x0] =	vst.idx.msk vm15, v14;
	v41 =	vmul.f32 v61, v8;
	v13 =	vor.u32 @p2 $0x280, v45;
	v36 =	vld.idx.msk @p2 [tilespmem:v36+s25+$0x0], vm12  }
0x852: {  	vm0 =	vmmov @p2 vm5;
	vm10 =	vmmov @p2 vm5;
	v5 =	vld.idx.msk [tilespmem:v5+s25+$0x0], vm15;
	v13 =	vpsel p2, v13, v40  }
0x853: {  	v31 =	vpsel p2, v39, v31;
	v14 =	vmovc @p2 v17;
	v17 =	vor.u32 @p2 $0x300, v30;
	v39 =	vor.u32 @p2 $0x280, v34;
	[tilespmem:v63+s4+$0x0] =	vst.idx.msk vm9, v41  }
0x854: {  	v11 =	vmul.f32 @p3 v11, v33;
	v6 =	vpsel p2, v14, v29;
	v14 =	vor.u32 @p2 $0x300, v31;
	v4 =	vld.idx.msk [tilespmem:v4+s25+$0x0], vm9  }
0x855: {  	[tilespmem:v44+s4+$0x0] =	vst.idx.msk @p3 vm6, v42;
	v29 =	vor.u32 $0x280, v19;
	v12 =	vmul.f32 @p2 v12, v6  }
0x856: {  	v50 =	vor.u32 $0x300, v10;
	v55 =	vor.u32 $0x280, v56;
	[tilespmem:v46+s4+$0x0] =	vst.idx.msk @p3 vm1, v11;
	v11 =	vmul.f32 @p2 v36, v15  }
0x857: {  	v57 =	vor.u32 $0x300, v60;
	v16 =	vld.idx.msk @p3 [tilespmem:v16+s25+$0x0], vm11;
	[tilespmem:v13+s4+$0x0] =	vst.idx.msk @p2 vm4, v12  }
0x858: {  	v38 =	vor.u32 @p3 $0x380, v38;
	vm6 =	vmmov @p3 vm8;
	v5 =	vmul.f32 v5, v9;
	v13 =	vld.idx.msk @p2 [tilespmem:v17+s25+$0x0], vm4;
	[tilespmem:v39+s4+$0x0] =	vst.idx.msk @p2 vm10, v11  }
0x859: {  	v17 =	vpsel p2, v45, v28;
	v11 =	vor.u32 @p3 $0x300, v32;
	v4 =	vmul.f32 v4, v8;
	v14 =	vld.idx.msk @p2 [tilespmem:v14+s25+$0x0], vm0  }
0x85a: {  	vm5 =	vmmov @p2 vm12;
	[tilespmem:v29+s4+$0x0] =	vst.idx.msk vm13, v5;
	v28 =	vor.u32 @p3 $0x380, v35;
	v35 =	vor.u32 @p2 $0x300, v17  }
0x85b: {  	v5 =	vmul.f32 @p4 v54, v48;
	v29 =	vor.u32 @p2 $0x380, v30;
	v30 =	vor.u32 @p2 $0x300, v34;
	v36 =	vld.idx.msk [tilespmem:v50+s25+$0x0], vm13;
	[tilespmem:v55+s4+$0x0] =	vst.idx.msk vm14, v4  }
0x85c: {  	v58 =	vor.u32 $0x300, v19;
	[tilespmem:v52+s4+$0x0] =	vst.idx.msk @p4 vm2, v53;
	v31 =	vor.u32 @p2 $0x380, v31;
	v4 =	vmul.f32 @p3 v16, v7;
	v12 =	vld.idx.msk [tilespmem:v57+s25+$0x0], vm14  }
0x85d: {  	v59 =	vor.u32 $0x300, v56;
	vm15 =	vmmov vm9;
	[tilespmem:v51+s4+$0x0] =	vst.idx.msk @p4 vm7, v5;
	v13 =	vmul.f32 @p2 v13, v6  }
0x85e: {  	v10 =	vor.u32 $0x380, v10;
	vm2 =	vmmov @p3 vm6;
	v38 =	vld.idx.msk @p3 [tilespmem:v38+s25+$0x0], vm1;
	[tilespmem:v11+s4+$0x0] =	vst.idx.msk @p3 vm6, v4;
	v4 =	vmul.f32 @p2 v14, v15  }
0x85f: {  	v62 =	vor.u32 $0x380, v19;
	v61 =	vor.u32 $0x380, v60;
	vm1 =	vmmov @p3 vm1;
	[tilespmem:v35+s4+$0x0] =	vst.idx.msk @p2 vm4, v13;
	v28 =	vld.idx.msk @p3 [tilespmem:v28+s25+$0x0], vm6  }
0x860: {  	v29 =	vld.idx.msk @p2 [tilespmem:v29+s25+$0x0], vm4;
	v14 =	vor.u32 @p3 $0x380, v32;
	v32 =	vor.u32 @p3 $0x380, v37;
	[tilespmem:v30+s4+$0x0] =	vst.idx.msk @p2 vm5, v4;
	v4 =	vmul.f32 v36, v9  }
0x861: {  	v17 =	vor.u32 @p2 $0x380, v17;
	v30 =	vpsel p3, v32, v0;
	v12 =	vmul.f32 v12, v8;
	v31 =	vld.idx.msk @p2 [tilespmem:v31+s25+$0x0], vm5  }
0x862: {  	v17 =	vpsel p2, v17, v0;
	vm4 =	vmmov @p2 vm4;
	v14 =	vpsel p3, v14, v0;
	[tilespmem:v58+s4+$0x0] =	vst.idx.msk vm13, v4  }
0x863: {  	v16 =	vmul.f32 @p3 v38, v33;
	vm5 =	vmmov @p2 vm5;
	v4 =	vor.u32 @p2 $0x380, v34;
	[tilespmem:v59+s4+$0x0] =	vst.idx.msk vm15, v12;
	v10 =	vld.idx.msk [tilespmem:v10+s25+$0x0], vm13  }
0x864: {  	v7 =	vpsel p3, v7, v0;
	v11 =	vpsel p3, v28, v0;
	v4 =	vpsel p2, v4, v0;
	v12 =	vld.idx.msk [tilespmem:v61+s25+$0x0], vm15  }
0x865: {  	v16 =	vpsel p3, v16, v0;
	v6 =	vmul.f32 @p2 v29, v6;
	v5 =	vmul.f32 @p3 v11, v7  }
0x866: {  	v63 =	vor.u32 $0x380, v56;
	v11 =	vpsel p2, v15, v0;
	[tilespmem:v30+s4+$0x0] =	vst.idx.msk @p3 vm1, v16;
	v13 =	vpsel p2, v31, v0  }
0x867: {  	[tilespmem:v14+s4+$0x0] =	vst.idx.msk @p3 vm2, v5;
	v5 =	vpsel p2, v6, v0;
	v6 =	vmul.f32 @p2 v13, v11  }
0x868: {  	[tilespmem:v17+s4+$0x0] =	vst.idx.msk @p2 vm4, v5;
	v5 =	vmul.f32 v10, v9  }
0x869: {  	[tilespmem:v4+s4+$0x0] =	vst.idx.msk @p2 vm5, v6;
	v4 =	vmul.f32 v12, v8  }
0x86a: {  	[tilespmem:v62+s4+$0x0] =	vst.idx.msk vm13, v5  }
0x86b: {  	[tilespmem:v63+s4+$0x0] =	vst.idx.msk vm15, v4  }
.LBB2_27:
.Ltmp61:
0x86c: {  	(pc) =	sbr.rel @p6 .LBB2_29-.Ltmp61, $4  }
0x86d: {  	_ = 	snop  }
0x86e: {  	s0 =	sld [smem:$0x7EA]  }
0x86f: {  	s6 =	sld [smem:$0x7E9]  }
0x870: {  	s8 =	sld [smem:$0x7E8];
	s13 =	smov.u32 s16  }
.LBB2_28:
0x871: {  	v4 =	vld [tilespmem:s0+$0x0];
	_ =	sdelay $0x4  }
0x872: {  	v5 =	vadd.s32 s13, v0;
	v6 =	vshll.u32 v4, $0x3  }
0x873: {  	vm0 =	vlt.s32 v5, v26;
	v4 =	vand.u32 $0x7F, v4;
	v5 =	vand.u32 $0xFFFFFC00, v6  }
0x874: {  	v52 =	vld [tilespmem:s6+$0x0];
	v4 =	vor.u32 v4, v5;
	_ =	sdelay $0x3  }
0x875: {  	v5 =	vld [tilespmem:s8+$0x0]  }
0x876: {  	v8 =	vshll.u32 v52, $0x3;
	v7 =	vld.idx.msk [tilespmem:v4+s25+$0x0], vm0  }
0x877: {  	v6 =	vand.u32 $0x7F, v52;
	v8 =	vand.u32 $0xFFFFFC00, v8  }
0x878: {  	v6 =	vor.u32 v6, v8  }
0x879: {  	v53 =	vor.u32 $0x80, v4;
	_ =	sdelay $0x1  }
0x87a: {  	v7 =	vmul.f32 v7, v5;
	_ =	sdelay $0x1  }
0x87b: {  	[tilespmem:v6+s4+$0x0] =	vst.idx.msk vm0, v7  }
0x87c: {  	v7 =	vld.idx.msk [tilespmem:v53+s25+$0x0], vm0;
	_ =	sdelay $0x1  }
0x87d: {  	v54 =	vor.u32 $0x80, v6  }
0x87e: {  	v9 =	vor.u32 $0x100, v4;
	_ =	sdelay $0x1  }
0x87f: {  	v7 =	vmul.f32 v7, v5;
	_ =	sdelay $0x1  }
0x880: {  	[tilespmem:v54+s4+$0x0] =	vst.idx.msk vm0, v7  }
0x881: {  	v7 =	vld.idx.msk [tilespmem:v9+s25+$0x0], vm0;
	_ =	sdelay $0x1  }
0x882: {  	v55 =	vor.u32 $0x100, v6  }
0x883: {  	v56 =	vor.u32 $0x180, v4;
	_ =	sdelay $0x1  }
0x884: {  	v7 =	vmul.f32 v7, v5;
	_ =	sdelay $0x1  }
0x885: {  	[tilespmem:v55+s4+$0x0] =	vst.idx.msk vm0, v7  }
0x886: {  	v7 =	vld.idx.msk [tilespmem:v56+s25+$0x0], vm0;
	_ =	sdelay $0x1  }
0x887: {  	v57 =	vor.u32 $0x180, v6  }
0x888: {  	v58 =	vor.u32 $0x200, v4;
	_ =	sdelay $0x1  }
0x889: {  	v7 =	vmul.f32 v7, v5;
	_ =	sdelay $0x1  }
0x88a: {  	[tilespmem:v57+s4+$0x0] =	vst.idx.msk vm0, v7  }
0x88b: {  	v7 =	vld.idx.msk [tilespmem:v58+s25+$0x0], vm0;
	_ =	sdelay $0x1  }
0x88c: {  	v59 =	vor.u32 $0x200, v6  }
0x88d: {  	v60 =	vor.u32 $0x280, v4;
	_ =	sdelay $0x1  }
0x88e: {  	v7 =	vmul.f32 v7, v5;
	_ =	sdelay $0x1  }
0x88f: {  	[tilespmem:v59+s4+$0x0] =	vst.idx.msk vm0, v7  }
0x890: {  	v7 =	vld.idx.msk [tilespmem:v60+s25+$0x0], vm0;
	_ =	sdelay $0x1  }
0x891: {  	v61 =	vor.u32 $0x280, v6  }
0x892: {  	v62 =	vor.u32 $0x300, v4;
	_ =	sdelay $0x1  }
0x893: {  	v7 =	vmul.f32 v7, v5;
	_ =	sdelay $0x1  }
0x894: {  	[tilespmem:v61+s4+$0x0] =	vst.idx.msk vm0, v7  }
0x895: {  	v7 =	vld.idx.msk [tilespmem:v62+s25+$0x0], vm0;
	_ =	sdelay $0x1  }
0x896: {  	v63 =	vor.u32 $0x300, v6  }
0x897: {  	v4 =	vor.u32 $0x380, v4;
	_ =	sdelay $0x1  }
0x898: {  	v7 =	vmul.f32 v7, v5;
	_ =	sdelay $0x1  }
0x899: {  	[tilespmem:v63+s4+$0x0] =	vst.idx.msk vm0, v7  }
0x89a: {  	v4 =	vld.idx.msk [tilespmem:v4+s25+$0x0], vm0  }
0x89b: {  	s13 =	sadd.s32 $0x10, s13  }
0x89c: {  	p2 =	slt.s32 s13, s7;
	v6 =	vor.u32 $0x380, v6  }
.Ltmp62:
0x89d: {  	_ = 	snop;
	(pc) =	sbr.rel @p2 .LBB2_28-.Ltmp62, $3  }
0x89e: {  	_ = 	snop  }
0x89f: {  	v4 =	vmul.f32 v4, v5;
	_ =	sdelay $0x1  }
0x8a0: {  	s6 =	sadd.s32 $0x10, s6;
	s0 =	sadd.s32 $0x10, s0;
	s8 =	sadd.s32 $0x10, s8;
	[tilespmem:v6+s4+$0x0] =	vst.idx.msk vm0, v4  }
.LBB2_29:
.Ltmp63:
0x8a1: {  	(pc) =	sbr.rel @p0 .LBB2_30-.Ltmp63, $4  }
0x8a2: {  	s0 =	simm.s32 $0x4  }
0x8a3: {  	_ =	swait.ge [sflag:s0], $0x4000  }
0x8a4: {  	[sflag:s0] =	ssyncset.done $0x0  }
0x8a5: {  	[sflag:s0] =	ssyncadd.s32 $0xFFFFC000  }
0x8a6: {  	s6 =	sld [smem:$0x7EB]  }
0x8a7: {  	s0 =	rddreg [dreg:$0x1c]  }
0x8a8: {  	s14 =	sadd.s32 $0x20, s0  }
0x8a9: {  	p5 =	slt.s32 s14, s31;
	v4 =	vld [tilespmem:s6+$0x0]  }
.Ltmp64:
0x8aa: {  	_ = 	snop;
	(pc) =	sbr.rel @!p5 .LBB2_113-.Ltmp64, $3  }
0x8ab: {  	_ =	sdelay $0x1  }
0x8ac: {  	p2 =	por $0x0, $0x0  }
0x8ad: {  	p3 =	por $0x0, $0x0;
	p4 =	por $0x0, $0x0;
	s8 =	sld [smem:$0x7EC];
	v8 =	vadd.s32 s0, v0;
	v56 =	vld [tilespmem:s6+$0xFFFFFFF0];
	v60 =	vand.u32 $0x7F, v4;
	v9 =	vshll.u32 v4, $0x3  }
0x8ae: {  	_ =	sdelay $0x3  }
0x8af: {  	v4 =	vshll.u32 v56, $0x3  }
0x8b0: {  	vm1 =	vlt.s32 v8, v27;
	v5 =	vand.u32 $0x7F, v56;
	v4 =	vand.u32 $0xFFFFFC00, v4  }
0x8b1: {  	s0 =	sadd.s32 $0x10, s0;
	v6 =	vld [tilespmem:s8+$0xFFFFFFF0];
	v30 =	vor.u32 v5, v4  }
0x8b2: {  	s13 =	sld [smem:$0x7ED];
	v4 =	vadd.s32 s0, v0  }
0x8b3: {  	v5 =	vand.u32 $0xFFFFFC00, v9;
	vm4 =	vlt.s32 v4, v27  }
0x8b4: {  	v31 =	vor.u32 v60, v5;
	v4 =	vld [tilespmem:s8+$0x0]  }
0x8b5: {  	v29 =	vld [tilespmem:s13+$0xFFFFFFF0]  }
0x8b6: {  	v5 =	vshll.u32 v6, $0x3;
	v7 =	vld.idx.msk [tilespmem:v30+s2+$0x0], vm1  }
0x8b7: {  	v6 =	vand.u32 $0x7F, v6;
	v5 =	vand.u32 $0xFFFFFC00, v5  }
0x8b8: {  	v36 =	vld [tilespmem:s13+$0x0];
	v28 =	vor.u32 v6, v5  }
0x8b9: {  	v6 =	vor.u32 $0x80, v30;
	v8 =	vshll.u32 v4, $0x3;
	v5 =	vld.idx.msk [tilespmem:v31+s2+$0x0], vm4  }
0x8ba: {  	v4 =	vand.u32 $0x7F, v4;
	v8 =	vand.u32 $0xFFFFFC00, v8  }
0x8bb: {  	v34 =	vor.u32 v4, v8;
	v7 =	vmul.f32 v7, v29  }
0x8bc: {  	v4 =	vor.u32 $0x80, v31  }
0x8bd: {  	[tilespmem:v28+s4+$0x0] =	vst.idx.msk vm1, v7  }
0x8be: {  	v5 =	vmul.f32 v5, v36;
	v6 =	vld.idx.msk [tilespmem:v6+s2+$0x0], vm1  }
0x8bf: {  	s6 =	sadd.s32 $0x20, s6  }
0x8c0: {  	s0 =	sadd.s32 $0x20, s14;
	v7 =	vld [tilespmem:s6+$0x0];
	[tilespmem:v34+s4+$0x0] =	vst.idx.msk vm4, v5;
	v5 =	vor.u32 $0x80, v28  }
0x8c1: {  	v10 =	vor.u32 $0x100, v30;
	p5 =	slt.s32 s0, s31;
	v4 =	vld.idx.msk [tilespmem:v4+s2+$0x0], vm4  }
.Ltmp65:
0x8c2: {  	_ = 	snop;
	(pc) =	sbr.rel @!p5 .LBB2_115-.Ltmp65, $4  }
0x8c3: {  	v6 =	vmul.f32 v6, v29  }
0x8c4: {  	vm0 =	vmmov vm4;
	v58 =	vor.u32 $0x100, v31  }
0x8c5: {  	v56 =	vld [tilespmem:s6+$0xFFFFFFF0];
	v55 =	vor.u32 $0x100, v28;
	v8 =	vadd.s32 s14, v0;
	v57 =	vor.u32 $0x80, v34;
	[tilespmem:v5+s4+$0x0] =	vst.idx.msk vm1, v6  }
0x8c6: {  	p2 =	por $0x1, $0x1;
	v60 =	vand.u32 $0x7F, v7;
	v9 =	vshll.u32 v7, $0x3;
	v5 =	vmul.f32 v4, v36;
	v59 =	vld.idx.msk [tilespmem:v10+s2+$0x0], vm1  }
0x8c7: {  	_ =	sdelay $0x2  }
0x8c8: {  	vm3 =	vmmov vm1  }
0x8c9: {  	s8 =	sadd.s32 $0x20, s8;
	vm1 =	vlt.s32 v8, v27;
	v4 =	vshll.u32 v56, $0x3  }
0x8ca: {  	s29 =	sadd.s32 $0x10, s14;
	v7 =	vld [tilespmem:s8+$0xFFFFFFF0];
	[tilespmem:v57+s4+$0x0] =	vst.idx.msk vm0, v5;
	v5 =	vor.u32 $0x180, v30;
	v6 =	vand.u32 $0x7F, v56;
	v4 =	vand.u32 $0xFFFFFC00, v4  }
0x8cb: {  	s15 =	smov.u32 s13;
	v38 =	vor.u32 v6, v4;
	v4 =	vadd.s32 s29, v0  }
0x8cc: {  	s13 =	sadd.s32 $0x20, s15;
	v8 =	vld.idx.msk [tilespmem:v58+s2+$0x0], vm0;
	vm4 =	vlt.s32 v4, v27;
	v4 =	vmul.f32 v59, v29  }
0x8cd: {  	v33 =	vld [tilespmem:s13+$0xFFFFFFF0];
	v6 =	vand.u32 $0xFFFFFC00, v9  }
0x8ce: {  	v35 =	vor.u32 v60, v6;
	v6 =	vld [tilespmem:s8+$0x0];
	[tilespmem:v55+s4+$0x0] =	vst.idx.msk vm3, v4  }
0x8cf: {  	v9 =	vor.u32 $0x100, v34;
	v10 =	vshll.u32 v7, $0x3;
	v5 =	vld.idx.msk [tilespmem:v5+s2+$0x0], vm3  }
0x8d0: {  	v7 =	vand.u32 $0x7F, v7;
	v10 =	vand.u32 $0xFFFFFC00, v10;
	v4 =	vor.u32 $0x180, v31;
	v11 =	vld.idx.msk [tilespmem:v38+s2+$0x0], vm1  }
0x8d1: {  	v37 =	vor.u32 v7, v10;
	v10 =	vor.u32 $0x180, v28  }
0x8d2: {  	v14 =	vor.u32 $0x200, v30;
	v39 =	vld [tilespmem:s13+$0x0];
	v8 =	vmul.f32 v8, v36  }
0x8d3: {  	v12 =	vor.u32 $0x80, v38;
	v13 =	vshll.u32 v6, $0x3;
	v7 =	vld.idx.msk [tilespmem:v35+s2+$0x0], vm4  }
0x8d4: {  	[tilespmem:v9+s4+$0x0] =	vst.idx.msk vm0, v8;
	v6 =	vand.u32 $0x7F, v6;
	v13 =	vand.u32 $0xFFFFFC00, v13;
	v5 =	vmul.f32 v5, v29  }
0x8d5: {  	v32 =	vor.u32 v6, v13;
	v4 =	vld.idx.msk [tilespmem:v4+s2+$0x0], vm0;
	v11 =	vmul.f32 v11, v33  }
0x8d6: {  	v6 =	vor.u32 $0x80, v35;
	[tilespmem:v10+s4+$0x0] =	vst.idx.msk vm3, v5  }
0x8d7: {  	v5 =	vor.u32 $0x180, v34;
	[tilespmem:v37+s4+$0x0] =	vst.idx.msk vm1, v11;
	v9 =	vld.idx.msk [tilespmem:v14+s2+$0x0], vm3  }
0x8d8: {  	v7 =	vmul.f32 v7, v39;
	v8 =	vld.idx.msk [tilespmem:v12+s2+$0x0], vm1  }
0x8d9: {  	s6 =	sadd.s32 $0x20, s6;
	v51 =	vor.u32 $0x200, v28  }
0x8da: {  	s14 =	sadd.s32 $0x20, s0;
	v10 =	vor.u32 $0x200, v31;
	v11 =	vld [tilespmem:s6+$0x0];
	v4 =	vmul.f32 v4, v36;
	[tilespmem:v32+s4+$0x0] =	vst.idx.msk vm4, v7;
	v7 =	vor.u32 $0x80, v37  }
0x8db: {  	vm5 =	vmmov vm0;
	v44 =	vor.u32 $0x280, v30;
	p5 =	slt.s32 s14, s31;
	v50 =	vor.u32 $0x100, v38;
	v6 =	vld.idx.msk [tilespmem:v6+s2+$0x0], vm4  }
.Ltmp66:
0x8dc: {  	v43 =	vor.u32 $0x280, v31;
	v40 =	vor.u32 $0x280, v28;
	[tilespmem:v5+s4+$0x0] =	vst.idx.msk vm0, v4;
	v4 =	vmul.f32 v9, v29;
	(pc) =	sbr.rel @!p5 .LBB2_117-.Ltmp66, $4  }
0x8dd: {  	v46 =	vor.u32 $0x200, v34;
	vm6 =	vmmov vm4;
	v63 =	vmul.f32 v8, v33  }
0x8de: {  	v56 =	vld [tilespmem:s6+$0xFFFFFFF0];
	v58 =	vor.u32 $0x100, v35;
	v55 =	vor.u32 $0x100, v37;
	[tilespmem:v51+s4+$0x0] =	vst.idx.msk vm3, v4;
	v4 =	vimm.s32 $0x0  }
0x8df: {  	v57 =	vor.u32 $0x80, v32;
	v42 =	vld.idx.msk [tilespmem:v10+s2+$0x0], vm0;
	v60 =	vand.u32 $0x7F, v11;
	[tilespmem:v7+s4+$0x0] =	vst.idx.msk vm1, v63;
	v4 =	vsel vm5, $0xFFFFFFFF, v4  }
0x8e0: {  	p3 =	por $0x1, $0x1;
	v9 =	vshll.u32 v11, $0x3;
	v8 =	vadd.s32 s0, v0;
	v5 =	vmul.f32 v6, v39;
	v59 =	vld.idx.msk [tilespmem:v50+s2+$0x0], vm1;
	[tilespmem:$0x1FEA0] =	vst v4  }
0x8e1: {  	_ =	sdelay $0x3  }
0x8e2: {  	vm9 =	vmmov vm1;
	vm1 =	vlt.s32 v8, v27  }
0x8e3: {  	s8 =	sadd.s32 $0x20, s8;
	v6 =	vld.idx.msk [tilespmem:v44+s2+$0x0], vm3;
	[tilespmem:v57+s4+$0x0] =	vst.idx.msk vm6, v5;
	v5 =	vand.u32 $0xFFFFFC00, v9;
	v9 =	vor.u32 $0x180, v38;
	v4 =	vshll.u32 v56, $0x3  }
0x8e4: {  	v8 =	vld [tilespmem:s8+$0xFFFFFFF0];
	v10 =	vand.u32 $0x7F, v56;
	v7 =	vmul.f32 v42, v36;
	v4 =	vand.u32 $0xFFFFFC00, v4  }
0x8e5: {  	s0 =	sadd.s32 $0x10, s0;
	v13 =	vld [tilespmem:s8+$0x0];
	v47 =	vor.u32 v10, v4  }
0x8e6: {  	v4 =	vld.idx.msk [tilespmem:v58+s2+$0x0], vm6;
	v11 =	vmul.f32 v59, v33;
	[tilespmem:v46+s4+$0x0] =	vst.idx.msk vm5, v7;
	v7 =	vadd.s32 s0, v0  }
0x8e7: {  	s13 =	sadd.s32 $0x20, s13;
	v41 =	vor.u32 v60, v5;
	v5 =	vor.u32 $0x300, v30;
	v10 =	vld.idx.msk [tilespmem:v43+s2+$0x0], vm5;
	vm4 =	vlt.s32 v7, v27  }
0x8e8: {  	v50 =	vld [tilespmem:s13+$0xFFFFFFF0];
	v6 =	vmul.f32 v6, v29;
	v7 =	vor.u32 $0x100, v32;
	[tilespmem:v55+s4+$0x0] =	vst.idx.msk vm9, v11  }
0x8e9: {  	v12 =	vor.u32 $0x180, v35;
	v14 =	vor.u32 $0x280, v34;
	v15 =	vshll.u32 v8, $0x3;
	v9 =	vld.idx.msk [tilespmem:v9+s2+$0x0], vm9  }
0x8ea: {  	v16 =	vor.u32 $0x300, v31;
	v15 =	vand.u32 $0xFFFFFC00, v15;
	[tilespmem:v40+s4+$0x0] =	vst.idx.msk vm3, v6;
	v6 =	vand.u32 $0x7F, v8;
	v17 =	vld.idx.msk [tilespmem:v47+s2+$0x0], vm1  }
0x8eb: {  	v19 =	vld [tilespmem:s13+$0x0];
	v45 =	vor.u32 v6, v15;
	v6 =	vor.u32 $0x180, v37;
	v4 =	vmul.f32 v4, v39  }
0x8ec: {  	v5 =	vld.idx.msk [tilespmem:v5+s2+$0x0], vm3;
	v8 =	vmul.f32 v10, v36  }
0x8ed: {  	vm2 =	vmmov vm3;
	v62 =	vor.u32 $0x200, v38;
	v11 =	vshll.u32 v13, $0x3;
	[tilespmem:v7+s4+$0x0] =	vst.idx.msk vm6, v4;
	v10 =	vld.idx.msk [tilespmem:v41+s2+$0x0], vm4  }
0x8ee: {  	v11 =	vand.u32 $0xFFFFFC00, v11;
	v7 =	vor.u32 $0x80, v47;
	v12 =	vld.idx.msk [tilespmem:v12+s2+$0x0], vm6;
	v9 =	vmul.f32 v9, v33;
	[tilespmem:v14+s4+$0x0] =	vst.idx.msk vm0, v8  }
0x8ef: {  	v4 =	vor.u32 $0x300, v28;
	v8 =	vand.u32 $0x7F, v13;
	v14 =	vld.idx.msk [tilespmem:v16+s2+$0x0], vm0;
	v16 =	vmul.f32 v17, v50  }
0x8f0: {  	v63 =	vor.u32 $0x380, v30;
	s6 =	sadd.s32 $0x20, s6;
	vm8 =	vmmov vm6;
	v49 =	vor.u32 v8, v11;
	[tilespmem:v6+s4+$0x0] =	vst.idx.msk vm9, v9  }
0x8f1: {  	vm7 =	vmmov vm5;
	v56 =	vld [tilespmem:s6+$0xFFFFFFF0];
	v8 =	vor.u32 $0x80, v41;
	[tilespmem:v45+s4+$0x0] =	vst.idx.msk vm1, v16;
	v16 =	vor.u32 $0x180, v32  }
0x8f2: {  	v48 =	vor.u32 $0x200, v37;
	v5 =	vmul.f32 v5, v29;
	v6 =	vor.u32 $0x200, v35;
	v15 =	vld.idx.msk [tilespmem:v62+s2+$0x0], vm9  }
0x8f3: {  	v51 =	vor.u32 $0x380, v34;
	v9 =	vor.u32 $0x300, v34;
	v7 =	vld.idx.msk [tilespmem:v7+s2+$0x0], vm1;
	v10 =	vmul.f32 v10, v19  }
0x8f4: {  	v52 =	vor.u32 $0x380, v28;
	v61 =	vor.u32 $0x280, v35;
	v11 =	vld [tilespmem:s6+$0x0];
	[tilespmem:v4+s4+$0x0] =	vst.idx.msk vm2, v5;
	v12 =	vmul.f32 v12, v39  }
0x8f5: {  	vm11 =	vmmov vm6;
	s0 =	sadd.s32 $0x20, s14;
	v13 =	vor.u32 $0x80, v45;
	v5 =	vor.u32 $0x380, v31;
	[tilespmem:v49+s4+$0x0] =	vst.idx.msk vm4, v10;
	v10 =	vld.idx.msk [tilespmem:v63+s2+$0x0], vm2  }
0x8f6: {  	p5 =	slt.s32 s0, s31;
	vm10 =	vmmov vm4;
	v17 =	vor.u32 $0x100, v47;
	v4 =	vmul.f32 v14, v36;
	v14 =	vld.idx.msk [tilespmem:v8+s2+$0x0], vm4;
	[tilespmem:v16+s4+$0x0] =	vst.idx.msk vm6, v12  }
.Ltmp67:
0x8f7: {  	v58 =	vor.u32 $0x100, v41;
	vm13 =	vmmov vm10;
	v12 =	vmul.f32 v15, v33;
	v62 =	vld.idx.msk [tilespmem:v6+s2+$0x0], vm6;
	(pc) =	sbr.rel @!p5 .LBB2_119-.Ltmp67, $4  }
0x8f8: {  	vm12 =	vmmov vm10;
	v63 =	vor.u32 $0x280, v38;
	[tilespmem:v9+s4+$0x0] =	vst.idx.msk vm5, v4;
	v7 =	vmul.f32 v7, v50  }
0x8f9: {  	v55 =	vor.u32 $0x100, v45;
	v57 =	vor.u32 $0x80, v49;
	v60 =	vand.u32 $0x7F, v11;
	[tilespmem:v48+s4+$0x0] =	vst.idx.msk vm9, v12  }
0x8fa: {  	v8 =	vadd.s32 s14, v0;
	v4 =	vor.u32 $0x280, v37;
	v6 =	vor.u32 $0x200, v32;
	v54 =	vld.idx.msk [tilespmem:v5+s2+$0x0], vm5;
	[tilespmem:v13+s4+$0x0] =	vst.idx.msk vm1, v7  }
0x8fb: {  	p4 =	por $0x1, $0x1;
	v9 =	vshll.u32 v11, $0x3;
	v48 =	vmovc v36;
	v53 =	vmul.f32 v10, v29;
	v59 =	vld.idx.msk [tilespmem:v17+s2+$0x0], vm1;
	v5 =	vmul.f32 v14, v19  }
.LBB2_120:
0x8fc: {  	vm14 =	vmmov vm4;
	v10 =	vshll.u32 v56, $0x3;
	v12 =	vmul.f32 v62, v39  }
0x8fd: {  	v9 =	vand.u32 $0xFFFFFC00, v9;
	s8 =	sadd.s32 $0x20, s8;
	v7 =	vmovc v50;
	s15 =	smov.u32 s0;
	s0 =	sadd.s32 $0x20, s0;
	v11 =	vld.idx.msk [tilespmem:v63+s2+$0x0], vm9;
	[tilespmem:v52+s4+$0x0] =	vst.idx.msk vm2, v53;
	vm2 =	vmmov vm9;
	vm9 =	vmmov vm1  }
0x8fe: {  	v13 =	vand.u32 $0x7F, v56;
	p5 =	slt.s32 s0, s31;
	vm1 =	vlt.s32 v8, v27;
	v10 =	vand.u32 $0xFFFFFC00, v10;
	v8 =	vld [tilespmem:s8+$0xFFFFFFF0];
	[tilespmem:v57+s4+$0x0] =	vst.idx.msk vm10, v5  }
0x8ff: {  	s29 =	sadd.s32 $0x10, s14;
	v9 =	vor.u32 v60, v9;
	s14 =	smov.u32 s15;
	v5 =	vor.u32 v13, v10;
	v10 =	vld.idx.msk [tilespmem:v58+s2+$0x0], vm10;
	[tilespmem:v6+s4+$0x0] =	vst.idx.msk vm8, v12  }
0x900: {  	s13 =	sadd.s32 $0x20, s13;
	v14 =	vmul.f32 v54, v48;
	v48 =	vmovc v39;
	v39 =	vmovc v19;
	v6 =	vadd.s32 s29, v0;
	v12 =	vor.u32 $0x180, v47;
	v13 =	vld.idx.msk [tilespmem:v61+s2+$0x0], vm8  }
0x901: {  	v15 =	vor.u32 $0x300, v38;
	vm4 =	vlt.s32 v6, v27;
	v6 =	vor.u32 $0x100, v49;
	v19 =	vld [tilespmem:s13+$0x0]  }
0x902: {  	v17 =	vor.u32 $0x180, v41;
	v52 =	vor.u32 $0x280, v32;
	v16 =	vmul.f32 v59, v7;
	v50 =	vld [tilespmem:s13+$0xFFFFFFF0];
	[tilespmem:v51+s4+$0x0] =	vst.idx.msk vm7, v14  }
0x903: {  	v53 =	vor.u32 $0x300, v35;
	v11 =	vmul.f32 v11, v33;
	v14 =	vshll.u32 v8, $0x3;
	v51 =	vld [tilespmem:s8+$0x0]  }
0x904: {  	vm7 =	vmmov vm8;
	vm8 =	vmmov vm10;
	v54 =	vld.idx.msk [tilespmem:v5+s2+$0x0], vm1;
	v14 =	vand.u32 $0xFFFFFC00, v14;
	[tilespmem:v55+s4+$0x0] =	vst.idx.msk vm9, v16  }
0x905: {  	vm10 =	vmmov vm4;
	v10 =	vmul.f32 v10, v39;
	v12 =	vld.idx.msk [tilespmem:v12+s2+$0x0], vm9;
	[tilespmem:v4+s4+$0x0] =	vst.idx.msk vm2, v11  }
0x906: {  	v4 =	vand.u32 $0x7F, v8;
	v11 =	vor.u32 $0x380, v38;
	v13 =	vmul.f32 v13, v48;
	v38 =	vmovc v47;
	v47 =	vmovc v5;
	v8 =	vld.idx.msk [tilespmem:v15+s2+$0x0], vm2  }
0x907: {  	v4 =	vor.u32 v4, v14;
	v14 =	vor.u32 $0x180, v45;
	v5 =	vld.idx.msk [tilespmem:v9+s2+$0x0], vm4;
	[tilespmem:v6+s4+$0x0] =	vst.idx.msk vm13, v10;
	v6 =	vor.u32 $0x300, v37  }
0x908: {  	v16 =	vor.u32 $0x200, v38;
	v10 =	vor.u32 $0x80, v47;
	v15 =	vshll.u32 v51, $0x3;
	v17 =	vld.idx.msk [tilespmem:v17+s2+$0x0], vm12;
	[tilespmem:v52+s4+$0x0] =	vst.idx.msk vm6, v13  }
0x909: {  	v13 =	vand.u32 $0x7F, v51;
	v51 =	vor.u32 $0x180, v49;
	v15 =	vand.u32 $0xFFFFFC00, v15;
	v52 =	vld.idx.msk [tilespmem:v53+s2+$0x0], vm11  }
0x90a: {  	s6 =	sadd.s32 $0x20, s6;
	v53 =	vmul.f32 v54, v50;
	v13 =	vor.u32 v13, v15;
	v15 =	vor.u32 $0x80, v9  }
0x90b: {  	v55 =	vor.u32 $0x300, v32;
	v54 =	vor.u32 $0x200, v41;
	v12 =	vmul.f32 v12, v7;
	v56 =	vld [tilespmem:s6+$0xFFFFFFF0]  }
0x90c: {  	v8 =	vmul.f32 v8, v33;
	v59 =	vld [tilespmem:s6+$0x0];
	[tilespmem:v4+s4+$0x0] =	vst.idx.msk vm1, v53;
	v53 =	vor.u32 $0x380, v35;
	v35 =	vmovc v41;
	v41 =	vmov v9  }
0x90d: {  	vm6 =	vmmov vm14;
	vm11 =	vmmov vm14;
	v5 =	vmul.f32 v5, v19;
	v9 =	vld.idx.msk [tilespmem:v10+s2+$0x0], vm1;
	[tilespmem:v14+s4+$0x0] =	vst.idx.msk vm9, v12  }
0x90e: {  	vm13 =	vmmov vm4;
	vm12 =	vmmov vm4;
	v12 =	vmul.f32 v17, v39;
	v10 =	vld.idx.msk [tilespmem:v16+s2+$0x0], vm9;
	[tilespmem:v6+s4+$0x0] =	vst.idx.msk vm2, v8  }
0x90f: {  	v6 =	vmul.f32 v52, v48;
	[tilespmem:v13+s4+$0x0] =	vst.idx.msk vm10, v5;
	v5 =	vld.idx.msk [tilespmem:v11+s2+$0x0], vm2  }
0x910: {  	v11 =	vor.u32 $0x80, v4;
	v14 =	vld.idx.msk [tilespmem:v15+s2+$0x0], vm10;
	[tilespmem:v51+s4+$0x0] =	vst.idx.msk vm8, v12  }
0x911: {  	v12 =	vor.u32 $0x100, v47;
	v15 =	vor.u32 $0x200, v45;
	v51 =	vor.u32 $0x380, v32;
	v32 =	vmovc v49;
	v62 =	vld.idx.msk [tilespmem:v54+s2+$0x0], vm8;
	[tilespmem:v55+s4+$0x0] =	vst.idx.msk vm7, v6  }
.Ltmp68:
0x912: {  	v63 =	vor.u32 $0x280, v38;
	v57 =	vor.u32 $0x80, v13;
	v52 =	vor.u32 $0x380, v37;
	v37 =	vmovc v45;
	v45 =	vmovc v4;
	v54 =	vld.idx.msk [tilespmem:v53+s2+$0x0], vm7;
	(pc) =	sbr.rel @p5 .LBB2_120-.Ltmp68, $4  }
0x913: {  	v58 =	vor.u32 $0x100, v41;
	v61 =	vor.u32 $0x280, v35;
	v49 =	vmovc v13;
	v9 =	vmul.f32 v9, v50  }
0x914: {  	v4 =	vor.u32 $0x280, v37;
	v6 =	vor.u32 $0x200, v32;
	v10 =	vmul.f32 v10, v7  }
0x915: {  	v8 =	vadd.s32 s14, v0;
	v55 =	vor.u32 $0x100, v45;
	v53 =	vmul.f32 v5, v33;
	v33 =	vmovc v7;
	[tilespmem:v11+s4+$0x0] =	vst.idx.msk vm1, v9  }
0x916: {  	v60 =	vand.u32 $0x7F, v59;
	v9 =	vshll.u32 v59, $0x3;
	v5 =	vmul.f32 v14, v19;
	v59 =	vld.idx.msk [tilespmem:v12+s2+$0x0], vm1;
	[tilespmem:v15+s4+$0x0] =	vst.idx.msk vm9, v10  }
0x917: {  	v7 =	vmov v39;
	v39 =	vmov v19  }
.LBB2_122:
0x918: {  	s6 =	sld [smem:$0x7EC];
	_ =	sdelay $0x1  }
0x919: {  	s0 =	sadd.s32 @p2 $0x20, s8;
	v10 =	vshll.u32 v56, $0x3  }
0x91a: {  	vm15 =	vlt.s32 v8, v27;
	s29 =	sadd.s32 $0x10, s14;
	v56 =	vand.u32 $0x7F, v56;
	v10 =	vand.u32 $0xFFFFFC00, v10;
	s6 =	smov.u32 @p2 s0  }
0x91b: {  	s8 =	sld [smem:$0x7ED];
	v12 =	vadd.s32 s29, v0;
	v10 =	vor.u32 v56, v10;
	v11 =	vld [tilespmem:s6+$0xFFFFFFF0]  }
0x91c: {  	v9 =	vand.u32 $0xFFFFFC00, v9;
	vm5 =	vlt.s32 v12, v27  }
0x91d: {  	v60 =	vor.u32 v60, v9;
	s0 =	sadd.s32 @p2 $0x20, s13;
	v56 =	vld [tilespmem:s6+$0x0]  }
0x91e: {  	s8 =	smov.u32 @p2 s0  }
0x91f: {  	v9 =	vld [tilespmem:s8+$0xFFFFFFF0]  }
0x920: {  	v14 =	vld.idx.msk [tilespmem:v10+s2+$0x0], vm15;
	v13 =	vshll.u32 v11, $0x3  }
0x921: {  	v8 =	vld [tilespmem:s8+$0x0];
	v11 =	vand.u32 $0x7F, v11;
	v13 =	vand.u32 $0xFFFFFC00, v13  }
0x922: {  	v15 =	vld.idx.msk [tilespmem:v60+s2+$0x0], vm5;
	v16 =	vshll.u32 v56, $0x3;
	v19 =	vor.u32 v11, v13  }
0x923: {  	v11 =	vand.u32 $0x7F, v56;
	v56 =	vand.u32 $0xFFFFFC00, v16;
	v13 =	vor.u32 $0x80, v10  }
0x924: {  	v56 =	vor.u32 v11, v56  }
0x925: {  	v11 =	vor.u32 $0x80, v60;
	v12 =	vmul.f32 v14, v9;
	_ =	sdelay $0x1  }
0x926: {  	v14 =	vmul.f32 v15, v8;
	[tilespmem:v19+s4+$0x0] =	vst.idx.msk vm15, v12  }
0x927: {  	v12 =	vld.idx.msk [tilespmem:v13+s2+$0x0], vm15  }
0x928: {  	[tilespmem:v56+s4+$0x0] =	vst.idx.msk vm5, v14  }
0x929: {  	v13 =	vor.u32 $0x80, v19;
	v11 =	vld.idx.msk [tilespmem:v11+s2+$0x0], vm5  }
0x92a: {  	vm14 =	vmmov vm5;
	v14 =	vor.u32 $0x100, v10  }
0x92b: {  	v15 =	vor.u32 $0x80, v56  }
0x92c: {  	[tilespmem:v57+s4+$0x0] =	vst.idx.msk @p2 vm10, v5;
	v5 =	vor.u32 $0x100, v60;
	vm5 =	vmmov @p2 vm1;
	v12 =	vmul.f32 v12, v9  }
0x92d: {  	v16 =	vld.idx.msk @p2 [tilespmem:v58+s2+$0x0], vm10  }
0x92e: {  	v11 =	vmul.f32 v11, v8;
	[tilespmem:v13+s4+$0x0] =	vst.idx.msk vm15, v12  }
0x92f: {  	v17 =	vmov @p2 v50;
	v12 =	vor.u32 @p2 $0x180, v47;
	v13 =	vor.u32 @p2 $0x100, v49;
	v14 =	vld.idx.msk [tilespmem:v14+s2+$0x0], vm15  }
0x930: {  	[tilespmem:v15+s4+$0x0] =	vst.idx.msk vm14, v11;
	v11 =	vor.u32 @p2 $0x180, v41;
	v15 =	vmovc @p2 v39;
	v39 =	vmul.f32 @p2 v59, v17;
	vm15 =	vmmov vm15  }
0x931: {  	v50 =	vor.u32 $0x100, v19;
	v5 =	vld.idx.msk [tilespmem:v5+s2+$0x0], vm14  }
0x932: {  	v16 =	vmul.f32 @p2 v16, v15;
	[tilespmem:v55+s4+$0x0] =	vst.idx.msk @p2 vm5, v39;
	v39 =	vor.u32 $0x180, v10  }
0x933: {  	v55 =	vor.u32 $0x100, v56  }
0x934: {  	[tilespmem:v13+s4+$0x0] =	vst.idx.msk @p2 vm13, v16;
	v12 =	vld.idx.msk @p2 [tilespmem:v12+s2+$0x0], vm5;
	v14 =	vmul.f32 v14, v9  }
0x935: {  	v11 =	vld.idx.msk @p2 [tilespmem:v11+s2+$0x0], vm12  }
0x936: {  	v57 =	vor.u32 @p2 $0x180, v45;
	vm10 =	vmmov @p2 vm10;
	v16 =	vld.idx.msk @p3 [tilespmem:v63+s2+$0x0], vm9;
	v5 =	vmul.f32 v5, v8;
	[tilespmem:v50+s4+$0x0] =	vst.idx.msk vm15, v14  }
0x937: {  	vm1 =	vmmov @p3 vm9;
	v50 =	vor.u32 @p2 $0x180, v49;
	v39 =	vld.idx.msk [tilespmem:v39+s2+$0x0], vm15  }
0x938: {  	[tilespmem:v55+s4+$0x0] =	vst.idx.msk vm14, v5;
	v5 =	vmul.f32 @p3 v62, v7  }
0x939: {  	v63 =	vor.u32 $0x180, v19;
	v12 =	vmul.f32 @p2 v12, v17  }
0x93a: {  	[tilespmem:v6+s4+$0x0] =	vst.idx.msk @p3 vm8, v5;
	v5 =	vmul.f32 @p2 v11, v15  }
0x93b: {  	v13 =	vor.u32 $0x180, v60;
	[tilespmem:v57+s4+$0x0] =	vst.idx.msk @p2 vm5, v12;
	v12 =	vmul.f32 @p3 v16, v33  }
0x93c: {  	[tilespmem:v50+s4+$0x0] =	vst.idx.msk @p2 vm10, v5;
	v39 =	vmul.f32 v39, v9  }
0x93d: {  	[tilespmem:v4+s4+$0x0] =	vst.idx.msk @p3 vm1, v12  }
0x93e: {  	v14 =	vor.u32 @p2 $0x200, v47;
	[tilespmem:v63+s4+$0x0] =	vst.idx.msk vm15, v39  }
0x93f: {  	v55 =	vor.u32 @p2 $0x200, v41;
	v39 =	vld [tilespmem:$0x1FEA0]  }
0x940: {  	v13 =	vld.idx.msk [tilespmem:v13+s2+$0x0], vm14  }
0x941: {  	vm9 =	vmmov vm14  }
0x942: {  	v58 =	vor.u32 $0x200, v10;
	v16 =	vor.u32 $0x180, v56  }
0x943: {  	v30 =	vpsel p2, v47, v30;
	v34 =	vpsel p2, v49, v34;
	v5 =	vld.idx.msk @p2 [tilespmem:v14+s2+$0x0], vm5  }
0x944: {  	v59 =	vor.u32 $0x200, v60;
	v4 =	vld.idx.msk @p2 [tilespmem:v55+s2+$0x0], vm10;
	vm12 =	vnez.u8 v39;
	v39 =	vor.u32 @p2 $0x200, v49  }
0x945: {  	vm3 =	vmmov @p2 vm5;
	v6 =	vor.u32 @p2 $0x200, v45;
	v13 =	vmul.f32 v13, v8  }
0x946: {  	v11 =	vor.u32 @p3 $0x300, v38;
	v15 =	vpsel p2, v15, v36;
	v55 =	vld.idx.msk @p3 [tilespmem:v61+s2+$0x0], vm8;
	vm12 =	vmmov @p2 vm10  }
0x947: {  	v12 =	vor.u32 @p2 $0x280, v47;
	[tilespmem:v16+s4+$0x0] =	vst.idx.msk vm9, v13;
	v14 =	vld.idx.msk [tilespmem:v58+s2+$0x0], vm15;
	v13 =	vpsel p2, v39, v46;
	v39 =	vmov @p2 v41  }
0x948: {  	v12 =	vpsel p2, v12, v44;
	v5 =	vmul.f32 @p2 v5, v17;
	v36 =	vor.u32 @p2 $0x280, v39  }
0x949: {  	v62 =	vor.u32 $0x200, v19;
	v61 =	vld.idx.msk [tilespmem:v59+s2+$0x0], vm9;
	v4 =	vpsel p2, v4, v42;
	v36 =	vpsel p2, v36, v43  }
0x94a: {  	vm13 =	vmmov vm15;
	v4 =	vmul.f32 @p2 v4, v15;
	[tilespmem:v6+s4+$0x0] =	vst.idx.msk @p2 vm5, v5;
	v5 =	vor.u32 $0x280, v10  }
0x94b: {  	v44 =	vor.u32 @p3 $0x280, v32;
	v11 =	vld.idx.msk @p3 [tilespmem:v11+s2+$0x0], vm1;
	v63 =	vor.u32 $0x200, v56;
	v16 =	vor.u32 @p3 $0x300, v35  }
0x94c: {  	v42 =	vmul.f32 @p3 v55, v7;
	v14 =	vmul.f32 v14, v9;
	[tilespmem:v13+s4+$0x0] =	vst.idx.msk @p2 vm12, v4;
	v4 =	vor.u32 $0x280, v60  }
0x94d: {  	vm5 =	vmmov @p2 vm4;
	vm4 =	vmmov @p2 vm3;
	v12 =	vld.idx.msk @p2 [tilespmem:v12+s2+$0x0], vm3;
	v46 =	vor.u32 @p3 $0x300, v37  }
0x94e: {  	vm10 =	vmmov vm0;
	[tilespmem:v62+s4+$0x0] =	vst.idx.msk vm15, v14;
	v41 =	vmul.f32 v61, v8;
	v13 =	vor.u32 @p2 $0x280, v45;
	v36 =	vld.idx.msk @p2 [tilespmem:v36+s2+$0x0], vm12  }
0x94f: {  	vm0 =	vmmov @p2 vm5;
	vm10 =	vmmov @p2 vm5;
	v5 =	vld.idx.msk [tilespmem:v5+s2+$0x0], vm15;
	v13 =	vpsel p2, v13, v40  }
0x950: {  	v31 =	vpsel p2, v39, v31;
	v14 =	vmovc @p2 v17;
	v17 =	vor.u32 @p2 $0x300, v30;
	v39 =	vor.u32 @p2 $0x280, v34;
	[tilespmem:v63+s4+$0x0] =	vst.idx.msk vm9, v41  }
0x951: {  	v11 =	vmul.f32 @p3 v11, v33;
	v6 =	vpsel p2, v14, v29;
	v14 =	vor.u32 @p2 $0x300, v31;
	v4 =	vld.idx.msk [tilespmem:v4+s2+$0x0], vm9  }
0x952: {  	[tilespmem:v44+s4+$0x0] =	vst.idx.msk @p3 vm6, v42;
	v29 =	vor.u32 $0x280, v19;
	v12 =	vmul.f32 @p2 v12, v6  }
0x953: {  	v50 =	vor.u32 $0x300, v10;
	v55 =	vor.u32 $0x280, v56;
	[tilespmem:v46+s4+$0x0] =	vst.idx.msk @p3 vm1, v11;
	v11 =	vmul.f32 @p2 v36, v15  }
0x954: {  	v57 =	vor.u32 $0x300, v60;
	v16 =	vld.idx.msk @p3 [tilespmem:v16+s2+$0x0], vm11;
	[tilespmem:v13+s4+$0x0] =	vst.idx.msk @p2 vm4, v12  }
0x955: {  	v38 =	vor.u32 @p3 $0x380, v38;
	vm6 =	vmmov @p3 vm8;
	v5 =	vmul.f32 v5, v9;
	v13 =	vld.idx.msk @p2 [tilespmem:v17+s2+$0x0], vm4;
	[tilespmem:v39+s4+$0x0] =	vst.idx.msk @p2 vm10, v11  }
0x956: {  	v17 =	vpsel p2, v45, v28;
	v11 =	vor.u32 @p3 $0x300, v32;
	v4 =	vmul.f32 v4, v8;
	v14 =	vld.idx.msk @p2 [tilespmem:v14+s2+$0x0], vm0  }
0x957: {  	vm5 =	vmmov @p2 vm12;
	[tilespmem:v29+s4+$0x0] =	vst.idx.msk vm13, v5;
	v28 =	vor.u32 @p3 $0x380, v35;
	v35 =	vor.u32 @p2 $0x300, v17  }
0x958: {  	v5 =	vmul.f32 @p4 v54, v48;
	v29 =	vor.u32 @p2 $0x380, v30;
	v30 =	vor.u32 @p2 $0x300, v34;
	v36 =	vld.idx.msk [tilespmem:v50+s2+$0x0], vm13;
	[tilespmem:v55+s4+$0x0] =	vst.idx.msk vm14, v4  }
0x959: {  	v58 =	vor.u32 $0x300, v19;
	[tilespmem:v52+s4+$0x0] =	vst.idx.msk @p4 vm2, v53;
	v31 =	vor.u32 @p2 $0x380, v31;
	v4 =	vmul.f32 @p3 v16, v7;
	v12 =	vld.idx.msk [tilespmem:v57+s2+$0x0], vm14  }
0x95a: {  	v59 =	vor.u32 $0x300, v56;
	vm15 =	vmmov vm9;
	[tilespmem:v51+s4+$0x0] =	vst.idx.msk @p4 vm7, v5;
	v13 =	vmul.f32 @p2 v13, v6  }
0x95b: {  	v10 =	vor.u32 $0x380, v10;
	vm2 =	vmmov @p3 vm6;
	v38 =	vld.idx.msk @p3 [tilespmem:v38+s2+$0x0], vm1;
	[tilespmem:v11+s4+$0x0] =	vst.idx.msk @p3 vm6, v4;
	v4 =	vmul.f32 @p2 v14, v15  }
0x95c: {  	v62 =	vor.u32 $0x380, v19;
	v61 =	vor.u32 $0x380, v60;
	vm1 =	vmmov @p3 vm1;
	[tilespmem:v35+s4+$0x0] =	vst.idx.msk @p2 vm4, v13;
	v28 =	vld.idx.msk @p3 [tilespmem:v28+s2+$0x0], vm6  }
0x95d: {  	v29 =	vld.idx.msk @p2 [tilespmem:v29+s2+$0x0], vm4;
	v14 =	vor.u32 @p3 $0x380, v32;
	v32 =	vor.u32 @p3 $0x380, v37;
	[tilespmem:v30+s4+$0x0] =	vst.idx.msk @p2 vm5, v4;
	v4 =	vmul.f32 v36, v9  }
0x95e: {  	v17 =	vor.u32 @p2 $0x380, v17;
	v30 =	vpsel p3, v32, v0;
	v12 =	vmul.f32 v12, v8;
	v31 =	vld.idx.msk @p2 [tilespmem:v31+s2+$0x0], vm5  }
0x95f: {  	v17 =	vpsel p2, v17, v0;
	vm4 =	vmmov @p2 vm4;
	v14 =	vpsel p3, v14, v0;
	[tilespmem:v58+s4+$0x0] =	vst.idx.msk vm13, v4  }
0x960: {  	v16 =	vmul.f32 @p3 v38, v33;
	vm5 =	vmmov @p2 vm5;
	v4 =	vor.u32 @p2 $0x380, v34;
	[tilespmem:v59+s4+$0x0] =	vst.idx.msk vm15, v12;
	v10 =	vld.idx.msk [tilespmem:v10+s2+$0x0], vm13  }
0x961: {  	v7 =	vpsel p3, v7, v0;
	v11 =	vpsel p3, v28, v0;
	v4 =	vpsel p2, v4, v0;
	v12 =	vld.idx.msk [tilespmem:v61+s2+$0x0], vm15  }
0x962: {  	v16 =	vpsel p3, v16, v0;
	v6 =	vmul.f32 @p2 v29, v6;
	v5 =	vmul.f32 @p3 v11, v7  }
0x963: {  	v63 =	vor.u32 $0x380, v56;
	v11 =	vpsel p2, v15, v0;
	[tilespmem:v30+s4+$0x0] =	vst.idx.msk @p3 vm1, v16;
	v13 =	vpsel p2, v31, v0  }
0x964: {  	[tilespmem:v14+s4+$0x0] =	vst.idx.msk @p3 vm2, v5;
	v5 =	vpsel p2, v6, v0;
	v6 =	vmul.f32 @p2 v13, v11  }
0x965: {  	[tilespmem:v17+s4+$0x0] =	vst.idx.msk @p2 vm4, v5;
	v5 =	vmul.f32 v10, v9  }
0x966: {  	[tilespmem:v4+s4+$0x0] =	vst.idx.msk @p2 vm5, v6;
	v4 =	vmul.f32 v12, v8  }
0x967: {  	[tilespmem:v62+s4+$0x0] =	vst.idx.msk vm13, v5  }
0x968: {  	[tilespmem:v63+s4+$0x0] =	vst.idx.msk vm15, v4  }
.LBB2_30:
.Ltmp69:
0x969: {  	(pc) =	sbr.rel @p1 .LBB2_32-.Ltmp69, $4  }
0x96a: {  	_ = 	snop  }
0x96b: {  	s0 =	sld [smem:$0x7F0]  }
0x96c: {  	s6 =	sld [smem:$0x7EF]  }
0x96d: {  	s8 =	sld [smem:$0x7EE];
	s13 =	smov.u32 s31  }
.LBB2_31:
0x96e: {  	v4 =	vld [tilespmem:s0+$0x0];
	_ =	sdelay $0x4  }
0x96f: {  	v5 =	vadd.s32 s13, v0;
	v6 =	vshll.u32 v4, $0x3  }
0x970: {  	vm0 =	vlt.s32 v5, v27;
	v4 =	vand.u32 $0x7F, v4;
	v5 =	vand.u32 $0xFFFFFC00, v6  }
0x971: {  	v52 =	vld [tilespmem:s6+$0x0];
	v4 =	vor.u32 v4, v5;
	_ =	sdelay $0x3  }
0x972: {  	v5 =	vld [tilespmem:s8+$0x0]  }
0x973: {  	v8 =	vshll.u32 v52, $0x3;
	v7 =	vld.idx.msk [tilespmem:v4+s2+$0x0], vm0  }
0x974: {  	v6 =	vand.u32 $0x7F, v52;
	v8 =	vand.u32 $0xFFFFFC00, v8  }
0x975: {  	v6 =	vor.u32 v6, v8  }
0x976: {  	v53 =	vor.u32 $0x80, v4;
	_ =	sdelay $0x1  }
0x977: {  	v7 =	vmul.f32 v7, v5;
	_ =	sdelay $0x1  }
0x978: {  	[tilespmem:v6+s4+$0x0] =	vst.idx.msk vm0, v7  }
0x979: {  	v7 =	vld.idx.msk [tilespmem:v53+s2+$0x0], vm0;
	_ =	sdelay $0x1  }
0x97a: {  	v54 =	vor.u32 $0x80, v6  }
0x97b: {  	v9 =	vor.u32 $0x100, v4;
	_ =	sdelay $0x1  }
0x97c: {  	v7 =	vmul.f32 v7, v5;
	_ =	sdelay $0x1  }
0x97d: {  	[tilespmem:v54+s4+$0x0] =	vst.idx.msk vm0, v7  }
0x97e: {  	v7 =	vld.idx.msk [tilespmem:v9+s2+$0x0], vm0;
	_ =	sdelay $0x1  }
0x97f: {  	v55 =	vor.u32 $0x100, v6  }
0x980: {  	v56 =	vor.u32 $0x180, v4;
	_ =	sdelay $0x1  }
0x981: {  	v7 =	vmul.f32 v7, v5;
	_ =	sdelay $0x1  }
0x982: {  	[tilespmem:v55+s4+$0x0] =	vst.idx.msk vm0, v7  }
0x983: {  	v7 =	vld.idx.msk [tilespmem:v56+s2+$0x0], vm0;
	_ =	sdelay $0x1  }
0x984: {  	v57 =	vor.u32 $0x180, v6  }
0x985: {  	v58 =	vor.u32 $0x200, v4;
	_ =	sdelay $0x1  }
0x986: {  	v7 =	vmul.f32 v7, v5;
	_ =	sdelay $0x1  }
0x987: {  	[tilespmem:v57+s4+$0x0] =	vst.idx.msk vm0, v7  }
0x988: {  	v7 =	vld.idx.msk [tilespmem:v58+s2+$0x0], vm0;
	_ =	sdelay $0x1  }
0x989: {  	v59 =	vor.u32 $0x200, v6  }
0x98a: {  	v60 =	vor.u32 $0x280, v4;
	_ =	sdelay $0x1  }
0x98b: {  	v7 =	vmul.f32 v7, v5;
	_ =	sdelay $0x1  }
0x98c: {  	[tilespmem:v59+s4+$0x0] =	vst.idx.msk vm0, v7  }
0x98d: {  	v7 =	vld.idx.msk [tilespmem:v60+s2+$0x0], vm0;
	_ =	sdelay $0x1  }
0x98e: {  	v61 =	vor.u32 $0x280, v6  }
0x98f: {  	v62 =	vor.u32 $0x300, v4;
	_ =	sdelay $0x1  }
0x990: {  	v7 =	vmul.f32 v7, v5;
	_ =	sdelay $0x1  }
0x991: {  	[tilespmem:v61+s4+$0x0] =	vst.idx.msk vm0, v7  }
0x992: {  	v7 =	vld.idx.msk [tilespmem:v62+s2+$0x0], vm0;
	_ =	sdelay $0x1  }
0x993: {  	v63 =	vor.u32 $0x300, v6  }
0x994: {  	v4 =	vor.u32 $0x380, v4;
	_ =	sdelay $0x1  }
0x995: {  	v7 =	vmul.f32 v7, v5;
	_ =	sdelay $0x1  }
0x996: {  	[tilespmem:v63+s4+$0x0] =	vst.idx.msk vm0, v7  }
0x997: {  	v4 =	vld.idx.msk [tilespmem:v4+s2+$0x0], vm0  }
0x998: {  	s13 =	sadd.s32 $0x10, s13  }
0x999: {  	p2 =	slt.s32 s13, s9;
	v6 =	vor.u32 $0x380, v6  }
.Ltmp70:
0x99a: {  	_ = 	snop;
	(pc) =	sbr.rel @p2 .LBB2_31-.Ltmp70, $3  }
0x99b: {  	_ = 	snop  }
0x99c: {  	v4 =	vmul.f32 v4, v5;
	_ =	sdelay $0x1  }
0x99d: {  	s6 =	sadd.s32 $0x10, s6;
	s0 =	sadd.s32 $0x10, s0;
	s8 =	sadd.s32 $0x10, s8;
	[tilespmem:v6+s4+$0x0] =	vst.idx.msk vm0, v4  }
.Ltmp71:
0x99e: {  	_ = 	snop;
	(pc) =	sbr.rel .LBB2_32-.Ltmp71, $1  }
0x99f: {  	_ =	sdelay $0x3  }
.LBB2_36:
.Ltmp72:
0x9a0: {  	(pc) =	sbr.rel .LBB2_45-.Ltmp72, $3  }
0x9a1: {  	_ =	sdelay $0x1  }
0x9a2: {  	_ = 	snop  }
0x9a3: {  	s15 =	smov.u32 s0;
	s14 =	rddreg [dreg:$0x1f]  }
.LBB2_47:
.Ltmp73:
0x9a4: {  	(pc) =	sbr.rel .LBB2_56-.Ltmp73, $3  }
0x9a5: {  	_ =	sdelay $0x1  }
0x9a6: {  	_ = 	snop  }
0x9a7: {  	s15 =	smov.u32 s0;
	s14 =	sld [smem:$0x7C6]  }
.LBB2_58:
.Ltmp74:
0x9a8: {  	(pc) =	sbr.rel .LBB2_67-.Ltmp74, $3  }
0x9a9: {  	_ =	sdelay $0x1  }
0x9aa: {  	_ = 	snop  }
0x9ab: {  	s15 =	smov.u32 s0;
	s14 =	sld [smem:$0x7CC]  }
.LBB2_69:
.Ltmp75:
0x9ac: {  	(pc) =	sbr.rel .LBB2_78-.Ltmp75, $3  }
0x9ad: {  	_ =	sdelay $0x1  }
0x9ae: {  	_ = 	snop  }
0x9af: {  	s15 =	smov.u32 s0;
	s14 =	sld [smem:$0x7D3]  }
.LBB2_80:
.Ltmp76:
0x9b0: {  	(pc) =	sbr.rel .LBB2_89-.Ltmp76, $3  }
0x9b1: {  	_ =	sdelay $0x1  }
0x9b2: {  	_ = 	snop  }
0x9b3: {  	s14 =	smov.u32 s0;
	s13 =	sld [smem:$0x7D9]  }
.LBB2_91:
.Ltmp77:
0x9b4: {  	(pc) =	sbr.rel .LBB2_100-.Ltmp77, $3  }
0x9b5: {  	_ =	sdelay $0x1  }
0x9b6: {  	_ = 	snop  }
0x9b7: {  	s14 =	smov.u32 s0;
	s13 =	sld [smem:$0x7E0]  }
.LBB2_102:
.Ltmp78:
0x9b8: {  	(pc) =	sbr.rel .LBB2_111-.Ltmp78, $3  }
0x9b9: {  	_ =	sdelay $0x1  }
0x9ba: {  	_ = 	snop  }
0x9bb: {  	s14 =	smov.u32 s0;
	s13 =	sld [smem:$0x7E7]  }
.LBB2_113:
.Ltmp79:
0x9bc: {  	(pc) =	sbr.rel .LBB2_122-.Ltmp79, $3  }
0x9bd: {  	_ =	sdelay $0x1  }
0x9be: {  	_ = 	snop  }
0x9bf: {  	s14 =	smov.u32 s0;
	s13 =	sld [smem:$0x7ED]  }
.LBB2_38:
.Ltmp80:
0x9c0: {  	(pc) =	sbr.rel .LBB2_45-.Ltmp80, $3  }
0x9c1: {  	_ =	sdelay $0x1  }
0x9c2: {  	v50 =	vmovc v29;
	vm10 =	vmmov vm0;
	vm13 =	vmmov vm0;
	vm12 =	vmmov vm0  }
0x9c3: {  	v47 =	vmovc v30;
	v36 =	vmovc v19;
	v49 =	vmov v34;
	v41 =	vmov v31;
	v45 =	vmov v28  }
.LBB2_49:
.Ltmp81:
0x9c4: {  	(pc) =	sbr.rel .LBB2_56-.Ltmp81, $3  }
0x9c5: {  	_ =	sdelay $0x1  }
0x9c6: {  	v50 =	vmovc v29;
	vm10 =	vmmov vm0;
	vm13 =	vmmov vm0;
	vm12 =	vmmov vm0  }
0x9c7: {  	v47 =	vmovc v30;
	v39 =	vmovc v36;
	v49 =	vmov v34;
	v41 =	vmov v31;
	v45 =	vmov v28  }
.LBB2_60:
.Ltmp82:
0x9c8: {  	(pc) =	sbr.rel .LBB2_67-.Ltmp82, $3  }
0x9c9: {  	_ =	sdelay $0x1  }
0x9ca: {  	v50 =	vmovc v29;
	vm10 =	vmmov vm0;
	vm13 =	vmmov vm0;
	vm12 =	vmmov vm0  }
0x9cb: {  	v47 =	vmovc v30;
	v39 =	vmovc v36;
	v49 =	vmov v34;
	v41 =	vmov v31;
	v45 =	vmov v28  }
.LBB2_71:
.Ltmp83:
0x9cc: {  	(pc) =	sbr.rel .LBB2_78-.Ltmp83, $3  }
0x9cd: {  	_ =	sdelay $0x1  }
0x9ce: {  	v50 =	vmovc v29;
	vm10 =	vmmov vm0;
	vm13 =	vmmov vm0;
	vm12 =	vmmov vm0  }
0x9cf: {  	v47 =	vmovc v30;
	v39 =	vmovc v36;
	v49 =	vmov v34;
	v41 =	vmov v31;
	v45 =	vmov v28  }
.LBB2_82:
.Ltmp84:
0x9d0: {  	(pc) =	sbr.rel .LBB2_89-.Ltmp84, $3  }
0x9d1: {  	_ =	sdelay $0x1  }
0x9d2: {  	v50 =	vmovc v29;
	vm10 =	vmmov vm0;
	vm13 =	vmmov vm0;
	vm12 =	vmmov vm0  }
0x9d3: {  	v47 =	vmovc v30;
	v39 =	vmovc v36;
	v49 =	vmov v34;
	v41 =	vmov v31;
	v45 =	vmov v28  }
.LBB2_93:
.Ltmp85:
0x9d4: {  	(pc) =	sbr.rel .LBB2_100-.Ltmp85, $3  }
0x9d5: {  	_ =	sdelay $0x1  }
0x9d6: {  	v50 =	vmovc v29;
	vm10 =	vmmov vm0;
	vm13 =	vmmov vm0;
	vm12 =	vmmov vm0  }
0x9d7: {  	v47 =	vmovc v30;
	v39 =	vmovc v36;
	v49 =	vmov v34;
	v41 =	vmov v31;
	v45 =	vmov v28  }
.LBB2_104:
.Ltmp86:
0x9d8: {  	(pc) =	sbr.rel .LBB2_111-.Ltmp86, $3  }
0x9d9: {  	_ =	sdelay $0x1  }
0x9da: {  	v50 =	vmovc v29;
	vm10 =	vmmov vm0;
	vm13 =	vmmov vm0;
	vm12 =	vmmov vm0  }
0x9db: {  	v47 =	vmovc v30;
	v39 =	vmovc v36;
	v49 =	vmov v34;
	v41 =	vmov v31;
	v45 =	vmov v28  }
.LBB2_115:
.Ltmp87:
0x9dc: {  	(pc) =	sbr.rel .LBB2_122-.Ltmp87, $3  }
0x9dd: {  	_ =	sdelay $0x1  }
0x9de: {  	v50 =	vmovc v29;
	vm10 =	vmmov vm0;
	vm13 =	vmmov vm0;
	vm12 =	vmmov vm0  }
0x9df: {  	v47 =	vmovc v30;
	v39 =	vmovc v36;
	v49 =	vmov v34;
	v41 =	vmov v31;
	v45 =	vmov v28  }
.LBB2_40:
.Ltmp88:
0x9e0: {  	v50 =	vmov v33;
	vm10 =	vmmov vm6;
	v47 =	vmov v38;
	(pc) =	sbr.rel .LBB2_45-.Ltmp88, $4  }
0x9e1: {  	v49 =	vmovc v32;
	v41 =	vmovc v35;
	v45 =	vmov v37;
	vm13 =	vmmov vm6;
	vm12 =	vmmov vm6  }
0x9e2: {  	vm9 =	vmmov vm3;
	v63 =	vmovc v44;
	v7 =	vmovc v19;
	vm8 =	vmmov vm5;
	v46 =	vmov v6  }
0x9e3: {  	v61 =	vmovc v43;
	v38 =	vmovc v30;
	v32 =	vmov v34;
	v33 =	vmov v29;
	v35 =	vmov v31  }
0x9e4: {  	s15 =	smov.u32 s0;
	v40 =	vmovc v4;
	v37 =	vmovc v28;
	vm6 =	vmmov vm0;
	vm11 =	vmmov vm0;
	v62 =	vmov v42  }
.LBB2_51:
.Ltmp89:
0x9e5: {  	v50 =	vmov v33;
	vm10 =	vmmov vm6;
	v47 =	vmov v38;
	(pc) =	sbr.rel .LBB2_56-.Ltmp89, $4  }
0x9e6: {  	v49 =	vmovc v32;
	v41 =	vmovc v35;
	v45 =	vmov v37;
	vm13 =	vmmov vm6;
	vm12 =	vmmov vm6  }
0x9e7: {  	vm9 =	vmmov vm3;
	v63 =	vmovc v44;
	v7 =	vmovc v36;
	vm8 =	vmmov vm5;
	v6 =	vmov v46  }
0x9e8: {  	v61 =	vmovc v43;
	v38 =	vmovc v30;
	v32 =	vmov v34;
	v33 =	vmov v29;
	v35 =	vmov v31  }
0x9e9: {  	s15 =	smov.u32 s0;
	v4 =	vmovc v40;
	v37 =	vmovc v28;
	vm6 =	vmmov vm0;
	vm11 =	vmmov vm0;
	v62 =	vmov v42  }
.LBB2_62:
.Ltmp90:
0x9ea: {  	v50 =	vmov v33;
	vm10 =	vmmov vm6;
	v47 =	vmov v38;
	(pc) =	sbr.rel .LBB2_67-.Ltmp90, $4  }
0x9eb: {  	v49 =	vmovc v32;
	v41 =	vmovc v35;
	v45 =	vmov v37;
	vm13 =	vmmov vm6;
	vm12 =	vmmov vm6  }
0x9ec: {  	vm9 =	vmmov vm3;
	v63 =	vmovc v44;
	v7 =	vmovc v36;
	vm8 =	vmmov vm5;
	v6 =	vmov v46  }
0x9ed: {  	v61 =	vmovc v43;
	v38 =	vmovc v30;
	v32 =	vmov v34;
	v33 =	vmov v29;
	v35 =	vmov v31  }
0x9ee: {  	s15 =	smov.u32 s0;
	v4 =	vmovc v40;
	v37 =	vmovc v28;
	vm6 =	vmmov vm0;
	vm11 =	vmmov vm0;
	v62 =	vmov v42  }
.LBB2_73:
.Ltmp91:
0x9ef: {  	v50 =	vmov v33;
	vm10 =	vmmov vm6;
	v47 =	vmov v38;
	(pc) =	sbr.rel .LBB2_78-.Ltmp91, $4  }
0x9f0: {  	v49 =	vmovc v32;
	v41 =	vmovc v35;
	v45 =	vmov v37;
	vm13 =	vmmov vm6;
	vm12 =	vmmov vm6  }
0x9f1: {  	vm9 =	vmmov vm3;
	v63 =	vmovc v44;
	v7 =	vmovc v36;
	vm8 =	vmmov vm5;
	v6 =	vmov v46  }
0x9f2: {  	v61 =	vmovc v43;
	v38 =	vmovc v30;
	v32 =	vmov v34;
	v33 =	vmov v29;
	v35 =	vmov v31  }
0x9f3: {  	s15 =	smov.u32 s0;
	v4 =	vmovc v40;
	v37 =	vmovc v28;
	vm6 =	vmmov vm0;
	vm11 =	vmmov vm0;
	v62 =	vmov v42  }
.LBB2_84:
.Ltmp92:
0x9f4: {  	v50 =	vmov v33;
	vm10 =	vmmov vm6;
	v47 =	vmov v38;
	(pc) =	sbr.rel .LBB2_89-.Ltmp92, $4  }
0x9f5: {  	v49 =	vmovc v32;
	v41 =	vmovc v35;
	v45 =	vmov v37;
	vm13 =	vmmov vm6;
	vm12 =	vmmov vm6  }
0x9f6: {  	vm9 =	vmmov vm3;
	v63 =	vmovc v44;
	v7 =	vmovc v36;
	vm8 =	vmmov vm5;
	v6 =	vmov v46  }
0x9f7: {  	v61 =	vmovc v43;
	v38 =	vmovc v30;
	v32 =	vmov v34;
	v33 =	vmov v29;
	v35 =	vmov v31  }
0x9f8: {  	s14 =	smov.u32 s0;
	v4 =	vmovc v40;
	v37 =	vmovc v28;
	vm6 =	vmmov vm0;
	vm11 =	vmmov vm0;
	v62 =	vmov v42  }
.LBB2_95:
.Ltmp93:
0x9f9: {  	v50 =	vmov v33;
	vm10 =	vmmov vm6;
	v47 =	vmov v38;
	(pc) =	sbr.rel .LBB2_100-.Ltmp93, $4  }
0x9fa: {  	v49 =	vmovc v32;
	v41 =	vmovc v35;
	v45 =	vmov v37;
	vm13 =	vmmov vm6;
	vm12 =	vmmov vm6  }
0x9fb: {  	vm9 =	vmmov vm3;
	v63 =	vmovc v44;
	v7 =	vmovc v36;
	vm8 =	vmmov vm5;
	v6 =	vmov v46  }
0x9fc: {  	v61 =	vmovc v43;
	v38 =	vmovc v30;
	v32 =	vmov v34;
	v33 =	vmov v29;
	v35 =	vmov v31  }
0x9fd: {  	s14 =	smov.u32 s0;
	v4 =	vmovc v40;
	v37 =	vmovc v28;
	vm6 =	vmmov vm0;
	vm11 =	vmmov vm0;
	v62 =	vmov v42  }
.LBB2_106:
.Ltmp94:
0x9fe: {  	v50 =	vmov v33;
	vm10 =	vmmov vm6;
	v47 =	vmov v38;
	(pc) =	sbr.rel .LBB2_111-.Ltmp94, $4  }
0x9ff: {  	v49 =	vmovc v32;
	v41 =	vmovc v35;
	v45 =	vmov v37;
	vm13 =	vmmov vm6;
	vm12 =	vmmov vm6  }
0xa00: {  	vm9 =	vmmov vm3;
	v63 =	vmovc v44;
	v7 =	vmovc v36;
	vm8 =	vmmov vm5;
	v6 =	vmov v46  }
0xa01: {  	v61 =	vmovc v43;
	v38 =	vmovc v30;
	v32 =	vmov v34;
	v33 =	vmov v29;
	v35 =	vmov v31  }
0xa02: {  	s14 =	smov.u32 s0;
	v4 =	vmovc v40;
	v37 =	vmovc v28;
	vm6 =	vmmov vm0;
	vm11 =	vmmov vm0;
	v62 =	vmov v42  }
.LBB2_117:
.Ltmp95:
0xa03: {  	v50 =	vmov v33;
	vm10 =	vmmov vm6;
	v47 =	vmov v38;
	(pc) =	sbr.rel .LBB2_122-.Ltmp95, $4  }
0xa04: {  	v49 =	vmovc v32;
	v41 =	vmovc v35;
	v45 =	vmov v37;
	vm13 =	vmmov vm6;
	vm12 =	vmmov vm6  }
0xa05: {  	vm9 =	vmmov vm3;
	v63 =	vmovc v44;
	v7 =	vmovc v36;
	vm8 =	vmmov vm5;
	v6 =	vmov v46  }
0xa06: {  	v61 =	vmovc v43;
	v38 =	vmovc v30;
	v32 =	vmov v34;
	v33 =	vmov v29;
	v35 =	vmov v31  }
0xa07: {  	s14 =	smov.u32 s0;
	v4 =	vmovc v40;
	v37 =	vmovc v28;
	vm6 =	vmmov vm0;
	vm11 =	vmmov vm0;
	v62 =	vmov v42  }
.LBB2_42:
.Ltmp96:
0xa08: {  	(pc) =	sbr.rel .LBB2_45-.Ltmp96, $3  }
0xa09: {  	_ =	sdelay $0x1  }
0xa0a: {  	v7 =	vmov v36  }
0xa0b: {  	v48 =	vmovc v19;
	v36 =	vmovc v39;
	vm13 =	vmmov vm10;
	vm12 =	vmmov vm10;
	vm11 =	vmmov vm6;
	s30 =	simm.s32 $0x0  }
.LBB2_53:
.Ltmp97:
0xa0c: {  	(pc) =	sbr.rel .LBB2_56-.Ltmp97, $3  }
0xa0d: {  	_ =	sdelay $0x1  }
0xa0e: {  	v7 =	vmov v39  }
0xa0f: {  	v48 =	vmovc v36;
	v39 =	vmovc v19;
	vm13 =	vmmov vm10;
	vm12 =	vmmov vm10;
	vm11 =	vmmov vm6;
	s30 =	simm.s32 $0x0  }
.LBB2_64:
.Ltmp98:
0xa10: {  	(pc) =	sbr.rel .LBB2_67-.Ltmp98, $3  }
0xa11: {  	_ =	sdelay $0x1  }
0xa12: {  	v7 =	vmov v39  }
0xa13: {  	v48 =	vmovc v36;
	v39 =	vmovc v19;
	vm13 =	vmmov vm10;
	vm12 =	vmmov vm10;
	vm11 =	vmmov vm6;
	s30 =	simm.s32 $0x0  }
.LBB2_75:
.Ltmp99:
0xa14: {  	(pc) =	sbr.rel .LBB2_78-.Ltmp99, $3  }
0xa15: {  	_ =	sdelay $0x1  }
0xa16: {  	v7 =	vmov v39  }
0xa17: {  	v48 =	vmovc v36;
	v39 =	vmovc v19;
	vm13 =	vmmov vm10;
	vm12 =	vmmov vm10;
	vm11 =	vmmov vm6;
	s30 =	simm.s32 $0x0  }
.LBB2_86:
.Ltmp100:
0xa18: {  	(pc) =	sbr.rel .LBB2_89-.Ltmp100, $3  }
0xa19: {  	_ =	sdelay $0x1  }
0xa1a: {  	v7 =	vmov v39  }
0xa1b: {  	v48 =	vmovc v36;
	v39 =	vmovc v19;
	vm13 =	vmmov vm10;
	vm12 =	vmmov vm10;
	vm11 =	vmmov vm6  }
.LBB2_97:
.Ltmp101:
0xa1c: {  	(pc) =	sbr.rel .LBB2_100-.Ltmp101, $3  }
0xa1d: {  	_ =	sdelay $0x1  }
0xa1e: {  	v7 =	vmov v39  }
0xa1f: {  	v48 =	vmovc v36;
	v39 =	vmovc v19;
	vm13 =	vmmov vm10;
	vm12 =	vmmov vm10;
	vm11 =	vmmov vm6  }
.LBB2_108:
.Ltmp102:
0xa20: {  	(pc) =	sbr.rel .LBB2_111-.Ltmp102, $3  }
0xa21: {  	_ =	sdelay $0x1  }
0xa22: {  	v7 =	vmov v39  }
0xa23: {  	v48 =	vmovc v36;
	v39 =	vmovc v19;
	vm13 =	vmmov vm10;
	vm12 =	vmmov vm10;
	vm11 =	vmmov vm6  }
.LBB2_119:
.Ltmp103:
0xa24: {  	(pc) =	sbr.rel .LBB2_122-.Ltmp103, $3  }
0xa25: {  	_ =	sdelay $0x1  }
0xa26: {  	v7 =	vmov v39  }
0xa27: {  	v48 =	vmovc v36;
	v39 =	vmovc v19;
	vm13 =	vmmov vm10;
	vm12 =	vmmov vm10;
	vm11 =	vmmov vm6  }
.LBB2_34:
0xa28: {  	_ =	sfence.sel $0x180000  }
0xa29: {  	[bflag:$0x0] =	sbarrier.arrive $0xFFFF  }
0xa2a: {  	_ =	strace $0x90000047  }
0xa2b: {  	s0 =	stileid.u32;
	[bflag:$0x2] =	sbarrier.arrive $0xFFFF  }
0xa2c: {  	p0 =	sne.s32 s0, $0x0;
	s0 =	rddreg [dreg:$0x4]  }
0xa2d: {  	s0 =	sadd.s32 @!p0 $0x100000, s0  }
0xa2e: {  	[sflag:s0] =	ssyncadd.tile.s32 @!p0 $0x1;
	_ =	shalt  }
.Lfunc_end2:
_tile_overlayer_lowered:
.L_overlay_start_2:
0xa2f: {  	(tag) =	ssettag $0x2  }
0xa30: {  	s0 =	rddreg [dreg:$0x0];
	s2 =	stileid.u32  }
0xa31: {  	s1 =	rddreg [dreg:$0x1];
	p0 =	sne.s32 s2, $0x0  }
0xa32: {  	s3 =	rddreg [dreg:$0x2];
	[bflag:$0x3] =	sbarrier.arrive $0xFFFF;
	s2 =	simm.s32 @!p0 $0x1C06  }
0xa33: {  	[timem:s3], [sflag:s2] =	dma.local @!p0 [hbm:s0], s1  }
0xa34: {  	s0 =	simm.s32 @!p0 $0x6  }
0xa35: {  	_ =	swait.ge @!p0 [sflag:s0], s1  }
0xa36: {  	s1 =	ssub.s32 @!p0 $0x0, s1;
	[sflag:s0] =	ssyncset.done @!p0 $0x0  }
0xa37: {  	[sflag:s0] =	ssyncadd.s32 @!p0 s1  }
0xa38: {  	[bflag:$0x3] =	sbarrier.arrive $0xFFFF  }
0xa39: {  	_ =	shalt  }

</sc_bundles>
